<compile_context>
chip_gen: v7x
topology: tpu7x:2x2x1
jax: 0.10.2.dev20260603
libtpu: 0.0.44.dev20260713+nightly
codegen_flags: <defaults>
</compile_context>

<pallas_src>
import functools

import jax
import jax.numpy as jnp
from jax import lax
from jax.experimental import pallas as pl
from jax.experimental.pallas import tpu as pltpu
from jax.experimental.pallas import tpu_sc as plsc

K_NN = 16


def _gelu(x):
    u = 0.7978845608028654 * (x + 0.044715 * (x * x * x))
    t = 2.0 / (1.0 + jnp.exp(-2.0 * u)) - 1.0
    return 0.5 * x * (1.0 + t)


def _prep_body(N, NP, Co, xf_ref, w_ref, b_ref, xn_ref, a_ref, c_ref):
    xf = xf_ref[0]
    ss = jnp.sum(xf * xf, axis=0, keepdims=True)
    xn = xf / jnp.maximum(jnp.sqrt(ss), 1e-12)
    xn_ref[0, :, :N] = xn
    if NP > N:
        xn_ref[0, :, N:] = jnp.zeros((xf.shape[0], NP - N), jnp.float32)
    ac = lax.dot_general(xf, w_ref[...], (((0,), (0,)), ((), ())),
                         preferred_element_type=jnp.float32,
                         precision=lax.Precision.HIGHEST)
    a_ref[0] = ac[:, :Co] + b_ref[...]
    c_ref[0, :, :Co] = ac[:, Co:]
    c_ref[0, :, Co:] = jnp.zeros((ac.shape[0], 128 - Co), jnp.float32)


def _prep(xf, wcat, b2, NP):
    B, C, N = xf.shape
    Co = wcat.shape[1] // 2
    return pl.pallas_call(
        functools.partial(_prep_body, N, NP, Co),
        grid=(B,),
        in_specs=[
            pl.BlockSpec((1, C, N), lambda i: (i, 0, 0)),
            pl.BlockSpec((C, 2 * Co), lambda i: (0, 0)),
            pl.BlockSpec((1, Co), lambda i: (0, 0)),
        ],
        out_specs=[
            pl.BlockSpec((1, C, NP), lambda i: (i, 0, 0)),
            pl.BlockSpec((1, N, Co), lambda i: (i, 0, 0)),
            pl.BlockSpec((1, N, 128), lambda i: (i, 0, 0)),
        ],
        out_shape=[
            jax.ShapeDtypeStruct((B, C, NP), jnp.float32),
            jax.ShapeDtypeStruct((B, N, Co), jnp.float32),
            jax.ShapeDtypeStruct((B, N, 128), jnp.float32),
        ],
    )(xf, wcat, b2)


def _topk_body(N, NP, TQ, xa_ref, xq_ref, nnt_ref, gidxt_ref, d_ref):
    xa = xa_ref[0]
    xq = xq_ref[0]
    dot = lax.dot_general(xa.astype(jnp.bfloat16), xq.astype(jnp.bfloat16),
                          (((0,), (0,)), ((), ())),
                          preferred_element_type=jnp.float32)
    sq_a = jnp.sum(xa * xa, axis=0)[:, None]
    sq_q = jnp.sum(xq * xq, axis=0)[None, :]
    d = (sq_q + (-2.0 * dot)) + sq_a
    row = lax.broadcasted_iota(jnp.int32, (NP, TQ), 0)
    if NP > N:
        d = jnp.where(row >= N, jnp.inf, d)
    d_ref[...] = d
    big = jnp.int32(2 ** 30)
    boff = pl.program_id(0) * N

    def _round(r, carry):
        dcur = d_ref[...]
        m = jnp.min(dcur, axis=0, keepdims=True)
        am = jnp.min(jnp.where(dcur == m, row, big), axis=0, keepdims=True)
        nnt_ref[0, pl.ds(r, 1), :] = am
        gidxt_ref[0, pl.ds(r, 1), :] = am + boff
        d_ref[...] = jnp.where(row == am, jnp.inf, dcur)
        return carry

    lax.fori_loop(0, K_NN, _round, 0)


def _topk(xn, N):
    B, C, NP = xn.shape
    TQ = NP
    for t in (640, 512, 384, 256, 128):
        if NP % t == 0:
            TQ = t
            break
    return pl.pallas_call(
        functools.partial(_topk_body, N, NP, TQ),
        grid=(B, NP // TQ),
        in_specs=[
            pl.BlockSpec((1, C, NP), lambda i, j: (i, 0, 0)),
            pl.BlockSpec((1, C, TQ), lambda i, j: (i, 0, j)),
        ],
        out_specs=[
            pl.BlockSpec((1, K_NN, TQ), lambda i, j: (i, 0, j)),
            pl.BlockSpec((1, K_NN, TQ), lambda i, j: (i, 0, j)),
        ],
        out_shape=[
            jax.ShapeDtypeStruct((B, K_NN, NP), jnp.int32),
            jax.ShapeDtypeStruct((B, K_NN, NP), jnp.int32),
        ],
        scratch_shapes=[pltpu.VMEM((NP, TQ), jnp.float32)],
    )(xn, xn)


def _edgeconv_sc(a2, c2, gidx):
    NQ, Co = a2.shape
    Cg = c2.shape[1]
    NW = 32
    assert NQ % NW == 0 and Co % 16 == 0
    PW = NQ // NW
    QB = 8
    while PW % QB:
        QB //= 2
    NB = PW // QB
    KROW = QB * K_NN
    NC6 = Co // 16
    gidx3 = gidx.reshape(NW, NB, KROW)
    mesh = plsc.VectorSubcoreMesh(core_axis_name="c", subcore_axis_name="s")

    @functools.partial(
        pl.kernel, mesh=mesh,
        out_type=jax.ShapeDtypeStruct((NQ, Co), jnp.float32),
        scratch_types=[
            pltpu.VMEM((NB, KROW), jnp.int32),
            pltpu.VMEM((PW, Co), jnp.float32),
            pltpu.VMEM((PW, Co), jnp.float32),
            pltpu.VMEM((KROW, Cg), jnp.float32),
            pltpu.SemaphoreType.DMA,
        ],
    )
    def body(a2_hbm, c2_hbm, gidx_hbm, out_hbm, idx_v, a_v, out_v, rows_v, sem):
        wid = lax.axis_index("s") * 2 + lax.axis_index("c")
        base = wid * PW
        pltpu.sync_copy(gidx_hbm.at[wid], idx_v)
        pltpu.sync_copy(a2_hbm.at[pl.ds(base, PW)], a_v)

        def batch_body(g, carry):
            pltpu.async_copy(c2_hbm.at[idx_v.at[g]], rows_v, sem).wait()
            for qq in range(QB):
                q = g * QB + qq
                rbase = qq * K_NN
                first = tuple(rows_v[rbase, pl.ds(c * 16, 16)]
                              for c in range(NC6))

                def k_body(k, mm):
                    mns, mxs = mm
                    rows = [rows_v[rbase + k, pl.ds(c * 16, 16)]
                            for c in range(NC6)]
                    return (tuple(jnp.minimum(a, r) for a, r in zip(mns, rows)),
                            tuple(jnp.maximum(a, r) for a, r in zip(mxs, rows)))

                mns, mxs = lax.fori_loop(1, K_NN, k_body, (first, first))
                for c in range(NC6):
                    av = a_v[q, pl.ds(c * 16, 16)]
                    res = jnp.maximum(_gelu(av + mns[c]), _gelu(av + mxs[c]))
                    out_v[q, pl.ds(c * 16, 16)] = res
            return carry

        lax.fori_loop(0, NB, batch_body, 0)
        pltpu.sync_copy(out_v, out_hbm.at[pl.ds(base, PW)])

    return body(a2, c2, gidx3)


def kernel(x, W, b):
    B, C, H, Wd = x.shape
    N = H * Wd
    Co = W.shape[1]
    NP = -(-N // 128) * 128
    xf = x.reshape(B, C, N)
    wcat = jnp.concatenate([W[:C] - W[C:], W[C:]], axis=1)
    b2 = b.reshape(1, Co)

    xn, a2, c2 = _prep(xf, wcat, b2, NP)
    nn_full, gidx_full = _topk(xn, N)

    nn = nn_full[:, :, :N].transpose(0, 2, 1)
    gidx = gidx_full[:, :, :N].transpose(0, 2, 1).reshape(B * N, K_NN)

    out_rows = _edgeconv_sc(a2.reshape(B * N, Co), c2.reshape(B * N, 128),
                            gidx)
    out = out_rows.reshape(B, N, Co).transpose(0, 2, 1).reshape(B, Co, H, Wd)

    center = jnp.broadcast_to(
        jnp.arange(N, dtype=nn.dtype)[None, :, None], (B, N, K_NN))
    edge_index = jnp.stack([nn, center], axis=0)
    return (out, edge_index)

# --- scband reference (transcript-rebuilt; emitter-appended) ---
"""Pipeline reference for scband-dy-graph-conv2d-43439299232098 (READ-ONLY COPY).

The authoritative reference and input builder live on the scoring server;
editing this copy changes nothing except your own understanding.
"""

import jax, jax.numpy as jnp
import numpy as np

K_NEIGHBORS = 16

def _gather(xf, idx):
    # xf: (B, C, N), idx: (B, N, k) -> (B, C, N, k)
    B, C, N = xf.shape
    k = idx.shape[-1]
    idx_b = jnp.broadcast_to(idx.reshape(B, 1, N * k), (B, C, N * k))
    out = jnp.take_along_axis(xf, idx_b, axis=2)
    return out.reshape(B, C, N, k)

def setup_inputs(seed: int = 0):
    key = jax.random.key(seed)
    k1, k2 = jax.random.split(key, 2)
    x = jax.random.normal(k1, (4, 96, 56, 56), dtype=jnp.float32)
    W = jax.random.normal(k2, (192, 96), dtype=jnp.float32) * 0.05
    b = jnp.zeros((96,), dtype=jnp.float32)
    return {"x": x, "W": W, "b": b}

def reference(x, W, b):
    kk = K_NEIGHBORS
    B, C, H, Wd = x.shape
    N = H * Wd
    xf = x.reshape(B, C, N)
    # --- dilated knn graph (dilation=1), computed with no grad on l2-normalized features ---
    xn = jax.lax.stop_gradient(xf)
    norm = jnp.sqrt(jnp.sum(xn * xn, axis=1, keepdims=True))
    xn = xn / jnp.maximum(norm, 1e-12)
    pts = jnp.transpose(xn, (0, 2, 1))  # (B, N, C)
    x_inner = -2.0 * jnp.matmul(pts, jnp.transpose(pts, (0, 2, 1)))
    x_sq = jnp.sum(pts * pts, axis=-1, keepdims=True)
    dist = x_sq + x_inner + jnp.transpose(x_sq, (0, 2, 1))  # (B, N, N)
    _, nn_idx = jax.lax.top_k(-dist, kk)  # (B, N, k)
    center_idx = jnp.broadcast_to(jnp.arange(N, dtype=nn_idx.dtype)[None, :, None], (B, N, kk))
    edge_index = jnp.stack([nn_idx, center_idx], axis=0)  # (2, B, N, k)
    # --- EdgeConv: gather, concat [x_i, x_j - x_i], 1x1 conv (BasicConv) + gelu, max over k ---
    x_i = _gather(xf, center_idx)
    x_j = _gather(xf, nn_idx)
    feat = jnp.concatenate([x_i, x_j - x_i], axis=1)  # (B, 2C, N, k)
    h = jnp.einsum('bcnk,co->bonk', feat, W) + b[None, :, None, None]
    h = jax.nn.gelu(h)
    out = jnp.max(h, axis=-1, keepdims=True)  # (B, Cout, N, 1)
    out = out.reshape(B, -1, H, Wd)
    return (out, edge_index)

if __name__ == "__main__":
    import jax
    _d = setup_inputs()
    print(jax.jit(kernel)(*tuple(_d.values())))

</pallas_src>

<mosaic_0001>
#map = affine_map<(d0, d1) -> (0, 0)>
#map1 = affine_map<(d0, d1) -> (0, 0, 0)>
module attributes {stable_mosaic.version = 14 : i64} {
  func.func @body(%arg0: i32, %arg1: i32, %arg2: memref<12544x96xf32, #tpu.memory_space<hbm>>, %arg3: memref<12544x128xf32, #tpu.memory_space<hbm>>, %arg4: memref<32x49x128xi32, #tpu.memory_space<hbm>>, %arg5: memref<12544x96xf32, #tpu.memory_space<hbm>>, %arg6: memref<49x128xi32, #tpu.memory_space<vmem>>, %arg7: memref<392x96xf32, #tpu.memory_space<vmem>>, %arg8: memref<392x96xf32, #tpu.memory_space<vmem>>, %arg9: memref<128x128xf32, #tpu.memory_space<vmem>>, %arg10: memref<!tpu.dma_semaphore, #tpu.memory_space<semaphore_mem>>) attributes {dimension_semantics = [#tpu.dimension_semantics<core_parallel>, #tpu.dimension_semantics<subcore_parallel>], iteration_bounds = array<i64: 2, 16>, scalar_prefetch = 0 : i64, scratch_operands = 5 : i64, tpu.core_type = #tpu.core_type<sc_vector_subcore>, window_params = [{transform_indices = #map}, {transform_indices = #map}, {transform_indices = #map1}, {transform_indices = #map}]} {
    %mul3A = arith.constant 2 : i32
    %mul3A_0 = arith.muli %arg1, %mul3A : i32
    %add3A = arith.addi %mul3A_0, %arg0 : i32
    %mul3A_1 = arith.constant 392 : i32
    %mul3A_2 = arith.muli %add3A, %mul3A_1 : i32
    "tpu.region"() ({
      %run_scoped3A = tpu.sem_alloc : memref<!tpu.dma_semaphore, #tpu.memory_space<semaphore_mem>>
      %dma_start3A = arith.constant 0 : i32
      %dma_start3A_8 = arith.constant 0 : i32
      %dma_start3A_9 = tpu.memref_slice %arg4[%add3A, %dma_start3A, %dma_start3A_8] : memref<32x49x128xi32, #tpu.memory_space<hbm>> -> memref<1x49x128xi32, #tpu.memory_space<hbm>>
      %dma_start3A_10 = tpu.memref_squeeze %dma_start3A_9 : memref<1x49x128xi32, #tpu.memory_space<hbm>> -> memref<49x128xi32, #tpu.memory_space<hbm>>
      %dma_start3A_11 = arith.constant 0 : i32
      %dma_start3A_12 = arith.constant 0 : i32
      %dma_start3A_13 = tpu.memref_slice %arg4[%add3A, %dma_start3A_11, %dma_start3A_12] : memref<32x49x128xi32, #tpu.memory_space<hbm>> -> memref<1x49x128xi32, #tpu.memory_space<hbm>>
      %dma_start3A_14 = tpu.memref_squeeze %dma_start3A_13 : memref<1x49x128xi32, #tpu.memory_space<hbm>> -> memref<49x128xi32, #tpu.memory_space<hbm>>
      tpu.enqueue_dma source(%dma_start3A_14 : memref<49x128xi32, #tpu.memory_space<hbm>>) target(%arg6 : memref<49x128xi32, #tpu.memory_space<vmem>>) target_semaphore(%run_scoped3A : memref<!tpu.dma_semaphore, #tpu.memory_space<semaphore_mem>>)
      %dma_wait3A = arith.constant 0 : i32
      %dma_wait3A_15 = arith.constant 0 : i32
      %dma_wait3A_16 = tpu.memref_slice %arg4[%add3A, %dma_wait3A, %dma_wait3A_15] : memref<32x49x128xi32, #tpu.memory_space<hbm>> -> memref<1x49x128xi32, #tpu.memory_space<hbm>>
      %dma_wait3A_17 = tpu.memref_squeeze %dma_wait3A_16 : memref<1x49x128xi32, #tpu.memory_space<hbm>> -> memref<49x128xi32, #tpu.memory_space<hbm>>
      %dma_wait3A_18 = arith.constant 0 : i32
      %dma_wait3A_19 = arith.constant 0 : i32
      %dma_wait3A_20 = tpu.memref_slice %arg4[%add3A, %dma_wait3A_18, %dma_wait3A_19] : memref<32x49x128xi32, #tpu.memory_space<hbm>> -> memref<1x49x128xi32, #tpu.memory_space<hbm>>
      %dma_wait3A_21 = tpu.memref_squeeze %dma_wait3A_20 : memref<1x49x128xi32, #tpu.memory_space<hbm>> -> memref<49x128xi32, #tpu.memory_space<hbm>>
      tpu.wait_dma2 semaphore(%run_scoped3A : memref<!tpu.dma_semaphore, #tpu.memory_space<semaphore_mem>>) src(%dma_wait3A_21 : memref<49x128xi32, #tpu.memory_space<hbm>>) dst(%arg6 : memref<49x128xi32, #tpu.memory_space<vmem>>)
      tpu.yield
    }) : () -> ()
    "tpu.region"() ({
      %run_scoped3A = tpu.sem_alloc : memref<!tpu.dma_semaphore, #tpu.memory_space<semaphore_mem>>
      %dma_start3A = arith.constant 0 : i32
      %dma_start3A_8 = tpu.memref_slice %arg2[%mul3A_2, %dma_start3A] : memref<12544x96xf32, #tpu.memory_space<hbm>> -> memref<392x96xf32, #tpu.memory_space<hbm>>
      %dma_start3A_9 = arith.constant 0 : i32
      %dma_start3A_10 = tpu.memref_slice %arg2[%mul3A_2, %dma_start3A_9] : memref<12544x96xf32, #tpu.memory_space<hbm>> -> memref<392x96xf32, #tpu.memory_space<hbm>>
      tpu.enqueue_dma source(%dma_start3A_10 : memref<392x96xf32, #tpu.memory_space<hbm>>) target(%arg7 : memref<392x96xf32, #tpu.memory_space<vmem>>) target_semaphore(%run_scoped3A : memref<!tpu.dma_semaphore, #tpu.memory_space<semaphore_mem>>)
      %dma_wait3A = arith.constant 0 : i32
      %dma_wait3A_11 = tpu.memref_slice %arg2[%mul3A_2, %dma_wait3A] : memref<12544x96xf32, #tpu.memory_space<hbm>> -> memref<392x96xf32, #tpu.memory_space<hbm>>
      %dma_wait3A_12 = arith.constant 0 : i32
      %dma_wait3A_13 = tpu.memref_slice %arg2[%mul3A_2, %dma_wait3A_12] : memref<12544x96xf32, #tpu.memory_space<hbm>> -> memref<392x96xf32, #tpu.memory_space<hbm>>
      tpu.wait_dma2 semaphore(%run_scoped3A : memref<!tpu.dma_semaphore, #tpu.memory_space<semaphore_mem>>) src(%dma_wait3A_13 : memref<392x96xf32, #tpu.memory_space<hbm>>) dst(%arg7 : memref<392x96xf32, #tpu.memory_space<vmem>>)
      tpu.yield
    }) : () -> ()
    %scan3A = arith.constant 0 : i32
    %scan3A_3 = arith.constant 0 : i32
    %scan3A_4 = arith.constant 49 : i32
    %scan3A_5 = arith.addi %scan3A_3, %scan3A_4 : i32
    %scan3A_6 = arith.constant 1 : i32
    scf.for %scan3A_8 = %scan3A_3 to %scan3A_5 step %scan3A_6  : i32 {
      %dma_start3A = arith.constant 0 : i32
      %dma_start3A_9 = tpu.memref_slice %arg6[%scan3A_8, %dma_start3A] : memref<49x128xi32, #tpu.memory_space<vmem>> -> memref<1x128xi32, #tpu.memory_space<vmem>>
      %dma_start3A_10 = tpu.memref_squeeze %dma_start3A_9 : memref<1x128xi32, #tpu.memory_space<vmem>> -> memref<128xi32, #tpu.memory_space<vmem>>
      %dma_start3A_11 = arith.constant 0 : i32
      %dma_start3A_12 = arith.constant 0 : i32
      %dma_start3A_13 = tpu.memref_slice %arg3[%dma_start3A_11, %dma_start3A_12] : memref<12544x128xf32, #tpu.memory_space<hbm>> -> memref<12544x128xf32, #tpu.memory_space<hbm>>
      tpu.enqueue_indirect_dma source(%dma_start3A_13 : memref<12544x128xf32, #tpu.memory_space<hbm>>) target(%arg9 : memref<128x128xf32, #tpu.memory_space<vmem>>) offsets(%dma_start3A_10 : memref<128xi32, #tpu.memory_space<vmem>>) semaphore(%arg10 : memref<!tpu.dma_semaphore, #tpu.memory_space<semaphore_mem>>)
      %dma_wait3A = arith.constant 0 : i32
      %dma_wait3A_14 = tpu.memref_slice %arg6[%scan3A_8, %dma_wait3A] : memref<49x128xi32, #tpu.memory_space<vmem>> -> memref<1x128xi32, #tpu.memory_space<vmem>>
      %dma_wait3A_15 = tpu.memref_squeeze %dma_wait3A_14 : memref<1x128xi32, #tpu.memory_space<vmem>> -> memref<128xi32, #tpu.memory_space<vmem>>
      %dma_wait3A_16 = arith.constant 0 : i32
      %dma_wait3A_17 = arith.constant 0 : i32
      %dma_wait3A_18 = tpu.memref_slice %arg3[%dma_wait3A_16, %dma_wait3A_17] : memref<12544x128xf32, #tpu.memory_space<hbm>> -> memref<12544x128xf32, #tpu.memory_space<hbm>>
      tpu.wait_indirect_dma semaphore(%arg10 : memref<!tpu.dma_semaphore, #tpu.memory_space<semaphore_mem>>) src(%dma_wait3A_18 : memref<12544x128xf32, #tpu.memory_space<hbm>>) dst(%arg9 : memref<128x128xf32, #tpu.memory_space<vmem>>)
      %mul3A_19 = arith.constant 8 : i32
      %mul3A_20 = arith.muli %scan3A_8, %mul3A_19 : i32
      %add3A_21 = arith.constant 0 : i32
      %add3A_22 = arith.addi %mul3A_20, %add3A_21 : i32
      %get3A = arith.constant 0 : i32
      %get3A_23 = arith.index_cast %get3A : i32 to index
      %get3A_24 = arith.constant 0 : index
      %get3A_25 = tpu.vector_load %arg9[%get3A_23, %get3A_24] {strides = array<i32>} : memref<128x128xf32, #tpu.memory_space<vmem>>, vector<1x16xf32>,
      %get3A_26 = vector.shape_cast %get3A_25 : vector<1x16xf32> to vector<16xf32>
      %get3A_27 = arith.constant 0 : i32
      %get3A_28 = arith.index_cast %get3A_27 : i32 to index
      %get3A_29 = arith.constant 16 : index
      %get3A_30 = tpu.vector_load %arg9[%get3A_28, %get3A_29] {strides = array<i32>} : memref<128x128xf32, #tpu.memory_space<vmem>>, vector<1x16xf32>,
      %get3A_31 = vector.shape_cast %get3A_30 : vector<1x16xf32> to vector<16xf32>
      %get3A_32 = arith.constant 0 : i32
      %get3A_33 = arith.index_cast %get3A_32 : i32 to index
      %get3A_34 = arith.constant 32 : index
      %get3A_35 = tpu.vector_load %arg9[%get3A_33, %get3A_34] {strides = array<i32>} : memref<128x128xf32, #tpu.memory_space<vmem>>, vector<1x16xf32>,
      %get3A_36 = vector.shape_cast %get3A_35 : vector<1x16xf32> to vector<16xf32>
      %get3A_37 = arith.constant 0 : i32
      %get3A_38 = arith.index_cast %get3A_37 : i32 to index
      %get3A_39 = arith.constant 48 : index
      %get3A_40 = tpu.vector_load %arg9[%get3A_38, %get3A_39] {strides = array<i32>} : memref<128x128xf32, #tpu.memory_space<vmem>>, vector<1x16xf32>,
      %get3A_41 = vector.shape_cast %get3A_40 : vector<1x16xf32> to vector<16xf32>
      %get3A_42 = arith.constant 0 : i32
      %get3A_43 = arith.index_cast %get3A_42 : i32 to index
      %get3A_44 = arith.constant 64 : index
      %get3A_45 = tpu.vector_load %arg9[%get3A_43, %get3A_44] {strides = array<i32>} : memref<128x128xf32, #tpu.memory_space<vmem>>, vector<1x16xf32>,
      %get3A_46 = vector.shape_cast %get3A_45 : vector<1x16xf32> to vector<16xf32>
      %get3A_47 = arith.constant 0 : i32
      %get3A_48 = arith.index_cast %get3A_47 : i32 to index
      %get3A_49 = arith.constant 80 : index
      %get3A_50 = tpu.vector_load %arg9[%get3A_48, %get3A_49] {strides = array<i32>} : memref<128x128xf32, #tpu.memory_space<vmem>>, vector<1x16xf32>,
      %get3A_51 = vector.shape_cast %get3A_50 : vector<1x16xf32> to vector<16xf32>
      %scan3A_52 = arith.constant 1 : i32
      %scan3A_53 = arith.constant 15 : i32
      %scan3A_54 = arith.addi %scan3A_52, %scan3A_53 : i32
      %scan3A_55 = arith.constant 1 : i32
      %scan3A_56:12 = scf.for %scan3A_3693 = %scan3A_52 to %scan3A_54 step %scan3A_55 iter_args(%scan3A_3694 = %get3A_26, %scan3A_3695 = %get3A_31, %scan3A_3696 = %get3A_36, %scan3A_3697 = %get3A_41, %scan3A_3698 = %get3A_46, %scan3A_3699 = %get3A_51, %scan3A_3700 = %get3A_26, %scan3A_3701 = %get3A_31, %scan3A_3702 = %get3A_36, %scan3A_3703 = %get3A_41, %scan3A_3704 = %get3A_46, %scan3A_3705 = %get3A_51) -> (vector<16xf32>, vector<16xf32>, vector<16xf32>, vector<16xf32>, vector<16xf32>, vector<16xf32>, vector<16xf32>, vector<16xf32>, vector<16xf32>, vector<16xf32>, vector<16xf32>, vector<16xf32>)  : i32 {
        %add3A_3706 = arith.constant 0 : i32
        %add3A_3707 = arith.addi %add3A_3706, %scan3A_3693 : i32
        %get3A_3708 = arith.index_cast %add3A_3707 : i32 to index
        %get3A_3709 = arith.constant 0 : index
        %get3A_3710 = tpu.vector_load %arg9[%get3A_3708, %get3A_3709] {strides = array<i32>} : memref<128x128xf32, #tpu.memory_space<vmem>>, vector<1x16xf32>,
        %get3A_3711 = vector.shape_cast %get3A_3710 : vector<1x16xf32> to vector<16xf32>
        %add3A_3712 = arith.constant 0 : i32
        %add3A_3713 = arith.addi %add3A_3712, %scan3A_3693 : i32
        %get3A_3714 = arith.index_cast %add3A_3713 : i32 to index
        %get3A_3715 = arith.constant 16 : index
        %get3A_3716 = tpu.vector_load %arg9[%get3A_3714, %get3A_3715] {strides = array<i32>} : memref<128x128xf32, #tpu.memory_space<vmem>>, vector<1x16xf32>,
        %get3A_3717 = vector.shape_cast %get3A_3716 : vector<1x16xf32> to vector<16xf32>
        %add3A_3718 = arith.constant 0 : i32
        %add3A_3719 = arith.addi %add3A_3718, %scan3A_3693 : i32
        %get3A_3720 = arith.index_cast %add3A_3719 : i32 to index
        %get3A_3721 = arith.constant 32 : index
        %get3A_3722 = tpu.vector_load %arg9[%get3A_3720, %get3A_3721] {strides = array<i32>} : memref<128x128xf32, #tpu.memory_space<vmem>>, vector<1x16xf32>,
        %get3A_3723 = vector.shape_cast %get3A_3722 : vector<1x16xf32> to vector<16xf32>
        %add3A_3724 = arith.constant 0 : i32
        %add3A_3725 = arith.addi %add3A_3724, %scan3A_3693 : i32
        %get3A_3726 = arith.index_cast %add3A_3725 : i32 to index
        %get3A_3727 = arith.constant 48 : index
        %get3A_3728 = tpu.vector_load %arg9[%get3A_3726, %get3A_3727] {strides = array<i32>} : memref<128x128xf32, #tpu.memory_space<vmem>>, vector<1x16xf32>,
        %get3A_3729 = vector.shape_cast %get3A_3728 : vector<1x16xf32> to vector<16xf32>
        %add3A_3730 = arith.constant 0 : i32
        %add3A_3731 = arith.addi %add3A_3730, %scan3A_3693 : i32
        %get3A_3732 = arith.index_cast %add3A_3731 : i32 to index
        %get3A_3733 = arith.constant 64 : index
        %get3A_3734 = tpu.vector_load %arg9[%get3A_3732, %get3A_3733] {strides = array<i32>} : memref<128x128xf32, #tpu.memory_space<vmem>>, vector<1x16xf32>,
        %get3A_3735 = vector.shape_cast %get3A_3734 : vector<1x16xf32> to vector<16xf32>
        %add3A_3736 = arith.constant 0 : i32
        %add3A_3737 = arith.addi %add3A_3736, %scan3A_3693 : i32
        %get3A_3738 = arith.index_cast %add3A_3737 : i32 to index
        %get3A_3739 = arith.constant 80 : index
        %get3A_3740 = tpu.vector_load %arg9[%get3A_3738, %get3A_3739] {strides = array<i32>} : memref<128x128xf32, #tpu.memory_space<vmem>>, vector<1x16xf32>,
        %get3A_3741 = vector.shape_cast %get3A_3740 : vector<1x16xf32> to vector<16xf32>
        %min3A = arith.minimumf %scan3A_3694, %get3A_3711 : vector<16xf32>
        %min3A_3742 = arith.minimumf %scan3A_3695, %get3A_3717 : vector<16xf32>
        %min3A_3743 = arith.minimumf %scan3A_3696, %get3A_3723 : vector<16xf32>
        %min3A_3744 = arith.minimumf %scan3A_3697, %get3A_3729 : vector<16xf32>
        %min3A_3745 = arith.minimumf %scan3A_3698, %get3A_3735 : vector<16xf32>
        %min3A_3746 = arith.minimumf %scan3A_3699, %get3A_3741 : vector<16xf32>
        %max3A_3747 = arith.maximumf %scan3A_3700, %get3A_3711 : vector<16xf32>
        %max3A_3748 = arith.maximumf %scan3A_3701, %get3A_3717 : vector<16xf32>
        %max3A_3749 = arith.maximumf %scan3A_3702, %get3A_3723 : vector<16xf32>
        %max3A_3750 = arith.maximumf %scan3A_3703, %get3A_3729 : vector<16xf32>
        %max3A_3751 = arith.maximumf %scan3A_3704, %get3A_3735 : vector<16xf32>
        %max3A_3752 = arith.maximumf %scan3A_3705, %get3A_3741 : vector<16xf32>
        scf.yield %min3A, %min3A_3742, %min3A_3743, %min3A_3744, %min3A_3745, %min3A_3746, %max3A_3747, %max3A_3748, %max3A_3749, %max3A_3750, %max3A_3751, %max3A_3752 : vector<16xf32>, vector<16xf32>, vector<16xf32>, vector<16xf32>, vector<16xf32>, vector<16xf32>, vector<16xf32>, vector<16xf32>, vector<16xf32>, vector<16xf32>, vector<16xf32>, vector<16xf32>
      }
      %scan3A_57 = arith.constant 15 : i32
      %get3A_58 = arith.index_cast %add3A_22 : i32 to index
      %get3A_59 = arith.constant 0 : index
      %get3A_60 = tpu.vector_load %arg7[%get3A_58, %get3A_59] {strides = array<i32>} : memref<392x96xf32, #tpu.memory_space<vmem>>, vector<1x16xf32>,
      %get3A_61 = vector.shape_cast %get3A_60 : vector<1x16xf32> to vector<16xf32>
      %add3A_62 = arith.addf %get3A_61, %scan3A_56#0 : vector<16xf32>
      %mul3A_63 = arith.mulf %add3A_62, %add3A_62 : vector<16xf32>
      %mul3A_64 = arith.mulf %mul3A_63, %add3A_62 : vector<16xf32>
      %mul3A_65 = arith.constant 4.471500e-02 : f32
      %mul3A_66 = vector.broadcast %mul3A_65 : f32 to vector<16xf32>
      %mul3A_67 = arith.mulf %mul3A_66, %mul3A_64 : vector<16xf32>
      %add3A_68 = arith.addf %add3A_62, %mul3A_67 : vector<16xf32>
      %mul3A_69 = arith.constant 0.797884583 : f32
      %mul3A_70 = vector.broadcast %mul3A_69 : f32 to vector<16xf32>
      %mul3A_71 = arith.mulf %mul3A_70, %add3A_68 : vector<16xf32>
      %mul3A_72 = arith.constant -2.000000e+00 : f32
      %mul3A_73 = vector.broadcast %mul3A_72 : f32 to vector<16xf32>
      %mul3A_74 = arith.mulf %mul3A_73, %mul3A_71 : vector<16xf32>
      %exp3A = math.exp %mul3A_74 : vector<16xf32>
      %add3A_75 = arith.constant 1.000000e+00 : f32
      %add3A_76 = vector.broadcast %add3A_75 : f32 to vector<16xf32>
      %add3A_77 = arith.addf %add3A_76, %exp3A : vector<16xf32>
      %div3A = arith.constant 2.000000e+00 : f32
      %div3A_78 = vector.broadcast %div3A : f32 to vector<16xf32>
      %div3A_79 = arith.divf %div3A_78, %add3A_77 : vector<16xf32>
      %sub3A = arith.constant 1.000000e+00 : f32
      %sub3A_80 = vector.broadcast %sub3A : f32 to vector<16xf32>
      %sub3A_81 = arith.subf %div3A_79, %sub3A_80 : vector<16xf32>
      %mul3A_82 = arith.constant 5.000000e-01 : f32
      %mul3A_83 = vector.broadcast %mul3A_82 : f32 to vector<16xf32>
      %mul3A_84 = arith.mulf %mul3A_83, %add3A_62 : vector<16xf32>
      %add3A_85 = arith.constant 1.000000e+00 : f32
      %add3A_86 = vector.broadcast %add3A_85 : f32 to vector<16xf32>
      %add3A_87 = arith.addf %add3A_86, %sub3A_81 : vector<16xf32>
      %mul3A_88 = arith.mulf %mul3A_84, %add3A_87 : vector<16xf32>
      %add3A_89 = arith.addf %get3A_61, %scan3A_56#6 : vector<16xf32>
      %mul3A_90 = arith.mulf %add3A_89, %add3A_89 : vector<16xf32>
      %mul3A_91 = arith.mulf %mul3A_90, %add3A_89 : vector<16xf32>
      %mul3A_92 = arith.constant 4.471500e-02 : f32
      %mul3A_93 = vector.broadcast %mul3A_92 : f32 to vector<16xf32>
      %mul3A_94 = arith.mulf %mul3A_93, %mul3A_91 : vector<16xf32>
      %add3A_95 = arith.addf %add3A_89, %mul3A_94 : vector<16xf32>
      %mul3A_96 = arith.constant 0.797884583 : f32
      %mul3A_97 = vector.broadcast %mul3A_96 : f32 to vector<16xf32>
      %mul3A_98 = arith.mulf %mul3A_97, %add3A_95 : vector<16xf32>
      %mul3A_99 = arith.constant -2.000000e+00 : f32
      %mul3A_100 = vector.broadcast %mul3A_99 : f32 to vector<16xf32>
      %mul3A_101 = arith.mulf %mul3A_100, %mul3A_98 : vector<16xf32>
      %exp3A_102 = math.exp %mul3A_101 : vector<16xf32>
      %add3A_103 = arith.constant 1.000000e+00 : f32
      %add3A_104 = vector.broadcast %add3A_103 : f32 to vector<16xf32>
      %add3A_105 = arith.addf %add3A_104, %exp3A_102 : vector<16xf32>
      %div3A_106 = arith.constant 2.000000e+00 : f32
      %div3A_107 = vector.broadcast %div3A_106 : f32 to vector<16xf32>
      %div3A_108 = arith.divf %div3A_107, %add3A_105 : vector<16xf32>
      %sub3A_109 = arith.constant 1.000000e+00 : f32
      %sub3A_110 = vector.broadcast %sub3A_109 : f32 to vector<16xf32>
      %sub3A_111 = arith.subf %div3A_108, %sub3A_110 : vector<16xf32>
      %mul3A_112 = arith.constant 5.000000e-01 : f32
      %mul3A_113 = vector.broadcast %mul3A_112 : f32 to vector<16xf32>
      %mul3A_114 = arith.mulf %mul3A_113, %add3A_89 : vector<16xf32>
      %add3A_115 = arith.constant 1.000000e+00 : f32
      %add3A_116 = vector.broadcast %add3A_115 : f32 to vector<16xf32>
      %add3A_117 = arith.addf %add3A_116, %sub3A_111 : vector<16xf32>
      %mul3A_118 = arith.mulf %mul3A_114, %add3A_117 : vector<16xf32>
      %max3A = arith.maximumf %mul3A_88, %mul3A_118 : vector<16xf32>
      %swap3A = arith.index_cast %add3A_22 : i32 to index
      %swap3A_119 = arith.constant 0 : index
      %swap3A_120 = tpu.vector_load %arg8[%swap3A, %swap3A_119] {strides = array<i32>} : memref<392x96xf32, #tpu.memory_space<vmem>>, vector<1x16xf32>,
      %swap3A_121 = vector.shape_cast %swap3A_120 : vector<1x16xf32> to vector<16xf32>
      %swap3A_122 = vector.shape_cast %max3A : vector<16xf32> to vector<1x16xf32>
      tpu.vector_store %arg8[%swap3A, %swap3A_119], %swap3A_122 {strides = array<i32>} : memref<392x96xf32, #tpu.memory_space<vmem>>, vector<1x16xf32>,
      %get3A_123 = arith.index_cast %add3A_22 : i32 to index
      %get3A_124 = arith.constant 16 : index
      %get3A_125 = tpu.vector_load %arg7[%get3A_123, %get3A_124] {strides = array<i32>} : memref<392x96xf32, #tpu.memory_space<vmem>>, vector<1x16xf32>,
      %get3A_126 = vector.shape_cast %get3A_125 : vector<1x16xf32> to vector<16xf32>
      %add3A_127 = arith.addf %get3A_126, %scan3A_56#1 : vector<16xf32>
      %mul3A_128 = arith.mulf %add3A_127, %add3A_127 : vector<16xf32>
      %mul3A_129 = arith.mulf %mul3A_128, %add3A_127 : vector<16xf32>
      %mul3A_130 = arith.constant 4.471500e-02 : f32
      %mul3A_131 = vector.broadcast %mul3A_130 : f32 to vector<16xf32>
      %mul3A_132 = arith.mulf %mul3A_131, %mul3A_129 : vector<16xf32>
      %add3A_133 = arith.addf %add3A_127, %mul3A_132 : vector<16xf32>
      %mul3A_134 = arith.constant 0.797884583 : f32
      %mul3A_135 = vector.broadcast %mul3A_134 : f32 to vector<16xf32>
      %mul3A_136 = arith.mulf %mul3A_135, %add3A_133 : vector<16xf32>
      %mul3A_137 = arith.constant -2.000000e+00 : f32
      %mul3A_138 = vector.broadcast %mul3A_137 : f32 to vector<16xf32>
      %mul3A_139 = arith.mulf %mul3A_138, %mul3A_136 : vector<16xf32>
      %exp3A_140 = math.exp %mul3A_139 : vector<16xf32>
      %add3A_141 = arith.constant 1.000000e+00 : f32
      %add3A_142 = vector.broadcast %add3A_141 : f32 to vector<16xf32>
      %add3A_143 = arith.addf %add3A_142, %exp3A_140 : vector<16xf32>
      %div3A_144 = arith.constant 2.000000e+00 : f32
      %div3A_145 = vector.broadcast %div3A_144 : f32 to vector<16xf32>
      %div3A_146 = arith.divf %div3A_145, %add3A_143 : vector<16xf32>
      %sub3A_147 = arith.constant 1.000000e+00 : f32
      %sub3A_148 = vector.broadcast %sub3A_147 : f32 to vector<16xf32>
      %sub3A_149 = arith.subf %div3A_146, %sub3A_148 : vector<16xf32>
      %mul3A_150 = arith.constant 5.000000e-01 : f32
      %mul3A_151 = vector.broadcast %mul3A_150 : f32 to vector<16xf32>
      %mul3A_152 = arith.mulf %mul3A_151, %add3A_127 : vector<16xf32>
      %add3A_153 = arith.constant 1.000000e+00 : f32
      %add3A_154 = vector.broadcast %add3A_153 : f32 to vector<16xf32>
      %add3A_155 = arith.addf %add3A_154, %sub3A_149 : vector<16xf32>
      %mul3A_156 = arith.mulf %mul3A_152, %add3A_155 : vector<16xf32>
      %add3A_157 = arith.addf %get3A_126, %scan3A_56#7 : vector<16xf32>
      %mul3A_158 = arith.mulf %add3A_157, %add3A_157 : vector<16xf32>
      %mul3A_159 = arith.mulf %mul3A_158, %add3A_157 : vector<16xf32>
      %mul3A_160 = arith.constant 4.471500e-02 : f32
      %mul3A_161 = vector.broadcast %mul3A_160 : f32 to vector<16xf32>
      %mul3A_162 = arith.mulf %mul3A_161, %mul3A_159 : vector<16xf32>
      %add3A_163 = arith.addf %add3A_157, %mul3A_162 : vector<16xf32>
      %mul3A_164 = arith.constant 0.797884583 : f32
      %mul3A_165 = vector.broadcast %mul3A_164 : f32 to vector<16xf32>
      %mul3A_166 = arith.mulf %mul3A_165, %add3A_163 : vector<16xf32>
      %mul3A_167 = arith.constant -2.000000e+00 : f32
      %mul3A_168 = vector.broadcast %mul3A_167 : f32 to vector<16xf32>
      %mul3A_169 = arith.mulf %mul3A_168, %mul3A_166 : vector<16xf32>
      %exp3A_170 = math.exp %mul3A_169 : vector<16xf32>
      %add3A_171 = arith.constant 1.000000e+00 : f32
      %add3A_172 = vector.broadcast %add3A_171 : f32 to vector<16xf32>
      %add3A_173 = arith.addf %add3A_172, %exp3A_170 : vector<16xf32>
      %div3A_174 = arith.constant 2.000000e+00 : f32
      %div3A_175 = vector.broadcast %div3A_174 : f32 to vector<16xf32>
      %div3A_176 = arith.divf %div3A_175, %add3A_173 : vector<16xf32>
      %sub3A_177 = arith.constant 1.000000e+00 : f32
      %sub3A_178 = vector.broadcast %sub3A_177 : f32 to vector<16xf32>
      %sub3A_179 = arith.subf %div3A_176, %sub3A_178 : vector<16xf32>
      %mul3A_180 = arith.constant 5.000000e-01 : f32
      %mul3A_181 = vector.broadcast %mul3A_180 : f32 to vector<16xf32>
      %mul3A_182 = arith.mulf %mul3A_181, %add3A_157 : vector<16xf32>
      %add3A_183 = arith.constant 1.000000e+00 : f32
      %add3A_184 = vector.broadcast %add3A_183 : f32 to vector<16xf32>
      %add3A_185 = arith.addf %add3A_184, %sub3A_179 : vector<16xf32>
      %mul3A_186 = arith.mulf %mul3A_182, %add3A_185 : vector<16xf32>
      %max3A_187 = arith.maximumf %mul3A_156, %mul3A_186 : vector<16xf32>
      %swap3A_188 = arith.index_cast %add3A_22 : i32 to index
      %swap3A_189 = arith.constant 16 : index
      %swap3A_190 = tpu.vector_load %arg8[%swap3A_188, %swap3A_189] {strides = array<i32>} : memref<392x96xf32, #tpu.memory_space<vmem>>, vector<1x16xf32>,
      %swap3A_191 = vector.shape_cast %swap3A_190 : vector<1x16xf32> to vector<16xf32>
      %swap3A_192 = vector.shape_cast %max3A_187 : vector<16xf32> to vector<1x16xf32>
      tpu.vector_store %arg8[%swap3A_188, %swap3A_189], %swap3A_192 {strides = array<i32>} : memref<392x96xf32, #tpu.memory_space<vmem>>, vector<1x16xf32>,
      %get3A_193 = arith.index_cast %add3A_22 : i32 to index
      %get3A_194 = arith.constant 32 : index
      %get3A_195 = tpu.vector_load %arg7[%get3A_193, %get3A_194] {strides = array<i32>} : memref<392x96xf32, #tpu.memory_space<vmem>>, vector<1x16xf32>,
      %get3A_196 = vector.shape_cast %get3A_195 : vector<1x16xf32> to vector<16xf32>
      %add3A_197 = arith.addf %get3A_196, %scan3A_56#2 : vector<16xf32>
      %mul3A_198 = arith.mulf %add3A_197, %add3A_197 : vector<16xf32>
      %mul3A_199 = arith.mulf %mul3A_198, %add3A_197 : vector<16xf32>
      %mul3A_200 = arith.constant 4.471500e-02 : f32
      %mul3A_201 = vector.broadcast %mul3A_200 : f32 to vector<16xf32>
      %mul3A_202 = arith.mulf %mul3A_201, %mul3A_199 : vector<16xf32>
      %add3A_203 = arith.addf %add3A_197, %mul3A_202 : vector<16xf32>
      %mul3A_204 = arith.constant 0.797884583 : f32
      %mul3A_205 = vector.broadcast %mul3A_204 : f32 to vector<16xf32>
      %mul3A_206 = arith.mulf %mul3A_205, %add3A_203 : vector<16xf32>
      %mul3A_207 = arith.constant -2.000000e+00 : f32
      %mul3A_208 = vector.broadcast %mul3A_207 : f32 to vector<16xf32>
      %mul3A_209 = arith.mulf %mul3A_208, %mul3A_206 : vector<16xf32>
      %exp3A_210 = math.exp %mul3A_209 : vector<16xf32>
      %add3A_211 = arith.constant 1.000000e+00 : f32
      %add3A_212 = vector.broadcast %add3A_211 : f32 to vector<16xf32>
      %add3A_213 = arith.addf %add3A_212, %exp3A_210 : vector<16xf32>
      %div3A_214 = arith.constant 2.000000e+00 : f32
      %div3A_215 = vector.broadcast %div3A_214 : f32 to vector<16xf32>
      %div3A_216 = arith.divf %div3A_215, %add3A_213 : vector<16xf32>
      %sub3A_217 = arith.constant 1.000000e+00 : f32
      %sub3A_218 = vector.broadcast %sub3A_217 : f32 to vector<16xf32>
      %sub3A_219 = arith.subf %div3A_216, %sub3A_218 : vector<16xf32>
      %mul3A_220 = arith.constant 5.000000e-01 : f32
      %mul3A_221 = vector.broadcast %mul3A_220 : f32 to vector<16xf32>
      %mul3A_222 = arith.mulf %mul3A_221, %add3A_197 : vector<16xf32>
      %add3A_223 = arith.constant 1.000000e+00 : f32
      %add3A_224 = vector.broadcast %add3A_223 : f32 to vector<16xf32>
      %add3A_225 = arith.addf %add3A_224, %sub3A_219 : vector<16xf32>
      %mul3A_226 = arith.mulf %mul3A_222, %add3A_225 : vector<16xf32>
      %add3A_227 = arith.addf %get3A_196, %scan3A_56#8 : vector<16xf32>
      %mul3A_228 = arith.mulf %add3A_227, %add3A_227 : vector<16xf32>
      %mul3A_229 = arith.mulf %mul3A_228, %add3A_227 : vector<16xf32>
      %mul3A_230 = arith.constant 4.471500e-02 : f32
      %mul3A_231 = vector.broadcast %mul3A_230 : f32 to vector<16xf32>
      %mul3A_232 = arith.mulf %mul3A_231, %mul3A_229 : vector<16xf32>
      %add3A_233 = arith.addf %add3A_227, %mul3A_232 : vector<16xf32>
      %mul3A_234 = arith.constant 0.797884583 : f32
      %mul3A_235 = vector.broadcast %mul3A_234 : f32 to vector<16xf32>
      %mul3A_236 = arith.mulf %mul3A_235, %add3A_233 : vector<16xf32>
      %mul3A_237 = arith.constant -2.000000e+00 : f32
      %mul3A_238 = vector.broadcast %mul3A_237 : f32 to vector<16xf32>
      %mul3A_239 = arith.mulf %mul3A_238, %mul3A_236 : vector<16xf32>
      %exp3A_240 = math.exp %mul3A_239 : vector<16xf32>
      %add3A_241 = arith.constant 1.000000e+00 : f32
      %add3A_242 = vector.broadcast %add3A_241 : f32 to vector<16xf32>
      %add3A_243 = arith.addf %add3A_242, %exp3A_240 : vector<16xf32>
      %div3A_244 = arith.constant 2.000000e+00 : f32
      %div3A_245 = vector.broadcast %div3A_244 : f32 to vector<16xf32>
      %div3A_246 = arith.divf %div3A_245, %add3A_243 : vector<16xf32>
      %sub3A_247 = arith.constant 1.000000e+00 : f32
      %sub3A_248 = vector.broadcast %sub3A_247 : f32 to vector<16xf32>
      %sub3A_249 = arith.subf %div3A_246, %sub3A_248 : vector<16xf32>
      %mul3A_250 = arith.constant 5.000000e-01 : f32
      %mul3A_251 = vector.broadcast %mul3A_250 : f32 to vector<16xf32>
      %mul3A_252 = arith.mulf %mul3A_251, %add3A_227 : vector<16xf32>
      %add3A_253 = arith.constant 1.000000e+00 : f32
      %add3A_254 = vector.broadcast %add3A_253 : f32 to vector<16xf32>
      %add3A_255 = arith.addf %add3A_254, %sub3A_249 : vector<16xf32>
      %mul3A_256 = arith.mulf %mul3A_252, %add3A_255 : vector<16xf32>
      %max3A_257 = arith.maximumf %mul3A_226, %mul3A_256 : vector<16xf32>
      %swap3A_258 = arith.index_cast %add3A_22 : i32 to index
      %swap3A_259 = arith.constant 32 : index
      %swap3A_260 = tpu.vector_load %arg8[%swap3A_258, %swap3A_259] {strides = array<i32>} : memref<392x96xf32, #tpu.memory_space<vmem>>, vector<1x16xf32>,
      %swap3A_261 = vector.shape_cast %swap3A_260 : vector<1x16xf32> to vector<16xf32>
      %swap3A_262 = vector.shape_cast %max3A_257 : vector<16xf32> to vector<1x16xf32>
      tpu.vector_store %arg8[%swap3A_258, %swap3A_259], %swap3A_262 {strides = array<i32>} : memref<392x96xf32, #tpu.memory_space<vmem>>, vector<1x16xf32>,
      %get3A_263 = arith.index_cast %add3A_22 : i32 to index
      %get3A_264 = arith.constant 48 : index
      %get3A_265 = tpu.vector_load %arg7[%get3A_263, %get3A_264] {strides = array<i32>} : memref<392x96xf32, #tpu.memory_space<vmem>>, vector<1x16xf32>,
      %get3A_266 = vector.shape_cast %get3A_265 : vector<1x16xf32> to vector<16xf32>
      %add3A_267 = arith.addf %get3A_266, %scan3A_56#3 : vector<16xf32>
      %mul3A_268 = arith.mulf %add3A_267, %add3A_267 : vector<16xf32>
      %mul3A_269 = arith.mulf %mul3A_268, %add3A_267 : vector<16xf32>
      %mul3A_270 = arith.constant 4.471500e-02 : f32
      %mul3A_271 = vector.broadcast %mul3A_270 : f32 to vector<16xf32>
      %mul3A_272 = arith.mulf %mul3A_271, %mul3A_269 : vector<16xf32>
      %add3A_273 = arith.addf %add3A_267, %mul3A_272 : vector<16xf32>
      %mul3A_274 = arith.constant 0.797884583 : f32
      %mul3A_275 = vector.broadcast %mul3A_274 : f32 to vector<16xf32>
      %mul3A_276 = arith.mulf %mul3A_275, %add3A_273 : vector<16xf32>
      %mul3A_277 = arith.constant -2.000000e+00 : f32
      %mul3A_278 = vector.broadcast %mul3A_277 : f32 to vector<16xf32>
      %mul3A_279 = arith.mulf %mul3A_278, %mul3A_276 : vector<16xf32>
      %exp3A_280 = math.exp %mul3A_279 : vector<16xf32>
      %add3A_281 = arith.constant 1.000000e+00 : f32
      %add3A_282 = vector.broadcast %add3A_281 : f32 to vector<16xf32>
      %add3A_283 = arith.addf %add3A_282, %exp3A_280 : vector<16xf32>
      %div3A_284 = arith.constant 2.000000e+00 : f32
      %div3A_285 = vector.broadcast %div3A_284 : f32 to vector<16xf32>
      %div3A_286 = arith.divf %div3A_285, %add3A_283 : vector<16xf32>
      %sub3A_287 = arith.constant 1.000000e+00 : f32
      %sub3A_288 = vector.broadcast %sub3A_287 : f32 to vector<16xf32>
      %sub3A_289 = arith.subf %div3A_286, %sub3A_288 : vector<16xf32>
      %mul3A_290 = arith.constant 5.000000e-01 : f32
      %mul3A_291 = vector.broadcast %mul3A_290 : f32 to vector<16xf32>
      %mul3A_292 = arith.mulf %mul3A_291, %add3A_267 : vector<16xf32>
      %add3A_293 = arith.constant 1.000000e+00 : f32
      %add3A_294 = vector.broadcast %add3A_293 : f32 to vector<16xf32>
      %add3A_295 = arith.addf %add3A_294, %sub3A_289 : vector<16xf32>
      %mul3A_296 = arith.mulf %mul3A_292, %add3A_295 : vector<16xf32>
      %add3A_297 = arith.addf %get3A_266, %scan3A_56#9 : vector<16xf32>
      %mul3A_298 = arith.mulf %add3A_297, %add3A_297 : vector<16xf32>
      %mul3A_299 = arith.mulf %mul3A_298, %add3A_297 : vector<16xf32>
      %mul3A_300 = arith.constant 4.471500e-02 : f32
      %mul3A_301 = vector.broadcast %mul3A_300 : f32 to vector<16xf32>
      %mul3A_302 = arith.mulf %mul3A_301, %mul3A_299 : vector<16xf32>
      %add3A_303 = arith.addf %add3A_297, %mul3A_302 : vector<16xf32>
      %mul3A_304 = arith.constant 0.797884583 : f32
      %mul3A_305 = vector.broadcast %mul3A_304 : f32 to vector<16xf32>
      %mul3A_306 = arith.mulf %mul3A_305, %add3A_303 : vector<16xf32>
      %mul3A_307 = arith.constant -2.000000e+00 : f32
      %mul3A_308 = vector.broadcast %mul3A_307 : f32 to vector<16xf32>
      %mul3A_309 = arith.mulf %mul3A_308, %mul3A_306 : vector<16xf32>
      %exp3A_310 = math.exp %mul3A_309 : vector<16xf32>
      %add3A_311 = arith.constant 1.000000e+00 : f32
      %add3A_312 = vector.broadcast %add3A_311 : f32 to vector<16xf32>
      %add3A_313 = arith.addf %add3A_312, %exp3A_310 : vector<16xf32>
      %div3A_314 = arith.constant 2.000000e+00 : f32
      %div3A_315 = vector.broadcast %div3A_314 : f32 to vector<16xf32>
      %div3A_316 = arith.divf %div3A_315, %add3A_313 : vector<16xf32>
      %sub3A_317 = arith.constant 1.000000e+00 : f32
      %sub3A_318 = vector.broadcast %sub3A_317 : f32 to vector<16xf32>
      %sub3A_319 = arith.subf %div3A_316, %sub3A_318 : vector<16xf32>
      %mul3A_320 = arith.constant 5.000000e-01 : f32
      %mul3A_321 = vector.broadcast %mul3A_320 : f32 to vector<16xf32>
      %mul3A_322 = arith.mulf %mul3A_321, %add3A_297 : vector<16xf32>
      %add3A_323 = arith.constant 1.000000e+00 : f32
      %add3A_324 = vector.broadcast %add3A_323 : f32 to vector<16xf32>
      %add3A_325 = arith.addf %add3A_324, %sub3A_319 : vector<16xf32>
      %mul3A_326 = arith.mulf %mul3A_322, %add3A_325 : vector<16xf32>
      %max3A_327 = arith.maximumf %mul3A_296, %mul3A_326 : vector<16xf32>
      %swap3A_328 = arith.index_cast %add3A_22 : i32 to index
      %swap3A_329 = arith.constant 48 : index
      %swap3A_330 = tpu.vector_load %arg8[%swap3A_328, %swap3A_329] {strides = array<i32>} : memref<392x96xf32, #tpu.memory_space<vmem>>, vector<1x16xf32>,
      %swap3A_331 = vector.shape_cast %swap3A_330 : vector<1x16xf32> to vector<16xf32>
      %swap3A_332 = vector.shape_cast %max3A_327 : vector<16xf32> to vector<1x16xf32>
      tpu.vector_store %arg8[%swap3A_328, %swap3A_329], %swap3A_332 {strides = array<i32>} : memref<392x96xf32, #tpu.memory_space<vmem>>, vector<1x16xf32>,
      %get3A_333 = arith.index_cast %add3A_22 : i32 to index
      %get3A_334 = arith.constant 64 : index
      %get3A_335 = tpu.vector_load %arg7[%get3A_333, %get3A_334] {strides = array<i32>} : memref<392x96xf32, #tpu.memory_space<vmem>>, vector<1x16xf32>,
      %get3A_336 = vector.shape_cast %get3A_335 : vector<1x16xf32> to vector<16xf32>
      %add3A_337 = arith.addf %get3A_336, %scan3A_56#4 : vector<16xf32>
      %mul3A_338 = arith.mulf %add3A_337, %add3A_337 : vector<16xf32>
      %mul3A_339 = arith.mulf %mul3A_338, %add3A_337 : vector<16xf32>
      %mul3A_340 = arith.constant 4.471500e-02 : f32
      %mul3A_341 = vector.broadcast %mul3A_340 : f32 to vector<16xf32>
      %mul3A_342 = arith.mulf %mul3A_341, %mul3A_339 : vector<16xf32>
      %add3A_343 = arith.addf %add3A_337, %mul3A_342 : vector<16xf32>
      %mul3A_344 = arith.constant 0.797884583 : f32
      %mul3A_345 = vector.broadcast %mul3A_344 : f32 to vector<16xf32>
      %mul3A_346 = arith.mulf %mul3A_345, %add3A_343 : vector<16xf32>
      %mul3A_347 = arith.constant -2.000000e+00 : f32
      %mul3A_348 = vector.broadcast %mul3A_347 : f32 to vector<16xf32>
      %mul3A_349 = arith.mulf %mul3A_348, %mul3A_346 : vector<16xf32>
      %exp3A_350 = math.exp %mul3A_349 : vector<16xf32>
      %add3A_351 = arith.constant 1.000000e+00 : f32
      %add3A_352 = vector.broadcast %add3A_351 : f32 to vector<16xf32>
      %add3A_353 = arith.addf %add3A_352, %exp3A_350 : vector<16xf32>
      %div3A_354 = arith.constant 2.000000e+00 : f32
      %div3A_355 = vector.broadcast %div3A_354 : f32 to vector<16xf32>
      %div3A_356 = arith.divf %div3A_355, %add3A_353 : vector<16xf32>
      %sub3A_357 = arith.constant 1.000000e+00 : f32
      %sub3A_358 = vector.broadcast %sub3A_357 : f32 to vector<16xf32>
      %sub3A_359 = arith.subf %div3A_356, %sub3A_358 : vector<16xf32>
      %mul3A_360 = arith.constant 5.000000e-01 : f32
      %mul3A_361 = vector.broadcast %mul3A_360 : f32 to vector<16xf32>
      %mul3A_362 = arith.mulf %mul3A_361, %add3A_337 : vector<16xf32>
      %add3A_363 = arith.constant 1.000000e+00 : f32
      %add3A_364 = vector.broadcast %add3A_363 : f32 to vector<16xf32>
      %add3A_365 = arith.addf %add3A_364, %sub3A_359 : vector<16xf32>
      %mul3A_366 = arith.mulf %mul3A_362, %add3A_365 : vector<16xf32>
      %add3A_367 = arith.addf %get3A_336, %scan3A_56#10 : vector<16xf32>
      %mul3A_368 = arith.mulf %add3A_367, %add3A_367 : vector<16xf32>
      %mul3A_369 = arith.mulf %mul3A_368, %add3A_367 : vector<16xf32>
      %mul3A_370 = arith.constant 4.471500e-02 : f32
      %mul3A_371 = vector.broadcast %mul3A_370 : f32 to vector<16xf32>
      %mul3A_372 = arith.mulf %mul3A_371, %mul3A_369 : vector<16xf32>
      %add3A_373 = arith.addf %add3A_367, %mul3A_372 : vector<16xf32>
      %mul3A_374 = arith.constant 0.797884583 : f32
      %mul3A_375 = vector.broadcast %mul3A_374 : f32 to vector<16xf32>
      %mul3A_376 = arith.mulf %mul3A_375, %add3A_373 : vector<16xf32>
      %mul3A_377 = arith.constant -2.000000e+00 : f32
      %mul3A_378 = vector.broadcast %mul3A_377 : f32 to vector<16xf32>
      %mul3A_379 = arith.mulf %mul3A_378, %mul3A_376 : vector<16xf32>
      %exp3A_380 = math.exp %mul3A_379 : vector<16xf32>
      %add3A_381 = arith.constant 1.000000e+00 : f32
      %add3A_382 = vector.broadcast %add3A_381 : f32 to vector<16xf32>
      %add3A_383 = arith.addf %add3A_382, %exp3A_380 : vector<16xf32>
      %div3A_384 = arith.constant 2.000000e+00 : f32
      %div3A_385 = vector.broadcast %div3A_384 : f32 to vector<16xf32>
      %div3A_386 = arith.divf %div3A_385, %add3A_383 : vector<16xf32>
      %sub3A_387 = arith.constant 1.000000e+00 : f32
      %sub3A_388 = vector.broadcast %sub3A_387 : f32 to vector<16xf32>
      %sub3A_389 = arith.subf %div3A_386, %sub3A_388 : vector<16xf32>
      %mul3A_390 = arith.constant 5.000000e-01 : f32
      %mul3A_391 = vector.broadcast %mul3A_390 : f32 to vector<16xf32>
      %mul3A_392 = arith.mulf %mul3A_391, %add3A_367 : vector<16xf32>
      %add3A_393 = arith.constant 1.000000e+00 : f32
      %add3A_394 = vector.broadcast %add3A_393 : f32 to vector<16xf32>
      %add3A_395 = arith.addf %add3A_394, %sub3A_389 : vector<16xf32>
      %mul3A_396 = arith.mulf %mul3A_392, %add3A_395 : vector<16xf32>
      %max3A_397 = arith.maximumf %mul3A_366, %mul3A_396 : vector<16xf32>
      %swap3A_398 = arith.index_cast %add3A_22 : i32 to index
      %swap3A_399 = arith.constant 64 : index
      %swap3A_400 = tpu.vector_load %arg8[%swap3A_398, %swap3A_399] {strides = array<i32>} : memref<392x96xf32, #tpu.memory_space<vmem>>, vector<1x16xf32>,
      %swap3A_401 = vector.shape_cast %swap3A_400 : vector<1x16xf32> to vector<16xf32>
      %swap3A_402 = vector.shape_cast %max3A_397 : vector<16xf32> to vector<1x16xf32>
      tpu.vector_store %arg8[%swap3A_398, %swap3A_399], %swap3A_402 {strides = array<i32>} : memref<392x96xf32, #tpu.memory_space<vmem>>, vector<1x16xf32>,
      %get3A_403 = arith.index_cast %add3A_22 : i32 to index
      %get3A_404 = arith.constant 80 : index
      %get3A_405 = tpu.vector_load %arg7[%get3A_403, %get3A_404] {strides = array<i32>} : memref<392x96xf32, #tpu.memory_space<vmem>>, vector<1x16xf32>,
      %get3A_406 = vector.shape_cast %get3A_405 : vector<1x16xf32> to vector<16xf32>
      %add3A_407 = arith.addf %get3A_406, %scan3A_56#5 : vector<16xf32>
      %mul3A_408 = arith.mulf %add3A_407, %add3A_407 : vector<16xf32>
      %mul3A_409 = arith.mulf %mul3A_408, %add3A_407 : vector<16xf32>
      %mul3A_410 = arith.constant 4.471500e-02 : f32
      %mul3A_411 = vector.broadcast %mul3A_410 : f32 to vector<16xf32>
      %mul3A_412 = arith.mulf %mul3A_411, %mul3A_409 : vector<16xf32>
      %add3A_413 = arith.addf %add3A_407, %mul3A_412 : vector<16xf32>
      %mul3A_414 = arith.constant 0.797884583 : f32
      %mul3A_415 = vector.broadcast %mul3A_414 : f32 to vector<16xf32>
      %mul3A_416 = arith.mulf %mul3A_415, %add3A_413 : vector<16xf32>
      %mul3A_417 = arith.constant -2.000000e+00 : f32
      %mul3A_418 = vector.broadcast %mul3A_417 : f32 to vector<16xf32>
      %mul3A_419 = arith.mulf %mul3A_418, %mul3A_416 : vector<16xf32>
      %exp3A_420 = math.exp %mul3A_419 : vector<16xf32>
      %add3A_421 = arith.constant 1.000000e+00 : f32
      %add3A_422 = vector.broadcast %add3A_421 : f32 to vector<16xf32>
      %add3A_423 = arith.addf %add3A_422, %exp3A_420 : vector<16xf32>
      %div3A_424 = arith.constant 2.000000e+00 : f32
      %div3A_425 = vector.broadcast %div3A_424 : f32 to vector<16xf32>
      %div3A_426 = arith.divf %div3A_425, %add3A_423 : vector<16xf32>
      %sub3A_427 = arith.constant 1.000000e+00 : f32
      %sub3A_428 = vector.broadcast %sub3A_427 : f32 to vector<16xf32>
      %sub3A_429 = arith.subf %div3A_426, %sub3A_428 : vector<16xf32>
      %mul3A_430 = arith.constant 5.000000e-01 : f32
      %mul3A_431 = vector.broadcast %mul3A_430 : f32 to vector<16xf32>
      %mul3A_432 = arith.mulf %mul3A_431, %add3A_407 : vector<16xf32>
      %add3A_433 = arith.constant 1.000000e+00 : f32
      %add3A_434 = vector.broadcast %add3A_433 : f32 to vector<16xf32>
      %add3A_435 = arith.addf %add3A_434, %sub3A_429 : vector<16xf32>
      %mul3A_436 = arith.mulf %mul3A_432, %add3A_435 : vector<16xf32>
      %add3A_437 = arith.addf %get3A_406, %scan3A_56#11 : vector<16xf32>
      %mul3A_438 = arith.mulf %add3A_437, %add3A_437 : vector<16xf32>
      %mul3A_439 = arith.mulf %mul3A_438, %add3A_437 : vector<16xf32>
      %mul3A_440 = arith.constant 4.471500e-02 : f32
      %mul3A_441 = vector.broadcast %mul3A_440 : f32 to vector<16xf32>
      %mul3A_442 = arith.mulf %mul3A_441, %mul3A_439 : vector<16xf32>
      %add3A_443 = arith.addf %add3A_437, %mul3A_442 : vector<16xf32>
      %mul3A_444 = arith.constant 0.797884583 : f32
      %mul3A_445 = vector.broadcast %mul3A_444 : f32 to vector<16xf32>
      %mul3A_446 = arith.mulf %mul3A_445, %add3A_443 : vector<16xf32>
      %mul3A_447 = arith.constant -2.000000e+00 : f32
      %mul3A_448 = vector.broadcast %mul3A_447 : f32 to vector<16xf32>
      %mul3A_449 = arith.mulf %mul3A_448, %mul3A_446 : vector<16xf32>
      %exp3A_450 = math.exp %mul3A_449 : vector<16xf32>
      %add3A_451 = arith.constant 1.000000e+00 : f32
      %add3A_452 = vector.broadcast %add3A_451 : f32 to vector<16xf32>
      %add3A_453 = arith.addf %add3A_452, %exp3A_450 : vector<16xf32>
      %div3A_454 = arith.constant 2.000000e+00 : f32
      %div3A_455 = vector.broadcast %div3A_454 : f32 to vector<16xf32>
      %div3A_456 = arith.divf %div3A_455, %add3A_453 : vector<16xf32>
      %sub3A_457 = arith.constant 1.000000e+00 : f32
      %sub3A_458 = vector.broadcast %sub3A_457 : f32 to vector<16xf32>
      %sub3A_459 = arith.subf %div3A_456, %sub3A_458 : vector<16xf32>
      %mul3A_460 = arith.constant 5.000000e-01 : f32
      %mul3A_461 = vector.broadcast %mul3A_460 : f32 to vector<16xf32>
      %mul3A_462 = arith.mulf %mul3A_461, %add3A_437 : vector<16xf32>
      %add3A_463 = arith.constant 1.000000e+00 : f32
      %add3A_464 = vector.broadcast %add3A_463 : f32 to vector<16xf32>
      %add3A_465 = arith.addf %add3A_464, %sub3A_459 : vector<16xf32>
      %mul3A_466 = arith.mulf %mul3A_462, %add3A_465 : vector<16xf32>
      %max3A_467 = arith.maximumf %mul3A_436, %mul3A_466 : vector<16xf32>
      %swap3A_468 = arith.index_cast %add3A_22 : i32 to index
      %swap3A_469 = arith.constant 80 : index
      %swap3A_470 = tpu.vector_load %arg8[%swap3A_468, %swap3A_469] {strides = array<i32>} : memref<392x96xf32, #tpu.memory_space<vmem>>, vector<1x16xf32>,
      %swap3A_471 = vector.shape_cast %swap3A_470 : vector<1x16xf32> to vector<16xf32>
      %swap3A_472 = vector.shape_cast %max3A_467 : vector<16xf32> to vector<1x16xf32>
      tpu.vector_store %arg8[%swap3A_468, %swap3A_469], %swap3A_472 {strides = array<i32>} : memref<392x96xf32, #tpu.memory_space<vmem>>, vector<1x16xf32>,
      %mul3A_473 = arith.constant 8 : i32
      %mul3A_474 = arith.muli %scan3A_8, %mul3A_473 : i32
      %add3A_475 = arith.constant 1 : i32
      %add3A_476 = arith.addi %mul3A_474, %add3A_475 : i32
      %get3A_477 = arith.constant 16 : i32
      %get3A_478 = arith.index_cast %get3A_477 : i32 to index
      %get3A_479 = arith.constant 0 : index
      %get3A_480 = tpu.vector_load %arg9[%get3A_478, %get3A_479] {strides = array<i32>} : memref<128x128xf32, #tpu.memory_space<vmem>>, vector<1x16xf32>,
      %get3A_481 = vector.shape_cast %get3A_480 : vector<1x16xf32> to vector<16xf32>
      %get3A_482 = arith.constant 16 : i32
      %get3A_483 = arith.index_cast %get3A_482 : i32 to index
      %get3A_484 = arith.constant 16 : index
      %get3A_485 = tpu.vector_load %arg9[%get3A_483, %get3A_484] {strides = array<i32>} : memref<128x128xf32, #tpu.memory_space<vmem>>, vector<1x16xf32>,
      %get3A_486 = vector.shape_cast %get3A_485 : vector<1x16xf32> to vector<16xf32>
      %get3A_487 = arith.constant 16 : i32
      %get3A_488 = arith.index_cast %get3A_487 : i32 to index
      %get3A_489 = arith.constant 32 : index
      %get3A_490 = tpu.vector_load %arg9[%get3A_488, %get3A_489] {strides = array<i32>} : memref<128x128xf32, #tpu.memory_space<vmem>>, vector<1x16xf32>,
      %get3A_491 = vector.shape_cast %get3A_490 : vector<1x16xf32> to vector<16xf32>
      %get3A_492 = arith.constant 16 : i32
      %get3A_493 = arith.index_cast %get3A_492 : i32 to index
      %get3A_494 = arith.constant 48 : index
      %get3A_495 = tpu.vector_load %arg9[%get3A_493, %get3A_494] {strides = array<i32>} : memref<128x128xf32, #tpu.memory_space<vmem>>, vector<1x16xf32>,
      %get3A_496 = vector.shape_cast %get3A_495 : vector<1x16xf32> to vector<16xf32>
      %get3A_497 = arith.constant 16 : i32
      %get3A_498 = arith.index_cast %get3A_497 : i32 to index
      %get3A_499 = arith.constant 64 : index
      %get3A_500 = tpu.vector_load %arg9[%get3A_498, %get3A_499] {strides = array<i32>} : memref<128x128xf32, #tpu.memory_space<vmem>>, vector<1x16xf32>,
      %get3A_501 = vector.shape_cast %get3A_500 : vector<1x16xf32> to vector<16xf32>
      %get3A_502 = arith.constant 16 : i32
      %get3A_503 = arith.index_cast %get3A_502 : i32 to index
      %get3A_504 = arith.constant 80 : index
      %get3A_505 = tpu.vector_load %arg9[%get3A_503, %get3A_504] {strides = array<i32>} : memref<128x128xf32, #tpu.memory_space<vmem>>, vector<1x16xf32>,
      %get3A_506 = vector.shape_cast %get3A_505 : vector<1x16xf32> to vector<16xf32>
      %scan3A_507 = arith.constant 1 : i32
      %scan3A_508 = arith.constant 15 : i32
      %scan3A_509 = arith.addi %scan3A_507, %scan3A_508 : i32
      %scan3A_510 = arith.constant 1 : i32
      %scan3A_511:12 = scf.for %scan3A_3693 = %scan3A_507 to %scan3A_509 step %scan3A_510 iter_args(%scan3A_3694 = %get3A_481, %scan3A_3695 = %get3A_486, %scan3A_3696 = %get3A_491, %scan3A_3697 = %get3A_496, %scan3A_3698 = %get3A_501, %scan3A_3699 = %get3A_506, %scan3A_3700 = %get3A_481, %scan3A_3701 = %get3A_486, %scan3A_3702 = %get3A_491, %scan3A_3703 = %get3A_496, %scan3A_3704 = %get3A_501, %scan3A_3705 = %get3A_506) -> (vector<16xf32>, vector<16xf32>, vector<16xf32>, vector<16xf32>, vector<16xf32>, vector<16xf32>, vector<16xf32>, vector<16xf32>, vector<16xf32>, vector<16xf32>, vector<16xf32>, vector<16xf32>)  : i32 {
        %add3A_3706 = arith.constant 16 : i32
        %add3A_3707 = arith.addi %add3A_3706, %scan3A_3693 : i32
        %get3A_3708 = arith.index_cast %add3A_3707 : i32 to index
        %get3A_3709 = arith.constant 0 : index
        %get3A_3710 = tpu.vector_load %arg9[%get3A_3708, %get3A_3709] {strides = array<i32>} : memref<128x128xf32, #tpu.memory_space<vmem>>, vector<1x16xf32>,
        %get3A_3711 = vector.shape_cast %get3A_3710 : vector<1x16xf32> to vector<16xf32>
        %add3A_3712 = arith.constant 16 : i32
        %add3A_3713 = arith.addi %add3A_3712, %scan3A_3693 : i32
        %get3A_3714 = arith.index_cast %add3A_3713 : i32 to index
        %get3A_3715 = arith.constant 16 : index
        %get3A_3716 = tpu.vector_load %arg9[%get3A_3714, %get3A_3715] {strides = array<i32>} : memref<128x128xf32, #tpu.memory_space<vmem>>, vector<1x16xf32>,
        %get3A_3717 = vector.shape_cast %get3A_3716 : vector<1x16xf32> to vector<16xf32>
        %add3A_3718 = arith.constant 16 : i32
        %add3A_3719 = arith.addi %add3A_3718, %scan3A_3693 : i32
        %get3A_3720 = arith.index_cast %add3A_3719 : i32 to index
        %get3A_3721 = arith.constant 32 : index
        %get3A_3722 = tpu.vector_load %arg9[%get3A_3720, %get3A_3721] {strides = array<i32>} : memref<128x128xf32, #tpu.memory_space<vmem>>, vector<1x16xf32>,
        %get3A_3723 = vector.shape_cast %get3A_3722 : vector<1x16xf32> to vector<16xf32>
        %add3A_3724 = arith.constant 16 : i32
        %add3A_3725 = arith.addi %add3A_3724, %scan3A_3693 : i32
        %get3A_3726 = arith.index_cast %add3A_3725 : i32 to index
        %get3A_3727 = arith.constant 48 : index
        %get3A_3728 = tpu.vector_load %arg9[%get3A_3726, %get3A_3727] {strides = array<i32>} : memref<128x128xf32, #tpu.memory_space<vmem>>, vector<1x16xf32>,
        %get3A_3729 = vector.shape_cast %get3A_3728 : vector<1x16xf32> to vector<16xf32>
        %add3A_3730 = arith.constant 16 : i32
        %add3A_3731 = arith.addi %add3A_3730, %scan3A_3693 : i32
        %get3A_3732 = arith.index_cast %add3A_3731 : i32 to index
        %get3A_3733 = arith.constant 64 : index
        %get3A_3734 = tpu.vector_load %arg9[%get3A_3732, %get3A_3733] {strides = array<i32>} : memref<128x128xf32, #tpu.memory_space<vmem>>, vector<1x16xf32>,
        %get3A_3735 = vector.shape_cast %get3A_3734 : vector<1x16xf32> to vector<16xf32>
        %add3A_3736 = arith.constant 16 : i32
        %add3A_3737 = arith.addi %add3A_3736, %scan3A_3693 : i32
        %get3A_3738 = arith.index_cast %add3A_3737 : i32 to index
        %get3A_3739 = arith.constant 80 : index
        %get3A_3740 = tpu.vector_load %arg9[%get3A_3738, %get3A_3739] {strides = array<i32>} : memref<128x128xf32, #tpu.memory_space<vmem>>, vector<1x16xf32>,
        %get3A_3741 = vector.shape_cast %get3A_3740 : vector<1x16xf32> to vector<16xf32>
        %min3A = arith.minimumf %scan3A_3694, %get3A_3711 : vector<16xf32>
        %min3A_3742 = arith.minimumf %scan3A_3695, %get3A_3717 : vector<16xf32>
        %min3A_3743 = arith.minimumf %scan3A_3696, %get3A_3723 : vector<16xf32>
        %min3A_3744 = arith.minimumf %scan3A_3697, %get3A_3729 : vector<16xf32>
        %min3A_3745 = arith.minimumf %scan3A_3698, %get3A_3735 : vector<16xf32>
        %min3A_3746 = arith.minimumf %scan3A_3699, %get3A_3741 : vector<16xf32>
        %max3A_3747 = arith.maximumf %scan3A_3700, %get3A_3711 : vector<16xf32>
        %max3A_3748 = arith.maximumf %scan3A_3701, %get3A_3717 : vector<16xf32>
        %max3A_3749 = arith.maximumf %scan3A_3702, %get3A_3723 : vector<16xf32>
        %max3A_3750 = arith.maximumf %scan3A_3703, %get3A_3729 : vector<16xf32>
        %max3A_3751 = arith.maximumf %scan3A_3704, %get3A_3735 : vector<16xf32>
        %max3A_3752 = arith.maximumf %scan3A_3705, %get3A_3741 : vector<16xf32>
        scf.yield %min3A, %min3A_3742, %min3A_3743, %min3A_3744, %min3A_3745, %min3A_3746, %max3A_3747, %max3A_3748, %max3A_3749, %max3A_3750, %max3A_3751, %max3A_3752 : vector<16xf32>, vector<16xf32>, vector<16xf32>, vector<16xf32>, vector<16xf32>, vector<16xf32>, vector<16xf32>, vector<16xf32>, vector<16xf32>, vector<16xf32>, vector<16xf32>, vector<16xf32>
      }
      %scan3A_512 = arith.constant 15 : i32
      %get3A_513 = arith.index_cast %add3A_476 : i32 to index
      %get3A_514 = arith.constant 0 : index
      %get3A_515 = tpu.vector_load %arg7[%get3A_513, %get3A_514] {strides = array<i32>} : memref<392x96xf32, #tpu.memory_space<vmem>>, vector<1x16xf32>,
      %get3A_516 = vector.shape_cast %get3A_515 : vector<1x16xf32> to vector<16xf32>
      %add3A_517 = arith.addf %get3A_516, %scan3A_511#0 : vector<16xf32>
      %mul3A_518 = arith.mulf %add3A_517, %add3A_517 : vector<16xf32>
      %mul3A_519 = arith.mulf %mul3A_518, %add3A_517 : vector<16xf32>
      %mul3A_520 = arith.constant 4.471500e-02 : f32
      %mul3A_521 = vector.broadcast %mul3A_520 : f32 to vector<16xf32>
      %mul3A_522 = arith.mulf %mul3A_521, %mul3A_519 : vector<16xf32>
      %add3A_523 = arith.addf %add3A_517, %mul3A_522 : vector<16xf32>
      %mul3A_524 = arith.constant 0.797884583 : f32
      %mul3A_525 = vector.broadcast %mul3A_524 : f32 to vector<16xf32>
      %mul3A_526 = arith.mulf %mul3A_525, %add3A_523 : vector<16xf32>
      %mul3A_527 = arith.constant -2.000000e+00 : f32
      %mul3A_528 = vector.broadcast %mul3A_527 : f32 to vector<16xf32>
      %mul3A_529 = arith.mulf %mul3A_528, %mul3A_526 : vector<16xf32>
      %exp3A_530 = math.exp %mul3A_529 : vector<16xf32>
      %add3A_531 = arith.constant 1.000000e+00 : f32
      %add3A_532 = vector.broadcast %add3A_531 : f32 to vector<16xf32>
      %add3A_533 = arith.addf %add3A_532, %exp3A_530 : vector<16xf32>
      %div3A_534 = arith.constant 2.000000e+00 : f32
      %div3A_535 = vector.broadcast %div3A_534 : f32 to vector<16xf32>
      %div3A_536 = arith.divf %div3A_535, %add3A_533 : vector<16xf32>
      %sub3A_537 = arith.constant 1.000000e+00 : f32
      %sub3A_538 = vector.broadcast %sub3A_537 : f32 to vector<16xf32>
      %sub3A_539 = arith.subf %div3A_536, %sub3A_538 : vector<16xf32>
      %mul3A_540 = arith.constant 5.000000e-01 : f32
      %mul3A_541 = vector.broadcast %mul3A_540 : f32 to vector<16xf32>
      %mul3A_542 = arith.mulf %mul3A_541, %add3A_517 : vector<16xf32>
      %add3A_543 = arith.constant 1.000000e+00 : f32
      %add3A_544 = vector.broadcast %add3A_543 : f32 to vector<16xf32>
      %add3A_545 = arith.addf %add3A_544, %sub3A_539 : vector<16xf32>
      %mul3A_546 = arith.mulf %mul3A_542, %add3A_545 : vector<16xf32>
      %add3A_547 = arith.addf %get3A_516, %scan3A_511#6 : vector<16xf32>
      %mul3A_548 = arith.mulf %add3A_547, %add3A_547 : vector<16xf32>
      %mul3A_549 = arith.mulf %mul3A_548, %add3A_547 : vector<16xf32>
      %mul3A_550 = arith.constant 4.471500e-02 : f32
      %mul3A_551 = vector.broadcast %mul3A_550 : f32 to vector<16xf32>
      %mul3A_552 = arith.mulf %mul3A_551, %mul3A_549 : vector<16xf32>
      %add3A_553 = arith.addf %add3A_547, %mul3A_552 : vector<16xf32>
      %mul3A_554 = arith.constant 0.797884583 : f32
      %mul3A_555 = vector.broadcast %mul3A_554 : f32 to vector<16xf32>
      %mul3A_556 = arith.mulf %mul3A_555, %add3A_553 : vector<16xf32>
      %mul3A_557 = arith.constant -2.000000e+00 : f32
      %mul3A_558 = vector.broadcast %mul3A_557 : f32 to vector<16xf32>
      %mul3A_559 = arith.mulf %mul3A_558, %mul3A_556 : vector<16xf32>
      %exp3A_560 = math.exp %mul3A_559 : vector<16xf32>
      %add3A_561 = arith.constant 1.000000e+00 : f32
      %add3A_562 = vector.broadcast %add3A_561 : f32 to vector<16xf32>
      %add3A_563 = arith.addf %add3A_562, %exp3A_560 : vector<16xf32>
      %div3A_564 = arith.constant 2.000000e+00 : f32
      %div3A_565 = vector.broadcast %div3A_564 : f32 to vector<16xf32>
      %div3A_566 = arith.divf %div3A_565, %add3A_563 : vector<16xf32>
      %sub3A_567 = arith.constant 1.000000e+00 : f32
      %sub3A_568 = vector.broadcast %sub3A_567 : f32 to vector<16xf32>
      %sub3A_569 = arith.subf %div3A_566, %sub3A_568 : vector<16xf32>
      %mul3A_570 = arith.constant 5.000000e-01 : f32
      %mul3A_571 = vector.broadcast %mul3A_570 : f32 to vector<16xf32>
      %mul3A_572 = arith.mulf %mul3A_571, %add3A_547 : vector<16xf32>
      %add3A_573 = arith.constant 1.000000e+00 : f32
      %add3A_574 = vector.broadcast %add3A_573 : f32 to vector<16xf32>
      %add3A_575 = arith.addf %add3A_574, %sub3A_569 : vector<16xf32>
      %mul3A_576 = arith.mulf %mul3A_572, %add3A_575 : vector<16xf32>
      %max3A_577 = arith.maximumf %mul3A_546, %mul3A_576 : vector<16xf32>
      %swap3A_578 = arith.index_cast %add3A_476 : i32 to index
      %swap3A_579 = arith.constant 0 : index
      %swap3A_580 = tpu.vector_load %arg8[%swap3A_578, %swap3A_579] {strides = array<i32>} : memref<392x96xf32, #tpu.memory_space<vmem>>, vector<1x16xf32>,
      %swap3A_581 = vector.shape_cast %swap3A_580 : vector<1x16xf32> to vector<16xf32>
      %swap3A_582 = vector.shape_cast %max3A_577 : vector<16xf32> to vector<1x16xf32>
      tpu.vector_store %arg8[%swap3A_578, %swap3A_579], %swap3A_582 {strides = array<i32>} : memref<392x96xf32, #tpu.memory_space<vmem>>, vector<1x16xf32>,
      %get3A_583 = arith.index_cast %add3A_476 : i32 to index
      %get3A_584 = arith.constant 16 : index
      %get3A_585 = tpu.vector_load %arg7[%get3A_583, %get3A_584] {strides = array<i32>} : memref<392x96xf32, #tpu.memory_space<vmem>>, vector<1x16xf32>,
      %get3A_586 = vector.shape_cast %get3A_585 : vector<1x16xf32> to vector<16xf32>
      %add3A_587 = arith.addf %get3A_586, %scan3A_511#1 : vector<16xf32>
      %mul3A_588 = arith.mulf %add3A_587, %add3A_587 : vector<16xf32>
      %mul3A_589 = arith.mulf %mul3A_588, %add3A_587 : vector<16xf32>
      %mul3A_590 = arith.constant 4.471500e-02 : f32
      %mul3A_591 = vector.broadcast %mul3A_590 : f32 to vector<16xf32>
      %mul3A_592 = arith.mulf %mul3A_591, %mul3A_589 : vector<16xf32>
      %add3A_593 = arith.addf %add3A_587, %mul3A_592 : vector<16xf32>
      %mul3A_594 = arith.constant 0.797884583 : f32
      %mul3A_595 = vector.broadcast %mul3A_594 : f32 to vector<16xf32>
      %mul3A_596 = arith.mulf %mul3A_595, %add3A_593 : vector<16xf32>
      %mul3A_597 = arith.constant -2.000000e+00 : f32
      %mul3A_598 = vector.broadcast %mul3A_597 : f32 to vector<16xf32>
      %mul3A_599 = arith.mulf %mul3A_598, %mul3A_596 : vector<16xf32>
      %exp3A_600 = math.exp %mul3A_599 : vector<16xf32>
      %add3A_601 = arith.constant 1.000000e+00 : f32
      %add3A_602 = vector.broadcast %add3A_601 : f32 to vector<16xf32>
      %add3A_603 = arith.addf %add3A_602, %exp3A_600 : vector<16xf32>
      %div3A_604 = arith.constant 2.000000e+00 : f32
      %div3A_605 = vector.broadcast %div3A_604 : f32 to vector<16xf32>
      %div3A_606 = arith.divf %div3A_605, %add3A_603 : vector<16xf32>
      %sub3A_607 = arith.constant 1.000000e+00 : f32
      %sub3A_608 = vector.broadcast %sub3A_607 : f32 to vector<16xf32>
      %sub3A_609 = arith.subf %div3A_606, %sub3A_608 : vector<16xf32>
      %mul3A_610 = arith.constant 5.000000e-01 : f32
      %mul3A_611 = vector.broadcast %mul3A_610 : f32 to vector<16xf32>
      %mul3A_612 = arith.mulf %mul3A_611, %add3A_587 : vector<16xf32>
      %add3A_613 = arith.constant 1.000000e+00 : f32
      %add3A_614 = vector.broadcast %add3A_613 : f32 to vector<16xf32>
      %add3A_615 = arith.addf %add3A_614, %sub3A_609 : vector<16xf32>
      %mul3A_616 = arith.mulf %mul3A_612, %add3A_615 : vector<16xf32>
      %add3A_617 = arith.addf %get3A_586, %scan3A_511#7 : vector<16xf32>
      %mul3A_618 = arith.mulf %add3A_617, %add3A_617 : vector<16xf32>
      %mul3A_619 = arith.mulf %mul3A_618, %add3A_617 : vector<16xf32>
      %mul3A_620 = arith.constant 4.471500e-02 : f32
      %mul3A_621 = vector.broadcast %mul3A_620 : f32 to vector<16xf32>
      %mul3A_622 = arith.mulf %mul3A_621, %mul3A_619 : vector<16xf32>
      %add3A_623 = arith.addf %add3A_617, %mul3A_622 : vector<16xf32>
      %mul3A_624 = arith.constant 0.797884583 : f32
      %mul3A_625 = vector.broadcast %mul3A_624 : f32 to vector<16xf32>
      %mul3A_626 = arith.mulf %mul3A_625, %add3A_623 : vector<16xf32>
      %mul3A_627 = arith.constant -2.000000e+00 : f32
      %mul3A_628 = vector.broadcast %mul3A_627 : f32 to vector<16xf32>
      %mul3A_629 = arith.mulf %mul3A_628, %mul3A_626 : vector<16xf32>
      %exp3A_630 = math.exp %mul3A_629 : vector<16xf32>
      %add3A_631 = arith.constant 1.000000e+00 : f32
      %add3A_632 = vector.broadcast %add3A_631 : f32 to vector<16xf32>
      %add3A_633 = arith.addf %add3A_632, %exp3A_630 : vector<16xf32>
      %div3A_634 = arith.constant 2.000000e+00 : f32
      %div3A_635 = vector.broadcast %div3A_634 : f32 to vector<16xf32>
      %div3A_636 = arith.divf %div3A_635, %add3A_633 : vector<16xf32>
      %sub3A_637 = arith.constant 1.000000e+00 : f32
      %sub3A_638 = vector.broadcast %sub3A_637 : f32 to vector<16xf32>
      %sub3A_639 = arith.subf %div3A_636, %sub3A_638 : vector<16xf32>
      %mul3A_640 = arith.constant 5.000000e-01 : f32
      %mul3A_641 = vector.broadcast %mul3A_640 : f32 to vector<16xf32>
      %mul3A_642 = arith.mulf %mul3A_641, %add3A_617 : vector<16xf32>
      %add3A_643 = arith.constant 1.000000e+00 : f32
      %add3A_644 = vector.broadcast %add3A_643 : f32 to vector<16xf32>
      %add3A_645 = arith.addf %add3A_644, %sub3A_639 : vector<16xf32>
      %mul3A_646 = arith.mulf %mul3A_642, %add3A_645 : vector<16xf32>
      %max3A_647 = arith.maximumf %mul3A_616, %mul3A_646 : vector<16xf32>
      %swap3A_648 = arith.index_cast %add3A_476 : i32 to index
      %swap3A_649 = arith.constant 16 : index
      %swap3A_650 = tpu.vector_load %arg8[%swap3A_648, %swap3A_649] {strides = array<i32>} : memref<392x96xf32, #tpu.memory_space<vmem>>, vector<1x16xf32>,
      %swap3A_651 = vector.shape_cast %swap3A_650 : vector<1x16xf32> to vector<16xf32>
      %swap3A_652 = vector.shape_cast %max3A_647 : vector<16xf32> to vector<1x16xf32>
      tpu.vector_store %arg8[%swap3A_648, %swap3A_649], %swap3A_652 {strides = array<i32>} : memref<392x96xf32, #tpu.memory_space<vmem>>, vector<1x16xf32>,
      %get3A_653 = arith.index_cast %add3A_476 : i32 to index
      %get3A_654 = arith.constant 32 : index
      %get3A_655 = tpu.vector_load %arg7[%get3A_653, %get3A_654] {strides = array<i32>} : memref<392x96xf32, #tpu.memory_space<vmem>>, vector<1x16xf32>,
      %get3A_656 = vector.shape_cast %get3A_655 : vector<1x16xf32> to vector<16xf32>
      %add3A_657 = arith.addf %get3A_656, %scan3A_511#2 : vector<16xf32>
      %mul3A_658 = arith.mulf %add3A_657, %add3A_657 : vector<16xf32>
      %mul3A_659 = arith.mulf %mul3A_658, %add3A_657 : vector<16xf32>
      %mul3A_660 = arith.constant 4.471500e-02 : f32
      %mul3A_661 = vector.broadcast %mul3A_660 : f32 to vector<16xf32>
      %mul3A_662 = arith.mulf %mul3A_661, %mul3A_659 : vector<16xf32>
      %add3A_663 = arith.addf %add3A_657, %mul3A_662 : vector<16xf32>
      %mul3A_664 = arith.constant 0.797884583 : f32
      %mul3A_665 = vector.broadcast %mul3A_664 : f32 to vector<16xf32>
      %mul3A_666 = arith.mulf %mul3A_665, %add3A_663 : vector<16xf32>
      %mul3A_667 = arith.constant -2.000000e+00 : f32
      %mul3A_668 = vector.broadcast %mul3A_667 : f32 to vector<16xf32>
      %mul3A_669 = arith.mulf %mul3A_668, %mul3A_666 : vector<16xf32>
      %exp3A_670 = math.exp %mul3A_669 : vector<16xf32>
      %add3A_671 = arith.constant 1.000000e+00 : f32
      %add3A_672 = vector.broadcast %add3A_671 : f32 to vector<16xf32>
      %add3A_673 = arith.addf %add3A_672, %exp3A_670 : vector<16xf32>
      %div3A_674 = arith.constant 2.000000e+00 : f32
      %div3A_675 = vector.broadcast %div3A_674 : f32 to vector<16xf32>
      %div3A_676 = arith.divf %div3A_675, %add3A_673 : vector<16xf32>
      %sub3A_677 = arith.constant 1.000000e+00 : f32
      %sub3A_678 = vector.broadcast %sub3A_677 : f32 to vector<16xf32>
      %sub3A_679 = arith.subf %div3A_676, %sub3A_678 : vector<16xf32>
      %mul3A_680 = arith.constant 5.000000e-01 : f32
      %mul3A_681 = vector.broadcast %mul3A_680 : f32 to vector<16xf32>
      %mul3A_682 = arith.mulf %mul3A_681, %add3A_657 : vector<16xf32>
      %add3A_683 = arith.constant 1.000000e+00 : f32
      %add3A_684 = vector.broadcast %add3A_683 : f32 to vector<16xf32>
      %add3A_685 = arith.addf %add3A_684, %sub3A_679 : vector<16xf32>
      %mul3A_686 = arith.mulf %mul3A_682, %add3A_685 : vector<16xf32>
      %add3A_687 = arith.addf %get3A_656, %scan3A_511#8 : vector<16xf32>
      %mul3A_688 = arith.mulf %add3A_687, %add3A_687 : vector<16xf32>
      %mul3A_689 = arith.mulf %mul3A_688, %add3A_687 : vector<16xf32>
      %mul3A_690 = arith.constant 4.471500e-02 : f32
      %mul3A_691 = vector.broadcast %mul3A_690 : f32 to vector<16xf32>
      %mul3A_692 = arith.mulf %mul3A_691, %mul3A_689 : vector<16xf32>
      %add3A_693 = arith.addf %add3A_687, %mul3A_692 : vector<16xf32>
      %mul3A_694 = arith.constant 0.797884583 : f32
      %mul3A_695 = vector.broadcast %mul3A_694 : f32 to vector<16xf32>
      %mul3A_696 = arith.mulf %mul3A_695, %add3A_693 : vector<16xf32>
      %mul3A_697 = arith.constant -2.000000e+00 : f32
      %mul3A_698 = vector.broadcast %mul3A_697 : f32 to vector<16xf32>
      %mul3A_699 = arith.mulf %mul3A_698, %mul3A_696 : vector<16xf32>
      %exp3A_700 = math.exp %mul3A_699 : vector<16xf32>
      %add3A_701 = arith.constant 1.000000e+00 : f32
      %add3A_702 = vector.broadcast %add3A_701 : f32 to vector<16xf32>
      %add3A_703 = arith.addf %add3A_702, %exp3A_700 : vector<16xf32>
      %div3A_704 = arith.constant 2.000000e+00 : f32
      %div3A_705 = vector.broadcast %div3A_704 : f32 to vector<16xf32>
      %div3A_706 = arith.divf %div3A_705, %add3A_703 : vector<16xf32>
      %sub3A_707 = arith.constant 1.000000e+00 : f32
      %sub3A_708 = vector.broadcast %sub3A_707 : f32 to vector<16xf32>
      %sub3A_709 = arith.subf %div3A_706, %sub3A_708 : vector<16xf32>
      %mul3A_710 = arith.constant 5.000000e-01 : f32
      %mul3A_711 = vector.broadcast %mul3A_710 : f32 to vector<16xf32>
      %mul3A_712 = arith.mulf %mul3A_711, %add3A_687 : vector<16xf32>
      %add3A_713 = arith.constant 1.000000e+00 : f32
      %add3A_714 = vector.broadcast %add3A_713 : f32 to vector<16xf32>
      %add3A_715 = arith.addf %add3A_714, %sub3A_709 : vector<16xf32>
      %mul3A_716 = arith.mulf %mul3A_712, %add3A_715 : vector<16xf32>
      %max3A_717 = arith.maximumf %mul3A_686, %mul3A_716 : vector<16xf32>
      %swap3A_718 = arith.index_cast %add3A_476 : i32 to index
      %swap3A_719 = arith.constant 32 : index
      %swap3A_720 = tpu.vector_load %arg8[%swap3A_718, %swap3A_719] {strides = array<i32>} : memref<392x96xf32, #tpu.memory_space<vmem>>, vector<1x16xf32>,
      %swap3A_721 = vector.shape_cast %swap3A_720 : vector<1x16xf32> to vector<16xf32>
      %swap3A_722 = vector.shape_cast %max3A_717 : vector<16xf32> to vector<1x16xf32>
      tpu.vector_store %arg8[%swap3A_718, %swap3A_719], %swap3A_722 {strides = array<i32>} : memref<392x96xf32, #tpu.memory_space<vmem>>, vector<1x16xf32>,
      %get3A_723 = arith.index_cast %add3A_476 : i32 to index
      %get3A_724 = arith.constant 48 : index
      %get3A_725 = tpu.vector_load %arg7[%get3A_723, %get3A_724] {strides = array<i32>} : memref<392x96xf32, #tpu.memory_space<vmem>>, vector<1x16xf32>,
      %get3A_726 = vector.shape_cast %get3A_725 : vector<1x16xf32> to vector<16xf32>
      %add3A_727 = arith.addf %get3A_726, %scan3A_511#3 : vector<16xf32>
      %mul3A_728 = arith.mulf %add3A_727, %add3A_727 : vector<16xf32>
      %mul3A_729 = arith.mulf %mul3A_728, %add3A_727 : vector<16xf32>
      %mul3A_730 = arith.constant 4.471500e-02 : f32
      %mul3A_731 = vector.broadcast %mul3A_730 : f32 to vector<16xf32>
      %mul3A_732 = arith.mulf %mul3A_731, %mul3A_729 : vector<16xf32>
      %add3A_733 = arith.addf %add3A_727, %mul3A_732 : vector<16xf32>
      %mul3A_734 = arith.constant 0.797884583 : f32
      %mul3A_735 = vector.broadcast %mul3A_734 : f32 to vector<16xf32>
      %mul3A_736 = arith.mulf %mul3A_735, %add3A_733 : vector<16xf32>
      %mul3A_737 = arith.constant -2.000000e+00 : f32
      %mul3A_738 = vector.broadcast %mul3A_737 : f32 to vector<16xf32>
      %mul3A_739 = arith.mulf %mul3A_738, %mul3A_736 : vector<16xf32>
      %exp3A_740 = math.exp %mul3A_739 : vector<16xf32>
      %add3A_741 = arith.constant 1.000000e+00 : f32
      %add3A_742 = vector.broadcast %add3A_741 : f32 to vector<16xf32>
      %add3A_743 = arith.addf %add3A_742, %exp3A_740 : vector<16xf32>
      %div3A_744 = arith.constant 2.000000e+00 : f32
      %div3A_745 = vector.broadcast %div3A_744 : f32 to vector<16xf32>
      %div3A_746 = arith.divf %div3A_745, %add3A_743 : vector<16xf32>
      %sub3A_747 = arith.constant 1.000000e+00 : f32
      %sub3A_748 = vector.broadcast %sub3A_747 : f32 to vector<16xf32>
      %sub3A_749 = arith.subf %div3A_746, %sub3A_748 : vector<16xf32>
      %mul3A_750 = arith.constant 5.000000e-01 : f32
      %mul3A_751 = vector.broadcast %mul3A_750 : f32 to vector<16xf32>
      %mul3A_752 = arith.mulf %mul3A_751, %add3A_727 : vector<16xf32>
      %add3A_753 = arith.constant 1.000000e+00 : f32
      %add3A_754 = vector.broadcast %add3A_753 : f32 to vector<16xf32>
      %add3A_755 = arith.addf %add3A_754, %sub3A_749 : vector<16xf32>
      %mul3A_756 = arith.mulf %mul3A_752, %add3A_755 : vector<16xf32>
      %add3A_757 = arith.addf %get3A_726, %scan3A_511#9 : vector<16xf32>
      %mul3A_758 = arith.mulf %add3A_757, %add3A_757 : vector<16xf32>
      %mul3A_759 = arith.mulf %mul3A_758, %add3A_757 : vector<16xf32>
      %mul3A_760 = arith.constant 4.471500e-02 : f32
      %mul3A_761 = vector.broadcast %mul3A_760 : f32 to vector<16xf32>
      %mul3A_762 = arith.mulf %mul3A_761, %mul3A_759 : vector<16xf32>
      %add3A_763 = arith.addf %add3A_757, %mul3A_762 : vector<16xf32>
      %mul3A_764 = arith.constant 0.797884583 : f32
      %mul3A_765 = vector.broadcast %mul3A_764 : f32 to vector<16xf32>
      %mul3A_766 = arith.mulf %mul3A_765, %add3A_763 : vector<16xf32>
      %mul3A_767 = arith.constant -2.000000e+00 : f32
      %mul3A_768 = vector.broadcast %mul3A_767 : f32 to vector<16xf32>
      %mul3A_769 = arith.mulf %mul3A_768, %mul3A_766 : vector<16xf32>
      %exp3A_770 = math.exp %mul3A_769 : vector<16xf32>
      %add3A_771 = arith.constant 1.000000e+00 : f32
      %add3A_772 = vector.broadcast %add3A_771 : f32 to vector<16xf32>
      %add3A_773 = arith.addf %add3A_772, %exp3A_770 : vector<16xf32>
      %div3A_774 = arith.constant 2.000000e+00 : f32
      %div3A_775 = vector.broadcast %div3A_774 : f32 to vector<16xf32>
      %div3A_776 = arith.divf %div3A_775, %add3A_773 : vector<16xf32>
      %sub3A_777 = arith.constant 1.000000e+00 : f32
      %sub3A_778 = vector.broadcast %sub3A_777 : f32 to vector<16xf32>
      %sub3A_779 = arith.subf %div3A_776, %sub3A_778 : vector<16xf32>
      %mul3A_780 = arith.constant 5.000000e-01 : f32
      %mul3A_781 = vector.broadcast %mul3A_780 : f32 to vector<16xf32>
      %mul3A_782 = arith.mulf %mul3A_781, %add3A_757 : vector<16xf32>
      %add3A_783 = arith.constant 1.000000e+00 : f32
      %add3A_784 = vector.broadcast %add3A_783 : f32 to vector<16xf32>
      %add3A_785 = arith.addf %add3A_784, %sub3A_779 : vector<16xf32>
      %mul3A_786 = arith.mulf %mul3A_782, %add3A_785 : vector<16xf32>
      %max3A_787 = arith.maximumf %mul3A_756, %mul3A_786 : vector<16xf32>
      %swap3A_788 = arith.index_cast %add3A_476 : i32 to index
      %swap3A_789 = arith.constant 48 : index
      %swap3A_790 = tpu.vector_load %arg8[%swap3A_788, %swap3A_789] {strides = array<i32>} : memref<392x96xf32, #tpu.memory_space<vmem>>, vector<1x16xf32>,
      %swap3A_791 = vector.shape_cast %swap3A_790 : vector<1x16xf32> to vector<16xf32>
      %swap3A_792 = vector.shape_cast %max3A_787 : vector<16xf32> to vector<1x16xf32>
      tpu.vector_store %arg8[%swap3A_788, %swap3A_789], %swap3A_792 {strides = array<i32>} : memref<392x96xf32, #tpu.memory_space<vmem>>, vector<1x16xf32>,
      %get3A_793 = arith.index_cast %add3A_476 : i32 to index
      %get3A_794 = arith.constant 64 : index
      %get3A_795 = tpu.vector_load %arg7[%get3A_793, %get3A_794] {strides = array<i32>} : memref<392x96xf32, #tpu.memory_space<vmem>>, vector<1x16xf32>,
      %get3A_796 = vector.shape_cast %get3A_795 : vector<1x16xf32> to vector<16xf32>
      %add3A_797 = arith.addf %get3A_796, %scan3A_511#4 : vector<16xf32>
      %mul3A_798 = arith.mulf %add3A_797, %add3A_797 : vector<16xf32>
      %mul3A_799 = arith.mulf %mul3A_798, %add3A_797 : vector<16xf32>
      %mul3A_800 = arith.constant 4.471500e-02 : f32
      %mul3A_801 = vector.broadcast %mul3A_800 : f32 to vector<16xf32>
      %mul3A_802 = arith.mulf %mul3A_801, %mul3A_799 : vector<16xf32>
      %add3A_803 = arith.addf %add3A_797, %mul3A_802 : vector<16xf32>
      %mul3A_804 = arith.constant 0.797884583 : f32
      %mul3A_805 = vector.broadcast %mul3A_804 : f32 to vector<16xf32>
      %mul3A_806 = arith.mulf %mul3A_805, %add3A_803 : vector<16xf32>
      %mul3A_807 = arith.constant -2.000000e+00 : f32
      %mul3A_808 = vector.broadcast %mul3A_807 : f32 to vector<16xf32>
      %mul3A_809 = arith.mulf %mul3A_808, %mul3A_806 : vector<16xf32>
      %exp3A_810 = math.exp %mul3A_809 : vector<16xf32>
      %add3A_811 = arith.constant 1.000000e+00 : f32
      %add3A_812 = vector.broadcast %add3A_811 : f32 to vector<16xf32>
      %add3A_813 = arith.addf %add3A_812, %exp3A_810 : vector<16xf32>
      %div3A_814 = arith.constant 2.000000e+00 : f32
      %div3A_815 = vector.broadcast %div3A_814 : f32 to vector<16xf32>
      %div3A_816 = arith.divf %div3A_815, %add3A_813 : vector<16xf32>
      %sub3A_817 = arith.constant 1.000000e+00 : f32
      %sub3A_818 = vector.broadcast %sub3A_817 : f32 to vector<16xf32>
      %sub3A_819 = arith.subf %div3A_816, %sub3A_818 : vector<16xf32>
      %mul3A_820 = arith.constant 5.000000e-01 : f32
      %mul3A_821 = vector.broadcast %mul3A_820 : f32 to vector<16xf32>
      %mul3A_822 = arith.mulf %mul3A_821, %add3A_797 : vector<16xf32>
      %add3A_823 = arith.constant 1.000000e+00 : f32
      %add3A_824 = vector.broadcast %add3A_823 : f32 to vector<16xf32>
      %add3A_825 = arith.addf %add3A_824, %sub3A_819 : vector<16xf32>
      %mul3A_826 = arith.mulf %mul3A_822, %add3A_825 : vector<16xf32>
      %add3A_827 = arith.addf %get3A_796, %scan3A_511#10 : vector<16xf32>
      %mul3A_828 = arith.mulf %add3A_827, %add3A_827 : vector<16xf32>
      %mul3A_829 = arith.mulf %mul3A_828, %add3A_827 : vector<16xf32>
      %mul3A_830 = arith.constant 4.471500e-02 : f32
      %mul3A_831 = vector.broadcast %mul3A_830 : f32 to vector<16xf32>
      %mul3A_832 = arith.mulf %mul3A_831, %mul3A_829 : vector<16xf32>
      %add3A_833 = arith.addf %add3A_827, %mul3A_832 : vector<16xf32>
      %mul3A_834 = arith.constant 0.797884583 : f32
      %mul3A_835 = vector.broadcast %mul3A_834 : f32 to vector<16xf32>
      %mul3A_836 = arith.mulf %mul3A_835, %add3A_833 : vector<16xf32>
      %mul3A_837 = arith.constant -2.000000e+00 : f32
      %mul3A_838 = vector.broadcast %mul3A_837 : f32 to vector<16xf32>
      %mul3A_839 = arith.mulf %mul3A_838, %mul3A_836 : vector<16xf32>
      %exp3A_840 = math.exp %mul3A_839 : vector<16xf32>
      %add3A_841 = arith.constant 1.000000e+00 : f32
      %add3A_842 = vector.broadcast %add3A_841 : f32 to vector<16xf32>
      %add3A_843 = arith.addf %add3A_842, %exp3A_840 : vector<16xf32>
      %div3A_844 = arith.constant 2.000000e+00 : f32
      %div3A_845 = vector.broadcast %div3A_844 : f32 to vector<16xf32>
      %div3A_846 = arith.divf %div3A_845, %add3A_843 : vector<16xf32>
      %sub3A_847 = arith.constant 1.000000e+00 : f32
      %sub3A_848 = vector.broadcast %sub3A_847 : f32 to vector<16xf32>
      %sub3A_849 = arith.subf %div3A_846, %sub3A_848 : vector<16xf32>
      %mul3A_850 = arith.constant 5.000000e-01 : f32
      %mul3A_851 = vector.broadcast %mul3A_850 : f32 to vector<16xf32>
      %mul3A_852 = arith.mulf %mul3A_851, %add3A_827 : vector<16xf32>
      %add3A_853 = arith.constant 1.000000e+00 : f32
      %add3A_854 = vector.broadcast %add3A_853 : f32 to vector<16xf32>
      %add3A_855 = arith.addf %add3A_854, %sub3A_849 : vector<16xf32>
      %mul3A_856 = arith.mulf %mul3A_852, %add3A_855 : vector<16xf32>
      %max3A_857 = arith.maximumf %mul3A_826, %mul3A_856 : vector<16xf32>
      %swap3A_858 = arith.index_cast %add3A_476 : i32 to index
      %swap3A_859 = arith.constant 64 : index
      %swap3A_860 = tpu.vector_load %arg8[%swap3A_858, %swap3A_859] {strides = array<i32>} : memref<392x96xf32, #tpu.memory_space<vmem>>, vector<1x16xf32>,
      %swap3A_861 = vector.shape_cast %swap3A_860 : vector<1x16xf32> to vector<16xf32>
      %swap3A_862 = vector.shape_cast %max3A_857 : vector<16xf32> to vector<1x16xf32>
      tpu.vector_store %arg8[%swap3A_858, %swap3A_859], %swap3A_862 {strides = array<i32>} : memref<392x96xf32, #tpu.memory_space<vmem>>, vector<1x16xf32>,
      %get3A_863 = arith.index_cast %add3A_476 : i32 to index
      %get3A_864 = arith.constant 80 : index
      %get3A_865 = tpu.vector_load %arg7[%get3A_863, %get3A_864] {strides = array<i32>} : memref<392x96xf32, #tpu.memory_space<vmem>>, vector<1x16xf32>,
      %get3A_866 = vector.shape_cast %get3A_865 : vector<1x16xf32> to vector<16xf32>
      %add3A_867 = arith.addf %get3A_866, %scan3A_511#5 : vector<16xf32>
      %mul3A_868 = arith.mulf %add3A_867, %add3A_867 : vector<16xf32>
      %mul3A_869 = arith.mulf %mul3A_868, %add3A_867 : vector<16xf32>
      %mul3A_870 = arith.constant 4.471500e-02 : f32
      %mul3A_871 = vector.broadcast %mul3A_870 : f32 to vector<16xf32>
      %mul3A_872 = arith.mulf %mul3A_871, %mul3A_869 : vector<16xf32>
      %add3A_873 = arith.addf %add3A_867, %mul3A_872 : vector<16xf32>
      %mul3A_874 = arith.constant 0.797884583 : f32
      %mul3A_875 = vector.broadcast %mul3A_874 : f32 to vector<16xf32>
      %mul3A_876 = arith.mulf %mul3A_875, %add3A_873 : vector<16xf32>
      %mul3A_877 = arith.constant -2.000000e+00 : f32
      %mul3A_878 = vector.broadcast %mul3A_877 : f32 to vector<16xf32>
      %mul3A_879 = arith.mulf %mul3A_878, %mul3A_876 : vector<16xf32>
      %exp3A_880 = math.exp %mul3A_879 : vector<16xf32>
      %add3A_881 = arith.constant 1.000000e+00 : f32
      %add3A_882 = vector.broadcast %add3A_881 : f32 to vector<16xf32>
      %add3A_883 = arith.addf %add3A_882, %exp3A_880 : vector<16xf32>
      %div3A_884 = arith.constant 2.000000e+00 : f32
      %div3A_885 = vector.broadcast %div3A_884 : f32 to vector<16xf32>
      %div3A_886 = arith.divf %div3A_885, %add3A_883 : vector<16xf32>
      %sub3A_887 = arith.constant 1.000000e+00 : f32
      %sub3A_888 = vector.broadcast %sub3A_887 : f32 to vector<16xf32>
      %sub3A_889 = arith.subf %div3A_886, %sub3A_888 : vector<16xf32>
      %mul3A_890 = arith.constant 5.000000e-01 : f32
      %mul3A_891 = vector.broadcast %mul3A_890 : f32 to vector<16xf32>
      %mul3A_892 = arith.mulf %mul3A_891, %add3A_867 : vector<16xf32>
      %add3A_893 = arith.constant 1.000000e+00 : f32
      %add3A_894 = vector.broadcast %add3A_893 : f32 to vector<16xf32>
      %add3A_895 = arith.addf %add3A_894, %sub3A_889 : vector<16xf32>
      %mul3A_896 = arith.mulf %mul3A_892, %add3A_895 : vector<16xf32>
      %add3A_897 = arith.addf %get3A_866, %scan3A_511#11 : vector<16xf32>
      %mul3A_898 = arith.mulf %add3A_897, %add3A_897 : vector<16xf32>
      %mul3A_899 = arith.mulf %mul3A_898, %add3A_897 : vector<16xf32>
      %mul3A_900 = arith.constant 4.471500e-02 : f32
      %mul3A_901 = vector.broadcast %mul3A_900 : f32 to vector<16xf32>
      %mul3A_902 = arith.mulf %mul3A_901, %mul3A_899 : vector<16xf32>
      %add3A_903 = arith.addf %add3A_897, %mul3A_902 : vector<16xf32>
      %mul3A_904 = arith.constant 0.797884583 : f32
      %mul3A_905 = vector.broadcast %mul3A_904 : f32 to vector<16xf32>
      %mul3A_906 = arith.mulf %mul3A_905, %add3A_903 : vector<16xf32>
      %mul3A_907 = arith.constant -2.000000e+00 : f32
      %mul3A_908 = vector.broadcast %mul3A_907 : f32 to vector<16xf32>
      %mul3A_909 = arith.mulf %mul3A_908, %mul3A_906 : vector<16xf32>
      %exp3A_910 = math.exp %mul3A_909 : vector<16xf32>
      %add3A_911 = arith.constant 1.000000e+00 : f32
      %add3A_912 = vector.broadcast %add3A_911 : f32 to vector<16xf32>
      %add3A_913 = arith.addf %add3A_912, %exp3A_910 : vector<16xf32>
      %div3A_914 = arith.constant 2.000000e+00 : f32
      %div3A_915 = vector.broadcast %div3A_914 : f32 to vector<16xf32>
      %div3A_916 = arith.divf %div3A_915, %add3A_913 : vector<16xf32>
      %sub3A_917 = arith.constant 1.000000e+00 : f32
      %sub3A_918 = vector.broadcast %sub3A_917 : f32 to vector<16xf32>
      %sub3A_919 = arith.subf %div3A_916, %sub3A_918 : vector<16xf32>
      %mul3A_920 = arith.constant 5.000000e-01 : f32
      %mul3A_921 = vector.broadcast %mul3A_920 : f32 to vector<16xf32>
      %mul3A_922 = arith.mulf %mul3A_921, %add3A_897 : vector<16xf32>
      %add3A_923 = arith.constant 1.000000e+00 : f32
      %add3A_924 = vector.broadcast %add3A_923 : f32 to vector<16xf32>
      %add3A_925 = arith.addf %add3A_924, %sub3A_919 : vector<16xf32>
      %mul3A_926 = arith.mulf %mul3A_922, %add3A_925 : vector<16xf32>
      %max3A_927 = arith.maximumf %mul3A_896, %mul3A_926 : vector<16xf32>
      %swap3A_928 = arith.index_cast %add3A_476 : i32 to index
      %swap3A_929 = arith.constant 80 : index
      %swap3A_930 = tpu.vector_load %arg8[%swap3A_928, %swap3A_929] {strides = array<i32>} : memref<392x96xf32, #tpu.memory_space<vmem>>, vector<1x16xf32>,
      %swap3A_931 = vector.shape_cast %swap3A_930 : vector<1x16xf32> to vector<16xf32>
      %swap3A_932 = vector.shape_cast %max3A_927 : vector<16xf32> to vector<1x16xf32>
      tpu.vector_store %arg8[%swap3A_928, %swap3A_929], %swap3A_932 {strides = array<i32>} : memref<392x96xf32, #tpu.memory_space<vmem>>, vector<1x16xf32>,
      %mul3A_933 = arith.constant 8 : i32
      %mul3A_934 = arith.muli %scan3A_8, %mul3A_933 : i32
      %add3A_935 = arith.constant 2 : i32
      %add3A_936 = arith.addi %mul3A_934, %add3A_935 : i32
      %get3A_937 = arith.constant 32 : i32
      %get3A_938 = arith.index_cast %get3A_937 : i32 to index
      %get3A_939 = arith.constant 0 : index
      %get3A_940 = tpu.vector_load %arg9[%get3A_938, %get3A_939] {strides = array<i32>} : memref<128x128xf32, #tpu.memory_space<vmem>>, vector<1x16xf32>,
      %get3A_941 = vector.shape_cast %get3A_940 : vector<1x16xf32> to vector<16xf32>
      %get3A_942 = arith.constant 32 : i32
      %get3A_943 = arith.index_cast %get3A_942 : i32 to index
      %get3A_944 = arith.constant 16 : index
      %get3A_945 = tpu.vector_load %arg9[%get3A_943, %get3A_944] {strides = array<i32>} : memref<128x128xf32, #tpu.memory_space<vmem>>, vector<1x16xf32>,
      %get3A_946 = vector.shape_cast %get3A_945 : vector<1x16xf32> to vector<16xf32>
      %get3A_947 = arith.constant 32 : i32
      %get3A_948 = arith.index_cast %get3A_947 : i32 to index
      %get3A_949 = arith.constant 32 : index
      %get3A_950 = tpu.vector_load %arg9[%get3A_948, %get3A_949] {strides = array<i32>} : memref<128x128xf32, #tpu.memory_space<vmem>>, vector<1x16xf32>,
      %get3A_951 = vector.shape_cast %get3A_950 : vector<1x16xf32> to vector<16xf32>
      %get3A_952 = arith.constant 32 : i32
      %get3A_953 = arith.index_cast %get3A_952 : i32 to index
      %get3A_954 = arith.constant 48 : index
      %get3A_955 = tpu.vector_load %arg9[%get3A_953, %get3A_954] {strides = array<i32>} : memref<128x128xf32, #tpu.memory_space<vmem>>, vector<1x16xf32>,
      %get3A_956 = vector.shape_cast %get3A_955 : vector<1x16xf32> to vector<16xf32>
      %get3A_957 = arith.constant 32 : i32
      %get3A_958 = arith.index_cast %get3A_957 : i32 to index
      %get3A_959 = arith.constant 64 : index
      %get3A_960 = tpu.vector_load %arg9[%get3A_958, %get3A_959] {strides = array<i32>} : memref<128x128xf32, #tpu.memory_space<vmem>>, vector<1x16xf32>,
      %get3A_961 = vector.shape_cast %get3A_960 : vector<1x16xf32> to vector<16xf32>
      %get3A_962 = arith.constant 32 : i32
      %get3A_963 = arith.index_cast %get3A_962 : i32 to index
      %get3A_964 = arith.constant 80 : index
      %get3A_965 = tpu.vector_load %arg9[%get3A_963, %get3A_964] {strides = array<i32>} : memref<128x128xf32, #tpu.memory_space<vmem>>, vector<1x16xf32>,
      %get3A_966 = vector.shape_cast %get3A_965 : vector<1x16xf32> to vector<16xf32>
      %scan3A_967 = arith.constant 1 : i32
      %scan3A_968 = arith.constant 15 : i32
      %scan3A_969 = arith.addi %scan3A_967, %scan3A_968 : i32
      %scan3A_970 = arith.constant 1 : i32
      %scan3A_971:12 = scf.for %scan3A_3693 = %scan3A_967 to %scan3A_969 step %scan3A_970 iter_args(%scan3A_3694 = %get3A_941, %scan3A_3695 = %get3A_946, %scan3A_3696 = %get3A_951, %scan3A_3697 = %get3A_956, %scan3A_3698 = %get3A_961, %scan3A_3699 = %get3A_966, %scan3A_3700 = %get3A_941, %scan3A_3701 = %get3A_946, %scan3A_3702 = %get3A_951, %scan3A_3703 = %get3A_956, %scan3A_3704 = %get3A_961, %scan3A_3705 = %get3A_966) -> (vector<16xf32>, vector<16xf32>, vector<16xf32>, vector<16xf32>, vector<16xf32>, vector<16xf32>, vector<16xf32>, vector<16xf32>, vector<16xf32>, vector<16xf32>, vector<16xf32>, vector<16xf32>)  : i32 {
        %add3A_3706 = arith.constant 32 : i32
        %add3A_3707 = arith.addi %add3A_3706, %scan3A_3693 : i32
        %get3A_3708 = arith.index_cast %add3A_3707 : i32 to index
        %get3A_3709 = arith.constant 0 : index
        %get3A_3710 = tpu.vector_load %arg9[%get3A_3708, %get3A_3709] {strides = array<i32>} : memref<128x128xf32, #tpu.memory_space<vmem>>, vector<1x16xf32>,
        %get3A_3711 = vector.shape_cast %get3A_3710 : vector<1x16xf32> to vector<16xf32>
        %add3A_3712 = arith.constant 32 : i32
        %add3A_3713 = arith.addi %add3A_3712, %scan3A_3693 : i32
        %get3A_3714 = arith.index_cast %add3A_3713 : i32 to index
        %get3A_3715 = arith.constant 16 : index
        %get3A_3716 = tpu.vector_load %arg9[%get3A_3714, %get3A_3715] {strides = array<i32>} : memref<128x128xf32, #tpu.memory_space<vmem>>, vector<1x16xf32>,
        %get3A_3717 = vector.shape_cast %get3A_3716 : vector<1x16xf32> to vector<16xf32>
        %add3A_3718 = arith.constant 32 : i32
        %add3A_3719 = arith.addi %add3A_3718, %scan3A_3693 : i32
        %get3A_3720 = arith.index_cast %add3A_3719 : i32 to index
        %get3A_3721 = arith.constant 32 : index
        %get3A_3722 = tpu.vector_load %arg9[%get3A_3720, %get3A_3721] {strides = array<i32>} : memref<128x128xf32, #tpu.memory_space<vmem>>, vector<1x16xf32>,
        %get3A_3723 = vector.shape_cast %get3A_3722 : vector<1x16xf32> to vector<16xf32>
        %add3A_3724 = arith.constant 32 : i32
        %add3A_3725 = arith.addi %add3A_3724, %scan3A_3693 : i32
        %get3A_3726 = arith.index_cast %add3A_3725 : i32 to index
        %get3A_3727 = arith.constant 48 : index
        %get3A_3728 = tpu.vector_load %arg9[%get3A_3726, %get3A_3727] {strides = array<i32>} : memref<128x128xf32, #tpu.memory_space<vmem>>, vector<1x16xf32>,
        %get3A_3729 = vector.shape_cast %get3A_3728 : vector<1x16xf32> to vector<16xf32>
        %add3A_3730 = arith.constant 32 : i32
        %add3A_3731 = arith.addi %add3A_3730, %scan3A_3693 : i32
        %get3A_3732 = arith.index_cast %add3A_3731 : i32 to index
        %get3A_3733 = arith.constant 64 : index
        %get3A_3734 = tpu.vector_load %arg9[%get3A_3732, %get3A_3733] {strides = array<i32>} : memref<128x128xf32, #tpu.memory_space<vmem>>, vector<1x16xf32>,
        %get3A_3735 = vector.shape_cast %get3A_3734 : vector<1x16xf32> to vector<16xf32>
        %add3A_3736 = arith.constant 32 : i32
        %add3A_3737 = arith.addi %add3A_3736, %scan3A_3693 : i32
        %get3A_3738 = arith.index_cast %add3A_3737 : i32 to index
        %get3A_3739 = arith.constant 80 : index
        %get3A_3740 = tpu.vector_load %arg9[%get3A_3738, %get3A_3739] {strides = array<i32>} : memref<128x128xf32, #tpu.memory_space<vmem>>, vector<1x16xf32>,
        %get3A_3741 = vector.shape_cast %get3A_3740 : vector<1x16xf32> to vector<16xf32>
        %min3A = arith.minimumf %scan3A_3694, %get3A_3711 : vector<16xf32>
        %min3A_3742 = arith.minimumf %scan3A_3695, %get3A_3717 : vector<16xf32>
        %min3A_3743 = arith.minimumf %scan3A_3696, %get3A_3723 : vector<16xf32>
        %min3A_3744 = arith.minimumf %scan3A_3697, %get3A_3729 : vector<16xf32>
        %min3A_3745 = arith.minimumf %scan3A_3698, %get3A_3735 : vector<16xf32>
        %min3A_3746 = arith.minimumf %scan3A_3699, %get3A_3741 : vector<16xf32>
        %max3A_3747 = arith.maximumf %scan3A_3700, %get3A_3711 : vector<16xf32>
        %max3A_3748 = arith.maximumf %scan3A_3701, %get3A_3717 : vector<16xf32>
        %max3A_3749 = arith.maximumf %scan3A_3702, %get3A_3723 : vector<16xf32>
        %max3A_3750 = arith.maximumf %scan3A_3703, %get3A_3729 : vector<16xf32>
        %max3A_3751 = arith.maximumf %scan3A_3704, %get3A_3735 : vector<16xf32>
        %max3A_3752 = arith.maximumf %scan3A_3705, %get3A_3741 : vector<16xf32>
        scf.yield %min3A, %min3A_3742, %min3A_3743, %min3A_3744, %min3A_3745, %min3A_3746, %max3A_3747, %max3A_3748, %max3A_3749, %max3A_3750, %max3A_3751, %max3A_3752 : vector<16xf32>, vector<16xf32>, vector<16xf32>, vector<16xf32>, vector<16xf32>, vector<16xf32>, vector<16xf32>, vector<16xf32>, vector<16xf32>, vector<16xf32>, vector<16xf32>, vector<16xf32>
      }
      %scan3A_972 = arith.constant 15 : i32
      %get3A_973 = arith.index_cast %add3A_936 : i32 to index
      %get3A_974 = arith.constant 0 : index
      %get3A_975 = tpu.vector_load %arg7[%get3A_973, %get3A_974] {strides = array<i32>} : memref<392x96xf32, #tpu.memory_space<vmem>>, vector<1x16xf32>,
      %get3A_976 = vector.shape_cast %get3A_975 : vector<1x16xf32> to vector<16xf32>
      %add3A_977 = arith.addf %get3A_976, %scan3A_971#0 : vector<16xf32>
      %mul3A_978 = arith.mulf %add3A_977, %add3A_977 : vector<16xf32>
      %mul3A_979 = arith.mulf %mul3A_978, %add3A_977 : vector<16xf32>
      %mul3A_980 = arith.constant 4.471500e-02 : f32
      %mul3A_981 = vector.broadcast %mul3A_980 : f32 to vector<16xf32>
      %mul3A_982 = arith.mulf %mul3A_981, %mul3A_979 : vector<16xf32>
      %add3A_983 = arith.addf %add3A_977, %mul3A_982 : vector<16xf32>
      %mul3A_984 = arith.constant 0.797884583 : f32
      %mul3A_985 = vector.broadcast %mul3A_984 : f32 to vector<16xf32>
      %mul3A_986 = arith.mulf %mul3A_985, %add3A_983 : vector<16xf32>
      %mul3A_987 = arith.constant -2.000000e+00 : f32
      %mul3A_988 = vector.broadcast %mul3A_987 : f32 to vector<16xf32>
      %mul3A_989 = arith.mulf %mul3A_988, %mul3A_986 : vector<16xf32>
      %exp3A_990 = math.exp %mul3A_989 : vector<16xf32>
      %add3A_991 = arith.constant 1.000000e+00 : f32
      %add3A_992 = vector.broadcast %add3A_991 : f32 to vector<16xf32>
      %add3A_993 = arith.addf %add3A_992, %exp3A_990 : vector<16xf32>
      %div3A_994 = arith.constant 2.000000e+00 : f32
      %div3A_995 = vector.broadcast %div3A_994 : f32 to vector<16xf32>
      %div3A_996 = arith.divf %div3A_995, %add3A_993 : vector<16xf32>
      %sub3A_997 = arith.constant 1.000000e+00 : f32
      %sub3A_998 = vector.broadcast %sub3A_997 : f32 to vector<16xf32>
      %sub3A_999 = arith.subf %div3A_996, %sub3A_998 : vector<16xf32>
      %mul3A_1000 = arith.constant 5.000000e-01 : f32
      %mul3A_1001 = vector.broadcast %mul3A_1000 : f32 to vector<16xf32>
      %mul3A_1002 = arith.mulf %mul3A_1001, %add3A_977 : vector<16xf32>
      %add3A_1003 = arith.constant 1.000000e+00 : f32
      %add3A_1004 = vector.broadcast %add3A_1003 : f32 to vector<16xf32>
      %add3A_1005 = arith.addf %add3A_1004, %sub3A_999 : vector<16xf32>
      %mul3A_1006 = arith.mulf %mul3A_1002, %add3A_1005 : vector<16xf32>
      %add3A_1007 = arith.addf %get3A_976, %scan3A_971#6 : vector<16xf32>
      %mul3A_1008 = arith.mulf %add3A_1007, %add3A_1007 : vector<16xf32>
      %mul3A_1009 = arith.mulf %mul3A_1008, %add3A_1007 : vector<16xf32>
      %mul3A_1010 = arith.constant 4.471500e-02 : f32
      %mul3A_1011 = vector.broadcast %mul3A_1010 : f32 to vector<16xf32>
      %mul3A_1012 = arith.mulf %mul3A_1011, %mul3A_1009 : vector<16xf32>
      %add3A_1013 = arith.addf %add3A_1007, %mul3A_1012 : vector<16xf32>
      %mul3A_1014 = arith.constant 0.797884583 : f32
      %mul3A_1015 = vector.broadcast %mul3A_1014 : f32 to vector<16xf32>
      %mul3A_1016 = arith.mulf %mul3A_1015, %add3A_1013 : vector<16xf32>
      %mul3A_1017 = arith.constant -2.000000e+00 : f32
      %mul3A_1018 = vector.broadcast %mul3A_1017 : f32 to vector<16xf32>
      %mul3A_1019 = arith.mulf %mul3A_1018, %mul3A_1016 : vector<16xf32>
      %exp3A_1020 = math.exp %mul3A_1019 : vector<16xf32>
      %add3A_1021 = arith.constant 1.000000e+00 : f32
      %add3A_1022 = vector.broadcast %add3A_1021 : f32 to vector<16xf32>
      %add3A_1023 = arith.addf %add3A_1022, %exp3A_1020 : vector<16xf32>
      %div3A_1024 = arith.constant 2.000000e+00 : f32
      %div3A_1025 = vector.broadcast %div3A_1024 : f32 to vector<16xf32>
      %div3A_1026 = arith.divf %div3A_1025, %add3A_1023 : vector<16xf32>
      %sub3A_1027 = arith.constant 1.000000e+00 : f32
      %sub3A_1028 = vector.broadcast %sub3A_1027 : f32 to vector<16xf32>
      %sub3A_1029 = arith.subf %div3A_1026, %sub3A_1028 : vector<16xf32>
      %mul3A_1030 = arith.constant 5.000000e-01 : f32
      %mul3A_1031 = vector.broadcast %mul3A_1030 : f32 to vector<16xf32>
      %mul3A_1032 = arith.mulf %mul3A_1031, %add3A_1007 : vector<16xf32>
      %add3A_1033 = arith.constant 1.000000e+00 : f32
      %add3A_1034 = vector.broadcast %add3A_1033 : f32 to vector<16xf32>
      %add3A_1035 = arith.addf %add3A_1034, %sub3A_1029 : vector<16xf32>
      %mul3A_1036 = arith.mulf %mul3A_1032, %add3A_1035 : vector<16xf32>
      %max3A_1037 = arith.maximumf %mul3A_1006, %mul3A_1036 : vector<16xf32>
      %swap3A_1038 = arith.index_cast %add3A_936 : i32 to index
      %swap3A_1039 = arith.constant 0 : index
      %swap3A_1040 = tpu.vector_load %arg8[%swap3A_1038, %swap3A_1039] {strides = array<i32>} : memref<392x96xf32, #tpu.memory_space<vmem>>, vector<1x16xf32>,
      %swap3A_1041 = vector.shape_cast %swap3A_1040 : vector<1x16xf32> to vector<16xf32>
      %swap3A_1042 = vector.shape_cast %max3A_1037 : vector<16xf32> to vector<1x16xf32>
      tpu.vector_store %arg8[%swap3A_1038, %swap3A_1039], %swap3A_1042 {strides = array<i32>} : memref<392x96xf32, #tpu.memory_space<vmem>>, vector<1x16xf32>,
      %get3A_1043 = arith.index_cast %add3A_936 : i32 to index
      %get3A_1044 = arith.constant 16 : index
      %get3A_1045 = tpu.vector_load %arg7[%get3A_1043, %get3A_1044] {strides = array<i32>} : memref<392x96xf32, #tpu.memory_space<vmem>>, vector<1x16xf32>,
      %get3A_1046 = vector.shape_cast %get3A_1045 : vector<1x16xf32> to vector<16xf32>
      %add3A_1047 = arith.addf %get3A_1046, %scan3A_971#1 : vector<16xf32>
      %mul3A_1048 = arith.mulf %add3A_1047, %add3A_1047 : vector<16xf32>
      %mul3A_1049 = arith.mulf %mul3A_1048, %add3A_1047 : vector<16xf32>
      %mul3A_1050 = arith.constant 4.471500e-02 : f32
      %mul3A_1051 = vector.broadcast %mul3A_1050 : f32 to vector<16xf32>
      %mul3A_1052 = arith.mulf %mul3A_1051, %mul3A_1049 : vector<16xf32>
      %add3A_1053 = arith.addf %add3A_1047, %mul3A_1052 : vector<16xf32>
      %mul3A_1054 = arith.constant 0.797884583 : f32
      %mul3A_1055 = vector.broadcast %mul3A_1054 : f32 to vector<16xf32>
      %mul3A_1056 = arith.mulf %mul3A_1055, %add3A_1053 : vector<16xf32>
      %mul3A_1057 = arith.constant -2.000000e+00 : f32
      %mul3A_1058 = vector.broadcast %mul3A_1057 : f32 to vector<16xf32>
      %mul3A_1059 = arith.mulf %mul3A_1058, %mul3A_1056 : vector<16xf32>
      %exp3A_1060 = math.exp %mul3A_1059 : vector<16xf32>
      %add3A_1061 = arith.constant 1.000000e+00 : f32
      %add3A_1062 = vector.broadcast %add3A_1061 : f32 to vector<16xf32>
      %add3A_1063 = arith.addf %add3A_1062, %exp3A_1060 : vector<16xf32>
      %div3A_1064 = arith.constant 2.000000e+00 : f32
      %div3A_1065 = vector.broadcast %div3A_1064 : f32 to vector<16xf32>
      %div3A_1066 = arith.divf %div3A_1065, %add3A_1063 : vector<16xf32>
      %sub3A_1067 = arith.constant 1.000000e+00 : f32
      %sub3A_1068 = vector.broadcast %sub3A_1067 : f32 to vector<16xf32>
      %sub3A_1069 = arith.subf %div3A_1066, %sub3A_1068 : vector<16xf32>
      %mul3A_1070 = arith.constant 5.000000e-01 : f32
      %mul3A_1071 = vector.broadcast %mul3A_1070 : f32 to vector<16xf32>
      %mul3A_1072 = arith.mulf %mul3A_1071, %add3A_1047 : vector<16xf32>
      %add3A_1073 = arith.constant 1.000000e+00 : f32
      %add3A_1074 = vector.broadcast %add3A_1073 : f32 to vector<16xf32>
      %add3A_1075 = arith.addf %add3A_1074, %sub3A_1069 : vector<16xf32>
      %mul3A_1076 = arith.mulf %mul3A_1072, %add3A_1075 : vector<16xf32>
      %add3A_1077 = arith.addf %get3A_1046, %scan3A_971#7 : vector<16xf32>
      %mul3A_1078 = arith.mulf %add3A_1077, %add3A_1077 : vector<16xf32>
      %mul3A_1079 = arith.mulf %mul3A_1078, %add3A_1077 : vector<16xf32>
      %mul3A_1080 = arith.constant 4.471500e-02 : f32
      %mul3A_1081 = vector.broadcast %mul3A_1080 : f32 to vector<16xf32>
      %mul3A_1082 = arith.mulf %mul3A_1081, %mul3A_1079 : vector<16xf32>
      %add3A_1083 = arith.addf %add3A_1077, %mul3A_1082 : vector<16xf32>
      %mul3A_1084 = arith.constant 0.797884583 : f32
      %mul3A_1085 = vector.broadcast %mul3A_1084 : f32 to vector<16xf32>
      %mul3A_1086 = arith.mulf %mul3A_1085, %add3A_1083 : vector<16xf32>
      %mul3A_1087 = arith.constant -2.000000e+00 : f32
      %mul3A_1088 = vector.broadcast %mul3A_1087 : f32 to vector<16xf32>
      %mul3A_1089 = arith.mulf %mul3A_1088, %mul3A_1086 : vector<16xf32>
      %exp3A_1090 = math.exp %mul3A_1089 : vector<16xf32>
      %add3A_1091 = arith.constant 1.000000e+00 : f32
      %add3A_1092 = vector.broadcast %add3A_1091 : f32 to vector<16xf32>
      %add3A_1093 = arith.addf %add3A_1092, %exp3A_1090 : vector<16xf32>
      %div3A_1094 = arith.constant 2.000000e+00 : f32
      %div3A_1095 = vector.broadcast %div3A_1094 : f32 to vector<16xf32>
      %div3A_1096 = arith.divf %div3A_1095, %add3A_1093 : vector<16xf32>
      %sub3A_1097 = arith.constant 1.000000e+00 : f32
      %sub3A_1098 = vector.broadcast %sub3A_1097 : f32 to vector<16xf32>
      %sub3A_1099 = arith.subf %div3A_1096, %sub3A_1098 : vector<16xf32>
      %mul3A_1100 = arith.constant 5.000000e-01 : f32
      %mul3A_1101 = vector.broadcast %mul3A_1100 : f32 to vector<16xf32>
      %mul3A_1102 = arith.mulf %mul3A_1101, %add3A_1077 : vector<16xf32>
      %add3A_1103 = arith.constant 1.000000e+00 : f32
      %add3A_1104 = vector.broadcast %add3A_1103 : f32 to vector<16xf32>
      %add3A_1105 = arith.addf %add3A_1104, %sub3A_1099 : vector<16xf32>
      %mul3A_1106 = arith.mulf %mul3A_1102, %add3A_1105 : vector<16xf32>
      %max3A_1107 = arith.maximumf %mul3A_1076, %mul3A_1106 : vector<16xf32>
      %swap3A_1108 = arith.index_cast %add3A_936 : i32 to index
      %swap3A_1109 = arith.constant 16 : index
      %swap3A_1110 = tpu.vector_load %arg8[%swap3A_1108, %swap3A_1109] {strides = array<i32>} : memref<392x96xf32, #tpu.memory_space<vmem>>, vector<1x16xf32>,
      %swap3A_1111 = vector.shape_cast %swap3A_1110 : vector<1x16xf32> to vector<16xf32>
      %swap3A_1112 = vector.shape_cast %max3A_1107 : vector<16xf32> to vector<1x16xf32>
      tpu.vector_store %arg8[%swap3A_1108, %swap3A_1109], %swap3A_1112 {strides = array<i32>} : memref<392x96xf32, #tpu.memory_space<vmem>>, vector<1x16xf32>,
      %get3A_1113 = arith.index_cast %add3A_936 : i32 to index
      %get3A_1114 = arith.constant 32 : index
      %get3A_1115 = tpu.vector_load %arg7[%get3A_1113, %get3A_1114] {strides = array<i32>} : memref<392x96xf32, #tpu.memory_space<vmem>>, vector<1x16xf32>,
      %get3A_1116 = vector.shape_cast %get3A_1115 : vector<1x16xf32> to vector<16xf32>
      %add3A_1117 = arith.addf %get3A_1116, %scan3A_971#2 : vector<16xf32>
      %mul3A_1118 = arith.mulf %add3A_1117, %add3A_1117 : vector<16xf32>
      %mul3A_1119 = arith.mulf %mul3A_1118, %add3A_1117 : vector<16xf32>
      %mul3A_1120 = arith.constant 4.471500e-02 : f32
      %mul3A_1121 = vector.broadcast %mul3A_1120 : f32 to vector<16xf32>
      %mul3A_1122 = arith.mulf %mul3A_1121, %mul3A_1119 : vector<16xf32>
      %add3A_1123 = arith.addf %add3A_1117, %mul3A_1122 : vector<16xf32>
      %mul3A_1124 = arith.constant 0.797884583 : f32
      %mul3A_1125 = vector.broadcast %mul3A_1124 : f32 to vector<16xf32>
      %mul3A_1126 = arith.mulf %mul3A_1125, %add3A_1123 : vector<16xf32>
      %mul3A_1127 = arith.constant -2.000000e+00 : f32
      %mul3A_1128 = vector.broadcast %mul3A_1127 : f32 to vector<16xf32>
      %mul3A_1129 = arith.mulf %mul3A_1128, %mul3A_1126 : vector<16xf32>
      %exp3A_1130 = math.exp %mul3A_1129 : vector<16xf32>
      %add3A_1131 = arith.constant 1.000000e+00 : f32
      %add3A_1132 = vector.broadcast %add3A_1131 : f32 to vector<16xf32>
      %add3A_1133 = arith.addf %add3A_1132, %exp3A_1130 : vector<16xf32>
      %div3A_1134 = arith.constant 2.000000e+00 : f32
      %div3A_1135 = vector.broadcast %div3A_1134 : f32 to vector<16xf32>
      %div3A_1136 = arith.divf %div3A_1135, %add3A_1133 : vector<16xf32>
      %sub3A_1137 = arith.constant 1.000000e+00 : f32
      %sub3A_1138 = vector.broadcast %sub3A_1137 : f32 to vector<16xf32>
      %sub3A_1139 = arith.subf %div3A_1136, %sub3A_1138 : vector<16xf32>
      %mul3A_1140 = arith.constant 5.000000e-01 : f32
      %mul3A_1141 = vector.broadcast %mul3A_1140 : f32 to vector<16xf32>
      %mul3A_1142 = arith.mulf %mul3A_1141, %add3A_1117 : vector<16xf32>
      %add3A_1143 = arith.constant 1.000000e+00 : f32
      %add3A_1144 = vector.broadcast %add3A_1143 : f32 to vector<16xf32>
      %add3A_1145 = arith.addf %add3A_1144, %sub3A_1139 : vector<16xf32>
      %mul3A_1146 = arith.mulf %mul3A_1142, %add3A_1145 : vector<16xf32>
      %add3A_1147 = arith.addf %get3A_1116, %scan3A_971#8 : vector<16xf32>
      %mul3A_1148 = arith.mulf %add3A_1147, %add3A_1147 : vector<16xf32>
      %mul3A_1149 = arith.mulf %mul3A_1148, %add3A_1147 : vector<16xf32>
      %mul3A_1150 = arith.constant 4.471500e-02 : f32
      %mul3A_1151 = vector.broadcast %mul3A_1150 : f32 to vector<16xf32>
      %mul3A_1152 = arith.mulf %mul3A_1151, %mul3A_1149 : vector<16xf32>
      %add3A_1153 = arith.addf %add3A_1147, %mul3A_1152 : vector<16xf32>
      %mul3A_1154 = arith.constant 0.797884583 : f32
      %mul3A_1155 = vector.broadcast %mul3A_1154 : f32 to vector<16xf32>
      %mul3A_1156 = arith.mulf %mul3A_1155, %add3A_1153 : vector<16xf32>
      %mul3A_1157 = arith.constant -2.000000e+00 : f32
      %mul3A_1158 = vector.broadcast %mul3A_1157 : f32 to vector<16xf32>
      %mul3A_1159 = arith.mulf %mul3A_1158, %mul3A_1156 : vector<16xf32>
      %exp3A_1160 = math.exp %mul3A_1159 : vector<16xf32>
      %add3A_1161 = arith.constant 1.000000e+00 : f32
      %add3A_1162 = vector.broadcast %add3A_1161 : f32 to vector<16xf32>
      %add3A_1163 = arith.addf %add3A_1162, %exp3A_1160 : vector<16xf32>
      %div3A_1164 = arith.constant 2.000000e+00 : f32
      %div3A_1165 = vector.broadcast %div3A_1164 : f32 to vector<16xf32>
      %div3A_1166 = arith.divf %div3A_1165, %add3A_1163 : vector<16xf32>
      %sub3A_1167 = arith.constant 1.000000e+00 : f32
      %sub3A_1168 = vector.broadcast %sub3A_1167 : f32 to vector<16xf32>
      %sub3A_1169 = arith.subf %div3A_1166, %sub3A_1168 : vector<16xf32>
      %mul3A_1170 = arith.constant 5.000000e-01 : f32
      %mul3A_1171 = vector.broadcast %mul3A_1170 : f32 to vector<16xf32>
      %mul3A_1172 = arith.mulf %mul3A_1171, %add3A_1147 : vector<16xf32>
      %add3A_1173 = arith.constant 1.000000e+00 : f32
      %add3A_1174 = vector.broadcast %add3A_1173 : f32 to vector<16xf32>
      %add3A_1175 = arith.addf %add3A_1174, %sub3A_1169 : vector<16xf32>
      %mul3A_1176 = arith.mulf %mul3A_1172, %add3A_1175 : vector<16xf32>
      %max3A_1177 = arith.maximumf %mul3A_1146, %mul3A_1176 : vector<16xf32>
      %swap3A_1178 = arith.index_cast %add3A_936 : i32 to index
      %swap3A_1179 = arith.constant 32 : index
      %swap3A_1180 = tpu.vector_load %arg8[%swap3A_1178, %swap3A_1179] {strides = array<i32>} : memref<392x96xf32, #tpu.memory_space<vmem>>, vector<1x16xf32>,
      %swap3A_1181 = vector.shape_cast %swap3A_1180 : vector<1x16xf32> to vector<16xf32>
      %swap3A_1182 = vector.shape_cast %max3A_1177 : vector<16xf32> to vector<1x16xf32>
      tpu.vector_store %arg8[%swap3A_1178, %swap3A_1179], %swap3A_1182 {strides = array<i32>} : memref<392x96xf32, #tpu.memory_space<vmem>>, vector<1x16xf32>,
      %get3A_1183 = arith.index_cast %add3A_936 : i32 to index
      %get3A_1184 = arith.constant 48 : index
      %get3A_1185 = tpu.vector_load %arg7[%get3A_1183, %get3A_1184] {strides = array<i32>} : memref<392x96xf32, #tpu.memory_space<vmem>>, vector<1x16xf32>,
      %get3A_1186 = vector.shape_cast %get3A_1185 : vector<1x16xf32> to vector<16xf32>
      %add3A_1187 = arith.addf %get3A_1186, %scan3A_971#3 : vector<16xf32>
      %mul3A_1188 = arith.mulf %add3A_1187, %add3A_1187 : vector<16xf32>
      %mul3A_1189 = arith.mulf %mul3A_1188, %add3A_1187 : vector<16xf32>
      %mul3A_1190 = arith.constant 4.471500e-02 : f32
      %mul3A_1191 = vector.broadcast %mul3A_1190 : f32 to vector<16xf32>
      %mul3A_1192 = arith.mulf %mul3A_1191, %mul3A_1189 : vector<16xf32>
      %add3A_1193 = arith.addf %add3A_1187, %mul3A_1192 : vector<16xf32>
      %mul3A_1194 = arith.constant 0.797884583 : f32
      %mul3A_1195 = vector.broadcast %mul3A_1194 : f32 to vector<16xf32>
      %mul3A_1196 = arith.mulf %mul3A_1195, %add3A_1193 : vector<16xf32>
      %mul3A_1197 = arith.constant -2.000000e+00 : f32
      %mul3A_1198 = vector.broadcast %mul3A_1197 : f32 to vector<16xf32>
      %mul3A_1199 = arith.mulf %mul3A_1198, %mul3A_1196 : vector<16xf32>
      %exp3A_1200 = math.exp %mul3A_1199 : vector<16xf32>
      %add3A_1201 = arith.constant 1.000000e+00 : f32
      %add3A_1202 = vector.broadcast %add3A_1201 : f32 to vector<16xf32>
      %add3A_1203 = arith.addf %add3A_1202, %exp3A_1200 : vector<16xf32>
      %div3A_1204 = arith.constant 2.000000e+00 : f32
      %div3A_1205 = vector.broadcast %div3A_1204 : f32 to vector<16xf32>
      %div3A_1206 = arith.divf %div3A_1205, %add3A_1203 : vector<16xf32>
      %sub3A_1207 = arith.constant 1.000000e+00 : f32
      %sub3A_1208 = vector.broadcast %sub3A_1207 : f32 to vector<16xf32>
      %sub3A_1209 = arith.subf %div3A_1206, %sub3A_1208 : vector<16xf32>
      %mul3A_1210 = arith.constant 5.000000e-01 : f32
      %mul3A_1211 = vector.broadcast %mul3A_1210 : f32 to vector<16xf32>
      %mul3A_1212 = arith.mulf %mul3A_1211, %add3A_1187 : vector<16xf32>
      %add3A_1213 = arith.constant 1.000000e+00 : f32
      %add3A_1214 = vector.broadcast %add3A_1213 : f32 to vector<16xf32>
      %add3A_1215 = arith.addf %add3A_1214, %sub3A_1209 : vector<16xf32>
      %mul3A_1216 = arith.mulf %mul3A_1212, %add3A_1215 : vector<16xf32>
      %add3A_1217 = arith.addf %get3A_1186, %scan3A_971#9 : vector<16xf32>
      %mul3A_1218 = arith.mulf %add3A_1217, %add3A_1217 : vector<16xf32>
      %mul3A_1219 = arith.mulf %mul3A_1218, %add3A_1217 : vector<16xf32>
      %mul3A_1220 = arith.constant 4.471500e-02 : f32
      %mul3A_1221 = vector.broadcast %mul3A_1220 : f32 to vector<16xf32>
      %mul3A_1222 = arith.mulf %mul3A_1221, %mul3A_1219 : vector<16xf32>
      %add3A_1223 = arith.addf %add3A_1217, %mul3A_1222 : vector<16xf32>
      %mul3A_1224 = arith.constant 0.797884583 : f32
      %mul3A_1225 = vector.broadcast %mul3A_1224 : f32 to vector<16xf32>
      %mul3A_1226 = arith.mulf %mul3A_1225, %add3A_1223 : vector<16xf32>
      %mul3A_1227 = arith.constant -2.000000e+00 : f32
      %mul3A_1228 = vector.broadcast %mul3A_1227 : f32 to vector<16xf32>
      %mul3A_1229 = arith.mulf %mul3A_1228, %mul3A_1226 : vector<16xf32>
      %exp3A_1230 = math.exp %mul3A_1229 : vector<16xf32>
      %add3A_1231 = arith.constant 1.000000e+00 : f32
      %add3A_1232 = vector.broadcast %add3A_1231 : f32 to vector<16xf32>
      %add3A_1233 = arith.addf %add3A_1232, %exp3A_1230 : vector<16xf32>
      %div3A_1234 = arith.constant 2.000000e+00 : f32
      %div3A_1235 = vector.broadcast %div3A_1234 : f32 to vector<16xf32>
      %div3A_1236 = arith.divf %div3A_1235, %add3A_1233 : vector<16xf32>
      %sub3A_1237 = arith.constant 1.000000e+00 : f32
      %sub3A_1238 = vector.broadcast %sub3A_1237 : f32 to vector<16xf32>
      %sub3A_1239 = arith.subf %div3A_1236, %sub3A_1238 : vector<16xf32>
      %mul3A_1240 = arith.constant 5.000000e-01 : f32
      %mul3A_1241 = vector.broadcast %mul3A_1240 : f32 to vector<16xf32>
      %mul3A_1242 = arith.mulf %mul3A_1241, %add3A_1217 : vector<16xf32>
      %add3A_1243 = arith.constant 1.000000e+00 : f32
      %add3A_1244 = vector.broadcast %add3A_1243 : f32 to vector<16xf32>
      %add3A_1245 = arith.addf %add3A_1244, %sub3A_1239 : vector<16xf32>
      %mul3A_1246 = arith.mulf %mul3A_1242, %add3A_1245 : vector<16xf32>
      %max3A_1247 = arith.maximumf %mul3A_1216, %mul3A_1246 : vector<16xf32>
      %swap3A_1248 = arith.index_cast %add3A_936 : i32 to index
      %swap3A_1249 = arith.constant 48 : index
      %swap3A_1250 = tpu.vector_load %arg8[%swap3A_1248, %swap3A_1249] {strides = array<i32>} : memref<392x96xf32, #tpu.memory_space<vmem>>, vector<1x16xf32>,
      %swap3A_1251 = vector.shape_cast %swap3A_1250 : vector<1x16xf32> to vector<16xf32>
      %swap3A_1252 = vector.shape_cast %max3A_1247 : vector<16xf32> to vector<1x16xf32>
      tpu.vector_store %arg8[%swap3A_1248, %swap3A_1249], %swap3A_1252 {strides = array<i32>} : memref<392x96xf32, #tpu.memory_space<vmem>>, vector<1x16xf32>,
      %get3A_1253 = arith.index_cast %add3A_936 : i32 to index
      %get3A_1254 = arith.constant 64 : index
      %get3A_1255 = tpu.vector_load %arg7[%get3A_1253, %get3A_1254] {strides = array<i32>} : memref<392x96xf32, #tpu.memory_space<vmem>>, vector<1x16xf32>,
      %get3A_1256 = vector.shape_cast %get3A_1255 : vector<1x16xf32> to vector<16xf32>
      %add3A_1257 = arith.addf %get3A_1256, %scan3A_971#4 : vector<16xf32>
      %mul3A_1258 = arith.mulf %add3A_1257, %add3A_1257 : vector<16xf32>
      %mul3A_1259 = arith.mulf %mul3A_1258, %add3A_1257 : vector<16xf32>
      %mul3A_1260 = arith.constant 4.471500e-02 : f32
      %mul3A_1261 = vector.broadcast %mul3A_1260 : f32 to vector<16xf32>
      %mul3A_1262 = arith.mulf %mul3A_1261, %mul3A_1259 : vector<16xf32>
      %add3A_1263 = arith.addf %add3A_1257, %mul3A_1262 : vector<16xf32>
      %mul3A_1264 = arith.constant 0.797884583 : f32
      %mul3A_1265 = vector.broadcast %mul3A_1264 : f32 to vector<16xf32>
      %mul3A_1266 = arith.mulf %mul3A_1265, %add3A_1263 : vector<16xf32>
      %mul3A_1267 = arith.constant -2.000000e+00 : f32
      %mul3A_1268 = vector.broadcast %mul3A_1267 : f32 to vector<16xf32>
      %mul3A_1269 = arith.mulf %mul3A_1268, %mul3A_1266 : vector<16xf32>
      %exp3A_1270 = math.exp %mul3A_1269 : vector<16xf32>
      %add3A_1271 = arith.constant 1.000000e+00 : f32
      %add3A_1272 = vector.broadcast %add3A_1271 : f32 to vector<16xf32>
      %add3A_1273 = arith.addf %add3A_1272, %exp3A_1270 : vector<16xf32>
      %div3A_1274 = arith.constant 2.000000e+00 : f32
      %div3A_1275 = vector.broadcast %div3A_1274 : f32 to vector<16xf32>
      %div3A_1276 = arith.divf %div3A_1275, %add3A_1273 : vector<16xf32>
      %sub3A_1277 = arith.constant 1.000000e+00 : f32
      %sub3A_1278 = vector.broadcast %sub3A_1277 : f32 to vector<16xf32>
      %sub3A_1279 = arith.subf %div3A_1276, %sub3A_1278 : vector<16xf32>
      %mul3A_1280 = arith.constant 5.000000e-01 : f32
      %mul3A_1281 = vector.broadcast %mul3A_1280 : f32 to vector<16xf32>
      %mul3A_1282 = arith.mulf %mul3A_1281, %add3A_1257 : vector<16xf32>
      %add3A_1283 = arith.constant 1.000000e+00 : f32
      %add3A_1284 = vector.broadcast %add3A_1283 : f32 to vector<16xf32>
      %add3A_1285 = arith.addf %add3A_1284, %sub3A_1279 : vector<16xf32>
      %mul3A_1286 = arith.mulf %mul3A_1282, %add3A_1285 : vector<16xf32>
      %add3A_1287 = arith.addf %get3A_1256, %scan3A_971#10 : vector<16xf32>
      %mul3A_1288 = arith.mulf %add3A_1287, %add3A_1287 : vector<16xf32>
      %mul3A_1289 = arith.mulf %mul3A_1288, %add3A_1287 : vector<16xf32>
      %mul3A_1290 = arith.constant 4.471500e-02 : f32
      %mul3A_1291 = vector.broadcast %mul3A_1290 : f32 to vector<16xf32>
      %mul3A_1292 = arith.mulf %mul3A_1291, %mul3A_1289 : vector<16xf32>
      %add3A_1293 = arith.addf %add3A_1287, %mul3A_1292 : vector<16xf32>
      %mul3A_1294 = arith.constant 0.797884583 : f32
      %mul3A_1295 = vector.broadcast %mul3A_1294 : f32 to vector<16xf32>
      %mul3A_1296 = arith.mulf %mul3A_1295, %add3A_1293 : vector<16xf32>
      %mul3A_1297 = arith.constant -2.000000e+00 : f32
      %mul3A_1298 = vector.broadcast %mul3A_1297 : f32 to vector<16xf32>
      %mul3A_1299 = arith.mulf %mul3A_1298, %mul3A_1296 : vector<16xf32>
      %exp3A_1300 = math.exp %mul3A_1299 : vector<16xf32>
      %add3A_1301 = arith.constant 1.000000e+00 : f32
      %add3A_1302 = vector.broadcast %add3A_1301 : f32 to vector<16xf32>
      %add3A_1303 = arith.addf %add3A_1302, %exp3A_1300 : vector<16xf32>
      %div3A_1304 = arith.constant 2.000000e+00 : f32
      %div3A_1305 = vector.broadcast %div3A_1304 : f32 to vector<16xf32>
      %div3A_1306 = arith.divf %div3A_1305, %add3A_1303 : vector<16xf32>
      %sub3A_1307 = arith.constant 1.000000e+00 : f32
      %sub3A_1308 = vector.broadcast %sub3A_1307 : f32 to vector<16xf32>
      %sub3A_1309 = arith.subf %div3A_1306, %sub3A_1308 : vector<16xf32>
      %mul3A_1310 = arith.constant 5.000000e-01 : f32
      %mul3A_1311 = vector.broadcast %mul3A_1310 : f32 to vector<16xf32>
      %mul3A_1312 = arith.mulf %mul3A_1311, %add3A_1287 : vector<16xf32>
      %add3A_1313 = arith.constant 1.000000e+00 : f32
      %add3A_1314 = vector.broadcast %add3A_1313 : f32 to vector<16xf32>
      %add3A_1315 = arith.addf %add3A_1314, %sub3A_1309 : vector<16xf32>
      %mul3A_1316 = arith.mulf %mul3A_1312, %add3A_1315 : vector<16xf32>
      %max3A_1317 = arith.maximumf %mul3A_1286, %mul3A_1316 : vector<16xf32>
      %swap3A_1318 = arith.index_cast %add3A_936 : i32 to index
      %swap3A_1319 = arith.constant 64 : index
      %swap3A_1320 = tpu.vector_load %arg8[%swap3A_1318, %swap3A_1319] {strides = array<i32>} : memref<392x96xf32, #tpu.memory_space<vmem>>, vector<1x16xf32>,
      %swap3A_1321 = vector.shape_cast %swap3A_1320 : vector<1x16xf32> to vector<16xf32>
      %swap3A_1322 = vector.shape_cast %max3A_1317 : vector<16xf32> to vector<1x16xf32>
      tpu.vector_store %arg8[%swap3A_1318, %swap3A_1319], %swap3A_1322 {strides = array<i32>} : memref<392x96xf32, #tpu.memory_space<vmem>>, vector<1x16xf32>,
      %get3A_1323 = arith.index_cast %add3A_936 : i32 to index
      %get3A_1324 = arith.constant 80 : index
      %get3A_1325 = tpu.vector_load %arg7[%get3A_1323, %get3A_1324] {strides = array<i32>} : memref<392x96xf32, #tpu.memory_space<vmem>>, vector<1x16xf32>,
      %get3A_1326 = vector.shape_cast %get3A_1325 : vector<1x16xf32> to vector<16xf32>
      %add3A_1327 = arith.addf %get3A_1326, %scan3A_971#5 : vector<16xf32>
      %mul3A_1328 = arith.mulf %add3A_1327, %add3A_1327 : vector<16xf32>
      %mul3A_1329 = arith.mulf %mul3A_1328, %add3A_1327 : vector<16xf32>
      %mul3A_1330 = arith.constant 4.471500e-02 : f32
      %mul3A_1331 = vector.broadcast %mul3A_1330 : f32 to vector<16xf32>
      %mul3A_1332 = arith.mulf %mul3A_1331, %mul3A_1329 : vector<16xf32>
      %add3A_1333 = arith.addf %add3A_1327, %mul3A_1332 : vector<16xf32>
      %mul3A_1334 = arith.constant 0.797884583 : f32
      %mul3A_1335 = vector.broadcast %mul3A_1334 : f32 to vector<16xf32>
      %mul3A_1336 = arith.mulf %mul3A_1335, %add3A_1333 : vector<16xf32>
      %mul3A_1337 = arith.constant -2.000000e+00 : f32
      %mul3A_1338 = vector.broadcast %mul3A_1337 : f32 to vector<16xf32>
      %mul3A_1339 = arith.mulf %mul3A_1338, %mul3A_1336 : vector<16xf32>
      %exp3A_1340 = math.exp %mul3A_1339 : vector<16xf32>
      %add3A_1341 = arith.constant 1.000000e+00 : f32
      %add3A_1342 = vector.broadcast %add3A_1341 : f32 to vector<16xf32>
      %add3A_1343 = arith.addf %add3A_1342, %exp3A_1340 : vector<16xf32>
      %div3A_1344 = arith.constant 2.000000e+00 : f32
      %div3A_1345 = vector.broadcast %div3A_1344 : f32 to vector<16xf32>
      %div3A_1346 = arith.divf %div3A_1345, %add3A_1343 : vector<16xf32>
      %sub3A_1347 = arith.constant 1.000000e+00 : f32
      %sub3A_1348 = vector.broadcast %sub3A_1347 : f32 to vector<16xf32>
      %sub3A_1349 = arith.subf %div3A_1346, %sub3A_1348 : vector<16xf32>
      %mul3A_1350 = arith.constant 5.000000e-01 : f32
      %mul3A_1351 = vector.broadcast %mul3A_1350 : f32 to vector<16xf32>
      %mul3A_1352 = arith.mulf %mul3A_1351, %add3A_1327 : vector<16xf32>
      %add3A_1353 = arith.constant 1.000000e+00 : f32
      %add3A_1354 = vector.broadcast %add3A_1353 : f32 to vector<16xf32>
      %add3A_1355 = arith.addf %add3A_1354, %sub3A_1349 : vector<16xf32>
      %mul3A_1356 = arith.mulf %mul3A_1352, %add3A_1355 : vector<16xf32>
      %add3A_1357 = arith.addf %get3A_1326, %scan3A_971#11 : vector<16xf32>
      %mul3A_1358 = arith.mulf %add3A_1357, %add3A_1357 : vector<16xf32>
      %mul3A_1359 = arith.mulf %mul3A_1358, %add3A_1357 : vector<16xf32>
      %mul3A_1360 = arith.constant 4.471500e-02 : f32
      %mul3A_1361 = vector.broadcast %mul3A_1360 : f32 to vector<16xf32>
      %mul3A_1362 = arith.mulf %mul3A_1361, %mul3A_1359 : vector<16xf32>
      %add3A_1363 = arith.addf %add3A_1357, %mul3A_1362 : vector<16xf32>
      %mul3A_1364 = arith.constant 0.797884583 : f32
      %mul3A_1365 = vector.broadcast %mul3A_1364 : f32 to vector<16xf32>
      %mul3A_1366 = arith.mulf %mul3A_1365, %add3A_1363 : vector<16xf32>
      %mul3A_1367 = arith.constant -2.000000e+00 : f32
      %mul3A_1368 = vector.broadcast %mul3A_1367 : f32 to vector<16xf32>
      %mul3A_1369 = arith.mulf %mul3A_1368, %mul3A_1366 : vector<16xf32>
      %exp3A_1370 = math.exp %mul3A_1369 : vector<16xf32>
      %add3A_1371 = arith.constant 1.000000e+00 : f32
      %add3A_1372 = vector.broadcast %add3A_1371 : f32 to vector<16xf32>
      %add3A_1373 = arith.addf %add3A_1372, %exp3A_1370 : vector<16xf32>
      %div3A_1374 = arith.constant 2.000000e+00 : f32
      %div3A_1375 = vector.broadcast %div3A_1374 : f32 to vector<16xf32>
      %div3A_1376 = arith.divf %div3A_1375, %add3A_1373 : vector<16xf32>
      %sub3A_1377 = arith.constant 1.000000e+00 : f32
      %sub3A_1378 = vector.broadcast %sub3A_1377 : f32 to vector<16xf32>
      %sub3A_1379 = arith.subf %div3A_1376, %sub3A_1378 : vector<16xf32>
      %mul3A_1380 = arith.constant 5.000000e-01 : f32
      %mul3A_1381 = vector.broadcast %mul3A_1380 : f32 to vector<16xf32>
      %mul3A_1382 = arith.mulf %mul3A_1381, %add3A_1357 : vector<16xf32>
      %add3A_1383 = arith.constant 1.000000e+00 : f32
      %add3A_1384 = vector.broadcast %add3A_1383 : f32 to vector<16xf32>
      %add3A_1385 = arith.addf %add3A_1384, %sub3A_1379 : vector<16xf32>
      %mul3A_1386 = arith.mulf %mul3A_1382, %add3A_1385 : vector<16xf32>
      %max3A_1387 = arith.maximumf %mul3A_1356, %mul3A_1386 : vector<16xf32>
      %swap3A_1388 = arith.index_cast %add3A_936 : i32 to index
      %swap3A_1389 = arith.constant 80 : index
      %swap3A_1390 = tpu.vector_load %arg8[%swap3A_1388, %swap3A_1389] {strides = array<i32>} : memref<392x96xf32, #tpu.memory_space<vmem>>, vector<1x16xf32>,
      %swap3A_1391 = vector.shape_cast %swap3A_1390 : vector<1x16xf32> to vector<16xf32>
      %swap3A_1392 = vector.shape_cast %max3A_1387 : vector<16xf32> to vector<1x16xf32>
      tpu.vector_store %arg8[%swap3A_1388, %swap3A_1389], %swap3A_1392 {strides = array<i32>} : memref<392x96xf32, #tpu.memory_space<vmem>>, vector<1x16xf32>,
      %mul3A_1393 = arith.constant 8 : i32
      %mul3A_1394 = arith.muli %scan3A_8, %mul3A_1393 : i32
      %add3A_1395 = arith.constant 3 : i32
      %add3A_1396 = arith.addi %mul3A_1394, %add3A_1395 : i32
      %get3A_1397 = arith.constant 48 : i32
      %get3A_1398 = arith.index_cast %get3A_1397 : i32 to index
      %get3A_1399 = arith.constant 0 : index
      %get3A_1400 = tpu.vector_load %arg9[%get3A_1398, %get3A_1399] {strides = array<i32>} : memref<128x128xf32, #tpu.memory_space<vmem>>, vector<1x16xf32>,
      %get3A_1401 = vector.shape_cast %get3A_1400 : vector<1x16xf32> to vector<16xf32>
      %get3A_1402 = arith.constant 48 : i32
      %get3A_1403 = arith.index_cast %get3A_1402 : i32 to index
      %get3A_1404 = arith.constant 16 : index
      %get3A_1405 = tpu.vector_load %arg9[%get3A_1403, %get3A_1404] {strides = array<i32>} : memref<128x128xf32, #tpu.memory_space<vmem>>, vector<1x16xf32>,
      %get3A_1406 = vector.shape_cast %get3A_1405 : vector<1x16xf32> to vector<16xf32>
      %get3A_1407 = arith.constant 48 : i32
      %get3A_1408 = arith.index_cast %get3A_1407 : i32 to index
      %get3A_1409 = arith.constant 32 : index
      %get3A_1410 = tpu.vector_load %arg9[%get3A_1408, %get3A_1409] {strides = array<i32>} : memref<128x128xf32, #tpu.memory_space<vmem>>, vector<1x16xf32>,
      %get3A_1411 = vector.shape_cast %get3A_1410 : vector<1x16xf32> to vector<16xf32>
      %get3A_1412 = arith.constant 48 : i32
      %get3A_1413 = arith.index_cast %get3A_1412 : i32 to index
      %get3A_1414 = arith.constant 48 : index
      %get3A_1415 = tpu.vector_load %arg9[%get3A_1413, %get3A_1414] {strides = array<i32>} : memref<128x128xf32, #tpu.memory_space<vmem>>, vector<1x16xf32>,
      %get3A_1416 = vector.shape_cast %get3A_1415 : vector<1x16xf32> to vector<16xf32>
      %get3A_1417 = arith.constant 48 : i32
      %get3A_1418 = arith.index_cast %get3A_1417 : i32 to index
      %get3A_1419 = arith.constant 64 : index
      %get3A_1420 = tpu.vector_load %arg9[%get3A_1418, %get3A_1419] {strides = array<i32>} : memref<128x128xf32, #tpu.memory_space<vmem>>, vector<1x16xf32>,
      %get3A_1421 = vector.shape_cast %get3A_1420 : vector<1x16xf32> to vector<16xf32>
      %get3A_1422 = arith.constant 48 : i32
      %get3A_1423 = arith.index_cast %get3A_1422 : i32 to index
      %get3A_1424 = arith.constant 80 : index
      %get3A_1425 = tpu.vector_load %arg9[%get3A_1423, %get3A_1424] {strides = array<i32>} : memref<128x128xf32, #tpu.memory_space<vmem>>, vector<1x16xf32>,
      %get3A_1426 = vector.shape_cast %get3A_1425 : vector<1x16xf32> to vector<16xf32>
      %scan3A_1427 = arith.constant 1 : i32
      %scan3A_1428 = arith.constant 15 : i32
      %scan3A_1429 = arith.addi %scan3A_1427, %scan3A_1428 : i32
      %scan3A_1430 = arith.constant 1 : i32
      %scan3A_1431:12 = scf.for %scan3A_3693 = %scan3A_1427 to %scan3A_1429 step %scan3A_1430 iter_args(%scan3A_3694 = %get3A_1401, %scan3A_3695 = %get3A_1406, %scan3A_3696 = %get3A_1411, %scan3A_3697 = %get3A_1416, %scan3A_3698 = %get3A_1421, %scan3A_3699 = %get3A_1426, %scan3A_3700 = %get3A_1401, %scan3A_3701 = %get3A_1406, %scan3A_3702 = %get3A_1411, %scan3A_3703 = %get3A_1416, %scan3A_3704 = %get3A_1421, %scan3A_3705 = %get3A_1426) -> (vector<16xf32>, vector<16xf32>, vector<16xf32>, vector<16xf32>, vector<16xf32>, vector<16xf32>, vector<16xf32>, vector<16xf32>, vector<16xf32>, vector<16xf32>, vector<16xf32>, vector<16xf32>)  : i32 {
        %add3A_3706 = arith.constant 48 : i32
        %add3A_3707 = arith.addi %add3A_3706, %scan3A_3693 : i32
        %get3A_3708 = arith.index_cast %add3A_3707 : i32 to index
        %get3A_3709 = arith.constant 0 : index
        %get3A_3710 = tpu.vector_load %arg9[%get3A_3708, %get3A_3709] {strides = array<i32>} : memref<128x128xf32, #tpu.memory_space<vmem>>, vector<1x16xf32>,
        %get3A_3711 = vector.shape_cast %get3A_3710 : vector<1x16xf32> to vector<16xf32>
        %add3A_3712 = arith.constant 48 : i32
        %add3A_3713 = arith.addi %add3A_3712, %scan3A_3693 : i32
        %get3A_3714 = arith.index_cast %add3A_3713 : i32 to index
        %get3A_3715 = arith.constant 16 : index
        %get3A_3716 = tpu.vector_load %arg9[%get3A_3714, %get3A_3715] {strides = array<i32>} : memref<128x128xf32, #tpu.memory_space<vmem>>, vector<1x16xf32>,
        %get3A_3717 = vector.shape_cast %get3A_3716 : vector<1x16xf32> to vector<16xf32>
        %add3A_3718 = arith.constant 48 : i32
        %add3A_3719 = arith.addi %add3A_3718, %scan3A_3693 : i32
        %get3A_3720 = arith.index_cast %add3A_3719 : i32 to index
        %get3A_3721 = arith.constant 32 : index
        %get3A_3722 = tpu.vector_load %arg9[%get3A_3720, %get3A_3721] {strides = array<i32>} : memref<128x128xf32, #tpu.memory_space<vmem>>, vector<1x16xf32>,
        %get3A_3723 = vector.shape_cast %get3A_3722 : vector<1x16xf32> to vector<16xf32>
        %add3A_3724 = arith.constant 48 : i32
        %add3A_3725 = arith.addi %add3A_3724, %scan3A_3693 : i32
        %get3A_3726 = arith.index_cast %add3A_3725 : i32 to index
        %get3A_3727 = arith.constant 48 : index
        %get3A_3728 = tpu.vector_load %arg9[%get3A_3726, %get3A_3727] {strides = array<i32>} : memref<128x128xf32, #tpu.memory_space<vmem>>, vector<1x16xf32>,
        %get3A_3729 = vector.shape_cast %get3A_3728 : vector<1x16xf32> to vector<16xf32>
        %add3A_3730 = arith.constant 48 : i32
        %add3A_3731 = arith.addi %add3A_3730, %scan3A_3693 : i32
        %get3A_3732 = arith.index_cast %add3A_3731 : i32 to index
        %get3A_3733 = arith.constant 64 : index
        %get3A_3734 = tpu.vector_load %arg9[%get3A_3732, %get3A_3733] {strides = array<i32>} : memref<128x128xf32, #tpu.memory_space<vmem>>, vector<1x16xf32>,
        %get3A_3735 = vector.shape_cast %get3A_3734 : vector<1x16xf32> to vector<16xf32>
        %add3A_3736 = arith.constant 48 : i32
        %add3A_3737 = arith.addi %add3A_3736, %scan3A_3693 : i32
        %get3A_3738 = arith.index_cast %add3A_3737 : i32 to index
        %get3A_3739 = arith.constant 80 : index
        %get3A_3740 = tpu.vector_load %arg9[%get3A_3738, %get3A_3739] {strides = array<i32>} : memref<128x128xf32, #tpu.memory_space<vmem>>, vector<1x16xf32>,
        %get3A_3741 = vector.shape_cast %get3A_3740 : vector<1x16xf32> to vector<16xf32>
        %min3A = arith.minimumf %scan3A_3694, %get3A_3711 : vector<16xf32>
        %min3A_3742 = arith.minimumf %scan3A_3695, %get3A_3717 : vector<16xf32>
        %min3A_3743 = arith.minimumf %scan3A_3696, %get3A_3723 : vector<16xf32>
        %min3A_3744 = arith.minimumf %scan3A_3697, %get3A_3729 : vector<16xf32>
        %min3A_3745 = arith.minimumf %scan3A_3698, %get3A_3735 : vector<16xf32>
        %min3A_3746 = arith.minimumf %scan3A_3699, %get3A_3741 : vector<16xf32>
        %max3A_3747 = arith.maximumf %scan3A_3700, %get3A_3711 : vector<16xf32>
        %max3A_3748 = arith.maximumf %scan3A_3701, %get3A_3717 : vector<16xf32>
        %max3A_3749 = arith.maximumf %scan3A_3702, %get3A_3723 : vector<16xf32>
        %max3A_3750 = arith.maximumf %scan3A_3703, %get3A_3729 : vector<16xf32>
        %max3A_3751 = arith.maximumf %scan3A_3704, %get3A_3735 : vector<16xf32>
        %max3A_3752 = arith.maximumf %scan3A_3705, %get3A_3741 : vector<16xf32>
        scf.yield %min3A, %min3A_3742, %min3A_3743, %min3A_3744, %min3A_3745, %min3A_3746, %max3A_3747, %max3A_3748, %max3A_3749, %max3A_3750, %max3A_3751, %max3A_3752 : vector<16xf32>, vector<16xf32>, vector<16xf32>, vector<16xf32>, vector<16xf32>, vector<16xf32>, vector<16xf32>, vector<16xf32>, vector<16xf32>, vector<16xf32>, vector<16xf32>, vector<16xf32>
      }
      %scan3A_1432 = arith.constant 15 : i32
      %get3A_1433 = arith.index_cast %add3A_1396 : i32 to index
      %get3A_1434 = arith.constant 0 : index
      %get3A_1435 = tpu.vector_load %arg7[%get3A_1433, %get3A_1434] {strides = array<i32>} : memref<392x96xf32, #tpu.memory_space<vmem>>, vector<1x16xf32>,
      %get3A_1436 = vector.shape_cast %get3A_1435 : vector<1x16xf32> to vector<16xf32>
      %add3A_1437 = arith.addf %get3A_1436, %scan3A_1431#0 : vector<16xf32>
      %mul3A_1438 = arith.mulf %add3A_1437, %add3A_1437 : vector<16xf32>
      %mul3A_1439 = arith.mulf %mul3A_1438, %add3A_1437 : vector<16xf32>
      %mul3A_1440 = arith.constant 4.471500e-02 : f32
      %mul3A_1441 = vector.broadcast %mul3A_1440 : f32 to vector<16xf32>
      %mul3A_1442 = arith.mulf %mul3A_1441, %mul3A_1439 : vector<16xf32>
      %add3A_1443 = arith.addf %add3A_1437, %mul3A_1442 : vector<16xf32>
      %mul3A_1444 = arith.constant 0.797884583 : f32
      %mul3A_1445 = vector.broadcast %mul3A_1444 : f32 to vector<16xf32>
      %mul3A_1446 = arith.mulf %mul3A_1445, %add3A_1443 : vector<16xf32>
      %mul3A_1447 = arith.constant -2.000000e+00 : f32
      %mul3A_1448 = vector.broadcast %mul3A_1447 : f32 to vector<16xf32>
      %mul3A_1449 = arith.mulf %mul3A_1448, %mul3A_1446 : vector<16xf32>
      %exp3A_1450 = math.exp %mul3A_1449 : vector<16xf32>
      %add3A_1451 = arith.constant 1.000000e+00 : f32
      %add3A_1452 = vector.broadcast %add3A_1451 : f32 to vector<16xf32>
      %add3A_1453 = arith.addf %add3A_1452, %exp3A_1450 : vector<16xf32>
      %div3A_1454 = arith.constant 2.000000e+00 : f32
      %div3A_1455 = vector.broadcast %div3A_1454 : f32 to vector<16xf32>
      %div3A_1456 = arith.divf %div3A_1455, %add3A_1453 : vector<16xf32>
      %sub3A_1457 = arith.constant 1.000000e+00 : f32
      %sub3A_1458 = vector.broadcast %sub3A_1457 : f32 to vector<16xf32>
      %sub3A_1459 = arith.subf %div3A_1456, %sub3A_1458 : vector<16xf32>
      %mul3A_1460 = arith.constant 5.000000e-01 : f32
      %mul3A_1461 = vector.broadcast %mul3A_1460 : f32 to vector<16xf32>
      %mul3A_1462 = arith.mulf %mul3A_1461, %add3A_1437 : vector<16xf32>
      %add3A_1463 = arith.constant 1.000000e+00 : f32
      %add3A_1464 = vector.broadcast %add3A_1463 : f32 to vector<16xf32>
      %add3A_1465 = arith.addf %add3A_1464, %sub3A_1459 : vector<16xf32>
      %mul3A_1466 = arith.mulf %mul3A_1462, %add3A_1465 : vector<16xf32>
      %add3A_1467 = arith.addf %get3A_1436, %scan3A_1431#6 : vector<16xf32>
      %mul3A_1468 = arith.mulf %add3A_1467, %add3A_1467 : vector<16xf32>
      %mul3A_1469 = arith.mulf %mul3A_1468, %add3A_1467 : vector<16xf32>
      %mul3A_1470 = arith.constant 4.471500e-02 : f32
      %mul3A_1471 = vector.broadcast %mul3A_1470 : f32 to vector<16xf32>
      %mul3A_1472 = arith.mulf %mul3A_1471, %mul3A_1469 : vector<16xf32>
      %add3A_1473 = arith.addf %add3A_1467, %mul3A_1472 : vector<16xf32>
      %mul3A_1474 = arith.constant 0.797884583 : f32
      %mul3A_1475 = vector.broadcast %mul3A_1474 : f32 to vector<16xf32>
      %mul3A_1476 = arith.mulf %mul3A_1475, %add3A_1473 : vector<16xf32>
      %mul3A_1477 = arith.constant -2.000000e+00 : f32
      %mul3A_1478 = vector.broadcast %mul3A_1477 : f32 to vector<16xf32>
      %mul3A_1479 = arith.mulf %mul3A_1478, %mul3A_1476 : vector<16xf32>
      %exp3A_1480 = math.exp %mul3A_1479 : vector<16xf32>
      %add3A_1481 = arith.constant 1.000000e+00 : f32
      %add3A_1482 = vector.broadcast %add3A_1481 : f32 to vector<16xf32>
      %add3A_1483 = arith.addf %add3A_1482, %exp3A_1480 : vector<16xf32>
      %div3A_1484 = arith.constant 2.000000e+00 : f32
      %div3A_1485 = vector.broadcast %div3A_1484 : f32 to vector<16xf32>
      %div3A_1486 = arith.divf %div3A_1485, %add3A_1483 : vector<16xf32>
      %sub3A_1487 = arith.constant 1.000000e+00 : f32
      %sub3A_1488 = vector.broadcast %sub3A_1487 : f32 to vector<16xf32>
      %sub3A_1489 = arith.subf %div3A_1486, %sub3A_1488 : vector<16xf32>
      %mul3A_1490 = arith.constant 5.000000e-01 : f32
      %mul3A_1491 = vector.broadcast %mul3A_1490 : f32 to vector<16xf32>
      %mul3A_1492 = arith.mulf %mul3A_1491, %add3A_1467 : vector<16xf32>
      %add3A_1493 = arith.constant 1.000000e+00 : f32
      %add3A_1494 = vector.broadcast %add3A_1493 : f32 to vector<16xf32>
      %add3A_1495 = arith.addf %add3A_1494, %sub3A_1489 : vector<16xf32>
      %mul3A_1496 = arith.mulf %mul3A_1492, %add3A_1495 : vector<16xf32>
      %max3A_1497 = arith.maximumf %mul3A_1466, %mul3A_1496 : vector<16xf32>
      %swap3A_1498 = arith.index_cast %add3A_1396 : i32 to index
      %swap3A_1499 = arith.constant 0 : index
      %swap3A_1500 = tpu.vector_load %arg8[%swap3A_1498, %swap3A_1499] {strides = array<i32>} : memref<392x96xf32, #tpu.memory_space<vmem>>, vector<1x16xf32>,
      %swap3A_1501 = vector.shape_cast %swap3A_1500 : vector<1x16xf32> to vector<16xf32>
      %swap3A_1502 = vector.shape_cast %max3A_1497 : vector<16xf32> to vector<1x16xf32>
      tpu.vector_store %arg8[%swap3A_1498, %swap3A_1499], %swap3A_1502 {strides = array<i32>} : memref<392x96xf32, #tpu.memory_space<vmem>>, vector<1x16xf32>,
      %get3A_1503 = arith.index_cast %add3A_1396 : i32 to index
      %get3A_1504 = arith.constant 16 : index
      %get3A_1505 = tpu.vector_load %arg7[%get3A_1503, %get3A_1504] {strides = array<i32>} : memref<392x96xf32, #tpu.memory_space<vmem>>, vector<1x16xf32>,
      %get3A_1506 = vector.shape_cast %get3A_1505 : vector<1x16xf32> to vector<16xf32>
      %add3A_1507 = arith.addf %get3A_1506, %scan3A_1431#1 : vector<16xf32>
      %mul3A_1508 = arith.mulf %add3A_1507, %add3A_1507 : vector<16xf32>
      %mul3A_1509 = arith.mulf %mul3A_1508, %add3A_1507 : vector<16xf32>
      %mul3A_1510 = arith.constant 4.471500e-02 : f32
      %mul3A_1511 = vector.broadcast %mul3A_1510 : f32 to vector<16xf32>
      %mul3A_1512 = arith.mulf %mul3A_1511, %mul3A_1509 : vector<16xf32>
      %add3A_1513 = arith.addf %add3A_1507, %mul3A_1512 : vector<16xf32>
      %mul3A_1514 = arith.constant 0.797884583 : f32
      %mul3A_1515 = vector.broadcast %mul3A_1514 : f32 to vector<16xf32>
      %mul3A_1516 = arith.mulf %mul3A_1515, %add3A_1513 : vector<16xf32>
      %mul3A_1517 = arith.constant -2.000000e+00 : f32
      %mul3A_1518 = vector.broadcast %mul3A_1517 : f32 to vector<16xf32>
      %mul3A_1519 = arith.mulf %mul3A_1518, %mul3A_1516 : vector<16xf32>
      %exp3A_1520 = math.exp %mul3A_1519 : vector<16xf32>
      %add3A_1521 = arith.constant 1.000000e+00 : f32
      %add3A_1522 = vector.broadcast %add3A_1521 : f32 to vector<16xf32>
      %add3A_1523 = arith.addf %add3A_1522, %exp3A_1520 : vector<16xf32>
      %div3A_1524 = arith.constant 2.000000e+00 : f32
      %div3A_1525 = vector.broadcast %div3A_1524 : f32 to vector<16xf32>
      %div3A_1526 = arith.divf %div3A_1525, %add3A_1523 : vector<16xf32>
      %sub3A_1527 = arith.constant 1.000000e+00 : f32
      %sub3A_1528 = vector.broadcast %sub3A_1527 : f32 to vector<16xf32>
      %sub3A_1529 = arith.subf %div3A_1526, %sub3A_1528 : vector<16xf32>
      %mul3A_1530 = arith.constant 5.000000e-01 : f32
      %mul3A_1531 = vector.broadcast %mul3A_1530 : f32 to vector<16xf32>
      %mul3A_1532 = arith.mulf %mul3A_1531, %add3A_1507 : vector<16xf32>
      %add3A_1533 = arith.constant 1.000000e+00 : f32
      %add3A_1534 = vector.broadcast %add3A_1533 : f32 to vector<16xf32>
      %add3A_1535 = arith.addf %add3A_1534, %sub3A_1529 : vector<16xf32>
      %mul3A_1536 = arith.mulf %mul3A_1532, %add3A_1535 : vector<16xf32>
      %add3A_1537 = arith.addf %get3A_1506, %scan3A_1431#7 : vector<16xf32>
      %mul3A_1538 = arith.mulf %add3A_1537, %add3A_1537 : vector<16xf32>
      %mul3A_1539 = arith.mulf %mul3A_1538, %add3A_1537 : vector<16xf32>
      %mul3A_1540 = arith.constant 4.471500e-02 : f32
      %mul3A_1541 = vector.broadcast %mul3A_1540 : f32 to vector<16xf32>
      %mul3A_1542 = arith.mulf %mul3A_1541, %mul3A_1539 : vector<16xf32>
      %add3A_1543 = arith.addf %add3A_1537, %mul3A_1542 : vector<16xf32>
      %mul3A_1544 = arith.constant 0.797884583 : f32
      %mul3A_1545 = vector.broadcast %mul3A_1544 : f32 to vector<16xf32>
      %mul3A_1546 = arith.mulf %mul3A_1545, %add3A_1543 : vector<16xf32>
      %mul3A_1547 = arith.constant -2.000000e+00 : f32
      %mul3A_1548 = vector.broadcast %mul3A_1547 : f32 to vector<16xf32>
      %mul3A_1549 = arith.mulf %mul3A_1548, %mul3A_1546 : vector<16xf32>
      %exp3A_1550 = math.exp %mul3A_1549 : vector<16xf32>
      %add3A_1551 = arith.constant 1.000000e+00 : f32
      %add3A_1552 = vector.broadcast %add3A_1551 : f32 to vector<16xf32>
      %add3A_1553 = arith.addf %add3A_1552, %exp3A_1550 : vector<16xf32>
      %div3A_1554 = arith.constant 2.000000e+00 : f32
      %div3A_1555 = vector.broadcast %div3A_1554 : f32 to vector<16xf32>
      %div3A_1556 = arith.divf %div3A_1555, %add3A_1553 : vector<16xf32>
      %sub3A_1557 = arith.constant 1.000000e+00 : f32
      %sub3A_1558 = vector.broadcast %sub3A_1557 : f32 to vector<16xf32>
      %sub3A_1559 = arith.subf %div3A_1556, %sub3A_1558 : vector<16xf32>
      %mul3A_1560 = arith.constant 5.000000e-01 : f32
      %mul3A_1561 = vector.broadcast %mul3A_1560 : f32 to vector<16xf32>
      %mul3A_1562 = arith.mulf %mul3A_1561, %add3A_1537 : vector<16xf32>
      %add3A_1563 = arith.constant 1.000000e+00 : f32
      %add3A_1564 = vector.broadcast %add3A_1563 : f32 to vector<16xf32>
      %add3A_1565 = arith.addf %add3A_1564, %sub3A_1559 : vector<16xf32>
      %mul3A_1566 = arith.mulf %mul3A_1562, %add3A_1565 : vector<16xf32>
      %max3A_1567 = arith.maximumf %mul3A_1536, %mul3A_1566 : vector<16xf32>
      %swap3A_1568 = arith.index_cast %add3A_1396 : i32 to index
      %swap3A_1569 = arith.constant 16 : index
      %swap3A_1570 = tpu.vector_load %arg8[%swap3A_1568, %swap3A_1569] {strides = array<i32>} : memref<392x96xf32, #tpu.memory_space<vmem>>, vector<1x16xf32>,
      %swap3A_1571 = vector.shape_cast %swap3A_1570 : vector<1x16xf32> to vector<16xf32>
      %swap3A_1572 = vector.shape_cast %max3A_1567 : vector<16xf32> to vector<1x16xf32>
      tpu.vector_store %arg8[%swap3A_1568, %swap3A_1569], %swap3A_1572 {strides = array<i32>} : memref<392x96xf32, #tpu.memory_space<vmem>>, vector<1x16xf32>,
      %get3A_1573 = arith.index_cast %add3A_1396 : i32 to index
      %get3A_1574 = arith.constant 32 : index
      %get3A_1575 = tpu.vector_load %arg7[%get3A_1573, %get3A_1574] {strides = array<i32>} : memref<392x96xf32, #tpu.memory_space<vmem>>, vector<1x16xf32>,
      %get3A_1576 = vector.shape_cast %get3A_1575 : vector<1x16xf32> to vector<16xf32>
      %add3A_1577 = arith.addf %get3A_1576, %scan3A_1431#2 : vector<16xf32>
      %mul3A_1578 = arith.mulf %add3A_1577, %add3A_1577 : vector<16xf32>
      %mul3A_1579 = arith.mulf %mul3A_1578, %add3A_1577 : vector<16xf32>
      %mul3A_1580 = arith.constant 4.471500e-02 : f32
      %mul3A_1581 = vector.broadcast %mul3A_1580 : f32 to vector<16xf32>
      %mul3A_1582 = arith.mulf %mul3A_1581, %mul3A_1579 : vector<16xf32>
      %add3A_1583 = arith.addf %add3A_1577, %mul3A_1582 : vector<16xf32>
      %mul3A_1584 = arith.constant 0.797884583 : f32
      %mul3A_1585 = vector.broadcast %mul3A_1584 : f32 to vector<16xf32>
      %mul3A_1586 = arith.mulf %mul3A_1585, %add3A_1583 : vector<16xf32>
      %mul3A_1587 = arith.constant -2.000000e+00 : f32
      %mul3A_1588 = vector.broadcast %mul3A_1587 : f32 to vector<16xf32>
      %mul3A_1589 = arith.mulf %mul3A_1588, %mul3A_1586 : vector<16xf32>
      %exp3A_1590 = math.exp %mul3A_1589 : vector<16xf32>
      %add3A_1591 = arith.constant 1.000000e+00 : f32
      %add3A_1592 = vector.broadcast %add3A_1591 : f32 to vector<16xf32>
      %add3A_1593 = arith.addf %add3A_1592, %exp3A_1590 : vector<16xf32>
      %div3A_1594 = arith.constant 2.000000e+00 : f32
      %div3A_1595 = vector.broadcast %div3A_1594 : f32 to vector<16xf32>
      %div3A_1596 = arith.divf %div3A_1595, %add3A_1593 : vector<16xf32>
      %sub3A_1597 = arith.constant 1.000000e+00 : f32
      %sub3A_1598 = vector.broadcast %sub3A_1597 : f32 to vector<16xf32>
      %sub3A_1599 = arith.subf %div3A_1596, %sub3A_1598 : vector<16xf32>
      %mul3A_1600 = arith.constant 5.000000e-01 : f32
      %mul3A_1601 = vector.broadcast %mul3A_1600 : f32 to vector<16xf32>
      %mul3A_1602 = arith.mulf %mul3A_1601, %add3A_1577 : vector<16xf32>
      %add3A_1603 = arith.constant 1.000000e+00 : f32
      %add3A_1604 = vector.broadcast %add3A_1603 : f32 to vector<16xf32>
      %add3A_1605 = arith.addf %add3A_1604, %sub3A_1599 : vector<16xf32>
      %mul3A_1606 = arith.mulf %mul3A_1602, %add3A_1605 : vector<16xf32>
      %add3A_1607 = arith.addf %get3A_1576, %scan3A_1431#8 : vector<16xf32>
      %mul3A_1608 = arith.mulf %add3A_1607, %add3A_1607 : vector<16xf32>
      %mul3A_1609 = arith.mulf %mul3A_1608, %add3A_1607 : vector<16xf32>
      %mul3A_1610 = arith.constant 4.471500e-02 : f32
      %mul3A_1611 = vector.broadcast %mul3A_1610 : f32 to vector<16xf32>
      %mul3A_1612 = arith.mulf %mul3A_1611, %mul3A_1609 : vector<16xf32>
      %add3A_1613 = arith.addf %add3A_1607, %mul3A_1612 : vector<16xf32>
      %mul3A_1614 = arith.constant 0.797884583 : f32
      %mul3A_1615 = vector.broadcast %mul3A_1614 : f32 to vector<16xf32>
      %mul3A_1616 = arith.mulf %mul3A_1615, %add3A_1613 : vector<16xf32>
      %mul3A_1617 = arith.constant -2.000000e+00 : f32
      %mul3A_1618 = vector.broadcast %mul3A_1617 : f32 to vector<16xf32>
      %mul3A_1619 = arith.mulf %mul3A_1618, %mul3A_1616 : vector<16xf32>
      %exp3A_1620 = math.exp %mul3A_1619 : vector<16xf32>
      %add3A_1621 = arith.constant 1.000000e+00 : f32
      %add3A_1622 = vector.broadcast %add3A_1621 : f32 to vector<16xf32>
      %add3A_1623 = arith.addf %add3A_1622, %exp3A_1620 : vector<16xf32>
      %div3A_1624 = arith.constant 2.000000e+00 : f32
      %div3A_1625 = vector.broadcast %div3A_1624 : f32 to vector<16xf32>
      %div3A_1626 = arith.divf %div3A_1625, %add3A_1623 : vector<16xf32>
      %sub3A_1627 = arith.constant 1.000000e+00 : f32
      %sub3A_1628 = vector.broadcast %sub3A_1627 : f32 to vector<16xf32>
      %sub3A_1629 = arith.subf %div3A_1626, %sub3A_1628 : vector<16xf32>
      %mul3A_1630 = arith.constant 5.000000e-01 : f32
      %mul3A_1631 = vector.broadcast %mul3A_1630 : f32 to vector<16xf32>
      %mul3A_1632 = arith.mulf %mul3A_1631, %add3A_1607 : vector<16xf32>
      %add3A_1633 = arith.constant 1.000000e+00 : f32
      %add3A_1634 = vector.broadcast %add3A_1633 : f32 to vector<16xf32>
      %add3A_1635 = arith.addf %add3A_1634, %sub3A_1629 : vector<16xf32>
      %mul3A_1636 = arith.mulf %mul3A_1632, %add3A_1635 : vector<16xf32>
      %max3A_1637 = arith.maximumf %mul3A_1606, %mul3A_1636 : vector<16xf32>
      %swap3A_1638 = arith.index_cast %add3A_1396 : i32 to index
      %swap3A_1639 = arith.constant 32 : index
      %swap3A_1640 = tpu.vector_load %arg8[%swap3A_1638, %swap3A_1639] {strides = array<i32>} : memref<392x96xf32, #tpu.memory_space<vmem>>, vector<1x16xf32>,
      %swap3A_1641 = vector.shape_cast %swap3A_1640 : vector<1x16xf32> to vector<16xf32>
      %swap3A_1642 = vector.shape_cast %max3A_1637 : vector<16xf32> to vector<1x16xf32>
      tpu.vector_store %arg8[%swap3A_1638, %swap3A_1639], %swap3A_1642 {strides = array<i32>} : memref<392x96xf32, #tpu.memory_space<vmem>>, vector<1x16xf32>,
      %get3A_1643 = arith.index_cast %add3A_1396 : i32 to index
      %get3A_1644 = arith.constant 48 : index
      %get3A_1645 = tpu.vector_load %arg7[%get3A_1643, %get3A_1644] {strides = array<i32>} : memref<392x96xf32, #tpu.memory_space<vmem>>, vector<1x16xf32>,
      %get3A_1646 = vector.shape_cast %get3A_1645 : vector<1x16xf32> to vector<16xf32>
      %add3A_1647 = arith.addf %get3A_1646, %scan3A_1431#3 : vector<16xf32>
      %mul3A_1648 = arith.mulf %add3A_1647, %add3A_1647 : vector<16xf32>
      %mul3A_1649 = arith.mulf %mul3A_1648, %add3A_1647 : vector<16xf32>
      %mul3A_1650 = arith.constant 4.471500e-02 : f32
      %mul3A_1651 = vector.broadcast %mul3A_1650 : f32 to vector<16xf32>
      %mul3A_1652 = arith.mulf %mul3A_1651, %mul3A_1649 : vector<16xf32>
      %add3A_1653 = arith.addf %add3A_1647, %mul3A_1652 : vector<16xf32>
      %mul3A_1654 = arith.constant 0.797884583 : f32
      %mul3A_1655 = vector.broadcast %mul3A_1654 : f32 to vector<16xf32>
      %mul3A_1656 = arith.mulf %mul3A_1655, %add3A_1653 : vector<16xf32>
      %mul3A_1657 = arith.constant -2.000000e+00 : f32
      %mul3A_1658 = vector.broadcast %mul3A_1657 : f32 to vector<16xf32>
      %mul3A_1659 = arith.mulf %mul3A_1658, %mul3A_1656 : vector<16xf32>
      %exp3A_1660 = math.exp %mul3A_1659 : vector<16xf32>
      %add3A_1661 = arith.constant 1.000000e+00 : f32
      %add3A_1662 = vector.broadcast %add3A_1661 : f32 to vector<16xf32>
      %add3A_1663 = arith.addf %add3A_1662, %exp3A_1660 : vector<16xf32>
      %div3A_1664 = arith.constant 2.000000e+00 : f32
      %div3A_1665 = vector.broadcast %div3A_1664 : f32 to vector<16xf32>
      %div3A_1666 = arith.divf %div3A_1665, %add3A_1663 : vector<16xf32>
      %sub3A_1667 = arith.constant 1.000000e+00 : f32
      %sub3A_1668 = vector.broadcast %sub3A_1667 : f32 to vector<16xf32>
      %sub3A_1669 = arith.subf %div3A_1666, %sub3A_1668 : vector<16xf32>
      %mul3A_1670 = arith.constant 5.000000e-01 : f32
      %mul3A_1671 = vector.broadcast %mul3A_1670 : f32 to vector<16xf32>
      %mul3A_1672 = arith.mulf %mul3A_1671, %add3A_1647 : vector<16xf32>
      %add3A_1673 = arith.constant 1.000000e+00 : f32
      %add3A_1674 = vector.broadcast %add3A_1673 : f32 to vector<16xf32>
      %add3A_1675 = arith.addf %add3A_1674, %sub3A_1669 : vector<16xf32>
      %mul3A_1676 = arith.mulf %mul3A_1672, %add3A_1675 : vector<16xf32>
      %add3A_1677 = arith.addf %get3A_1646, %scan3A_1431#9 : vector<16xf32>
      %mul3A_1678 = arith.mulf %add3A_1677, %add3A_1677 : vector<16xf32>
      %mul3A_1679 = arith.mulf %mul3A_1678, %add3A_1677 : vector<16xf32>
      %mul3A_1680 = arith.constant 4.471500e-02 : f32
      %mul3A_1681 = vector.broadcast %mul3A_1680 : f32 to vector<16xf32>
      %mul3A_1682 = arith.mulf %mul3A_1681, %mul3A_1679 : vector<16xf32>
      %add3A_1683 = arith.addf %add3A_1677, %mul3A_1682 : vector<16xf32>
      %mul3A_1684 = arith.constant 0.797884583 : f32
      %mul3A_1685 = vector.broadcast %mul3A_1684 : f32 to vector<16xf32>
      %mul3A_1686 = arith.mulf %mul3A_1685, %add3A_1683 : vector<16xf32>
      %mul3A_1687 = arith.constant -2.000000e+00 : f32
      %mul3A_1688 = vector.broadcast %mul3A_1687 : f32 to vector<16xf32>
      %mul3A_1689 = arith.mulf %mul3A_1688, %mul3A_1686 : vector<16xf32>
      %exp3A_1690 = math.exp %mul3A_1689 : vector<16xf32>
      %add3A_1691 = arith.constant 1.000000e+00 : f32
      %add3A_1692 = vector.broadcast %add3A_1691 : f32 to vector<16xf32>
      %add3A_1693 = arith.addf %add3A_1692, %exp3A_1690 : vector<16xf32>
      %div3A_1694 = arith.constant 2.000000e+00 : f32
      %div3A_1695 = vector.broadcast %div3A_1694 : f32 to vector<16xf32>
      %div3A_1696 = arith.divf %div3A_1695, %add3A_1693 : vector<16xf32>
      %sub3A_1697 = arith.constant 1.000000e+00 : f32
      %sub3A_1698 = vector.broadcast %sub3A_1697 : f32 to vector<16xf32>
      %sub3A_1699 = arith.subf %div3A_1696, %sub3A_1698 : vector<16xf32>
      %mul3A_1700 = arith.constant 5.000000e-01 : f32
      %mul3A_1701 = vector.broadcast %mul3A_1700 : f32 to vector<16xf32>
      %mul3A_1702 = arith.mulf %mul3A_1701, %add3A_1677 : vector<16xf32>
      %add3A_1703 = arith.constant 1.000000e+00 : f32
      %add3A_1704 = vector.broadcast %add3A_1703 : f32 to vector<16xf32>
      %add3A_1705 = arith.addf %add3A_1704, %sub3A_1699 : vector<16xf32>
      %mul3A_1706 = arith.mulf %mul3A_1702, %add3A_1705 : vector<16xf32>
      %max3A_1707 = arith.maximumf %mul3A_1676, %mul3A_1706 : vector<16xf32>
      %swap3A_1708 = arith.index_cast %add3A_1396 : i32 to index
      %swap3A_1709 = arith.constant 48 : index
      %swap3A_1710 = tpu.vector_load %arg8[%swap3A_1708, %swap3A_1709] {strides = array<i32>} : memref<392x96xf32, #tpu.memory_space<vmem>>, vector<1x16xf32>,
      %swap3A_1711 = vector.shape_cast %swap3A_1710 : vector<1x16xf32> to vector<16xf32>
      %swap3A_1712 = vector.shape_cast %max3A_1707 : vector<16xf32> to vector<1x16xf32>
      tpu.vector_store %arg8[%swap3A_1708, %swap3A_1709], %swap3A_1712 {strides = array<i32>} : memref<392x96xf32, #tpu.memory_space<vmem>>, vector<1x16xf32>,
      %get3A_1713 = arith.index_cast %add3A_1396 : i32 to index
      %get3A_1714 = arith.constant 64 : index
      %get3A_1715 = tpu.vector_load %arg7[%get3A_1713, %get3A_1714] {strides = array<i32>} : memref<392x96xf32, #tpu.memory_space<vmem>>, vector<1x16xf32>,
      %get3A_1716 = vector.shape_cast %get3A_1715 : vector<1x16xf32> to vector<16xf32>
      %add3A_1717 = arith.addf %get3A_1716, %scan3A_1431#4 : vector<16xf32>
      %mul3A_1718 = arith.mulf %add3A_1717, %add3A_1717 : vector<16xf32>
      %mul3A_1719 = arith.mulf %mul3A_1718, %add3A_1717 : vector<16xf32>
      %mul3A_1720 = arith.constant 4.471500e-02 : f32
      %mul3A_1721 = vector.broadcast %mul3A_1720 : f32 to vector<16xf32>
      %mul3A_1722 = arith.mulf %mul3A_1721, %mul3A_1719 : vector<16xf32>
      %add3A_1723 = arith.addf %add3A_1717, %mul3A_1722 : vector<16xf32>
      %mul3A_1724 = arith.constant 0.797884583 : f32
      %mul3A_1725 = vector.broadcast %mul3A_1724 : f32 to vector<16xf32>
      %mul3A_1726 = arith.mulf %mul3A_1725, %add3A_1723 : vector<16xf32>
      %mul3A_1727 = arith.constant -2.000000e+00 : f32
      %mul3A_1728 = vector.broadcast %mul3A_1727 : f32 to vector<16xf32>
      %mul3A_1729 = arith.mulf %mul3A_1728, %mul3A_1726 : vector<16xf32>
      %exp3A_1730 = math.exp %mul3A_1729 : vector<16xf32>
      %add3A_1731 = arith.constant 1.000000e+00 : f32
      %add3A_1732 = vector.broadcast %add3A_1731 : f32 to vector<16xf32>
      %add3A_1733 = arith.addf %add3A_1732, %exp3A_1730 : vector<16xf32>
      %div3A_1734 = arith.constant 2.000000e+00 : f32
      %div3A_1735 = vector.broadcast %div3A_1734 : f32 to vector<16xf32>
      %div3A_1736 = arith.divf %div3A_1735, %add3A_1733 : vector<16xf32>
      %sub3A_1737 = arith.constant 1.000000e+00 : f32
      %sub3A_1738 = vector.broadcast %sub3A_1737 : f32 to vector<16xf32>
      %sub3A_1739 = arith.subf %div3A_1736, %sub3A_1738 : vector<16xf32>
      %mul3A_1740 = arith.constant 5.000000e-01 : f32
      %mul3A_1741 = vector.broadcast %mul3A_1740 : f32 to vector<16xf32>
      %mul3A_1742 = arith.mulf %mul3A_1741, %add3A_1717 : vector<16xf32>
      %add3A_1743 = arith.constant 1.000000e+00 : f32
      %add3A_1744 = vector.broadcast %add3A_1743 : f32 to vector<16xf32>
      %add3A_1745 = arith.addf %add3A_1744, %sub3A_1739 : vector<16xf32>
      %mul3A_1746 = arith.mulf %mul3A_1742, %add3A_1745 : vector<16xf32>
      %add3A_1747 = arith.addf %get3A_1716, %scan3A_1431#10 : vector<16xf32>
      %mul3A_1748 = arith.mulf %add3A_1747, %add3A_1747 : vector<16xf32>
      %mul3A_1749 = arith.mulf %mul3A_1748, %add3A_1747 : vector<16xf32>
      %mul3A_1750 = arith.constant 4.471500e-02 : f32
      %mul3A_1751 = vector.broadcast %mul3A_1750 : f32 to vector<16xf32>
      %mul3A_1752 = arith.mulf %mul3A_1751, %mul3A_1749 : vector<16xf32>
      %add3A_1753 = arith.addf %add3A_1747, %mul3A_1752 : vector<16xf32>
      %mul3A_1754 = arith.constant 0.797884583 : f32
      %mul3A_1755 = vector.broadcast %mul3A_1754 : f32 to vector<16xf32>
      %mul3A_1756 = arith.mulf %mul3A_1755, %add3A_1753 : vector<16xf32>
      %mul3A_1757 = arith.constant -2.000000e+00 : f32
      %mul3A_1758 = vector.broadcast %mul3A_1757 : f32 to vector<16xf32>
      %mul3A_1759 = arith.mulf %mul3A_1758, %mul3A_1756 : vector<16xf32>
      %exp3A_1760 = math.exp %mul3A_1759 : vector<16xf32>
      %add3A_1761 = arith.constant 1.000000e+00 : f32
      %add3A_1762 = vector.broadcast %add3A_1761 : f32 to vector<16xf32>
      %add3A_1763 = arith.addf %add3A_1762, %exp3A_1760 : vector<16xf32>
      %div3A_1764 = arith.constant 2.000000e+00 : f32
      %div3A_1765 = vector.broadcast %div3A_1764 : f32 to vector<16xf32>
      %div3A_1766 = arith.divf %div3A_1765, %add3A_1763 : vector<16xf32>
      %sub3A_1767 = arith.constant 1.000000e+00 : f32
      %sub3A_1768 = vector.broadcast %sub3A_1767 : f32 to vector<16xf32>
      %sub3A_1769 = arith.subf %div3A_1766, %sub3A_1768 : vector<16xf32>
      %mul3A_1770 = arith.constant 5.000000e-01 : f32
      %mul3A_1771 = vector.broadcast %mul3A_1770 : f32 to vector<16xf32>
      %mul3A_1772 = arith.mulf %mul3A_1771, %add3A_1747 : vector<16xf32>
      %add3A_1773 = arith.constant 1.000000e+00 : f32
      %add3A_1774 = vector.broadcast %add3A_1773 : f32 to vector<16xf32>
      %add3A_1775 = arith.addf %add3A_1774, %sub3A_1769 : vector<16xf32>
      %mul3A_1776 = arith.mulf %mul3A_1772, %add3A_1775 : vector<16xf32>
      %max3A_1777 = arith.maximumf %mul3A_1746, %mul3A_1776 : vector<16xf32>
      %swap3A_1778 = arith.index_cast %add3A_1396 : i32 to index
      %swap3A_1779 = arith.constant 64 : index
      %swap3A_1780 = tpu.vector_load %arg8[%swap3A_1778, %swap3A_1779] {strides = array<i32>} : memref<392x96xf32, #tpu.memory_space<vmem>>, vector<1x16xf32>,
      %swap3A_1781 = vector.shape_cast %swap3A_1780 : vector<1x16xf32> to vector<16xf32>
      %swap3A_1782 = vector.shape_cast %max3A_1777 : vector<16xf32> to vector<1x16xf32>
      tpu.vector_store %arg8[%swap3A_1778, %swap3A_1779], %swap3A_1782 {strides = array<i32>} : memref<392x96xf32, #tpu.memory_space<vmem>>, vector<1x16xf32>,
      %get3A_1783 = arith.index_cast %add3A_1396 : i32 to index
      %get3A_1784 = arith.constant 80 : index
      %get3A_1785 = tpu.vector_load %arg7[%get3A_1783, %get3A_1784] {strides = array<i32>} : memref<392x96xf32, #tpu.memory_space<vmem>>, vector<1x16xf32>,
      %get3A_1786 = vector.shape_cast %get3A_1785 : vector<1x16xf32> to vector<16xf32>
      %add3A_1787 = arith.addf %get3A_1786, %scan3A_1431#5 : vector<16xf32>
      %mul3A_1788 = arith.mulf %add3A_1787, %add3A_1787 : vector<16xf32>
      %mul3A_1789 = arith.mulf %mul3A_1788, %add3A_1787 : vector<16xf32>
      %mul3A_1790 = arith.constant 4.471500e-02 : f32
      %mul3A_1791 = vector.broadcast %mul3A_1790 : f32 to vector<16xf32>
      %mul3A_1792 = arith.mulf %mul3A_1791, %mul3A_1789 : vector<16xf32>
      %add3A_1793 = arith.addf %add3A_1787, %mul3A_1792 : vector<16xf32>
      %mul3A_1794 = arith.constant 0.797884583 : f32
      %mul3A_1795 = vector.broadcast %mul3A_1794 : f32 to vector<16xf32>
      %mul3A_1796 = arith.mulf %mul3A_1795, %add3A_1793 : vector<16xf32>
      %mul3A_1797 = arith.constant -2.000000e+00 : f32
      %mul3A_1798 = vector.broadcast %mul3A_1797 : f32 to vector<16xf32>
      %mul3A_1799 = arith.mulf %mul3A_1798, %mul3A_1796 : vector<16xf32>
      %exp3A_1800 = math.exp %mul3A_1799 : vector<16xf32>
      %add3A_1801 = arith.constant 1.000000e+00 : f32
      %add3A_1802 = vector.broadcast %add3A_1801 : f32 to vector<16xf32>
      %add3A_1803 = arith.addf %add3A_1802, %exp3A_1800 : vector<16xf32>
      %div3A_1804 = arith.constant 2.000000e+00 : f32
      %div3A_1805 = vector.broadcast %div3A_1804 : f32 to vector<16xf32>
      %div3A_1806 = arith.divf %div3A_1805, %add3A_1803 : vector<16xf32>
      %sub3A_1807 = arith.constant 1.000000e+00 : f32
      %sub3A_1808 = vector.broadcast %sub3A_1807 : f32 to vector<16xf32>
      %sub3A_1809 = arith.subf %div3A_1806, %sub3A_1808 : vector<16xf32>
      %mul3A_1810 = arith.constant 5.000000e-01 : f32
      %mul3A_1811 = vector.broadcast %mul3A_1810 : f32 to vector<16xf32>
      %mul3A_1812 = arith.mulf %mul3A_1811, %add3A_1787 : vector<16xf32>
      %add3A_1813 = arith.constant 1.000000e+00 : f32
      %add3A_1814 = vector.broadcast %add3A_1813 : f32 to vector<16xf32>
      %add3A_1815 = arith.addf %add3A_1814, %sub3A_1809 : vector<16xf32>
      %mul3A_1816 = arith.mulf %mul3A_1812, %add3A_1815 : vector<16xf32>
      %add3A_1817 = arith.addf %get3A_1786, %scan3A_1431#11 : vector<16xf32>
      %mul3A_1818 = arith.mulf %add3A_1817, %add3A_1817 : vector<16xf32>
      %mul3A_1819 = arith.mulf %mul3A_1818, %add3A_1817 : vector<16xf32>
      %mul3A_1820 = arith.constant 4.471500e-02 : f32
      %mul3A_1821 = vector.broadcast %mul3A_1820 : f32 to vector<16xf32>
      %mul3A_1822 = arith.mulf %mul3A_1821, %mul3A_1819 : vector<16xf32>
      %add3A_1823 = arith.addf %add3A_1817, %mul3A_1822 : vector<16xf32>
      %mul3A_1824 = arith.constant 0.797884583 : f32
      %mul3A_1825 = vector.broadcast %mul3A_1824 : f32 to vector<16xf32>
      %mul3A_1826 = arith.mulf %mul3A_1825, %add3A_1823 : vector<16xf32>
      %mul3A_1827 = arith.constant -2.000000e+00 : f32
      %mul3A_1828 = vector.broadcast %mul3A_1827 : f32 to vector<16xf32>
      %mul3A_1829 = arith.mulf %mul3A_1828, %mul3A_1826 : vector<16xf32>
      %exp3A_1830 = math.exp %mul3A_1829 : vector<16xf32>
      %add3A_1831 = arith.constant 1.000000e+00 : f32
      %add3A_1832 = vector.broadcast %add3A_1831 : f32 to vector<16xf32>
      %add3A_1833 = arith.addf %add3A_1832, %exp3A_1830 : vector<16xf32>
      %div3A_1834 = arith.constant 2.000000e+00 : f32
      %div3A_1835 = vector.broadcast %div3A_1834 : f32 to vector<16xf32>
      %div3A_1836 = arith.divf %div3A_1835, %add3A_1833 : vector<16xf32>
      %sub3A_1837 = arith.constant 1.000000e+00 : f32
      %sub3A_1838 = vector.broadcast %sub3A_1837 : f32 to vector<16xf32>
      %sub3A_1839 = arith.subf %div3A_1836, %sub3A_1838 : vector<16xf32>
      %mul3A_1840 = arith.constant 5.000000e-01 : f32
      %mul3A_1841 = vector.broadcast %mul3A_1840 : f32 to vector<16xf32>
      %mul3A_1842 = arith.mulf %mul3A_1841, %add3A_1817 : vector<16xf32>
      %add3A_1843 = arith.constant 1.000000e+00 : f32
      %add3A_1844 = vector.broadcast %add3A_1843 : f32 to vector<16xf32>
      %add3A_1845 = arith.addf %add3A_1844, %sub3A_1839 : vector<16xf32>
      %mul3A_1846 = arith.mulf %mul3A_1842, %add3A_1845 : vector<16xf32>
      %max3A_1847 = arith.maximumf %mul3A_1816, %mul3A_1846 : vector<16xf32>
      %swap3A_1848 = arith.index_cast %add3A_1396 : i32 to index
      %swap3A_1849 = arith.constant 80 : index
      %swap3A_1850 = tpu.vector_load %arg8[%swap3A_1848, %swap3A_1849] {strides = array<i32>} : memref<392x96xf32, #tpu.memory_space<vmem>>, vector<1x16xf32>,
      %swap3A_1851 = vector.shape_cast %swap3A_1850 : vector<1x16xf32> to vector<16xf32>
      %swap3A_1852 = vector.shape_cast %max3A_1847 : vector<16xf32> to vector<1x16xf32>
      tpu.vector_store %arg8[%swap3A_1848, %swap3A_1849], %swap3A_1852 {strides = array<i32>} : memref<392x96xf32, #tpu.memory_space<vmem>>, vector<1x16xf32>,
      %mul3A_1853 = arith.constant 8 : i32
      %mul3A_1854 = arith.muli %scan3A_8, %mul3A_1853 : i32
      %add3A_1855 = arith.constant 4 : i32
      %add3A_1856 = arith.addi %mul3A_1854, %add3A_1855 : i32
      %get3A_1857 = arith.constant 64 : i32
      %get3A_1858 = arith.index_cast %get3A_1857 : i32 to index
      %get3A_1859 = arith.constant 0 : index
      %get3A_1860 = tpu.vector_load %arg9[%get3A_1858, %get3A_1859] {strides = array<i32>} : memref<128x128xf32, #tpu.memory_space<vmem>>, vector<1x16xf32>,
      %get3A_1861 = vector.shape_cast %get3A_1860 : vector<1x16xf32> to vector<16xf32>
      %get3A_1862 = arith.constant 64 : i32
      %get3A_1863 = arith.index_cast %get3A_1862 : i32 to index
      %get3A_1864 = arith.constant 16 : index
      %get3A_1865 = tpu.vector_load %arg9[%get3A_1863, %get3A_1864] {strides = array<i32>} : memref<128x128xf32, #tpu.memory_space<vmem>>, vector<1x16xf32>,
      %get3A_1866 = vector.shape_cast %get3A_1865 : vector<1x16xf32> to vector<16xf32>
      %get3A_1867 = arith.constant 64 : i32
      %get3A_1868 = arith.index_cast %get3A_1867 : i32 to index
      %get3A_1869 = arith.constant 32 : index
      %get3A_1870 = tpu.vector_load %arg9[%get3A_1868, %get3A_1869] {strides = array<i32>} : memref<128x128xf32, #tpu.memory_space<vmem>>, vector<1x16xf32>,
      %get3A_1871 = vector.shape_cast %get3A_1870 : vector<1x16xf32> to vector<16xf32>
      %get3A_1872 = arith.constant 64 : i32
      %get3A_1873 = arith.index_cast %get3A_1872 : i32 to index
      %get3A_1874 = arith.constant 48 : index
      %get3A_1875 = tpu.vector_load %arg9[%get3A_1873, %get3A_1874] {strides = array<i32>} : memref<128x128xf32, #tpu.memory_space<vmem>>, vector<1x16xf32>,
      %get3A_1876 = vector.shape_cast %get3A_1875 : vector<1x16xf32> to vector<16xf32>
      %get3A_1877 = arith.constant 64 : i32
      %get3A_1878 = arith.index_cast %get3A_1877 : i32 to index
      %get3A_1879 = arith.constant 64 : index
      %get3A_1880 = tpu.vector_load %arg9[%get3A_1878, %get3A_1879] {strides = array<i32>} : memref<128x128xf32, #tpu.memory_space<vmem>>, vector<1x16xf32>,
      %get3A_1881 = vector.shape_cast %get3A_1880 : vector<1x16xf32> to vector<16xf32>
      %get3A_1882 = arith.constant 64 : i32
      %get3A_1883 = arith.index_cast %get3A_1882 : i32 to index
      %get3A_1884 = arith.constant 80 : index
      %get3A_1885 = tpu.vector_load %arg9[%get3A_1883, %get3A_1884] {strides = array<i32>} : memref<128x128xf32, #tpu.memory_space<vmem>>, vector<1x16xf32>,
      %get3A_1886 = vector.shape_cast %get3A_1885 : vector<1x16xf32> to vector<16xf32>
      %scan3A_1887 = arith.constant 1 : i32
      %scan3A_1888 = arith.constant 15 : i32
      %scan3A_1889 = arith.addi %scan3A_1887, %scan3A_1888 : i32
      %scan3A_1890 = arith.constant 1 : i32
      %scan3A_1891:12 = scf.for %scan3A_3693 = %scan3A_1887 to %scan3A_1889 step %scan3A_1890 iter_args(%scan3A_3694 = %get3A_1861, %scan3A_3695 = %get3A_1866, %scan3A_3696 = %get3A_1871, %scan3A_3697 = %get3A_1876, %scan3A_3698 = %get3A_1881, %scan3A_3699 = %get3A_1886, %scan3A_3700 = %get3A_1861, %scan3A_3701 = %get3A_1866, %scan3A_3702 = %get3A_1871, %scan3A_3703 = %get3A_1876, %scan3A_3704 = %get3A_1881, %scan3A_3705 = %get3A_1886) -> (vector<16xf32>, vector<16xf32>, vector<16xf32>, vector<16xf32>, vector<16xf32>, vector<16xf32>, vector<16xf32>, vector<16xf32>, vector<16xf32>, vector<16xf32>, vector<16xf32>, vector<16xf32>)  : i32 {
        %add3A_3706 = arith.constant 64 : i32
        %add3A_3707 = arith.addi %add3A_3706, %scan3A_3693 : i32
        %get3A_3708 = arith.index_cast %add3A_3707 : i32 to index
        %get3A_3709 = arith.constant 0 : index
        %get3A_3710 = tpu.vector_load %arg9[%get3A_3708, %get3A_3709] {strides = array<i32>} : memref<128x128xf32, #tpu.memory_space<vmem>>, vector<1x16xf32>,
        %get3A_3711 = vector.shape_cast %get3A_3710 : vector<1x16xf32> to vector<16xf32>
        %add3A_3712 = arith.constant 64 : i32
        %add3A_3713 = arith.addi %add3A_3712, %scan3A_3693 : i32
        %get3A_3714 = arith.index_cast %add3A_3713 : i32 to index
        %get3A_3715 = arith.constant 16 : index
        %get3A_3716 = tpu.vector_load %arg9[%get3A_3714, %get3A_3715] {strides = array<i32>} : memref<128x128xf32, #tpu.memory_space<vmem>>, vector<1x16xf32>,
        %get3A_3717 = vector.shape_cast %get3A_3716 : vector<1x16xf32> to vector<16xf32>
        %add3A_3718 = arith.constant 64 : i32
        %add3A_3719 = arith.addi %add3A_3718, %scan3A_3693 : i32
        %get3A_3720 = arith.index_cast %add3A_3719 : i32 to index
        %get3A_3721 = arith.constant 32 : index
        %get3A_3722 = tpu.vector_load %arg9[%get3A_3720, %get3A_3721] {strides = array<i32>} : memref<128x128xf32, #tpu.memory_space<vmem>>, vector<1x16xf32>,
        %get3A_3723 = vector.shape_cast %get3A_3722 : vector<1x16xf32> to vector<16xf32>
        %add3A_3724 = arith.constant 64 : i32
        %add3A_3725 = arith.addi %add3A_3724, %scan3A_3693 : i32
        %get3A_3726 = arith.index_cast %add3A_3725 : i32 to index
        %get3A_3727 = arith.constant 48 : index
        %get3A_3728 = tpu.vector_load %arg9[%get3A_3726, %get3A_3727] {strides = array<i32>} : memref<128x128xf32, #tpu.memory_space<vmem>>, vector<1x16xf32>,
        %get3A_3729 = vector.shape_cast %get3A_3728 : vector<1x16xf32> to vector<16xf32>
        %add3A_3730 = arith.constant 64 : i32
        %add3A_3731 = arith.addi %add3A_3730, %scan3A_3693 : i32
        %get3A_3732 = arith.index_cast %add3A_3731 : i32 to index
        %get3A_3733 = arith.constant 64 : index
        %get3A_3734 = tpu.vector_load %arg9[%get3A_3732, %get3A_3733] {strides = array<i32>} : memref<128x128xf32, #tpu.memory_space<vmem>>, vector<1x16xf32>,
        %get3A_3735 = vector.shape_cast %get3A_3734 : vector<1x16xf32> to vector<16xf32>
        %add3A_3736 = arith.constant 64 : i32
        %add3A_3737 = arith.addi %add3A_3736, %scan3A_3693 : i32
        %get3A_3738 = arith.index_cast %add3A_3737 : i32 to index
        %get3A_3739 = arith.constant 80 : index
        %get3A_3740 = tpu.vector_load %arg9[%get3A_3738, %get3A_3739] {strides = array<i32>} : memref<128x128xf32, #tpu.memory_space<vmem>>, vector<1x16xf32>,
        %get3A_3741 = vector.shape_cast %get3A_3740 : vector<1x16xf32> to vector<16xf32>
        %min3A = arith.minimumf %scan3A_3694, %get3A_3711 : vector<16xf32>
        %min3A_3742 = arith.minimumf %scan3A_3695, %get3A_3717 : vector<16xf32>
        %min3A_3743 = arith.minimumf %scan3A_3696, %get3A_3723 : vector<16xf32>
        %min3A_3744 = arith.minimumf %scan3A_3697, %get3A_3729 : vector<16xf32>
        %min3A_3745 = arith.minimumf %scan3A_3698, %get3A_3735 : vector<16xf32>
        %min3A_3746 = arith.minimumf %scan3A_3699, %get3A_3741 : vector<16xf32>
        %max3A_3747 = arith.maximumf %scan3A_3700, %get3A_3711 : vector<16xf32>
        %max3A_3748 = arith.maximumf %scan3A_3701, %get3A_3717 : vector<16xf32>
        %max3A_3749 = arith.maximumf %scan3A_3702, %get3A_3723 : vector<16xf32>
        %max3A_3750 = arith.maximumf %scan3A_3703, %get3A_3729 : vector<16xf32>
        %max3A_3751 = arith.maximumf %scan3A_3704, %get3A_3735 : vector<16xf32>
        %max3A_3752 = arith.maximumf %scan3A_3705, %get3A_3741 : vector<16xf32>
        scf.yield %min3A, %min3A_3742, %min3A_3743, %min3A_3744, %min3A_3745, %min3A_3746, %max3A_3747, %max3A_3748, %max3A_3749, %max3A_3750, %max3A_3751, %max3A_3752 : vector<16xf32>, vector<16xf32>, vector<16xf32>, vector<16xf32>, vector<16xf32>, vector<16xf32>, vector<16xf32>, vector<16xf32>, vector<16xf32>, vector<16xf32>, vector<16xf32>, vector<16xf32>
      }
      %scan3A_1892 = arith.constant 15 : i32
      %get3A_1893 = arith.index_cast %add3A_1856 : i32 to index
      %get3A_1894 = arith.constant 0 : index
      %get3A_1895 = tpu.vector_load %arg7[%get3A_1893, %get3A_1894] {strides = array<i32>} : memref<392x96xf32, #tpu.memory_space<vmem>>, vector<1x16xf32>,
      %get3A_1896 = vector.shape_cast %get3A_1895 : vector<1x16xf32> to vector<16xf32>
      %add3A_1897 = arith.addf %get3A_1896, %scan3A_1891#0 : vector<16xf32>
      %mul3A_1898 = arith.mulf %add3A_1897, %add3A_1897 : vector<16xf32>
      %mul3A_1899 = arith.mulf %mul3A_1898, %add3A_1897 : vector<16xf32>
      %mul3A_1900 = arith.constant 4.471500e-02 : f32
      %mul3A_1901 = vector.broadcast %mul3A_1900 : f32 to vector<16xf32>
      %mul3A_1902 = arith.mulf %mul3A_1901, %mul3A_1899 : vector<16xf32>
      %add3A_1903 = arith.addf %add3A_1897, %mul3A_1902 : vector<16xf32>
      %mul3A_1904 = arith.constant 0.797884583 : f32
      %mul3A_1905 = vector.broadcast %mul3A_1904 : f32 to vector<16xf32>
      %mul3A_1906 = arith.mulf %mul3A_1905, %add3A_1903 : vector<16xf32>
      %mul3A_1907 = arith.constant -2.000000e+00 : f32
      %mul3A_1908 = vector.broadcast %mul3A_1907 : f32 to vector<16xf32>
      %mul3A_1909 = arith.mulf %mul3A_1908, %mul3A_1906 : vector<16xf32>
      %exp3A_1910 = math.exp %mul3A_1909 : vector<16xf32>
      %add3A_1911 = arith.constant 1.000000e+00 : f32
      %add3A_1912 = vector.broadcast %add3A_1911 : f32 to vector<16xf32>
      %add3A_1913 = arith.addf %add3A_1912, %exp3A_1910 : vector<16xf32>
      %div3A_1914 = arith.constant 2.000000e+00 : f32
      %div3A_1915 = vector.broadcast %div3A_1914 : f32 to vector<16xf32>
      %div3A_1916 = arith.divf %div3A_1915, %add3A_1913 : vector<16xf32>
      %sub3A_1917 = arith.constant 1.000000e+00 : f32
      %sub3A_1918 = vector.broadcast %sub3A_1917 : f32 to vector<16xf32>
      %sub3A_1919 = arith.subf %div3A_1916, %sub3A_1918 : vector<16xf32>
      %mul3A_1920 = arith.constant 5.000000e-01 : f32
      %mul3A_1921 = vector.broadcast %mul3A_1920 : f32 to vector<16xf32>
      %mul3A_1922 = arith.mulf %mul3A_1921, %add3A_1897 : vector<16xf32>
      %add3A_1923 = arith.constant 1.000000e+00 : f32
      %add3A_1924 = vector.broadcast %add3A_1923 : f32 to vector<16xf32>
      %add3A_1925 = arith.addf %add3A_1924, %sub3A_1919 : vector<16xf32>
      %mul3A_1926 = arith.mulf %mul3A_1922, %add3A_1925 : vector<16xf32>
      %add3A_1927 = arith.addf %get3A_1896, %scan3A_1891#6 : vector<16xf32>
      %mul3A_1928 = arith.mulf %add3A_1927, %add3A_1927 : vector<16xf32>
      %mul3A_1929 = arith.mulf %mul3A_1928, %add3A_1927 : vector<16xf32>
      %mul3A_1930 = arith.constant 4.471500e-02 : f32
      %mul3A_1931 = vector.broadcast %mul3A_1930 : f32 to vector<16xf32>
      %mul3A_1932 = arith.mulf %mul3A_1931, %mul3A_1929 : vector<16xf32>
      %add3A_1933 = arith.addf %add3A_1927, %mul3A_1932 : vector<16xf32>
      %mul3A_1934 = arith.constant 0.797884583 : f32
      %mul3A_1935 = vector.broadcast %mul3A_1934 : f32 to vector<16xf32>
      %mul3A_1936 = arith.mulf %mul3A_1935, %add3A_1933 : vector<16xf32>
      %mul3A_1937 = arith.constant -2.000000e+00 : f32
      %mul3A_1938 = vector.broadcast %mul3A_1937 : f32 to vector<16xf32>
      %mul3A_1939 = arith.mulf %mul3A_1938, %mul3A_1936 : vector<16xf32>
      %exp3A_1940 = math.exp %mul3A_1939 : vector<16xf32>
      %add3A_1941 = arith.constant 1.000000e+00 : f32
      %add3A_1942 = vector.broadcast %add3A_1941 : f32 to vector<16xf32>
      %add3A_1943 = arith.addf %add3A_1942, %exp3A_1940 : vector<16xf32>
      %div3A_1944 = arith.constant 2.000000e+00 : f32
      %div3A_1945 = vector.broadcast %div3A_1944 : f32 to vector<16xf32>
      %div3A_1946 = arith.divf %div3A_1945, %add3A_1943 : vector<16xf32>
      %sub3A_1947 = arith.constant 1.000000e+00 : f32
      %sub3A_1948 = vector.broadcast %sub3A_1947 : f32 to vector<16xf32>
      %sub3A_1949 = arith.subf %div3A_1946, %sub3A_1948 : vector<16xf32>
      %mul3A_1950 = arith.constant 5.000000e-01 : f32
      %mul3A_1951 = vector.broadcast %mul3A_1950 : f32 to vector<16xf32>
      %mul3A_1952 = arith.mulf %mul3A_1951, %add3A_1927 : vector<16xf32>
      %add3A_1953 = arith.constant 1.000000e+00 : f32
      %add3A_1954 = vector.broadcast %add3A_1953 : f32 to vector<16xf32>
      %add3A_1955 = arith.addf %add3A_1954, %sub3A_1949 : vector<16xf32>
      %mul3A_1956 = arith.mulf %mul3A_1952, %add3A_1955 : vector<16xf32>
      %max3A_1957 = arith.maximumf %mul3A_1926, %mul3A_1956 : vector<16xf32>
      %swap3A_1958 = arith.index_cast %add3A_1856 : i32 to index
      %swap3A_1959 = arith.constant 0 : index
      %swap3A_1960 = tpu.vector_load %arg8[%swap3A_1958, %swap3A_1959] {strides = array<i32>} : memref<392x96xf32, #tpu.memory_space<vmem>>, vector<1x16xf32>,
      %swap3A_1961 = vector.shape_cast %swap3A_1960 : vector<1x16xf32> to vector<16xf32>
      %swap3A_1962 = vector.shape_cast %max3A_1957 : vector<16xf32> to vector<1x16xf32>
      tpu.vector_store %arg8[%swap3A_1958, %swap3A_1959], %swap3A_1962 {strides = array<i32>} : memref<392x96xf32, #tpu.memory_space<vmem>>, vector<1x16xf32>,
      %get3A_1963 = arith.index_cast %add3A_1856 : i32 to index
      %get3A_1964 = arith.constant 16 : index
      %get3A_1965 = tpu.vector_load %arg7[%get3A_1963, %get3A_1964] {strides = array<i32>} : memref<392x96xf32, #tpu.memory_space<vmem>>, vector<1x16xf32>,
      %get3A_1966 = vector.shape_cast %get3A_1965 : vector<1x16xf32> to vector<16xf32>
      %add3A_1967 = arith.addf %get3A_1966, %scan3A_1891#1 : vector<16xf32>
      %mul3A_1968 = arith.mulf %add3A_1967, %add3A_1967 : vector<16xf32>
      %mul3A_1969 = arith.mulf %mul3A_1968, %add3A_1967 : vector<16xf32>
      %mul3A_1970 = arith.constant 4.471500e-02 : f32
      %mul3A_1971 = vector.broadcast %mul3A_1970 : f32 to vector<16xf32>
      %mul3A_1972 = arith.mulf %mul3A_1971, %mul3A_1969 : vector<16xf32>
      %add3A_1973 = arith.addf %add3A_1967, %mul3A_1972 : vector<16xf32>
      %mul3A_1974 = arith.constant 0.797884583 : f32
      %mul3A_1975 = vector.broadcast %mul3A_1974 : f32 to vector<16xf32>
      %mul3A_1976 = arith.mulf %mul3A_1975, %add3A_1973 : vector<16xf32>
      %mul3A_1977 = arith.constant -2.000000e+00 : f32
      %mul3A_1978 = vector.broadcast %mul3A_1977 : f32 to vector<16xf32>
      %mul3A_1979 = arith.mulf %mul3A_1978, %mul3A_1976 : vector<16xf32>
      %exp3A_1980 = math.exp %mul3A_1979 : vector<16xf32>
      %add3A_1981 = arith.constant 1.000000e+00 : f32
      %add3A_1982 = vector.broadcast %add3A_1981 : f32 to vector<16xf32>
      %add3A_1983 = arith.addf %add3A_1982, %exp3A_1980 : vector<16xf32>
      %div3A_1984 = arith.constant 2.000000e+00 : f32
      %div3A_1985 = vector.broadcast %div3A_1984 : f32 to vector<16xf32>
      %div3A_1986 = arith.divf %div3A_1985, %add3A_1983 : vector<16xf32>
      %sub3A_1987 = arith.constant 1.000000e+00 : f32
      %sub3A_1988 = vector.broadcast %sub3A_1987 : f32 to vector<16xf32>
      %sub3A_1989 = arith.subf %div3A_1986, %sub3A_1988 : vector<16xf32>
      %mul3A_1990 = arith.constant 5.000000e-01 : f32
      %mul3A_1991 = vector.broadcast %mul3A_1990 : f32 to vector<16xf32>
      %mul3A_1992 = arith.mulf %mul3A_1991, %add3A_1967 : vector<16xf32>
      %add3A_1993 = arith.constant 1.000000e+00 : f32
      %add3A_1994 = vector.broadcast %add3A_1993 : f32 to vector<16xf32>
      %add3A_1995 = arith.addf %add3A_1994, %sub3A_1989 : vector<16xf32>
      %mul3A_1996 = arith.mulf %mul3A_1992, %add3A_1995 : vector<16xf32>
      %add3A_1997 = arith.addf %get3A_1966, %scan3A_1891#7 : vector<16xf32>
      %mul3A_1998 = arith.mulf %add3A_1997, %add3A_1997 : vector<16xf32>
      %mul3A_1999 = arith.mulf %mul3A_1998, %add3A_1997 : vector<16xf32>
      %mul3A_2000 = arith.constant 4.471500e-02 : f32
      %mul3A_2001 = vector.broadcast %mul3A_2000 : f32 to vector<16xf32>
      %mul3A_2002 = arith.mulf %mul3A_2001, %mul3A_1999 : vector<16xf32>
      %add3A_2003 = arith.addf %add3A_1997, %mul3A_2002 : vector<16xf32>
      %mul3A_2004 = arith.constant 0.797884583 : f32
      %mul3A_2005 = vector.broadcast %mul3A_2004 : f32 to vector<16xf32>
      %mul3A_2006 = arith.mulf %mul3A_2005, %add3A_2003 : vector<16xf32>
      %mul3A_2007 = arith.constant -2.000000e+00 : f32
      %mul3A_2008 = vector.broadcast %mul3A_2007 : f32 to vector<16xf32>
      %mul3A_2009 = arith.mulf %mul3A_2008, %mul3A_2006 : vector<16xf32>
      %exp3A_2010 = math.exp %mul3A_2009 : vector<16xf32>
      %add3A_2011 = arith.constant 1.000000e+00 : f32
      %add3A_2012 = vector.broadcast %add3A_2011 : f32 to vector<16xf32>
      %add3A_2013 = arith.addf %add3A_2012, %exp3A_2010 : vector<16xf32>
      %div3A_2014 = arith.constant 2.000000e+00 : f32
      %div3A_2015 = vector.broadcast %div3A_2014 : f32 to vector<16xf32>
      %div3A_2016 = arith.divf %div3A_2015, %add3A_2013 : vector<16xf32>
      %sub3A_2017 = arith.constant 1.000000e+00 : f32
      %sub3A_2018 = vector.broadcast %sub3A_2017 : f32 to vector<16xf32>
      %sub3A_2019 = arith.subf %div3A_2016, %sub3A_2018 : vector<16xf32>
      %mul3A_2020 = arith.constant 5.000000e-01 : f32
      %mul3A_2021 = vector.broadcast %mul3A_2020 : f32 to vector<16xf32>
      %mul3A_2022 = arith.mulf %mul3A_2021, %add3A_1997 : vector<16xf32>
      %add3A_2023 = arith.constant 1.000000e+00 : f32
      %add3A_2024 = vector.broadcast %add3A_2023 : f32 to vector<16xf32>
      %add3A_2025 = arith.addf %add3A_2024, %sub3A_2019 : vector<16xf32>
      %mul3A_2026 = arith.mulf %mul3A_2022, %add3A_2025 : vector<16xf32>
      %max3A_2027 = arith.maximumf %mul3A_1996, %mul3A_2026 : vector<16xf32>
      %swap3A_2028 = arith.index_cast %add3A_1856 : i32 to index
      %swap3A_2029 = arith.constant 16 : index
      %swap3A_2030 = tpu.vector_load %arg8[%swap3A_2028, %swap3A_2029] {strides = array<i32>} : memref<392x96xf32, #tpu.memory_space<vmem>>, vector<1x16xf32>,
      %swap3A_2031 = vector.shape_cast %swap3A_2030 : vector<1x16xf32> to vector<16xf32>
      %swap3A_2032 = vector.shape_cast %max3A_2027 : vector<16xf32> to vector<1x16xf32>
      tpu.vector_store %arg8[%swap3A_2028, %swap3A_2029], %swap3A_2032 {strides = array<i32>} : memref<392x96xf32, #tpu.memory_space<vmem>>, vector<1x16xf32>,
      %get3A_2033 = arith.index_cast %add3A_1856 : i32 to index
      %get3A_2034 = arith.constant 32 : index
      %get3A_2035 = tpu.vector_load %arg7[%get3A_2033, %get3A_2034] {strides = array<i32>} : memref<392x96xf32, #tpu.memory_space<vmem>>, vector<1x16xf32>,
      %get3A_2036 = vector.shape_cast %get3A_2035 : vector<1x16xf32> to vector<16xf32>
      %add3A_2037 = arith.addf %get3A_2036, %scan3A_1891#2 : vector<16xf32>
      %mul3A_2038 = arith.mulf %add3A_2037, %add3A_2037 : vector<16xf32>
      %mul3A_2039 = arith.mulf %mul3A_2038, %add3A_2037 : vector<16xf32>
      %mul3A_2040 = arith.constant 4.471500e-02 : f32
      %mul3A_2041 = vector.broadcast %mul3A_2040 : f32 to vector<16xf32>
      %mul3A_2042 = arith.mulf %mul3A_2041, %mul3A_2039 : vector<16xf32>
      %add3A_2043 = arith.addf %add3A_2037, %mul3A_2042 : vector<16xf32>
      %mul3A_2044 = arith.constant 0.797884583 : f32
      %mul3A_2045 = vector.broadcast %mul3A_2044 : f32 to vector<16xf32>
      %mul3A_2046 = arith.mulf %mul3A_2045, %add3A_2043 : vector<16xf32>
      %mul3A_2047 = arith.constant -2.000000e+00 : f32
      %mul3A_2048 = vector.broadcast %mul3A_2047 : f32 to vector<16xf32>
      %mul3A_2049 = arith.mulf %mul3A_2048, %mul3A_2046 : vector<16xf32>
      %exp3A_2050 = math.exp %mul3A_2049 : vector<16xf32>
      %add3A_2051 = arith.constant 1.000000e+00 : f32
      %add3A_2052 = vector.broadcast %add3A_2051 : f32 to vector<16xf32>
      %add3A_2053 = arith.addf %add3A_2052, %exp3A_2050 : vector<16xf32>
      %div3A_2054 = arith.constant 2.000000e+00 : f32
      %div3A_2055 = vector.broadcast %div3A_2054 : f32 to vector<16xf32>
      %div3A_2056 = arith.divf %div3A_2055, %add3A_2053 : vector<16xf32>
      %sub3A_2057 = arith.constant 1.000000e+00 : f32
      %sub3A_2058 = vector.broadcast %sub3A_2057 : f32 to vector<16xf32>
      %sub3A_2059 = arith.subf %div3A_2056, %sub3A_2058 : vector<16xf32>
      %mul3A_2060 = arith.constant 5.000000e-01 : f32
      %mul3A_2061 = vector.broadcast %mul3A_2060 : f32 to vector<16xf32>
      %mul3A_2062 = arith.mulf %mul3A_2061, %add3A_2037 : vector<16xf32>
      %add3A_2063 = arith.constant 1.000000e+00 : f32
      %add3A_2064 = vector.broadcast %add3A_2063 : f32 to vector<16xf32>
      %add3A_2065 = arith.addf %add3A_2064, %sub3A_2059 : vector<16xf32>
      %mul3A_2066 = arith.mulf %mul3A_2062, %add3A_2065 : vector<16xf32>
      %add3A_2067 = arith.addf %get3A_2036, %scan3A_1891#8 : vector<16xf32>
      %mul3A_2068 = arith.mulf %add3A_2067, %add3A_2067 : vector<16xf32>
      %mul3A_2069 = arith.mulf %mul3A_2068, %add3A_2067 : vector<16xf32>
      %mul3A_2070 = arith.constant 4.471500e-02 : f32
      %mul3A_2071 = vector.broadcast %mul3A_2070 : f32 to vector<16xf32>
      %mul3A_2072 = arith.mulf %mul3A_2071, %mul3A_2069 : vector<16xf32>
      %add3A_2073 = arith.addf %add3A_2067, %mul3A_2072 : vector<16xf32>
      %mul3A_2074 = arith.constant 0.797884583 : f32
      %mul3A_2075 = vector.broadcast %mul3A_2074 : f32 to vector<16xf32>
      %mul3A_2076 = arith.mulf %mul3A_2075, %add3A_2073 : vector<16xf32>
      %mul3A_2077 = arith.constant -2.000000e+00 : f32
      %mul3A_2078 = vector.broadcast %mul3A_2077 : f32 to vector<16xf32>
      %mul3A_2079 = arith.mulf %mul3A_2078, %mul3A_2076 : vector<16xf32>
      %exp3A_2080 = math.exp %mul3A_2079 : vector<16xf32>
      %add3A_2081 = arith.constant 1.000000e+00 : f32
      %add3A_2082 = vector.broadcast %add3A_2081 : f32 to vector<16xf32>
      %add3A_2083 = arith.addf %add3A_2082, %exp3A_2080 : vector<16xf32>
      %div3A_2084 = arith.constant 2.000000e+00 : f32
      %div3A_2085 = vector.broadcast %div3A_2084 : f32 to vector<16xf32>
      %div3A_2086 = arith.divf %div3A_2085, %add3A_2083 : vector<16xf32>
      %sub3A_2087 = arith.constant 1.000000e+00 : f32
      %sub3A_2088 = vector.broadcast %sub3A_2087 : f32 to vector<16xf32>
      %sub3A_2089 = arith.subf %div3A_2086, %sub3A_2088 : vector<16xf32>
      %mul3A_2090 = arith.constant 5.000000e-01 : f32
      %mul3A_2091 = vector.broadcast %mul3A_2090 : f32 to vector<16xf32>
      %mul3A_2092 = arith.mulf %mul3A_2091, %add3A_2067 : vector<16xf32>
      %add3A_2093 = arith.constant 1.000000e+00 : f32
      %add3A_2094 = vector.broadcast %add3A_2093 : f32 to vector<16xf32>
      %add3A_2095 = arith.addf %add3A_2094, %sub3A_2089 : vector<16xf32>
      %mul3A_2096 = arith.mulf %mul3A_2092, %add3A_2095 : vector<16xf32>
      %max3A_2097 = arith.maximumf %mul3A_2066, %mul3A_2096 : vector<16xf32>
      %swap3A_2098 = arith.index_cast %add3A_1856 : i32 to index
      %swap3A_2099 = arith.constant 32 : index
      %swap3A_2100 = tpu.vector_load %arg8[%swap3A_2098, %swap3A_2099] {strides = array<i32>} : memref<392x96xf32, #tpu.memory_space<vmem>>, vector<1x16xf32>,
      %swap3A_2101 = vector.shape_cast %swap3A_2100 : vector<1x16xf32> to vector<16xf32>
      %swap3A_2102 = vector.shape_cast %max3A_2097 : vector<16xf32> to vector<1x16xf32>
      tpu.vector_store %arg8[%swap3A_2098, %swap3A_2099], %swap3A_2102 {strides = array<i32>} : memref<392x96xf32, #tpu.memory_space<vmem>>, vector<1x16xf32>,
      %get3A_2103 = arith.index_cast %add3A_1856 : i32 to index
      %get3A_2104 = arith.constant 48 : index
      %get3A_2105 = tpu.vector_load %arg7[%get3A_2103, %get3A_2104] {strides = array<i32>} : memref<392x96xf32, #tpu.memory_space<vmem>>, vector<1x16xf32>,
      %get3A_2106 = vector.shape_cast %get3A_2105 : vector<1x16xf32> to vector<16xf32>
      %add3A_2107 = arith.addf %get3A_2106, %scan3A_1891#3 : vector<16xf32>
      %mul3A_2108 = arith.mulf %add3A_2107, %add3A_2107 : vector<16xf32>
      %mul3A_2109 = arith.mulf %mul3A_2108, %add3A_2107 : vector<16xf32>
      %mul3A_2110 = arith.constant 4.471500e-02 : f32
      %mul3A_2111 = vector.broadcast %mul3A_2110 : f32 to vector<16xf32>
      %mul3A_2112 = arith.mulf %mul3A_2111, %mul3A_2109 : vector<16xf32>
      %add3A_2113 = arith.addf %add3A_2107, %mul3A_2112 : vector<16xf32>
      %mul3A_2114 = arith.constant 0.797884583 : f32
      %mul3A_2115 = vector.broadcast %mul3A_2114 : f32 to vector<16xf32>
      %mul3A_2116 = arith.mulf %mul3A_2115, %add3A_2113 : vector<16xf32>
      %mul3A_2117 = arith.constant -2.000000e+00 : f32
      %mul3A_2118 = vector.broadcast %mul3A_2117 : f32 to vector<16xf32>
      %mul3A_2119 = arith.mulf %mul3A_2118, %mul3A_2116 : vector<16xf32>
      %exp3A_2120 = math.exp %mul3A_2119 : vector<16xf32>
      %add3A_2121 = arith.constant 1.000000e+00 : f32
      %add3A_2122 = vector.broadcast %add3A_2121 : f32 to vector<16xf32>
      %add3A_2123 = arith.addf %add3A_2122, %exp3A_2120 : vector<16xf32>
      %div3A_2124 = arith.constant 2.000000e+00 : f32
      %div3A_2125 = vector.broadcast %div3A_2124 : f32 to vector<16xf32>
      %div3A_2126 = arith.divf %div3A_2125, %add3A_2123 : vector<16xf32>
      %sub3A_2127 = arith.constant 1.000000e+00 : f32
      %sub3A_2128 = vector.broadcast %sub3A_2127 : f32 to vector<16xf32>
      %sub3A_2129 = arith.subf %div3A_2126, %sub3A_2128 : vector<16xf32>
      %mul3A_2130 = arith.constant 5.000000e-01 : f32
      %mul3A_2131 = vector.broadcast %mul3A_2130 : f32 to vector<16xf32>
      %mul3A_2132 = arith.mulf %mul3A_2131, %add3A_2107 : vector<16xf32>
      %add3A_2133 = arith.constant 1.000000e+00 : f32
      %add3A_2134 = vector.broadcast %add3A_2133 : f32 to vector<16xf32>
      %add3A_2135 = arith.addf %add3A_2134, %sub3A_2129 : vector<16xf32>
      %mul3A_2136 = arith.mulf %mul3A_2132, %add3A_2135 : vector<16xf32>
      %add3A_2137 = arith.addf %get3A_2106, %scan3A_1891#9 : vector<16xf32>
      %mul3A_2138 = arith.mulf %add3A_2137, %add3A_2137 : vector<16xf32>
      %mul3A_2139 = arith.mulf %mul3A_2138, %add3A_2137 : vector<16xf32>
      %mul3A_2140 = arith.constant 4.471500e-02 : f32
      %mul3A_2141 = vector.broadcast %mul3A_2140 : f32 to vector<16xf32>
      %mul3A_2142 = arith.mulf %mul3A_2141, %mul3A_2139 : vector<16xf32>
      %add3A_2143 = arith.addf %add3A_2137, %mul3A_2142 : vector<16xf32>
      %mul3A_2144 = arith.constant 0.797884583 : f32
      %mul3A_2145 = vector.broadcast %mul3A_2144 : f32 to vector<16xf32>
      %mul3A_2146 = arith.mulf %mul3A_2145, %add3A_2143 : vector<16xf32>
      %mul3A_2147 = arith.constant -2.000000e+00 : f32
      %mul3A_2148 = vector.broadcast %mul3A_2147 : f32 to vector<16xf32>
      %mul3A_2149 = arith.mulf %mul3A_2148, %mul3A_2146 : vector<16xf32>
      %exp3A_2150 = math.exp %mul3A_2149 : vector<16xf32>
      %add3A_2151 = arith.constant 1.000000e+00 : f32
      %add3A_2152 = vector.broadcast %add3A_2151 : f32 to vector<16xf32>
      %add3A_2153 = arith.addf %add3A_2152, %exp3A_2150 : vector<16xf32>
      %div3A_2154 = arith.constant 2.000000e+00 : f32
      %div3A_2155 = vector.broadcast %div3A_2154 : f32 to vector<16xf32>
      %div3A_2156 = arith.divf %div3A_2155, %add3A_2153 : vector<16xf32>
      %sub3A_2157 = arith.constant 1.000000e+00 : f32
      %sub3A_2158 = vector.broadcast %sub3A_2157 : f32 to vector<16xf32>
      %sub3A_2159 = arith.subf %div3A_2156, %sub3A_2158 : vector<16xf32>
      %mul3A_2160 = arith.constant 5.000000e-01 : f32
      %mul3A_2161 = vector.broadcast %mul3A_2160 : f32 to vector<16xf32>
      %mul3A_2162 = arith.mulf %mul3A_2161, %add3A_2137 : vector<16xf32>
      %add3A_2163 = arith.constant 1.000000e+00 : f32
      %add3A_2164 = vector.broadcast %add3A_2163 : f32 to vector<16xf32>
      %add3A_2165 = arith.addf %add3A_2164, %sub3A_2159 : vector<16xf32>
      %mul3A_2166 = arith.mulf %mul3A_2162, %add3A_2165 : vector<16xf32>
      %max3A_2167 = arith.maximumf %mul3A_2136, %mul3A_2166 : vector<16xf32>
      %swap3A_2168 = arith.index_cast %add3A_1856 : i32 to index
      %swap3A_2169 = arith.constant 48 : index
      %swap3A_2170 = tpu.vector_load %arg8[%swap3A_2168, %swap3A_2169] {strides = array<i32>} : memref<392x96xf32, #tpu.memory_space<vmem>>, vector<1x16xf32>,
      %swap3A_2171 = vector.shape_cast %swap3A_2170 : vector<1x16xf32> to vector<16xf32>
      %swap3A_2172 = vector.shape_cast %max3A_2167 : vector<16xf32> to vector<1x16xf32>
      tpu.vector_store %arg8[%swap3A_2168, %swap3A_2169], %swap3A_2172 {strides = array<i32>} : memref<392x96xf32, #tpu.memory_space<vmem>>, vector<1x16xf32>,
      %get3A_2173 = arith.index_cast %add3A_1856 : i32 to index
      %get3A_2174 = arith.constant 64 : index
      %get3A_2175 = tpu.vector_load %arg7[%get3A_2173, %get3A_2174] {strides = array<i32>} : memref<392x96xf32, #tpu.memory_space<vmem>>, vector<1x16xf32>,
      %get3A_2176 = vector.shape_cast %get3A_2175 : vector<1x16xf32> to vector<16xf32>
      %add3A_2177 = arith.addf %get3A_2176, %scan3A_1891#4 : vector<16xf32>
      %mul3A_2178 = arith.mulf %add3A_2177, %add3A_2177 : vector<16xf32>
      %mul3A_2179 = arith.mulf %mul3A_2178, %add3A_2177 : vector<16xf32>
      %mul3A_2180 = arith.constant 4.471500e-02 : f32
      %mul3A_2181 = vector.broadcast %mul3A_2180 : f32 to vector<16xf32>
      %mul3A_2182 = arith.mulf %mul3A_2181, %mul3A_2179 : vector<16xf32>
      %add3A_2183 = arith.addf %add3A_2177, %mul3A_2182 : vector<16xf32>
      %mul3A_2184 = arith.constant 0.797884583 : f32
      %mul3A_2185 = vector.broadcast %mul3A_2184 : f32 to vector<16xf32>
      %mul3A_2186 = arith.mulf %mul3A_2185, %add3A_2183 : vector<16xf32>
      %mul3A_2187 = arith.constant -2.000000e+00 : f32
      %mul3A_2188 = vector.broadcast %mul3A_2187 : f32 to vector<16xf32>
      %mul3A_2189 = arith.mulf %mul3A_2188, %mul3A_2186 : vector<16xf32>
      %exp3A_2190 = math.exp %mul3A_2189 : vector<16xf32>
      %add3A_2191 = arith.constant 1.000000e+00 : f32
      %add3A_2192 = vector.broadcast %add3A_2191 : f32 to vector<16xf32>
      %add3A_2193 = arith.addf %add3A_2192, %exp3A_2190 : vector<16xf32>
      %div3A_2194 = arith.constant 2.000000e+00 : f32
      %div3A_2195 = vector.broadcast %div3A_2194 : f32 to vector<16xf32>
      %div3A_2196 = arith.divf %div3A_2195, %add3A_2193 : vector<16xf32>
      %sub3A_2197 = arith.constant 1.000000e+00 : f32
      %sub3A_2198 = vector.broadcast %sub3A_2197 : f32 to vector<16xf32>
      %sub3A_2199 = arith.subf %div3A_2196, %sub3A_2198 : vector<16xf32>
      %mul3A_2200 = arith.constant 5.000000e-01 : f32
      %mul3A_2201 = vector.broadcast %mul3A_2200 : f32 to vector<16xf32>
      %mul3A_2202 = arith.mulf %mul3A_2201, %add3A_2177 : vector<16xf32>
      %add3A_2203 = arith.constant 1.000000e+00 : f32
      %add3A_2204 = vector.broadcast %add3A_2203 : f32 to vector<16xf32>
      %add3A_2205 = arith.addf %add3A_2204, %sub3A_2199 : vector<16xf32>
      %mul3A_2206 = arith.mulf %mul3A_2202, %add3A_2205 : vector<16xf32>
      %add3A_2207 = arith.addf %get3A_2176, %scan3A_1891#10 : vector<16xf32>
      %mul3A_2208 = arith.mulf %add3A_2207, %add3A_2207 : vector<16xf32>
      %mul3A_2209 = arith.mulf %mul3A_2208, %add3A_2207 : vector<16xf32>
      %mul3A_2210 = arith.constant 4.471500e-02 : f32
      %mul3A_2211 = vector.broadcast %mul3A_2210 : f32 to vector<16xf32>
      %mul3A_2212 = arith.mulf %mul3A_2211, %mul3A_2209 : vector<16xf32>
      %add3A_2213 = arith.addf %add3A_2207, %mul3A_2212 : vector<16xf32>
      %mul3A_2214 = arith.constant 0.797884583 : f32
      %mul3A_2215 = vector.broadcast %mul3A_2214 : f32 to vector<16xf32>
      %mul3A_2216 = arith.mulf %mul3A_2215, %add3A_2213 : vector<16xf32>
      %mul3A_2217 = arith.constant -2.000000e+00 : f32
      %mul3A_2218 = vector.broadcast %mul3A_2217 : f32 to vector<16xf32>
      %mul3A_2219 = arith.mulf %mul3A_2218, %mul3A_2216 : vector<16xf32>
      %exp3A_2220 = math.exp %mul3A_2219 : vector<16xf32>
      %add3A_2221 = arith.constant 1.000000e+00 : f32
      %add3A_2222 = vector.broadcast %add3A_2221 : f32 to vector<16xf32>
      %add3A_2223 = arith.addf %add3A_2222, %exp3A_2220 : vector<16xf32>
      %div3A_2224 = arith.constant 2.000000e+00 : f32
      %div3A_2225 = vector.broadcast %div3A_2224 : f32 to vector<16xf32>
      %div3A_2226 = arith.divf %div3A_2225, %add3A_2223 : vector<16xf32>
      %sub3A_2227 = arith.constant 1.000000e+00 : f32
      %sub3A_2228 = vector.broadcast %sub3A_2227 : f32 to vector<16xf32>
      %sub3A_2229 = arith.subf %div3A_2226, %sub3A_2228 : vector<16xf32>
      %mul3A_2230 = arith.constant 5.000000e-01 : f32
      %mul3A_2231 = vector.broadcast %mul3A_2230 : f32 to vector<16xf32>
      %mul3A_2232 = arith.mulf %mul3A_2231, %add3A_2207 : vector<16xf32>
      %add3A_2233 = arith.constant 1.000000e+00 : f32
      %add3A_2234 = vector.broadcast %add3A_2233 : f32 to vector<16xf32>
      %add3A_2235 = arith.addf %add3A_2234, %sub3A_2229 : vector<16xf32>
      %mul3A_2236 = arith.mulf %mul3A_2232, %add3A_2235 : vector<16xf32>
      %max3A_2237 = arith.maximumf %mul3A_2206, %mul3A_2236 : vector<16xf32>
      %swap3A_2238 = arith.index_cast %add3A_1856 : i32 to index
      %swap3A_2239 = arith.constant 64 : index
      %swap3A_2240 = tpu.vector_load %arg8[%swap3A_2238, %swap3A_2239] {strides = array<i32>} : memref<392x96xf32, #tpu.memory_space<vmem>>, vector<1x16xf32>,
      %swap3A_2241 = vector.shape_cast %swap3A_2240 : vector<1x16xf32> to vector<16xf32>
      %swap3A_2242 = vector.shape_cast %max3A_2237 : vector<16xf32> to vector<1x16xf32>
      tpu.vector_store %arg8[%swap3A_2238, %swap3A_2239], %swap3A_2242 {strides = array<i32>} : memref<392x96xf32, #tpu.memory_space<vmem>>, vector<1x16xf32>,
      %get3A_2243 = arith.index_cast %add3A_1856 : i32 to index
      %get3A_2244 = arith.constant 80 : index
      %get3A_2245 = tpu.vector_load %arg7[%get3A_2243, %get3A_2244] {strides = array<i32>} : memref<392x96xf32, #tpu.memory_space<vmem>>, vector<1x16xf32>,
      %get3A_2246 = vector.shape_cast %get3A_2245 : vector<1x16xf32> to vector<16xf32>
      %add3A_2247 = arith.addf %get3A_2246, %scan3A_1891#5 : vector<16xf32>
      %mul3A_2248 = arith.mulf %add3A_2247, %add3A_2247 : vector<16xf32>
      %mul3A_2249 = arith.mulf %mul3A_2248, %add3A_2247 : vector<16xf32>
      %mul3A_2250 = arith.constant 4.471500e-02 : f32
      %mul3A_2251 = vector.broadcast %mul3A_2250 : f32 to vector<16xf32>
      %mul3A_2252 = arith.mulf %mul3A_2251, %mul3A_2249 : vector<16xf32>
      %add3A_2253 = arith.addf %add3A_2247, %mul3A_2252 : vector<16xf32>
      %mul3A_2254 = arith.constant 0.797884583 : f32
      %mul3A_2255 = vector.broadcast %mul3A_2254 : f32 to vector<16xf32>
      %mul3A_2256 = arith.mulf %mul3A_2255, %add3A_2253 : vector<16xf32>
      %mul3A_2257 = arith.constant -2.000000e+00 : f32
      %mul3A_2258 = vector.broadcast %mul3A_2257 : f32 to vector<16xf32>
      %mul3A_2259 = arith.mulf %mul3A_2258, %mul3A_2256 : vector<16xf32>
      %exp3A_2260 = math.exp %mul3A_2259 : vector<16xf32>
      %add3A_2261 = arith.constant 1.000000e+00 : f32
      %add3A_2262 = vector.broadcast %add3A_2261 : f32 to vector<16xf32>
      %add3A_2263 = arith.addf %add3A_2262, %exp3A_2260 : vector<16xf32>
      %div3A_2264 = arith.constant 2.000000e+00 : f32
      %div3A_2265 = vector.broadcast %div3A_2264 : f32 to vector<16xf32>
      %div3A_2266 = arith.divf %div3A_2265, %add3A_2263 : vector<16xf32>
      %sub3A_2267 = arith.constant 1.000000e+00 : f32
      %sub3A_2268 = vector.broadcast %sub3A_2267 : f32 to vector<16xf32>
      %sub3A_2269 = arith.subf %div3A_2266, %sub3A_2268 : vector<16xf32>
      %mul3A_2270 = arith.constant 5.000000e-01 : f32
      %mul3A_2271 = vector.broadcast %mul3A_2270 : f32 to vector<16xf32>
      %mul3A_2272 = arith.mulf %mul3A_2271, %add3A_2247 : vector<16xf32>
      %add3A_2273 = arith.constant 1.000000e+00 : f32
      %add3A_2274 = vector.broadcast %add3A_2273 : f32 to vector<16xf32>
      %add3A_2275 = arith.addf %add3A_2274, %sub3A_2269 : vector<16xf32>
      %mul3A_2276 = arith.mulf %mul3A_2272, %add3A_2275 : vector<16xf32>
      %add3A_2277 = arith.addf %get3A_2246, %scan3A_1891#11 : vector<16xf32>
      %mul3A_2278 = arith.mulf %add3A_2277, %add3A_2277 : vector<16xf32>
      %mul3A_2279 = arith.mulf %mul3A_2278, %add3A_2277 : vector<16xf32>
      %mul3A_2280 = arith.constant 4.471500e-02 : f32
      %mul3A_2281 = vector.broadcast %mul3A_2280 : f32 to vector<16xf32>
      %mul3A_2282 = arith.mulf %mul3A_2281, %mul3A_2279 : vector<16xf32>
      %add3A_2283 = arith.addf %add3A_2277, %mul3A_2282 : vector<16xf32>
      %mul3A_2284 = arith.constant 0.797884583 : f32
      %mul3A_2285 = vector.broadcast %mul3A_2284 : f32 to vector<16xf32>
      %mul3A_2286 = arith.mulf %mul3A_2285, %add3A_2283 : vector<16xf32>
      %mul3A_2287 = arith.constant -2.000000e+00 : f32
      %mul3A_2288 = vector.broadcast %mul3A_2287 : f32 to vector<16xf32>
      %mul3A_2289 = arith.mulf %mul3A_2288, %mul3A_2286 : vector<16xf32>
      %exp3A_2290 = math.exp %mul3A_2289 : vector<16xf32>
      %add3A_2291 = arith.constant 1.000000e+00 : f32
      %add3A_2292 = vector.broadcast %add3A_2291 : f32 to vector<16xf32>
      %add3A_2293 = arith.addf %add3A_2292, %exp3A_2290 : vector<16xf32>
      %div3A_2294 = arith.constant 2.000000e+00 : f32
      %div3A_2295 = vector.broadcast %div3A_2294 : f32 to vector<16xf32>
      %div3A_2296 = arith.divf %div3A_2295, %add3A_2293 : vector<16xf32>
      %sub3A_2297 = arith.constant 1.000000e+00 : f32
      %sub3A_2298 = vector.broadcast %sub3A_2297 : f32 to vector<16xf32>
      %sub3A_2299 = arith.subf %div3A_2296, %sub3A_2298 : vector<16xf32>
      %mul3A_2300 = arith.constant 5.000000e-01 : f32
      %mul3A_2301 = vector.broadcast %mul3A_2300 : f32 to vector<16xf32>
      %mul3A_2302 = arith.mulf %mul3A_2301, %add3A_2277 : vector<16xf32>
      %add3A_2303 = arith.constant 1.000000e+00 : f32
      %add3A_2304 = vector.broadcast %add3A_2303 : f32 to vector<16xf32>
      %add3A_2305 = arith.addf %add3A_2304, %sub3A_2299 : vector<16xf32>
      %mul3A_2306 = arith.mulf %mul3A_2302, %add3A_2305 : vector<16xf32>
      %max3A_2307 = arith.maximumf %mul3A_2276, %mul3A_2306 : vector<16xf32>
      %swap3A_2308 = arith.index_cast %add3A_1856 : i32 to index
      %swap3A_2309 = arith.constant 80 : index
      %swap3A_2310 = tpu.vector_load %arg8[%swap3A_2308, %swap3A_2309] {strides = array<i32>} : memref<392x96xf32, #tpu.memory_space<vmem>>, vector<1x16xf32>,
      %swap3A_2311 = vector.shape_cast %swap3A_2310 : vector<1x16xf32> to vector<16xf32>
      %swap3A_2312 = vector.shape_cast %max3A_2307 : vector<16xf32> to vector<1x16xf32>
      tpu.vector_store %arg8[%swap3A_2308, %swap3A_2309], %swap3A_2312 {strides = array<i32>} : memref<392x96xf32, #tpu.memory_space<vmem>>, vector<1x16xf32>,
      %mul3A_2313 = arith.constant 8 : i32
      %mul3A_2314 = arith.muli %scan3A_8, %mul3A_2313 : i32
      %add3A_2315 = arith.constant 5 : i32
      %add3A_2316 = arith.addi %mul3A_2314, %add3A_2315 : i32
      %get3A_2317 = arith.constant 80 : i32
      %get3A_2318 = arith.index_cast %get3A_2317 : i32 to index
      %get3A_2319 = arith.constant 0 : index
      %get3A_2320 = tpu.vector_load %arg9[%get3A_2318, %get3A_2319] {strides = array<i32>} : memref<128x128xf32, #tpu.memory_space<vmem>>, vector<1x16xf32>,
      %get3A_2321 = vector.shape_cast %get3A_2320 : vector<1x16xf32> to vector<16xf32>
      %get3A_2322 = arith.constant 80 : i32
      %get3A_2323 = arith.index_cast %get3A_2322 : i32 to index
      %get3A_2324 = arith.constant 16 : index
      %get3A_2325 = tpu.vector_load %arg9[%get3A_2323, %get3A_2324] {strides = array<i32>} : memref<128x128xf32, #tpu.memory_space<vmem>>, vector<1x16xf32>,
      %get3A_2326 = vector.shape_cast %get3A_2325 : vector<1x16xf32> to vector<16xf32>
      %get3A_2327 = arith.constant 80 : i32
      %get3A_2328 = arith.index_cast %get3A_2327 : i32 to index
      %get3A_2329 = arith.constant 32 : index
      %get3A_2330 = tpu.vector_load %arg9[%get3A_2328, %get3A_2329] {strides = array<i32>} : memref<128x128xf32, #tpu.memory_space<vmem>>, vector<1x16xf32>,
      %get3A_2331 = vector.shape_cast %get3A_2330 : vector<1x16xf32> to vector<16xf32>
      %get3A_2332 = arith.constant 80 : i32
      %get3A_2333 = arith.index_cast %get3A_2332 : i32 to index
      %get3A_2334 = arith.constant 48 : index
      %get3A_2335 = tpu.vector_load %arg9[%get3A_2333, %get3A_2334] {strides = array<i32>} : memref<128x128xf32, #tpu.memory_space<vmem>>, vector<1x16xf32>,
      %get3A_2336 = vector.shape_cast %get3A_2335 : vector<1x16xf32> to vector<16xf32>
      %get3A_2337 = arith.constant 80 : i32
      %get3A_2338 = arith.index_cast %get3A_2337 : i32 to index
      %get3A_2339 = arith.constant 64 : index
      %get3A_2340 = tpu.vector_load %arg9[%get3A_2338, %get3A_2339] {strides = array<i32>} : memref<128x128xf32, #tpu.memory_space<vmem>>, vector<1x16xf32>,
      %get3A_2341 = vector.shape_cast %get3A_2340 : vector<1x16xf32> to vector<16xf32>
      %get3A_2342 = arith.constant 80 : i32
      %get3A_2343 = arith.index_cast %get3A_2342 : i32 to index
      %get3A_2344 = arith.constant 80 : index
      %get3A_2345 = tpu.vector_load %arg9[%get3A_2343, %get3A_2344] {strides = array<i32>} : memref<128x128xf32, #tpu.memory_space<vmem>>, vector<1x16xf32>,
      %get3A_2346 = vector.shape_cast %get3A_2345 : vector<1x16xf32> to vector<16xf32>
      %scan3A_2347 = arith.constant 1 : i32
      %scan3A_2348 = arith.constant 15 : i32
      %scan3A_2349 = arith.addi %scan3A_2347, %scan3A_2348 : i32
      %scan3A_2350 = arith.constant 1 : i32
      %scan3A_2351:12 = scf.for %scan3A_3693 = %scan3A_2347 to %scan3A_2349 step %scan3A_2350 iter_args(%scan3A_3694 = %get3A_2321, %scan3A_3695 = %get3A_2326, %scan3A_3696 = %get3A_2331, %scan3A_3697 = %get3A_2336, %scan3A_3698 = %get3A_2341, %scan3A_3699 = %get3A_2346, %scan3A_3700 = %get3A_2321, %scan3A_3701 = %get3A_2326, %scan3A_3702 = %get3A_2331, %scan3A_3703 = %get3A_2336, %scan3A_3704 = %get3A_2341, %scan3A_3705 = %get3A_2346) -> (vector<16xf32>, vector<16xf32>, vector<16xf32>, vector<16xf32>, vector<16xf32>, vector<16xf32>, vector<16xf32>, vector<16xf32>, vector<16xf32>, vector<16xf32>, vector<16xf32>, vector<16xf32>)  : i32 {
        %add3A_3706 = arith.constant 80 : i32
        %add3A_3707 = arith.addi %add3A_3706, %scan3A_3693 : i32
        %get3A_3708 = arith.index_cast %add3A_3707 : i32 to index
        %get3A_3709 = arith.constant 0 : index
        %get3A_3710 = tpu.vector_load %arg9[%get3A_3708, %get3A_3709] {strides = array<i32>} : memref<128x128xf32, #tpu.memory_space<vmem>>, vector<1x16xf32>,
        %get3A_3711 = vector.shape_cast %get3A_3710 : vector<1x16xf32> to vector<16xf32>
        %add3A_3712 = arith.constant 80 : i32
        %add3A_3713 = arith.addi %add3A_3712, %scan3A_3693 : i32
        %get3A_3714 = arith.index_cast %add3A_3713 : i32 to index
        %get3A_3715 = arith.constant 16 : index
        %get3A_3716 = tpu.vector_load %arg9[%get3A_3714, %get3A_3715] {strides = array<i32>} : memref<128x128xf32, #tpu.memory_space<vmem>>, vector<1x16xf32>,
        %get3A_3717 = vector.shape_cast %get3A_3716 : vector<1x16xf32> to vector<16xf32>
        %add3A_3718 = arith.constant 80 : i32
        %add3A_3719 = arith.addi %add3A_3718, %scan3A_3693 : i32
        %get3A_3720 = arith.index_cast %add3A_3719 : i32 to index
        %get3A_3721 = arith.constant 32 : index
        %get3A_3722 = tpu.vector_load %arg9[%get3A_3720, %get3A_3721] {strides = array<i32>} : memref<128x128xf32, #tpu.memory_space<vmem>>, vector<1x16xf32>,
        %get3A_3723 = vector.shape_cast %get3A_3722 : vector<1x16xf32> to vector<16xf32>
        %add3A_3724 = arith.constant 80 : i32
        %add3A_3725 = arith.addi %add3A_3724, %scan3A_3693 : i32
        %get3A_3726 = arith.index_cast %add3A_3725 : i32 to index
        %get3A_3727 = arith.constant 48 : index
        %get3A_3728 = tpu.vector_load %arg9[%get3A_3726, %get3A_3727] {strides = array<i32>} : memref<128x128xf32, #tpu.memory_space<vmem>>, vector<1x16xf32>,
        %get3A_3729 = vector.shape_cast %get3A_3728 : vector<1x16xf32> to vector<16xf32>
        %add3A_3730 = arith.constant 80 : i32
        %add3A_3731 = arith.addi %add3A_3730, %scan3A_3693 : i32
        %get3A_3732 = arith.index_cast %add3A_3731 : i32 to index
        %get3A_3733 = arith.constant 64 : index
        %get3A_3734 = tpu.vector_load %arg9[%get3A_3732, %get3A_3733] {strides = array<i32>} : memref<128x128xf32, #tpu.memory_space<vmem>>, vector<1x16xf32>,
        %get3A_3735 = vector.shape_cast %get3A_3734 : vector<1x16xf32> to vector<16xf32>
        %add3A_3736 = arith.constant 80 : i32
        %add3A_3737 = arith.addi %add3A_3736, %scan3A_3693 : i32
        %get3A_3738 = arith.index_cast %add3A_3737 : i32 to index
        %get3A_3739 = arith.constant 80 : index
        %get3A_3740 = tpu.vector_load %arg9[%get3A_3738, %get3A_3739] {strides = array<i32>} : memref<128x128xf32, #tpu.memory_space<vmem>>, vector<1x16xf32>,
        %get3A_3741 = vector.shape_cast %get3A_3740 : vector<1x16xf32> to vector<16xf32>
        %min3A = arith.minimumf %scan3A_3694, %get3A_3711 : vector<16xf32>
        %min3A_3742 = arith.minimumf %scan3A_3695, %get3A_3717 : vector<16xf32>
        %min3A_3743 = arith.minimumf %scan3A_3696, %get3A_3723 : vector<16xf32>
        %min3A_3744 = arith.minimumf %scan3A_3697, %get3A_3729 : vector<16xf32>
        %min3A_3745 = arith.minimumf %scan3A_3698, %get3A_3735 : vector<16xf32>
        %min3A_3746 = arith.minimumf %scan3A_3699, %get3A_3741 : vector<16xf32>
        %max3A_3747 = arith.maximumf %scan3A_3700, %get3A_3711 : vector<16xf32>
        %max3A_3748 = arith.maximumf %scan3A_3701, %get3A_3717 : vector<16xf32>
        %max3A_3749 = arith.maximumf %scan3A_3702, %get3A_3723 : vector<16xf32>
        %max3A_3750 = arith.maximumf %scan3A_3703, %get3A_3729 : vector<16xf32>
        %max3A_3751 = arith.maximumf %scan3A_3704, %get3A_3735 : vector<16xf32>
        %max3A_3752 = arith.maximumf %scan3A_3705, %get3A_3741 : vector<16xf32>
        scf.yield %min3A, %min3A_3742, %min3A_3743, %min3A_3744, %min3A_3745, %min3A_3746, %max3A_3747, %max3A_3748, %max3A_3749, %max3A_3750, %max3A_3751, %max3A_3752 : vector<16xf32>, vector<16xf32>, vector<16xf32>, vector<16xf32>, vector<16xf32>, vector<16xf32>, vector<16xf32>, vector<16xf32>, vector<16xf32>, vector<16xf32>, vector<16xf32>, vector<16xf32>
      }
      %scan3A_2352 = arith.constant 15 : i32
      %get3A_2353 = arith.index_cast %add3A_2316 : i32 to index
      %get3A_2354 = arith.constant 0 : index
      %get3A_2355 = tpu.vector_load %arg7[%get3A_2353, %get3A_2354] {strides = array<i32>} : memref<392x96xf32, #tpu.memory_space<vmem>>, vector<1x16xf32>,
      %get3A_2356 = vector.shape_cast %get3A_2355 : vector<1x16xf32> to vector<16xf32>
      %add3A_2357 = arith.addf %get3A_2356, %scan3A_2351#0 : vector<16xf32>
      %mul3A_2358 = arith.mulf %add3A_2357, %add3A_2357 : vector<16xf32>
      %mul3A_2359 = arith.mulf %mul3A_2358, %add3A_2357 : vector<16xf32>
      %mul3A_2360 = arith.constant 4.471500e-02 : f32
      %mul3A_2361 = vector.broadcast %mul3A_2360 : f32 to vector<16xf32>
      %mul3A_2362 = arith.mulf %mul3A_2361, %mul3A_2359 : vector<16xf32>
      %add3A_2363 = arith.addf %add3A_2357, %mul3A_2362 : vector<16xf32>
      %mul3A_2364 = arith.constant 0.797884583 : f32
      %mul3A_2365 = vector.broadcast %mul3A_2364 : f32 to vector<16xf32>
      %mul3A_2366 = arith.mulf %mul3A_2365, %add3A_2363 : vector<16xf32>
      %mul3A_2367 = arith.constant -2.000000e+00 : f32
      %mul3A_2368 = vector.broadcast %mul3A_2367 : f32 to vector<16xf32>
      %mul3A_2369 = arith.mulf %mul3A_2368, %mul3A_2366 : vector<16xf32>
      %exp3A_2370 = math.exp %mul3A_2369 : vector<16xf32>
      %add3A_2371 = arith.constant 1.000000e+00 : f32
      %add3A_2372 = vector.broadcast %add3A_2371 : f32 to vector<16xf32>
      %add3A_2373 = arith.addf %add3A_2372, %exp3A_2370 : vector<16xf32>
      %div3A_2374 = arith.constant 2.000000e+00 : f32
      %div3A_2375 = vector.broadcast %div3A_2374 : f32 to vector<16xf32>
      %div3A_2376 = arith.divf %div3A_2375, %add3A_2373 : vector<16xf32>
      %sub3A_2377 = arith.constant 1.000000e+00 : f32
      %sub3A_2378 = vector.broadcast %sub3A_2377 : f32 to vector<16xf32>
      %sub3A_2379 = arith.subf %div3A_2376, %sub3A_2378 : vector<16xf32>
      %mul3A_2380 = arith.constant 5.000000e-01 : f32
      %mul3A_2381 = vector.broadcast %mul3A_2380 : f32 to vector<16xf32>
      %mul3A_2382 = arith.mulf %mul3A_2381, %add3A_2357 : vector<16xf32>
      %add3A_2383 = arith.constant 1.000000e+00 : f32
      %add3A_2384 = vector.broadcast %add3A_2383 : f32 to vector<16xf32>
      %add3A_2385 = arith.addf %add3A_2384, %sub3A_2379 : vector<16xf32>
      %mul3A_2386 = arith.mulf %mul3A_2382, %add3A_2385 : vector<16xf32>
      %add3A_2387 = arith.addf %get3A_2356, %scan3A_2351#6 : vector<16xf32>
      %mul3A_2388 = arith.mulf %add3A_2387, %add3A_2387 : vector<16xf32>
      %mul3A_2389 = arith.mulf %mul3A_2388, %add3A_2387 : vector<16xf32>
      %mul3A_2390 = arith.constant 4.471500e-02 : f32
      %mul3A_2391 = vector.broadcast %mul3A_2390 : f32 to vector<16xf32>
      %mul3A_2392 = arith.mulf %mul3A_2391, %mul3A_2389 : vector<16xf32>
      %add3A_2393 = arith.addf %add3A_2387, %mul3A_2392 : vector<16xf32>
      %mul3A_2394 = arith.constant 0.797884583 : f32
      %mul3A_2395 = vector.broadcast %mul3A_2394 : f32 to vector<16xf32>
      %mul3A_2396 = arith.mulf %mul3A_2395, %add3A_2393 : vector<16xf32>
      %mul3A_2397 = arith.constant -2.000000e+00 : f32
      %mul3A_2398 = vector.broadcast %mul3A_2397 : f32 to vector<16xf32>
      %mul3A_2399 = arith.mulf %mul3A_2398, %mul3A_2396 : vector<16xf32>
      %exp3A_2400 = math.exp %mul3A_2399 : vector<16xf32>
      %add3A_2401 = arith.constant 1.000000e+00 : f32
      %add3A_2402 = vector.broadcast %add3A_2401 : f32 to vector<16xf32>
      %add3A_2403 = arith.addf %add3A_2402, %exp3A_2400 : vector<16xf32>
      %div3A_2404 = arith.constant 2.000000e+00 : f32
      %div3A_2405 = vector.broadcast %div3A_2404 : f32 to vector<16xf32>
      %div3A_2406 = arith.divf %div3A_2405, %add3A_2403 : vector<16xf32>
      %sub3A_2407 = arith.constant 1.000000e+00 : f32
      %sub3A_2408 = vector.broadcast %sub3A_2407 : f32 to vector<16xf32>
      %sub3A_2409 = arith.subf %div3A_2406, %sub3A_2408 : vector<16xf32>
      %mul3A_2410 = arith.constant 5.000000e-01 : f32
      %mul3A_2411 = vector.broadcast %mul3A_2410 : f32 to vector<16xf32>
      %mul3A_2412 = arith.mulf %mul3A_2411, %add3A_2387 : vector<16xf32>
      %add3A_2413 = arith.constant 1.000000e+00 : f32
      %add3A_2414 = vector.broadcast %add3A_2413 : f32 to vector<16xf32>
      %add3A_2415 = arith.addf %add3A_2414, %sub3A_2409 : vector<16xf32>
      %mul3A_2416 = arith.mulf %mul3A_2412, %add3A_2415 : vector<16xf32>
      %max3A_2417 = arith.maximumf %mul3A_2386, %mul3A_2416 : vector<16xf32>
      %swap3A_2418 = arith.index_cast %add3A_2316 : i32 to index
      %swap3A_2419 = arith.constant 0 : index
      %swap3A_2420 = tpu.vector_load %arg8[%swap3A_2418, %swap3A_2419] {strides = array<i32>} : memref<392x96xf32, #tpu.memory_space<vmem>>, vector<1x16xf32>,
      %swap3A_2421 = vector.shape_cast %swap3A_2420 : vector<1x16xf32> to vector<16xf32>
      %swap3A_2422 = vector.shape_cast %max3A_2417 : vector<16xf32> to vector<1x16xf32>
      tpu.vector_store %arg8[%swap3A_2418, %swap3A_2419], %swap3A_2422 {strides = array<i32>} : memref<392x96xf32, #tpu.memory_space<vmem>>, vector<1x16xf32>,
      %get3A_2423 = arith.index_cast %add3A_2316 : i32 to index
      %get3A_2424 = arith.constant 16 : index
      %get3A_2425 = tpu.vector_load %arg7[%get3A_2423, %get3A_2424] {strides = array<i32>} : memref<392x96xf32, #tpu.memory_space<vmem>>, vector<1x16xf32>,
      %get3A_2426 = vector.shape_cast %get3A_2425 : vector<1x16xf32> to vector<16xf32>
      %add3A_2427 = arith.addf %get3A_2426, %scan3A_2351#1 : vector<16xf32>
      %mul3A_2428 = arith.mulf %add3A_2427, %add3A_2427 : vector<16xf32>
      %mul3A_2429 = arith.mulf %mul3A_2428, %add3A_2427 : vector<16xf32>
      %mul3A_2430 = arith.constant 4.471500e-02 : f32
      %mul3A_2431 = vector.broadcast %mul3A_2430 : f32 to vector<16xf32>
      %mul3A_2432 = arith.mulf %mul3A_2431, %mul3A_2429 : vector<16xf32>
      %add3A_2433 = arith.addf %add3A_2427, %mul3A_2432 : vector<16xf32>
      %mul3A_2434 = arith.constant 0.797884583 : f32
      %mul3A_2435 = vector.broadcast %mul3A_2434 : f32 to vector<16xf32>
      %mul3A_2436 = arith.mulf %mul3A_2435, %add3A_2433 : vector<16xf32>
      %mul3A_2437 = arith.constant -2.000000e+00 : f32
      %mul3A_2438 = vector.broadcast %mul3A_2437 : f32 to vector<16xf32>
      %mul3A_2439 = arith.mulf %mul3A_2438, %mul3A_2436 : vector<16xf32>
      %exp3A_2440 = math.exp %mul3A_2439 : vector<16xf32>
      %add3A_2441 = arith.constant 1.000000e+00 : f32
      %add3A_2442 = vector.broadcast %add3A_2441 : f32 to vector<16xf32>
      %add3A_2443 = arith.addf %add3A_2442, %exp3A_2440 : vector<16xf32>
      %div3A_2444 = arith.constant 2.000000e+00 : f32
      %div3A_2445 = vector.broadcast %div3A_2444 : f32 to vector<16xf32>
      %div3A_2446 = arith.divf %div3A_2445, %add3A_2443 : vector<16xf32>
      %sub3A_2447 = arith.constant 1.000000e+00 : f32
      %sub3A_2448 = vector.broadcast %sub3A_2447 : f32 to vector<16xf32>
      %sub3A_2449 = arith.subf %div3A_2446, %sub3A_2448 : vector<16xf32>
      %mul3A_2450 = arith.constant 5.000000e-01 : f32
      %mul3A_2451 = vector.broadcast %mul3A_2450 : f32 to vector<16xf32>
      %mul3A_2452 = arith.mulf %mul3A_2451, %add3A_2427 : vector<16xf32>
      %add3A_2453 = arith.constant 1.000000e+00 : f32
      %add3A_2454 = vector.broadcast %add3A_2453 : f32 to vector<16xf32>
      %add3A_2455 = arith.addf %add3A_2454, %sub3A_2449 : vector<16xf32>
      %mul3A_2456 = arith.mulf %mul3A_2452, %add3A_2455 : vector<16xf32>
      %add3A_2457 = arith.addf %get3A_2426, %scan3A_2351#7 : vector<16xf32>
      %mul3A_2458 = arith.mulf %add3A_2457, %add3A_2457 : vector<16xf32>
      %mul3A_2459 = arith.mulf %mul3A_2458, %add3A_2457 : vector<16xf32>
      %mul3A_2460 = arith.constant 4.471500e-02 : f32
      %mul3A_2461 = vector.broadcast %mul3A_2460 : f32 to vector<16xf32>
      %mul3A_2462 = arith.mulf %mul3A_2461, %mul3A_2459 : vector<16xf32>
      %add3A_2463 = arith.addf %add3A_2457, %mul3A_2462 : vector<16xf32>
      %mul3A_2464 = arith.constant 0.797884583 : f32
      %mul3A_2465 = vector.broadcast %mul3A_2464 : f32 to vector<16xf32>
      %mul3A_2466 = arith.mulf %mul3A_2465, %add3A_2463 : vector<16xf32>
      %mul3A_2467 = arith.constant -2.000000e+00 : f32
      %mul3A_2468 = vector.broadcast %mul3A_2467 : f32 to vector<16xf32>
      %mul3A_2469 = arith.mulf %mul3A_2468, %mul3A_2466 : vector<16xf32>
      %exp3A_2470 = math.exp %mul3A_2469 : vector<16xf32>
      %add3A_2471 = arith.constant 1.000000e+00 : f32
      %add3A_2472 = vector.broadcast %add3A_2471 : f32 to vector<16xf32>
      %add3A_2473 = arith.addf %add3A_2472, %exp3A_2470 : vector<16xf32>
      %div3A_2474 = arith.constant 2.000000e+00 : f32
      %div3A_2475 = vector.broadcast %div3A_2474 : f32 to vector<16xf32>
      %div3A_2476 = arith.divf %div3A_2475, %add3A_2473 : vector<16xf32>
      %sub3A_2477 = arith.constant 1.000000e+00 : f32
      %sub3A_2478 = vector.broadcast %sub3A_2477 : f32 to vector<16xf32>
      %sub3A_2479 = arith.subf %div3A_2476, %sub3A_2478 : vector<16xf32>
      %mul3A_2480 = arith.constant 5.000000e-01 : f32
      %mul3A_2481 = vector.broadcast %mul3A_2480 : f32 to vector<16xf32>
      %mul3A_2482 = arith.mulf %mul3A_2481, %add3A_2457 : vector<16xf32>
      %add3A_2483 = arith.constant 1.000000e+00 : f32
      %add3A_2484 = vector.broadcast %add3A_2483 : f32 to vector<16xf32>
      %add3A_2485 = arith.addf %add3A_2484, %sub3A_2479 : vector<16xf32>
      %mul3A_2486 = arith.mulf %mul3A_2482, %add3A_2485 : vector<16xf32>
      %max3A_2487 = arith.maximumf %mul3A_2456, %mul3A_2486 : vector<16xf32>
      %swap3A_2488 = arith.index_cast %add3A_2316 : i32 to index
      %swap3A_2489 = arith.constant 16 : index
      %swap3A_2490 = tpu.vector_load %arg8[%swap3A_2488, %swap3A_2489] {strides = array<i32>} : memref<392x96xf32, #tpu.memory_space<vmem>>, vector<1x16xf32>,
      %swap3A_2491 = vector.shape_cast %swap3A_2490 : vector<1x16xf32> to vector<16xf32>
      %swap3A_2492 = vector.shape_cast %max3A_2487 : vector<16xf32> to vector<1x16xf32>
      tpu.vector_store %arg8[%swap3A_2488, %swap3A_2489], %swap3A_2492 {strides = array<i32>} : memref<392x96xf32, #tpu.memory_space<vmem>>, vector<1x16xf32>,
      %get3A_2493 = arith.index_cast %add3A_2316 : i32 to index
      %get3A_2494 = arith.constant 32 : index
      %get3A_2495 = tpu.vector_load %arg7[%get3A_2493, %get3A_2494] {strides = array<i32>} : memref<392x96xf32, #tpu.memory_space<vmem>>, vector<1x16xf32>,
      %get3A_2496 = vector.shape_cast %get3A_2495 : vector<1x16xf32> to vector<16xf32>
      %add3A_2497 = arith.addf %get3A_2496, %scan3A_2351#2 : vector<16xf32>
      %mul3A_2498 = arith.mulf %add3A_2497, %add3A_2497 : vector<16xf32>
      %mul3A_2499 = arith.mulf %mul3A_2498, %add3A_2497 : vector<16xf32>
      %mul3A_2500 = arith.constant 4.471500e-02 : f32
      %mul3A_2501 = vector.broadcast %mul3A_2500 : f32 to vector<16xf32>
      %mul3A_2502 = arith.mulf %mul3A_2501, %mul3A_2499 : vector<16xf32>
      %add3A_2503 = arith.addf %add3A_2497, %mul3A_2502 : vector<16xf32>
      %mul3A_2504 = arith.constant 0.797884583 : f32
      %mul3A_2505 = vector.broadcast %mul3A_2504 : f32 to vector<16xf32>
      %mul3A_2506 = arith.mulf %mul3A_2505, %add3A_2503 : vector<16xf32>
      %mul3A_2507 = arith.constant -2.000000e+00 : f32
      %mul3A_2508 = vector.broadcast %mul3A_2507 : f32 to vector<16xf32>
      %mul3A_2509 = arith.mulf %mul3A_2508, %mul3A_2506 : vector<16xf32>
      %exp3A_2510 = math.exp %mul3A_2509 : vector<16xf32>
      %add3A_2511 = arith.constant 1.000000e+00 : f32
      %add3A_2512 = vector.broadcast %add3A_2511 : f32 to vector<16xf32>
      %add3A_2513 = arith.addf %add3A_2512, %exp3A_2510 : vector<16xf32>
      %div3A_2514 = arith.constant 2.000000e+00 : f32
      %div3A_2515 = vector.broadcast %div3A_2514 : f32 to vector<16xf32>
      %div3A_2516 = arith.divf %div3A_2515, %add3A_2513 : vector<16xf32>
      %sub3A_2517 = arith.constant 1.000000e+00 : f32
      %sub3A_2518 = vector.broadcast %sub3A_2517 : f32 to vector<16xf32>
      %sub3A_2519 = arith.subf %div3A_2516, %sub3A_2518 : vector<16xf32>
      %mul3A_2520 = arith.constant 5.000000e-01 : f32
      %mul3A_2521 = vector.broadcast %mul3A_2520 : f32 to vector<16xf32>
      %mul3A_2522 = arith.mulf %mul3A_2521, %add3A_2497 : vector<16xf32>
      %add3A_2523 = arith.constant 1.000000e+00 : f32
      %add3A_2524 = vector.broadcast %add3A_2523 : f32 to vector<16xf32>
      %add3A_2525 = arith.addf %add3A_2524, %sub3A_2519 : vector<16xf32>
      %mul3A_2526 = arith.mulf %mul3A_2522, %add3A_2525 : vector<16xf32>
      %add3A_2527 = arith.addf %get3A_2496, %scan3A_2351#8 : vector<16xf32>
      %mul3A_2528 = arith.mulf %add3A_2527, %add3A_2527 : vector<16xf32>
      %mul3A_2529 = arith.mulf %mul3A_2528, %add3A_2527 : vector<16xf32>
      %mul3A_2530 = arith.constant 4.471500e-02 : f32
      %mul3A_2531 = vector.broadcast %mul3A_2530 : f32 to vector<16xf32>
      %mul3A_2532 = arith.mulf %mul3A_2531, %mul3A_2529 : vector<16xf32>
      %add3A_2533 = arith.addf %add3A_2527, %mul3A_2532 : vector<16xf32>
      %mul3A_2534 = arith.constant 0.797884583 : f32
      %mul3A_2535 = vector.broadcast %mul3A_2534 : f32 to vector<16xf32>
      %mul3A_2536 = arith.mulf %mul3A_2535, %add3A_2533 : vector<16xf32>
      %mul3A_2537 = arith.constant -2.000000e+00 : f32
      %mul3A_2538 = vector.broadcast %mul3A_2537 : f32 to vector<16xf32>
      %mul3A_2539 = arith.mulf %mul3A_2538, %mul3A_2536 : vector<16xf32>
      %exp3A_2540 = math.exp %mul3A_2539 : vector<16xf32>
      %add3A_2541 = arith.constant 1.000000e+00 : f32
      %add3A_2542 = vector.broadcast %add3A_2541 : f32 to vector<16xf32>
      %add3A_2543 = arith.addf %add3A_2542, %exp3A_2540 : vector<16xf32>
      %div3A_2544 = arith.constant 2.000000e+00 : f32
      %div3A_2545 = vector.broadcast %div3A_2544 : f32 to vector<16xf32>
      %div3A_2546 = arith.divf %div3A_2545, %add3A_2543 : vector<16xf32>
      %sub3A_2547 = arith.constant 1.000000e+00 : f32
      %sub3A_2548 = vector.broadcast %sub3A_2547 : f32 to vector<16xf32>
      %sub3A_2549 = arith.subf %div3A_2546, %sub3A_2548 : vector<16xf32>
      %mul3A_2550 = arith.constant 5.000000e-01 : f32
      %mul3A_2551 = vector.broadcast %mul3A_2550 : f32 to vector<16xf32>
      %mul3A_2552 = arith.mulf %mul3A_2551, %add3A_2527 : vector<16xf32>
      %add3A_2553 = arith.constant 1.000000e+00 : f32
      %add3A_2554 = vector.broadcast %add3A_2553 : f32 to vector<16xf32>
      %add3A_2555 = arith.addf %add3A_2554, %sub3A_2549 : vector<16xf32>
      %mul3A_2556 = arith.mulf %mul3A_2552, %add3A_2555 : vector<16xf32>
      %max3A_2557 = arith.maximumf %mul3A_2526, %mul3A_2556 : vector<16xf32>
      %swap3A_2558 = arith.index_cast %add3A_2316 : i32 to index
      %swap3A_2559 = arith.constant 32 : index
      %swap3A_2560 = tpu.vector_load %arg8[%swap3A_2558, %swap3A_2559] {strides = array<i32>} : memref<392x96xf32, #tpu.memory_space<vmem>>, vector<1x16xf32>,
      %swap3A_2561 = vector.shape_cast %swap3A_2560 : vector<1x16xf32> to vector<16xf32>
      %swap3A_2562 = vector.shape_cast %max3A_2557 : vector<16xf32> to vector<1x16xf32>
      tpu.vector_store %arg8[%swap3A_2558, %swap3A_2559], %swap3A_2562 {strides = array<i32>} : memref<392x96xf32, #tpu.memory_space<vmem>>, vector<1x16xf32>,
      %get3A_2563 = arith.index_cast %add3A_2316 : i32 to index
      %get3A_2564 = arith.constant 48 : index
      %get3A_2565 = tpu.vector_load %arg7[%get3A_2563, %get3A_2564] {strides = array<i32>} : memref<392x96xf32, #tpu.memory_space<vmem>>, vector<1x16xf32>,
      %get3A_2566 = vector.shape_cast %get3A_2565 : vector<1x16xf32> to vector<16xf32>
      %add3A_2567 = arith.addf %get3A_2566, %scan3A_2351#3 : vector<16xf32>
      %mul3A_2568 = arith.mulf %add3A_2567, %add3A_2567 : vector<16xf32>
      %mul3A_2569 = arith.mulf %mul3A_2568, %add3A_2567 : vector<16xf32>
      %mul3A_2570 = arith.constant 4.471500e-02 : f32
      %mul3A_2571 = vector.broadcast %mul3A_2570 : f32 to vector<16xf32>
      %mul3A_2572 = arith.mulf %mul3A_2571, %mul3A_2569 : vector<16xf32>
      %add3A_2573 = arith.addf %add3A_2567, %mul3A_2572 : vector<16xf32>
      %mul3A_2574 = arith.constant 0.797884583 : f32
      %mul3A_2575 = vector.broadcast %mul3A_2574 : f32 to vector<16xf32>
      %mul3A_2576 = arith.mulf %mul3A_2575, %add3A_2573 : vector<16xf32>
      %mul3A_2577 = arith.constant -2.000000e+00 : f32
      %mul3A_2578 = vector.broadcast %mul3A_2577 : f32 to vector<16xf32>
      %mul3A_2579 = arith.mulf %mul3A_2578, %mul3A_2576 : vector<16xf32>
      %exp3A_2580 = math.exp %mul3A_2579 : vector<16xf32>
      %add3A_2581 = arith.constant 1.000000e+00 : f32
      %add3A_2582 = vector.broadcast %add3A_2581 : f32 to vector<16xf32>
      %add3A_2583 = arith.addf %add3A_2582, %exp3A_2580 : vector<16xf32>
      %div3A_2584 = arith.constant 2.000000e+00 : f32
      %div3A_2585 = vector.broadcast %div3A_2584 : f32 to vector<16xf32>
      %div3A_2586 = arith.divf %div3A_2585, %add3A_2583 : vector<16xf32>
      %sub3A_2587 = arith.constant 1.000000e+00 : f32
      %sub3A_2588 = vector.broadcast %sub3A_2587 : f32 to vector<16xf32>
      %sub3A_2589 = arith.subf %div3A_2586, %sub3A_2588 : vector<16xf32>
      %mul3A_2590 = arith.constant 5.000000e-01 : f32
      %mul3A_2591 = vector.broadcast %mul3A_2590 : f32 to vector<16xf32>
      %mul3A_2592 = arith.mulf %mul3A_2591, %add3A_2567 : vector<16xf32>
      %add3A_2593 = arith.constant 1.000000e+00 : f32
      %add3A_2594 = vector.broadcast %add3A_2593 : f32 to vector<16xf32>
      %add3A_2595 = arith.addf %add3A_2594, %sub3A_2589 : vector<16xf32>
      %mul3A_2596 = arith.mulf %mul3A_2592, %add3A_2595 : vector<16xf32>
      %add3A_2597 = arith.addf %get3A_2566, %scan3A_2351#9 : vector<16xf32>
      %mul3A_2598 = arith.mulf %add3A_2597, %add3A_2597 : vector<16xf32>
      %mul3A_2599 = arith.mulf %mul3A_2598, %add3A_2597 : vector<16xf32>
      %mul3A_2600 = arith.constant 4.471500e-02 : f32
      %mul3A_2601 = vector.broadcast %mul3A_2600 : f32 to vector<16xf32>
      %mul3A_2602 = arith.mulf %mul3A_2601, %mul3A_2599 : vector<16xf32>
      %add3A_2603 = arith.addf %add3A_2597, %mul3A_2602 : vector<16xf32>
      %mul3A_2604 = arith.constant 0.797884583 : f32
      %mul3A_2605 = vector.broadcast %mul3A_2604 : f32 to vector<16xf32>
      %mul3A_2606 = arith.mulf %mul3A_2605, %add3A_2603 : vector<16xf32>
      %mul3A_2607 = arith.constant -2.000000e+00 : f32
      %mul3A_2608 = vector.broadcast %mul3A_2607 : f32 to vector<16xf32>
      %mul3A_2609 = arith.mulf %mul3A_2608, %mul3A_2606 : vector<16xf32>
      %exp3A_2610 = math.exp %mul3A_2609 : vector<16xf32>
      %add3A_2611 = arith.constant 1.000000e+00 : f32
      %add3A_2612 = vector.broadcast %add3A_2611 : f32 to vector<16xf32>
      %add3A_2613 = arith.addf %add3A_2612, %exp3A_2610 : vector<16xf32>
      %div3A_2614 = arith.constant 2.000000e+00 : f32
      %div3A_2615 = vector.broadcast %div3A_2614 : f32 to vector<16xf32>
      %div3A_2616 = arith.divf %div3A_2615, %add3A_2613 : vector<16xf32>
      %sub3A_2617 = arith.constant 1.000000e+00 : f32
      %sub3A_2618 = vector.broadcast %sub3A_2617 : f32 to vector<16xf32>
      %sub3A_2619 = arith.subf %div3A_2616, %sub3A_2618 : vector<16xf32>
      %mul3A_2620 = arith.constant 5.000000e-01 : f32
      %mul3A_2621 = vector.broadcast %mul3A_2620 : f32 to vector<16xf32>
      %mul3A_2622 = arith.mulf %mul3A_2621, %add3A_2597 : vector<16xf32>
      %add3A_2623 = arith.constant 1.000000e+00 : f32
      %add3A_2624 = vector.broadcast %add3A_2623 : f32 to vector<16xf32>
      %add3A_2625 = arith.addf %add3A_2624, %sub3A_2619 : vector<16xf32>
      %mul3A_2626 = arith.mulf %mul3A_2622, %add3A_2625 : vector<16xf32>
      %max3A_2627 = arith.maximumf %mul3A_2596, %mul3A_2626 : vector<16xf32>
      %swap3A_2628 = arith.index_cast %add3A_2316 : i32 to index
      %swap3A_2629 = arith.constant 48 : index
      %swap3A_2630 = tpu.vector_load %arg8[%swap3A_2628, %swap3A_2629] {strides = array<i32>} : memref<392x96xf32, #tpu.memory_space<vmem>>, vector<1x16xf32>,
      %swap3A_2631 = vector.shape_cast %swap3A_2630 : vector<1x16xf32> to vector<16xf32>
      %swap3A_2632 = vector.shape_cast %max3A_2627 : vector<16xf32> to vector<1x16xf32>
      tpu.vector_store %arg8[%swap3A_2628, %swap3A_2629], %swap3A_2632 {strides = array<i32>} : memref<392x96xf32, #tpu.memory_space<vmem>>, vector<1x16xf32>,
      %get3A_2633 = arith.index_cast %add3A_2316 : i32 to index
      %get3A_2634 = arith.constant 64 : index
      %get3A_2635 = tpu.vector_load %arg7[%get3A_2633, %get3A_2634] {strides = array<i32>} : memref<392x96xf32, #tpu.memory_space<vmem>>, vector<1x16xf32>,
      %get3A_2636 = vector.shape_cast %get3A_2635 : vector<1x16xf32> to vector<16xf32>
      %add3A_2637 = arith.addf %get3A_2636, %scan3A_2351#4 : vector<16xf32>
      %mul3A_2638 = arith.mulf %add3A_2637, %add3A_2637 : vector<16xf32>
      %mul3A_2639 = arith.mulf %mul3A_2638, %add3A_2637 : vector<16xf32>
      %mul3A_2640 = arith.constant 4.471500e-02 : f32
      %mul3A_2641 = vector.broadcast %mul3A_2640 : f32 to vector<16xf32>
      %mul3A_2642 = arith.mulf %mul3A_2641, %mul3A_2639 : vector<16xf32>
      %add3A_2643 = arith.addf %add3A_2637, %mul3A_2642 : vector<16xf32>
      %mul3A_2644 = arith.constant 0.797884583 : f32
      %mul3A_2645 = vector.broadcast %mul3A_2644 : f32 to vector<16xf32>
      %mul3A_2646 = arith.mulf %mul3A_2645, %add3A_2643 : vector<16xf32>
      %mul3A_2647 = arith.constant -2.000000e+00 : f32
      %mul3A_2648 = vector.broadcast %mul3A_2647 : f32 to vector<16xf32>
      %mul3A_2649 = arith.mulf %mul3A_2648, %mul3A_2646 : vector<16xf32>
      %exp3A_2650 = math.exp %mul3A_2649 : vector<16xf32>
      %add3A_2651 = arith.constant 1.000000e+00 : f32
      %add3A_2652 = vector.broadcast %add3A_2651 : f32 to vector<16xf32>
      %add3A_2653 = arith.addf %add3A_2652, %exp3A_2650 : vector<16xf32>
      %div3A_2654 = arith.constant 2.000000e+00 : f32
      %div3A_2655 = vector.broadcast %div3A_2654 : f32 to vector<16xf32>
      %div3A_2656 = arith.divf %div3A_2655, %add3A_2653 : vector<16xf32>
      %sub3A_2657 = arith.constant 1.000000e+00 : f32
      %sub3A_2658 = vector.broadcast %sub3A_2657 : f32 to vector<16xf32>
      %sub3A_2659 = arith.subf %div3A_2656, %sub3A_2658 : vector<16xf32>
      %mul3A_2660 = arith.constant 5.000000e-01 : f32
      %mul3A_2661 = vector.broadcast %mul3A_2660 : f32 to vector<16xf32>
      %mul3A_2662 = arith.mulf %mul3A_2661, %add3A_2637 : vector<16xf32>
      %add3A_2663 = arith.constant 1.000000e+00 : f32
      %add3A_2664 = vector.broadcast %add3A_2663 : f32 to vector<16xf32>
      %add3A_2665 = arith.addf %add3A_2664, %sub3A_2659 : vector<16xf32>
      %mul3A_2666 = arith.mulf %mul3A_2662, %add3A_2665 : vector<16xf32>
      %add3A_2667 = arith.addf %get3A_2636, %scan3A_2351#10 : vector<16xf32>
      %mul3A_2668 = arith.mulf %add3A_2667, %add3A_2667 : vector<16xf32>
      %mul3A_2669 = arith.mulf %mul3A_2668, %add3A_2667 : vector<16xf32>
      %mul3A_2670 = arith.constant 4.471500e-02 : f32
      %mul3A_2671 = vector.broadcast %mul3A_2670 : f32 to vector<16xf32>
      %mul3A_2672 = arith.mulf %mul3A_2671, %mul3A_2669 : vector<16xf32>
      %add3A_2673 = arith.addf %add3A_2667, %mul3A_2672 : vector<16xf32>
      %mul3A_2674 = arith.constant 0.797884583 : f32
      %mul3A_2675 = vector.broadcast %mul3A_2674 : f32 to vector<16xf32>
      %mul3A_2676 = arith.mulf %mul3A_2675, %add3A_2673 : vector<16xf32>
      %mul3A_2677 = arith.constant -2.000000e+00 : f32
      %mul3A_2678 = vector.broadcast %mul3A_2677 : f32 to vector<16xf32>
      %mul3A_2679 = arith.mulf %mul3A_2678, %mul3A_2676 : vector<16xf32>
      %exp3A_2680 = math.exp %mul3A_2679 : vector<16xf32>
      %add3A_2681 = arith.constant 1.000000e+00 : f32
      %add3A_2682 = vector.broadcast %add3A_2681 : f32 to vector<16xf32>
      %add3A_2683 = arith.addf %add3A_2682, %exp3A_2680 : vector<16xf32>
      %div3A_2684 = arith.constant 2.000000e+00 : f32
      %div3A_2685 = vector.broadcast %div3A_2684 : f32 to vector<16xf32>
      %div3A_2686 = arith.divf %div3A_2685, %add3A_2683 : vector<16xf32>
      %sub3A_2687 = arith.constant 1.000000e+00 : f32
      %sub3A_2688 = vector.broadcast %sub3A_2687 : f32 to vector<16xf32>
      %sub3A_2689 = arith.subf %div3A_2686, %sub3A_2688 : vector<16xf32>
      %mul3A_2690 = arith.constant 5.000000e-01 : f32
      %mul3A_2691 = vector.broadcast %mul3A_2690 : f32 to vector<16xf32>
      %mul3A_2692 = arith.mulf %mul3A_2691, %add3A_2667 : vector<16xf32>
      %add3A_2693 = arith.constant 1.000000e+00 : f32
      %add3A_2694 = vector.broadcast %add3A_2693 : f32 to vector<16xf32>
      %add3A_2695 = arith.addf %add3A_2694, %sub3A_2689 : vector<16xf32>
      %mul3A_2696 = arith.mulf %mul3A_2692, %add3A_2695 : vector<16xf32>
      %max3A_2697 = arith.maximumf %mul3A_2666, %mul3A_2696 : vector<16xf32>
      %swap3A_2698 = arith.index_cast %add3A_2316 : i32 to index
      %swap3A_2699 = arith.constant 64 : index
      %swap3A_2700 = tpu.vector_load %arg8[%swap3A_2698, %swap3A_2699] {strides = array<i32>} : memref<392x96xf32, #tpu.memory_space<vmem>>, vector<1x16xf32>,
      %swap3A_2701 = vector.shape_cast %swap3A_2700 : vector<1x16xf32> to vector<16xf32>
      %swap3A_2702 = vector.shape_cast %max3A_2697 : vector<16xf32> to vector<1x16xf32>
      tpu.vector_store %arg8[%swap3A_2698, %swap3A_2699], %swap3A_2702 {strides = array<i32>} : memref<392x96xf32, #tpu.memory_space<vmem>>, vector<1x16xf32>,
      %get3A_2703 = arith.index_cast %add3A_2316 : i32 to index
      %get3A_2704 = arith.constant 80 : index
      %get3A_2705 = tpu.vector_load %arg7[%get3A_2703, %get3A_2704] {strides = array<i32>} : memref<392x96xf32, #tpu.memory_space<vmem>>, vector<1x16xf32>,
      %get3A_2706 = vector.shape_cast %get3A_2705 : vector<1x16xf32> to vector<16xf32>
      %add3A_2707 = arith.addf %get3A_2706, %scan3A_2351#5 : vector<16xf32>
      %mul3A_2708 = arith.mulf %add3A_2707, %add3A_2707 : vector<16xf32>
      %mul3A_2709 = arith.mulf %mul3A_2708, %add3A_2707 : vector<16xf32>
      %mul3A_2710 = arith.constant 4.471500e-02 : f32
      %mul3A_2711 = vector.broadcast %mul3A_2710 : f32 to vector<16xf32>
      %mul3A_2712 = arith.mulf %mul3A_2711, %mul3A_2709 : vector<16xf32>
      %add3A_2713 = arith.addf %add3A_2707, %mul3A_2712 : vector<16xf32>
      %mul3A_2714 = arith.constant 0.797884583 : f32
      %mul3A_2715 = vector.broadcast %mul3A_2714 : f32 to vector<16xf32>
      %mul3A_2716 = arith.mulf %mul3A_2715, %add3A_2713 : vector<16xf32>
      %mul3A_2717 = arith.constant -2.000000e+00 : f32
      %mul3A_2718 = vector.broadcast %mul3A_2717 : f32 to vector<16xf32>
      %mul3A_2719 = arith.mulf %mul3A_2718, %mul3A_2716 : vector<16xf32>
      %exp3A_2720 = math.exp %mul3A_2719 : vector<16xf32>
      %add3A_2721 = arith.constant 1.000000e+00 : f32
      %add3A_2722 = vector.broadcast %add3A_2721 : f32 to vector<16xf32>
      %add3A_2723 = arith.addf %add3A_2722, %exp3A_2720 : vector<16xf32>
      %div3A_2724 = arith.constant 2.000000e+00 : f32
      %div3A_2725 = vector.broadcast %div3A_2724 : f32 to vector<16xf32>
      %div3A_2726 = arith.divf %div3A_2725, %add3A_2723 : vector<16xf32>
      %sub3A_2727 = arith.constant 1.000000e+00 : f32
      %sub3A_2728 = vector.broadcast %sub3A_2727 : f32 to vector<16xf32>
      %sub3A_2729 = arith.subf %div3A_2726, %sub3A_2728 : vector<16xf32>
      %mul3A_2730 = arith.constant 5.000000e-01 : f32
      %mul3A_2731 = vector.broadcast %mul3A_2730 : f32 to vector<16xf32>
      %mul3A_2732 = arith.mulf %mul3A_2731, %add3A_2707 : vector<16xf32>
      %add3A_2733 = arith.constant 1.000000e+00 : f32
      %add3A_2734 = vector.broadcast %add3A_2733 : f32 to vector<16xf32>
      %add3A_2735 = arith.addf %add3A_2734, %sub3A_2729 : vector<16xf32>
      %mul3A_2736 = arith.mulf %mul3A_2732, %add3A_2735 : vector<16xf32>
      %add3A_2737 = arith.addf %get3A_2706, %scan3A_2351#11 : vector<16xf32>
      %mul3A_2738 = arith.mulf %add3A_2737, %add3A_2737 : vector<16xf32>
      %mul3A_2739 = arith.mulf %mul3A_2738, %add3A_2737 : vector<16xf32>
      %mul3A_2740 = arith.constant 4.471500e-02 : f32
      %mul3A_2741 = vector.broadcast %mul3A_2740 : f32 to vector<16xf32>
      %mul3A_2742 = arith.mulf %mul3A_2741, %mul3A_2739 : vector<16xf32>
      %add3A_2743 = arith.addf %add3A_2737, %mul3A_2742 : vector<16xf32>
      %mul3A_2744 = arith.constant 0.797884583 : f32
      %mul3A_2745 = vector.broadcast %mul3A_2744 : f32 to vector<16xf32>
      %mul3A_2746 = arith.mulf %mul3A_2745, %add3A_2743 : vector<16xf32>
      %mul3A_2747 = arith.constant -2.000000e+00 : f32
      %mul3A_2748 = vector.broadcast %mul3A_2747 : f32 to vector<16xf32>
      %mul3A_2749 = arith.mulf %mul3A_2748, %mul3A_2746 : vector<16xf32>
      %exp3A_2750 = math.exp %mul3A_2749 : vector<16xf32>
      %add3A_2751 = arith.constant 1.000000e+00 : f32
      %add3A_2752 = vector.broadcast %add3A_2751 : f32 to vector<16xf32>
      %add3A_2753 = arith.addf %add3A_2752, %exp3A_2750 : vector<16xf32>
      %div3A_2754 = arith.constant 2.000000e+00 : f32
      %div3A_2755 = vector.broadcast %div3A_2754 : f32 to vector<16xf32>
      %div3A_2756 = arith.divf %div3A_2755, %add3A_2753 : vector<16xf32>
      %sub3A_2757 = arith.constant 1.000000e+00 : f32
      %sub3A_2758 = vector.broadcast %sub3A_2757 : f32 to vector<16xf32>
      %sub3A_2759 = arith.subf %div3A_2756, %sub3A_2758 : vector<16xf32>
      %mul3A_2760 = arith.constant 5.000000e-01 : f32
      %mul3A_2761 = vector.broadcast %mul3A_2760 : f32 to vector<16xf32>
      %mul3A_2762 = arith.mulf %mul3A_2761, %add3A_2737 : vector<16xf32>
      %add3A_2763 = arith.constant 1.000000e+00 : f32
      %add3A_2764 = vector.broadcast %add3A_2763 : f32 to vector<16xf32>
      %add3A_2765 = arith.addf %add3A_2764, %sub3A_2759 : vector<16xf32>
      %mul3A_2766 = arith.mulf %mul3A_2762, %add3A_2765 : vector<16xf32>
      %max3A_2767 = arith.maximumf %mul3A_2736, %mul3A_2766 : vector<16xf32>
      %swap3A_2768 = arith.index_cast %add3A_2316 : i32 to index
      %swap3A_2769 = arith.constant 80 : index
      %swap3A_2770 = tpu.vector_load %arg8[%swap3A_2768, %swap3A_2769] {strides = array<i32>} : memref<392x96xf32, #tpu.memory_space<vmem>>, vector<1x16xf32>,
      %swap3A_2771 = vector.shape_cast %swap3A_2770 : vector<1x16xf32> to vector<16xf32>
      %swap3A_2772 = vector.shape_cast %max3A_2767 : vector<16xf32> to vector<1x16xf32>
      tpu.vector_store %arg8[%swap3A_2768, %swap3A_2769], %swap3A_2772 {strides = array<i32>} : memref<392x96xf32, #tpu.memory_space<vmem>>, vector<1x16xf32>,
      %mul3A_2773 = arith.constant 8 : i32
      %mul3A_2774 = arith.muli %scan3A_8, %mul3A_2773 : i32
      %add3A_2775 = arith.constant 6 : i32
      %add3A_2776 = arith.addi %mul3A_2774, %add3A_2775 : i32
      %get3A_2777 = arith.constant 96 : i32
      %get3A_2778 = arith.index_cast %get3A_2777 : i32 to index
      %get3A_2779 = arith.constant 0 : index
      %get3A_2780 = tpu.vector_load %arg9[%get3A_2778, %get3A_2779] {strides = array<i32>} : memref<128x128xf32, #tpu.memory_space<vmem>>, vector<1x16xf32>,
      %get3A_2781 = vector.shape_cast %get3A_2780 : vector<1x16xf32> to vector<16xf32>
      %get3A_2782 = arith.constant 96 : i32
      %get3A_2783 = arith.index_cast %get3A_2782 : i32 to index
      %get3A_2784 = arith.constant 16 : index
      %get3A_2785 = tpu.vector_load %arg9[%get3A_2783, %get3A_2784] {strides = array<i32>} : memref<128x128xf32, #tpu.memory_space<vmem>>, vector<1x16xf32>,
      %get3A_2786 = vector.shape_cast %get3A_2785 : vector<1x16xf32> to vector<16xf32>
      %get3A_2787 = arith.constant 96 : i32
      %get3A_2788 = arith.index_cast %get3A_2787 : i32 to index
      %get3A_2789 = arith.constant 32 : index
      %get3A_2790 = tpu.vector_load %arg9[%get3A_2788, %get3A_2789] {strides = array<i32>} : memref<128x128xf32, #tpu.memory_space<vmem>>, vector<1x16xf32>,
      %get3A_2791 = vector.shape_cast %get3A_2790 : vector<1x16xf32> to vector<16xf32>
      %get3A_2792 = arith.constant 96 : i32
      %get3A_2793 = arith.index_cast %get3A_2792 : i32 to index
      %get3A_2794 = arith.constant 48 : index
      %get3A_2795 = tpu.vector_load %arg9[%get3A_2793, %get3A_2794] {strides = array<i32>} : memref<128x128xf32, #tpu.memory_space<vmem>>, vector<1x16xf32>,
      %get3A_2796 = vector.shape_cast %get3A_2795 : vector<1x16xf32> to vector<16xf32>
      %get3A_2797 = arith.constant 96 : i32
      %get3A_2798 = arith.index_cast %get3A_2797 : i32 to index
      %get3A_2799 = arith.constant 64 : index
      %get3A_2800 = tpu.vector_load %arg9[%get3A_2798, %get3A_2799] {strides = array<i32>} : memref<128x128xf32, #tpu.memory_space<vmem>>, vector<1x16xf32>,
      %get3A_2801 = vector.shape_cast %get3A_2800 : vector<1x16xf32> to vector<16xf32>
      %get3A_2802 = arith.constant 96 : i32
      %get3A_2803 = arith.index_cast %get3A_2802 : i32 to index
      %get3A_2804 = arith.constant 80 : index
      %get3A_2805 = tpu.vector_load %arg9[%get3A_2803, %get3A_2804] {strides = array<i32>} : memref<128x128xf32, #tpu.memory_space<vmem>>, vector<1x16xf32>,
      %get3A_2806 = vector.shape_cast %get3A_2805 : vector<1x16xf32> to vector<16xf32>
      %scan3A_2807 = arith.constant 1 : i32
      %scan3A_2808 = arith.constant 15 : i32
      %scan3A_2809 = arith.addi %scan3A_2807, %scan3A_2808 : i32
      %scan3A_2810 = arith.constant 1 : i32
      %scan3A_2811:12 = scf.for %scan3A_3693 = %scan3A_2807 to %scan3A_2809 step %scan3A_2810 iter_args(%scan3A_3694 = %get3A_2781, %scan3A_3695 = %get3A_2786, %scan3A_3696 = %get3A_2791, %scan3A_3697 = %get3A_2796, %scan3A_3698 = %get3A_2801, %scan3A_3699 = %get3A_2806, %scan3A_3700 = %get3A_2781, %scan3A_3701 = %get3A_2786, %scan3A_3702 = %get3A_2791, %scan3A_3703 = %get3A_2796, %scan3A_3704 = %get3A_2801, %scan3A_3705 = %get3A_2806) -> (vector<16xf32>, vector<16xf32>, vector<16xf32>, vector<16xf32>, vector<16xf32>, vector<16xf32>, vector<16xf32>, vector<16xf32>, vector<16xf32>, vector<16xf32>, vector<16xf32>, vector<16xf32>)  : i32 {
        %add3A_3706 = arith.constant 96 : i32
        %add3A_3707 = arith.addi %add3A_3706, %scan3A_3693 : i32
        %get3A_3708 = arith.index_cast %add3A_3707 : i32 to index
        %get3A_3709 = arith.constant 0 : index
        %get3A_3710 = tpu.vector_load %arg9[%get3A_3708, %get3A_3709] {strides = array<i32>} : memref<128x128xf32, #tpu.memory_space<vmem>>, vector<1x16xf32>,
        %get3A_3711 = vector.shape_cast %get3A_3710 : vector<1x16xf32> to vector<16xf32>
        %add3A_3712 = arith.constant 96 : i32
        %add3A_3713 = arith.addi %add3A_3712, %scan3A_3693 : i32
        %get3A_3714 = arith.index_cast %add3A_3713 : i32 to index
        %get3A_3715 = arith.constant 16 : index
        %get3A_3716 = tpu.vector_load %arg9[%get3A_3714, %get3A_3715] {strides = array<i32>} : memref<128x128xf32, #tpu.memory_space<vmem>>, vector<1x16xf32>,
        %get3A_3717 = vector.shape_cast %get3A_3716 : vector<1x16xf32> to vector<16xf32>
        %add3A_3718 = arith.constant 96 : i32
        %add3A_3719 = arith.addi %add3A_3718, %scan3A_3693 : i32
        %get3A_3720 = arith.index_cast %add3A_3719 : i32 to index
        %get3A_3721 = arith.constant 32 : index
        %get3A_3722 = tpu.vector_load %arg9[%get3A_3720, %get3A_3721] {strides = array<i32>} : memref<128x128xf32, #tpu.memory_space<vmem>>, vector<1x16xf32>,
        %get3A_3723 = vector.shape_cast %get3A_3722 : vector<1x16xf32> to vector<16xf32>
        %add3A_3724 = arith.constant 96 : i32
        %add3A_3725 = arith.addi %add3A_3724, %scan3A_3693 : i32
        %get3A_3726 = arith.index_cast %add3A_3725 : i32 to index
        %get3A_3727 = arith.constant 48 : index
        %get3A_3728 = tpu.vector_load %arg9[%get3A_3726, %get3A_3727] {strides = array<i32>} : memref<128x128xf32, #tpu.memory_space<vmem>>, vector<1x16xf32>,
        %get3A_3729 = vector.shape_cast %get3A_3728 : vector<1x16xf32> to vector<16xf32>
        %add3A_3730 = arith.constant 96 : i32
        %add3A_3731 = arith.addi %add3A_3730, %scan3A_3693 : i32
        %get3A_3732 = arith.index_cast %add3A_3731 : i32 to index
        %get3A_3733 = arith.constant 64 : index
        %get3A_3734 = tpu.vector_load %arg9[%get3A_3732, %get3A_3733] {strides = array<i32>} : memref<128x128xf32, #tpu.memory_space<vmem>>, vector<1x16xf32>,
        %get3A_3735 = vector.shape_cast %get3A_3734 : vector<1x16xf32> to vector<16xf32>
        %add3A_3736 = arith.constant 96 : i32
        %add3A_3737 = arith.addi %add3A_3736, %scan3A_3693 : i32
        %get3A_3738 = arith.index_cast %add3A_3737 : i32 to index
        %get3A_3739 = arith.constant 80 : index
        %get3A_3740 = tpu.vector_load %arg9[%get3A_3738, %get3A_3739] {strides = array<i32>} : memref<128x128xf32, #tpu.memory_space<vmem>>, vector<1x16xf32>,
        %get3A_3741 = vector.shape_cast %get3A_3740 : vector<1x16xf32> to vector<16xf32>
        %min3A = arith.minimumf %scan3A_3694, %get3A_3711 : vector<16xf32>
        %min3A_3742 = arith.minimumf %scan3A_3695, %get3A_3717 : vector<16xf32>
        %min3A_3743 = arith.minimumf %scan3A_3696, %get3A_3723 : vector<16xf32>
        %min3A_3744 = arith.minimumf %scan3A_3697, %get3A_3729 : vector<16xf32>
        %min3A_3745 = arith.minimumf %scan3A_3698, %get3A_3735 : vector<16xf32>
        %min3A_3746 = arith.minimumf %scan3A_3699, %get3A_3741 : vector<16xf32>
        %max3A_3747 = arith.maximumf %scan3A_3700, %get3A_3711 : vector<16xf32>
        %max3A_3748 = arith.maximumf %scan3A_3701, %get3A_3717 : vector<16xf32>
        %max3A_3749 = arith.maximumf %scan3A_3702, %get3A_3723 : vector<16xf32>
        %max3A_3750 = arith.maximumf %scan3A_3703, %get3A_3729 : vector<16xf32>
        %max3A_3751 = arith.maximumf %scan3A_3704, %get3A_3735 : vector<16xf32>
        %max3A_3752 = arith.maximumf %scan3A_3705, %get3A_3741 : vector<16xf32>
        scf.yield %min3A, %min3A_3742, %min3A_3743, %min3A_3744, %min3A_3745, %min3A_3746, %max3A_3747, %max3A_3748, %max3A_3749, %max3A_3750, %max3A_3751, %max3A_3752 : vector<16xf32>, vector<16xf32>, vector<16xf32>, vector<16xf32>, vector<16xf32>, vector<16xf32>, vector<16xf32>, vector<16xf32>, vector<16xf32>, vector<16xf32>, vector<16xf32>, vector<16xf32>
      }
      %scan3A_2812 = arith.constant 15 : i32
      %get3A_2813 = arith.index_cast %add3A_2776 : i32 to index
      %get3A_2814 = arith.constant 0 : index
      %get3A_2815 = tpu.vector_load %arg7[%get3A_2813, %get3A_2814] {strides = array<i32>} : memref<392x96xf32, #tpu.memory_space<vmem>>, vector<1x16xf32>,
      %get3A_2816 = vector.shape_cast %get3A_2815 : vector<1x16xf32> to vector<16xf32>
      %add3A_2817 = arith.addf %get3A_2816, %scan3A_2811#0 : vector<16xf32>
      %mul3A_2818 = arith.mulf %add3A_2817, %add3A_2817 : vector<16xf32>
      %mul3A_2819 = arith.mulf %mul3A_2818, %add3A_2817 : vector<16xf32>
      %mul3A_2820 = arith.constant 4.471500e-02 : f32
      %mul3A_2821 = vector.broadcast %mul3A_2820 : f32 to vector<16xf32>
      %mul3A_2822 = arith.mulf %mul3A_2821, %mul3A_2819 : vector<16xf32>
      %add3A_2823 = arith.addf %add3A_2817, %mul3A_2822 : vector<16xf32>
      %mul3A_2824 = arith.constant 0.797884583 : f32
      %mul3A_2825 = vector.broadcast %mul3A_2824 : f32 to vector<16xf32>
      %mul3A_2826 = arith.mulf %mul3A_2825, %add3A_2823 : vector<16xf32>
      %mul3A_2827 = arith.constant -2.000000e+00 : f32
      %mul3A_2828 = vector.broadcast %mul3A_2827 : f32 to vector<16xf32>
      %mul3A_2829 = arith.mulf %mul3A_2828, %mul3A_2826 : vector<16xf32>
      %exp3A_2830 = math.exp %mul3A_2829 : vector<16xf32>
      %add3A_2831 = arith.constant 1.000000e+00 : f32
      %add3A_2832 = vector.broadcast %add3A_2831 : f32 to vector<16xf32>
      %add3A_2833 = arith.addf %add3A_2832, %exp3A_2830 : vector<16xf32>
      %div3A_2834 = arith.constant 2.000000e+00 : f32
      %div3A_2835 = vector.broadcast %div3A_2834 : f32 to vector<16xf32>
      %div3A_2836 = arith.divf %div3A_2835, %add3A_2833 : vector<16xf32>
      %sub3A_2837 = arith.constant 1.000000e+00 : f32
      %sub3A_2838 = vector.broadcast %sub3A_2837 : f32 to vector<16xf32>
      %sub3A_2839 = arith.subf %div3A_2836, %sub3A_2838 : vector<16xf32>
      %mul3A_2840 = arith.constant 5.000000e-01 : f32
      %mul3A_2841 = vector.broadcast %mul3A_2840 : f32 to vector<16xf32>
      %mul3A_2842 = arith.mulf %mul3A_2841, %add3A_2817 : vector<16xf32>
      %add3A_2843 = arith.constant 1.000000e+00 : f32
      %add3A_2844 = vector.broadcast %add3A_2843 : f32 to vector<16xf32>
      %add3A_2845 = arith.addf %add3A_2844, %sub3A_2839 : vector<16xf32>
      %mul3A_2846 = arith.mulf %mul3A_2842, %add3A_2845 : vector<16xf32>
      %add3A_2847 = arith.addf %get3A_2816, %scan3A_2811#6 : vector<16xf32>
      %mul3A_2848 = arith.mulf %add3A_2847, %add3A_2847 : vector<16xf32>
      %mul3A_2849 = arith.mulf %mul3A_2848, %add3A_2847 : vector<16xf32>
      %mul3A_2850 = arith.constant 4.471500e-02 : f32
      %mul3A_2851 = vector.broadcast %mul3A_2850 : f32 to vector<16xf32>
      %mul3A_2852 = arith.mulf %mul3A_2851, %mul3A_2849 : vector<16xf32>
      %add3A_2853 = arith.addf %add3A_2847, %mul3A_2852 : vector<16xf32>
      %mul3A_2854 = arith.constant 0.797884583 : f32
      %mul3A_2855 = vector.broadcast %mul3A_2854 : f32 to vector<16xf32>
      %mul3A_2856 = arith.mulf %mul3A_2855, %add3A_2853 : vector<16xf32>
      %mul3A_2857 = arith.constant -2.000000e+00 : f32
      %mul3A_2858 = vector.broadcast %mul3A_2857 : f32 to vector<16xf32>
      %mul3A_2859 = arith.mulf %mul3A_2858, %mul3A_2856 : vector<16xf32>
      %exp3A_2860 = math.exp %mul3A_2859 : vector<16xf32>
      %add3A_2861 = arith.constant 1.000000e+00 : f32
      %add3A_2862 = vector.broadcast %add3A_2861 : f32 to vector<16xf32>
      %add3A_2863 = arith.addf %add3A_2862, %exp3A_2860 : vector<16xf32>
      %div3A_2864 = arith.constant 2.000000e+00 : f32
      %div3A_2865 = vector.broadcast %div3A_2864 : f32 to vector<16xf32>
      %div3A_2866 = arith.divf %div3A_2865, %add3A_2863 : vector<16xf32>
      %sub3A_2867 = arith.constant 1.000000e+00 : f32
      %sub3A_2868 = vector.broadcast %sub3A_2867 : f32 to vector<16xf32>
      %sub3A_2869 = arith.subf %div3A_2866, %sub3A_2868 : vector<16xf32>
      %mul3A_2870 = arith.constant 5.000000e-01 : f32
      %mul3A_2871 = vector.broadcast %mul3A_2870 : f32 to vector<16xf32>
      %mul3A_2872 = arith.mulf %mul3A_2871, %add3A_2847 : vector<16xf32>
      %add3A_2873 = arith.constant 1.000000e+00 : f32
      %add3A_2874 = vector.broadcast %add3A_2873 : f32 to vector<16xf32>
      %add3A_2875 = arith.addf %add3A_2874, %sub3A_2869 : vector<16xf32>
      %mul3A_2876 = arith.mulf %mul3A_2872, %add3A_2875 : vector<16xf32>
      %max3A_2877 = arith.maximumf %mul3A_2846, %mul3A_2876 : vector<16xf32>
      %swap3A_2878 = arith.index_cast %add3A_2776 : i32 to index
      %swap3A_2879 = arith.constant 0 : index
      %swap3A_2880 = tpu.vector_load %arg8[%swap3A_2878, %swap3A_2879] {strides = array<i32>} : memref<392x96xf32, #tpu.memory_space<vmem>>, vector<1x16xf32>,
      %swap3A_2881 = vector.shape_cast %swap3A_2880 : vector<1x16xf32> to vector<16xf32>
      %swap3A_2882 = vector.shape_cast %max3A_2877 : vector<16xf32> to vector<1x16xf32>
      tpu.vector_store %arg8[%swap3A_2878, %swap3A_2879], %swap3A_2882 {strides = array<i32>} : memref<392x96xf32, #tpu.memory_space<vmem>>, vector<1x16xf32>,
      %get3A_2883 = arith.index_cast %add3A_2776 : i32 to index
      %get3A_2884 = arith.constant 16 : index
      %get3A_2885 = tpu.vector_load %arg7[%get3A_2883, %get3A_2884] {strides = array<i32>} : memref<392x96xf32, #tpu.memory_space<vmem>>, vector<1x16xf32>,
      %get3A_2886 = vector.shape_cast %get3A_2885 : vector<1x16xf32> to vector<16xf32>
      %add3A_2887 = arith.addf %get3A_2886, %scan3A_2811#1 : vector<16xf32>
      %mul3A_2888 = arith.mulf %add3A_2887, %add3A_2887 : vector<16xf32>
      %mul3A_2889 = arith.mulf %mul3A_2888, %add3A_2887 : vector<16xf32>
      %mul3A_2890 = arith.constant 4.471500e-02 : f32
      %mul3A_2891 = vector.broadcast %mul3A_2890 : f32 to vector<16xf32>
      %mul3A_2892 = arith.mulf %mul3A_2891, %mul3A_2889 : vector<16xf32>
      %add3A_2893 = arith.addf %add3A_2887, %mul3A_2892 : vector<16xf32>
      %mul3A_2894 = arith.constant 0.797884583 : f32
      %mul3A_2895 = vector.broadcast %mul3A_2894 : f32 to vector<16xf32>
      %mul3A_2896 = arith.mulf %mul3A_2895, %add3A_2893 : vector<16xf32>
      %mul3A_2897 = arith.constant -2.000000e+00 : f32
      %mul3A_2898 = vector.broadcast %mul3A_2897 : f32 to vector<16xf32>
      %mul3A_2899 = arith.mulf %mul3A_2898, %mul3A_2896 : vector<16xf32>
      %exp3A_2900 = math.exp %mul3A_2899 : vector<16xf32>
      %add3A_2901 = arith.constant 1.000000e+00 : f32
      %add3A_2902 = vector.broadcast %add3A_2901 : f32 to vector<16xf32>
      %add3A_2903 = arith.addf %add3A_2902, %exp3A_2900 : vector<16xf32>
      %div3A_2904 = arith.constant 2.000000e+00 : f32
      %div3A_2905 = vector.broadcast %div3A_2904 : f32 to vector<16xf32>
      %div3A_2906 = arith.divf %div3A_2905, %add3A_2903 : vector<16xf32>
      %sub3A_2907 = arith.constant 1.000000e+00 : f32
      %sub3A_2908 = vector.broadcast %sub3A_2907 : f32 to vector<16xf32>
      %sub3A_2909 = arith.subf %div3A_2906, %sub3A_2908 : vector<16xf32>
      %mul3A_2910 = arith.constant 5.000000e-01 : f32
      %mul3A_2911 = vector.broadcast %mul3A_2910 : f32 to vector<16xf32>
      %mul3A_2912 = arith.mulf %mul3A_2911, %add3A_2887 : vector<16xf32>
      %add3A_2913 = arith.constant 1.000000e+00 : f32
      %add3A_2914 = vector.broadcast %add3A_2913 : f32 to vector<16xf32>
      %add3A_2915 = arith.addf %add3A_2914, %sub3A_2909 : vector<16xf32>
      %mul3A_2916 = arith.mulf %mul3A_2912, %add3A_2915 : vector<16xf32>
      %add3A_2917 = arith.addf %get3A_2886, %scan3A_2811#7 : vector<16xf32>
      %mul3A_2918 = arith.mulf %add3A_2917, %add3A_2917 : vector<16xf32>
      %mul3A_2919 = arith.mulf %mul3A_2918, %add3A_2917 : vector<16xf32>
      %mul3A_2920 = arith.constant 4.471500e-02 : f32
      %mul3A_2921 = vector.broadcast %mul3A_2920 : f32 to vector<16xf32>
      %mul3A_2922 = arith.mulf %mul3A_2921, %mul3A_2919 : vector<16xf32>
      %add3A_2923 = arith.addf %add3A_2917, %mul3A_2922 : vector<16xf32>
      %mul3A_2924 = arith.constant 0.797884583 : f32
      %mul3A_2925 = vector.broadcast %mul3A_2924 : f32 to vector<16xf32>
      %mul3A_2926 = arith.mulf %mul3A_2925, %add3A_2923 : vector<16xf32>
      %mul3A_2927 = arith.constant -2.000000e+00 : f32
      %mul3A_2928 = vector.broadcast %mul3A_2927 : f32 to vector<16xf32>
      %mul3A_2929 = arith.mulf %mul3A_2928, %mul3A_2926 : vector<16xf32>
      %exp3A_2930 = math.exp %mul3A_2929 : vector<16xf32>
      %add3A_2931 = arith.constant 1.000000e+00 : f32
      %add3A_2932 = vector.broadcast %add3A_2931 : f32 to vector<16xf32>
      %add3A_2933 = arith.addf %add3A_2932, %exp3A_2930 : vector<16xf32>
      %div3A_2934 = arith.constant 2.000000e+00 : f32
      %div3A_2935 = vector.broadcast %div3A_2934 : f32 to vector<16xf32>
      %div3A_2936 = arith.divf %div3A_2935, %add3A_2933 : vector<16xf32>
      %sub3A_2937 = arith.constant 1.000000e+00 : f32
      %sub3A_2938 = vector.broadcast %sub3A_2937 : f32 to vector<16xf32>
      %sub3A_2939 = arith.subf %div3A_2936, %sub3A_2938 : vector<16xf32>
      %mul3A_2940 = arith.constant 5.000000e-01 : f32
      %mul3A_2941 = vector.broadcast %mul3A_2940 : f32 to vector<16xf32>
      %mul3A_2942 = arith.mulf %mul3A_2941, %add3A_2917 : vector<16xf32>
      %add3A_2943 = arith.constant 1.000000e+00 : f32
      %add3A_2944 = vector.broadcast %add3A_2943 : f32 to vector<16xf32>
      %add3A_2945 = arith.addf %add3A_2944, %sub3A_2939 : vector<16xf32>
      %mul3A_2946 = arith.mulf %mul3A_2942, %add3A_2945 : vector<16xf32>
      %max3A_2947 = arith.maximumf %mul3A_2916, %mul3A_2946 : vector<16xf32>
      %swap3A_2948 = arith.index_cast %add3A_2776 : i32 to index
      %swap3A_2949 = arith.constant 16 : index
      %swap3A_2950 = tpu.vector_load %arg8[%swap3A_2948, %swap3A_2949] {strides = array<i32>} : memref<392x96xf32, #tpu.memory_space<vmem>>, vector<1x16xf32>,
      %swap3A_2951 = vector.shape_cast %swap3A_2950 : vector<1x16xf32> to vector<16xf32>
      %swap3A_2952 = vector.shape_cast %max3A_2947 : vector<16xf32> to vector<1x16xf32>
      tpu.vector_store %arg8[%swap3A_2948, %swap3A_2949], %swap3A_2952 {strides = array<i32>} : memref<392x96xf32, #tpu.memory_space<vmem>>, vector<1x16xf32>,
      %get3A_2953 = arith.index_cast %add3A_2776 : i32 to index
      %get3A_2954 = arith.constant 32 : index
      %get3A_2955 = tpu.vector_load %arg7[%get3A_2953, %get3A_2954] {strides = array<i32>} : memref<392x96xf32, #tpu.memory_space<vmem>>, vector<1x16xf32>,
      %get3A_2956 = vector.shape_cast %get3A_2955 : vector<1x16xf32> to vector<16xf32>
      %add3A_2957 = arith.addf %get3A_2956, %scan3A_2811#2 : vector<16xf32>
      %mul3A_2958 = arith.mulf %add3A_2957, %add3A_2957 : vector<16xf32>
      %mul3A_2959 = arith.mulf %mul3A_2958, %add3A_2957 : vector<16xf32>
      %mul3A_2960 = arith.constant 4.471500e-02 : f32
      %mul3A_2961 = vector.broadcast %mul3A_2960 : f32 to vector<16xf32>
      %mul3A_2962 = arith.mulf %mul3A_2961, %mul3A_2959 : vector<16xf32>
      %add3A_2963 = arith.addf %add3A_2957, %mul3A_2962 : vector<16xf32>
      %mul3A_2964 = arith.constant 0.797884583 : f32
      %mul3A_2965 = vector.broadcast %mul3A_2964 : f32 to vector<16xf32>
      %mul3A_2966 = arith.mulf %mul3A_2965, %add3A_2963 : vector<16xf32>
      %mul3A_2967 = arith.constant -2.000000e+00 : f32
      %mul3A_2968 = vector.broadcast %mul3A_2967 : f32 to vector<16xf32>
      %mul3A_2969 = arith.mulf %mul3A_2968, %mul3A_2966 : vector<16xf32>
      %exp3A_2970 = math.exp %mul3A_2969 : vector<16xf32>
      %add3A_2971 = arith.constant 1.000000e+00 : f32
      %add3A_2972 = vector.broadcast %add3A_2971 : f32 to vector<16xf32>
      %add3A_2973 = arith.addf %add3A_2972, %exp3A_2970 : vector<16xf32>
      %div3A_2974 = arith.constant 2.000000e+00 : f32
      %div3A_2975 = vector.broadcast %div3A_2974 : f32 to vector<16xf32>
      %div3A_2976 = arith.divf %div3A_2975, %add3A_2973 : vector<16xf32>
      %sub3A_2977 = arith.constant 1.000000e+00 : f32
      %sub3A_2978 = vector.broadcast %sub3A_2977 : f32 to vector<16xf32>
      %sub3A_2979 = arith.subf %div3A_2976, %sub3A_2978 : vector<16xf32>
      %mul3A_2980 = arith.constant 5.000000e-01 : f32
      %mul3A_2981 = vector.broadcast %mul3A_2980 : f32 to vector<16xf32>
      %mul3A_2982 = arith.mulf %mul3A_2981, %add3A_2957 : vector<16xf32>
      %add3A_2983 = arith.constant 1.000000e+00 : f32
      %add3A_2984 = vector.broadcast %add3A_2983 : f32 to vector<16xf32>
      %add3A_2985 = arith.addf %add3A_2984, %sub3A_2979 : vector<16xf32>
      %mul3A_2986 = arith.mulf %mul3A_2982, %add3A_2985 : vector<16xf32>
      %add3A_2987 = arith.addf %get3A_2956, %scan3A_2811#8 : vector<16xf32>
      %mul3A_2988 = arith.mulf %add3A_2987, %add3A_2987 : vector<16xf32>
      %mul3A_2989 = arith.mulf %mul3A_2988, %add3A_2987 : vector<16xf32>
      %mul3A_2990 = arith.constant 4.471500e-02 : f32
      %mul3A_2991 = vector.broadcast %mul3A_2990 : f32 to vector<16xf32>
      %mul3A_2992 = arith.mulf %mul3A_2991, %mul3A_2989 : vector<16xf32>
      %add3A_2993 = arith.addf %add3A_2987, %mul3A_2992 : vector<16xf32>
      %mul3A_2994 = arith.constant 0.797884583 : f32
      %mul3A_2995 = vector.broadcast %mul3A_2994 : f32 to vector<16xf32>
      %mul3A_2996 = arith.mulf %mul3A_2995, %add3A_2993 : vector<16xf32>
      %mul3A_2997 = arith.constant -2.000000e+00 : f32
      %mul3A_2998 = vector.broadcast %mul3A_2997 : f32 to vector<16xf32>
      %mul3A_2999 = arith.mulf %mul3A_2998, %mul3A_2996 : vector<16xf32>
      %exp3A_3000 = math.exp %mul3A_2999 : vector<16xf32>
      %add3A_3001 = arith.constant 1.000000e+00 : f32
      %add3A_3002 = vector.broadcast %add3A_3001 : f32 to vector<16xf32>
      %add3A_3003 = arith.addf %add3A_3002, %exp3A_3000 : vector<16xf32>
      %div3A_3004 = arith.constant 2.000000e+00 : f32
      %div3A_3005 = vector.broadcast %div3A_3004 : f32 to vector<16xf32>
      %div3A_3006 = arith.divf %div3A_3005, %add3A_3003 : vector<16xf32>
      %sub3A_3007 = arith.constant 1.000000e+00 : f32
      %sub3A_3008 = vector.broadcast %sub3A_3007 : f32 to vector<16xf32>
      %sub3A_3009 = arith.subf %div3A_3006, %sub3A_3008 : vector<16xf32>
      %mul3A_3010 = arith.constant 5.000000e-01 : f32
      %mul3A_3011 = vector.broadcast %mul3A_3010 : f32 to vector<16xf32>
      %mul3A_3012 = arith.mulf %mul3A_3011, %add3A_2987 : vector<16xf32>
      %add3A_3013 = arith.constant 1.000000e+00 : f32
      %add3A_3014 = vector.broadcast %add3A_3013 : f32 to vector<16xf32>
      %add3A_3015 = arith.addf %add3A_3014, %sub3A_3009 : vector<16xf32>
      %mul3A_3016 = arith.mulf %mul3A_3012, %add3A_3015 : vector<16xf32>
      %max3A_3017 = arith.maximumf %mul3A_2986, %mul3A_3016 : vector<16xf32>
      %swap3A_3018 = arith.index_cast %add3A_2776 : i32 to index
      %swap3A_3019 = arith.constant 32 : index
      %swap3A_3020 = tpu.vector_load %arg8[%swap3A_3018, %swap3A_3019] {strides = array<i32>} : memref<392x96xf32, #tpu.memory_space<vmem>>, vector<1x16xf32>,
      %swap3A_3021 = vector.shape_cast %swap3A_3020 : vector<1x16xf32> to vector<16xf32>
      %swap3A_3022 = vector.shape_cast %max3A_3017 : vector<16xf32> to vector<1x16xf32>
      tpu.vector_store %arg8[%swap3A_3018, %swap3A_3019], %swap3A_3022 {strides = array<i32>} : memref<392x96xf32, #tpu.memory_space<vmem>>, vector<1x16xf32>,
      %get3A_3023 = arith.index_cast %add3A_2776 : i32 to index
      %get3A_3024 = arith.constant 48 : index
      %get3A_3025 = tpu.vector_load %arg7[%get3A_3023, %get3A_3024] {strides = array<i32>} : memref<392x96xf32, #tpu.memory_space<vmem>>, vector<1x16xf32>,
      %get3A_3026 = vector.shape_cast %get3A_3025 : vector<1x16xf32> to vector<16xf32>
      %add3A_3027 = arith.addf %get3A_3026, %scan3A_2811#3 : vector<16xf32>
      %mul3A_3028 = arith.mulf %add3A_3027, %add3A_3027 : vector<16xf32>
      %mul3A_3029 = arith.mulf %mul3A_3028, %add3A_3027 : vector<16xf32>
      %mul3A_3030 = arith.constant 4.471500e-02 : f32
      %mul3A_3031 = vector.broadcast %mul3A_3030 : f32 to vector<16xf32>
      %mul3A_3032 = arith.mulf %mul3A_3031, %mul3A_3029 : vector<16xf32>
      %add3A_3033 = arith.addf %add3A_3027, %mul3A_3032 : vector<16xf32>
      %mul3A_3034 = arith.constant 0.797884583 : f32
      %mul3A_3035 = vector.broadcast %mul3A_3034 : f32 to vector<16xf32>
      %mul3A_3036 = arith.mulf %mul3A_3035, %add3A_3033 : vector<16xf32>
      %mul3A_3037 = arith.constant -2.000000e+00 : f32
      %mul3A_3038 = vector.broadcast %mul3A_3037 : f32 to vector<16xf32>
      %mul3A_3039 = arith.mulf %mul3A_3038, %mul3A_3036 : vector<16xf32>
      %exp3A_3040 = math.exp %mul3A_3039 : vector<16xf32>
      %add3A_3041 = arith.constant 1.000000e+00 : f32
      %add3A_3042 = vector.broadcast %add3A_3041 : f32 to vector<16xf32>
      %add3A_3043 = arith.addf %add3A_3042, %exp3A_3040 : vector<16xf32>
      %div3A_3044 = arith.constant 2.000000e+00 : f32
      %div3A_3045 = vector.broadcast %div3A_3044 : f32 to vector<16xf32>
      %div3A_3046 = arith.divf %div3A_3045, %add3A_3043 : vector<16xf32>
      %sub3A_3047 = arith.constant 1.000000e+00 : f32
      %sub3A_3048 = vector.broadcast %sub3A_3047 : f32 to vector<16xf32>
      %sub3A_3049 = arith.subf %div3A_3046, %sub3A_3048 : vector<16xf32>
      %mul3A_3050 = arith.constant 5.000000e-01 : f32
      %mul3A_3051 = vector.broadcast %mul3A_3050 : f32 to vector<16xf32>
      %mul3A_3052 = arith.mulf %mul3A_3051, %add3A_3027 : vector<16xf32>
      %add3A_3053 = arith.constant 1.000000e+00 : f32
      %add3A_3054 = vector.broadcast %add3A_3053 : f32 to vector<16xf32>
      %add3A_3055 = arith.addf %add3A_3054, %sub3A_3049 : vector<16xf32>
      %mul3A_3056 = arith.mulf %mul3A_3052, %add3A_3055 : vector<16xf32>
      %add3A_3057 = arith.addf %get3A_3026, %scan3A_2811#9 : vector<16xf32>
      %mul3A_3058 = arith.mulf %add3A_3057, %add3A_3057 : vector<16xf32>
      %mul3A_3059 = arith.mulf %mul3A_3058, %add3A_3057 : vector<16xf32>
      %mul3A_3060 = arith.constant 4.471500e-02 : f32
      %mul3A_3061 = vector.broadcast %mul3A_3060 : f32 to vector<16xf32>
      %mul3A_3062 = arith.mulf %mul3A_3061, %mul3A_3059 : vector<16xf32>
      %add3A_3063 = arith.addf %add3A_3057, %mul3A_3062 : vector<16xf32>
      %mul3A_3064 = arith.constant 0.797884583 : f32
      %mul3A_3065 = vector.broadcast %mul3A_3064 : f32 to vector<16xf32>
      %mul3A_3066 = arith.mulf %mul3A_3065, %add3A_3063 : vector<16xf32>
      %mul3A_3067 = arith.constant -2.000000e+00 : f32
      %mul3A_3068 = vector.broadcast %mul3A_3067 : f32 to vector<16xf32>
      %mul3A_3069 = arith.mulf %mul3A_3068, %mul3A_3066 : vector<16xf32>
      %exp3A_3070 = math.exp %mul3A_3069 : vector<16xf32>
      %add3A_3071 = arith.constant 1.000000e+00 : f32
      %add3A_3072 = vector.broadcast %add3A_3071 : f32 to vector<16xf32>
      %add3A_3073 = arith.addf %add3A_3072, %exp3A_3070 : vector<16xf32>
      %div3A_3074 = arith.constant 2.000000e+00 : f32
      %div3A_3075 = vector.broadcast %div3A_3074 : f32 to vector<16xf32>
      %div3A_3076 = arith.divf %div3A_3075, %add3A_3073 : vector<16xf32>
      %sub3A_3077 = arith.constant 1.000000e+00 : f32
      %sub3A_3078 = vector.broadcast %sub3A_3077 : f32 to vector<16xf32>
      %sub3A_3079 = arith.subf %div3A_3076, %sub3A_3078 : vector<16xf32>
      %mul3A_3080 = arith.constant 5.000000e-01 : f32
      %mul3A_3081 = vector.broadcast %mul3A_3080 : f32 to vector<16xf32>
      %mul3A_3082 = arith.mulf %mul3A_3081, %add3A_3057 : vector<16xf32>
      %add3A_3083 = arith.constant 1.000000e+00 : f32
      %add3A_3084 = vector.broadcast %add3A_3083 : f32 to vector<16xf32>
      %add3A_3085 = arith.addf %add3A_3084, %sub3A_3079 : vector<16xf32>
      %mul3A_3086 = arith.mulf %mul3A_3082, %add3A_3085 : vector<16xf32>
      %max3A_3087 = arith.maximumf %mul3A_3056, %mul3A_3086 : vector<16xf32>
      %swap3A_3088 = arith.index_cast %add3A_2776 : i32 to index
      %swap3A_3089 = arith.constant 48 : index
      %swap3A_3090 = tpu.vector_load %arg8[%swap3A_3088, %swap3A_3089] {strides = array<i32>} : memref<392x96xf32, #tpu.memory_space<vmem>>, vector<1x16xf32>,
      %swap3A_3091 = vector.shape_cast %swap3A_3090 : vector<1x16xf32> to vector<16xf32>
      %swap3A_3092 = vector.shape_cast %max3A_3087 : vector<16xf32> to vector<1x16xf32>
      tpu.vector_store %arg8[%swap3A_3088, %swap3A_3089], %swap3A_3092 {strides = array<i32>} : memref<392x96xf32, #tpu.memory_space<vmem>>, vector<1x16xf32>,
      %get3A_3093 = arith.index_cast %add3A_2776 : i32 to index
      %get3A_3094 = arith.constant 64 : index
      %get3A_3095 = tpu.vector_load %arg7[%get3A_3093, %get3A_3094] {strides = array<i32>} : memref<392x96xf32, #tpu.memory_space<vmem>>, vector<1x16xf32>,
      %get3A_3096 = vector.shape_cast %get3A_3095 : vector<1x16xf32> to vector<16xf32>
      %add3A_3097 = arith.addf %get3A_3096, %scan3A_2811#4 : vector<16xf32>
      %mul3A_3098 = arith.mulf %add3A_3097, %add3A_3097 : vector<16xf32>
      %mul3A_3099 = arith.mulf %mul3A_3098, %add3A_3097 : vector<16xf32>
      %mul3A_3100 = arith.constant 4.471500e-02 : f32
      %mul3A_3101 = vector.broadcast %mul3A_3100 : f32 to vector<16xf32>
      %mul3A_3102 = arith.mulf %mul3A_3101, %mul3A_3099 : vector<16xf32>
      %add3A_3103 = arith.addf %add3A_3097, %mul3A_3102 : vector<16xf32>
      %mul3A_3104 = arith.constant 0.797884583 : f32
      %mul3A_3105 = vector.broadcast %mul3A_3104 : f32 to vector<16xf32>
      %mul3A_3106 = arith.mulf %mul3A_3105, %add3A_3103 : vector<16xf32>
      %mul3A_3107 = arith.constant -2.000000e+00 : f32
      %mul3A_3108 = vector.broadcast %mul3A_3107 : f32 to vector<16xf32>
      %mul3A_3109 = arith.mulf %mul3A_3108, %mul3A_3106 : vector<16xf32>
      %exp3A_3110 = math.exp %mul3A_3109 : vector<16xf32>
      %add3A_3111 = arith.constant 1.000000e+00 : f32
      %add3A_3112 = vector.broadcast %add3A_3111 : f32 to vector<16xf32>
      %add3A_3113 = arith.addf %add3A_3112, %exp3A_3110 : vector<16xf32>
      %div3A_3114 = arith.constant 2.000000e+00 : f32
      %div3A_3115 = vector.broadcast %div3A_3114 : f32 to vector<16xf32>
      %div3A_3116 = arith.divf %div3A_3115, %add3A_3113 : vector<16xf32>
      %sub3A_3117 = arith.constant 1.000000e+00 : f32
      %sub3A_3118 = vector.broadcast %sub3A_3117 : f32 to vector<16xf32>
      %sub3A_3119 = arith.subf %div3A_3116, %sub3A_3118 : vector<16xf32>
      %mul3A_3120 = arith.constant 5.000000e-01 : f32
      %mul3A_3121 = vector.broadcast %mul3A_3120 : f32 to vector<16xf32>
      %mul3A_3122 = arith.mulf %mul3A_3121, %add3A_3097 : vector<16xf32>
      %add3A_3123 = arith.constant 1.000000e+00 : f32
      %add3A_3124 = vector.broadcast %add3A_3123 : f32 to vector<16xf32>
      %add3A_3125 = arith.addf %add3A_3124, %sub3A_3119 : vector<16xf32>
      %mul3A_3126 = arith.mulf %mul3A_3122, %add3A_3125 : vector<16xf32>
      %add3A_3127 = arith.addf %get3A_3096, %scan3A_2811#10 : vector<16xf32>
      %mul3A_3128 = arith.mulf %add3A_3127, %add3A_3127 : vector<16xf32>
      %mul3A_3129 = arith.mulf %mul3A_3128, %add3A_3127 : vector<16xf32>
      %mul3A_3130 = arith.constant 4.471500e-02 : f32
      %mul3A_3131 = vector.broadcast %mul3A_3130 : f32 to vector<16xf32>
      %mul3A_3132 = arith.mulf %mul3A_3131, %mul3A_3129 : vector<16xf32>
      %add3A_3133 = arith.addf %add3A_3127, %mul3A_3132 : vector<16xf32>
      %mul3A_3134 = arith.constant 0.797884583 : f32
      %mul3A_3135 = vector.broadcast %mul3A_3134 : f32 to vector<16xf32>
      %mul3A_3136 = arith.mulf %mul3A_3135, %add3A_3133 : vector<16xf32>
      %mul3A_3137 = arith.constant -2.000000e+00 : f32
      %mul3A_3138 = vector.broadcast %mul3A_3137 : f32 to vector<16xf32>
      %mul3A_3139 = arith.mulf %mul3A_3138, %mul3A_3136 : vector<16xf32>
      %exp3A_3140 = math.exp %mul3A_3139 : vector<16xf32>
      %add3A_3141 = arith.constant 1.000000e+00 : f32
      %add3A_3142 = vector.broadcast %add3A_3141 : f32 to vector<16xf32>
      %add3A_3143 = arith.addf %add3A_3142, %exp3A_3140 : vector<16xf32>
      %div3A_3144 = arith.constant 2.000000e+00 : f32
      %div3A_3145 = vector.broadcast %div3A_3144 : f32 to vector<16xf32>
      %div3A_3146 = arith.divf %div3A_3145, %add3A_3143 : vector<16xf32>
      %sub3A_3147 = arith.constant 1.000000e+00 : f32
      %sub3A_3148 = vector.broadcast %sub3A_3147 : f32 to vector<16xf32>
      %sub3A_3149 = arith.subf %div3A_3146, %sub3A_3148 : vector<16xf32>
      %mul3A_3150 = arith.constant 5.000000e-01 : f32
      %mul3A_3151 = vector.broadcast %mul3A_3150 : f32 to vector<16xf32>
      %mul3A_3152 = arith.mulf %mul3A_3151, %add3A_3127 : vector<16xf32>
      %add3A_3153 = arith.constant 1.000000e+00 : f32
      %add3A_3154 = vector.broadcast %add3A_3153 : f32 to vector<16xf32>
      %add3A_3155 = arith.addf %add3A_3154, %sub3A_3149 : vector<16xf32>
      %mul3A_3156 = arith.mulf %mul3A_3152, %add3A_3155 : vector<16xf32>
      %max3A_3157 = arith.maximumf %mul3A_3126, %mul3A_3156 : vector<16xf32>
      %swap3A_3158 = arith.index_cast %add3A_2776 : i32 to index
      %swap3A_3159 = arith.constant 64 : index
      %swap3A_3160 = tpu.vector_load %arg8[%swap3A_3158, %swap3A_3159] {strides = array<i32>} : memref<392x96xf32, #tpu.memory_space<vmem>>, vector<1x16xf32>,
      %swap3A_3161 = vector.shape_cast %swap3A_3160 : vector<1x16xf32> to vector<16xf32>
      %swap3A_3162 = vector.shape_cast %max3A_3157 : vector<16xf32> to vector<1x16xf32>
      tpu.vector_store %arg8[%swap3A_3158, %swap3A_3159], %swap3A_3162 {strides = array<i32>} : memref<392x96xf32, #tpu.memory_space<vmem>>, vector<1x16xf32>,
      %get3A_3163 = arith.index_cast %add3A_2776 : i32 to index
      %get3A_3164 = arith.constant 80 : index
      %get3A_3165 = tpu.vector_load %arg7[%get3A_3163, %get3A_3164] {strides = array<i32>} : memref<392x96xf32, #tpu.memory_space<vmem>>, vector<1x16xf32>,
      %get3A_3166 = vector.shape_cast %get3A_3165 : vector<1x16xf32> to vector<16xf32>
      %add3A_3167 = arith.addf %get3A_3166, %scan3A_2811#5 : vector<16xf32>
      %mul3A_3168 = arith.mulf %add3A_3167, %add3A_3167 : vector<16xf32>
      %mul3A_3169 = arith.mulf %mul3A_3168, %add3A_3167 : vector<16xf32>
      %mul3A_3170 = arith.constant 4.471500e-02 : f32
      %mul3A_3171 = vector.broadcast %mul3A_3170 : f32 to vector<16xf32>
      %mul3A_3172 = arith.mulf %mul3A_3171, %mul3A_3169 : vector<16xf32>
      %add3A_3173 = arith.addf %add3A_3167, %mul3A_3172 : vector<16xf32>
      %mul3A_3174 = arith.constant 0.797884583 : f32
      %mul3A_3175 = vector.broadcast %mul3A_3174 : f32 to vector<16xf32>
      %mul3A_3176 = arith.mulf %mul3A_3175, %add3A_3173 : vector<16xf32>
      %mul3A_3177 = arith.constant -2.000000e+00 : f32
      %mul3A_3178 = vector.broadcast %mul3A_3177 : f32 to vector<16xf32>
      %mul3A_3179 = arith.mulf %mul3A_3178, %mul3A_3176 : vector<16xf32>
      %exp3A_3180 = math.exp %mul3A_3179 : vector<16xf32>
      %add3A_3181 = arith.constant 1.000000e+00 : f32
      %add3A_3182 = vector.broadcast %add3A_3181 : f32 to vector<16xf32>
      %add3A_3183 = arith.addf %add3A_3182, %exp3A_3180 : vector<16xf32>
      %div3A_3184 = arith.constant 2.000000e+00 : f32
      %div3A_3185 = vector.broadcast %div3A_3184 : f32 to vector<16xf32>
      %div3A_3186 = arith.divf %div3A_3185, %add3A_3183 : vector<16xf32>
      %sub3A_3187 = arith.constant 1.000000e+00 : f32
      %sub3A_3188 = vector.broadcast %sub3A_3187 : f32 to vector<16xf32>
      %sub3A_3189 = arith.subf %div3A_3186, %sub3A_3188 : vector<16xf32>
      %mul3A_3190 = arith.constant 5.000000e-01 : f32
      %mul3A_3191 = vector.broadcast %mul3A_3190 : f32 to vector<16xf32>
      %mul3A_3192 = arith.mulf %mul3A_3191, %add3A_3167 : vector<16xf32>
      %add3A_3193 = arith.constant 1.000000e+00 : f32
      %add3A_3194 = vector.broadcast %add3A_3193 : f32 to vector<16xf32>
      %add3A_3195 = arith.addf %add3A_3194, %sub3A_3189 : vector<16xf32>
      %mul3A_3196 = arith.mulf %mul3A_3192, %add3A_3195 : vector<16xf32>
      %add3A_3197 = arith.addf %get3A_3166, %scan3A_2811#11 : vector<16xf32>
      %mul3A_3198 = arith.mulf %add3A_3197, %add3A_3197 : vector<16xf32>
      %mul3A_3199 = arith.mulf %mul3A_3198, %add3A_3197 : vector<16xf32>
      %mul3A_3200 = arith.constant 4.471500e-02 : f32
      %mul3A_3201 = vector.broadcast %mul3A_3200 : f32 to vector<16xf32>
      %mul3A_3202 = arith.mulf %mul3A_3201, %mul3A_3199 : vector<16xf32>
      %add3A_3203 = arith.addf %add3A_3197, %mul3A_3202 : vector<16xf32>
      %mul3A_3204 = arith.constant 0.797884583 : f32
      %mul3A_3205 = vector.broadcast %mul3A_3204 : f32 to vector<16xf32>
      %mul3A_3206 = arith.mulf %mul3A_3205, %add3A_3203 : vector<16xf32>
      %mul3A_3207 = arith.constant -2.000000e+00 : f32
      %mul3A_3208 = vector.broadcast %mul3A_3207 : f32 to vector<16xf32>
      %mul3A_3209 = arith.mulf %mul3A_3208, %mul3A_3206 : vector<16xf32>
      %exp3A_3210 = math.exp %mul3A_3209 : vector<16xf32>
      %add3A_3211 = arith.constant 1.000000e+00 : f32
      %add3A_3212 = vector.broadcast %add3A_3211 : f32 to vector<16xf32>
      %add3A_3213 = arith.addf %add3A_3212, %exp3A_3210 : vector<16xf32>
      %div3A_3214 = arith.constant 2.000000e+00 : f32
      %div3A_3215 = vector.broadcast %div3A_3214 : f32 to vector<16xf32>
      %div3A_3216 = arith.divf %div3A_3215, %add3A_3213 : vector<16xf32>
      %sub3A_3217 = arith.constant 1.000000e+00 : f32
      %sub3A_3218 = vector.broadcast %sub3A_3217 : f32 to vector<16xf32>
      %sub3A_3219 = arith.subf %div3A_3216, %sub3A_3218 : vector<16xf32>
      %mul3A_3220 = arith.constant 5.000000e-01 : f32
      %mul3A_3221 = vector.broadcast %mul3A_3220 : f32 to vector<16xf32>
      %mul3A_3222 = arith.mulf %mul3A_3221, %add3A_3197 : vector<16xf32>
      %add3A_3223 = arith.constant 1.000000e+00 : f32
      %add3A_3224 = vector.broadcast %add3A_3223 : f32 to vector<16xf32>
      %add3A_3225 = arith.addf %add3A_3224, %sub3A_3219 : vector<16xf32>
      %mul3A_3226 = arith.mulf %mul3A_3222, %add3A_3225 : vector<16xf32>
      %max3A_3227 = arith.maximumf %mul3A_3196, %mul3A_3226 : vector<16xf32>
      %swap3A_3228 = arith.index_cast %add3A_2776 : i32 to index
      %swap3A_3229 = arith.constant 80 : index
      %swap3A_3230 = tpu.vector_load %arg8[%swap3A_3228, %swap3A_3229] {strides = array<i32>} : memref<392x96xf32, #tpu.memory_space<vmem>>, vector<1x16xf32>,
      %swap3A_3231 = vector.shape_cast %swap3A_3230 : vector<1x16xf32> to vector<16xf32>
      %swap3A_3232 = vector.shape_cast %max3A_3227 : vector<16xf32> to vector<1x16xf32>
      tpu.vector_store %arg8[%swap3A_3228, %swap3A_3229], %swap3A_3232 {strides = array<i32>} : memref<392x96xf32, #tpu.memory_space<vmem>>, vector<1x16xf32>,
      %mul3A_3233 = arith.constant 8 : i32
      %mul3A_3234 = arith.muli %scan3A_8, %mul3A_3233 : i32
      %add3A_3235 = arith.constant 7 : i32
      %add3A_3236 = arith.addi %mul3A_3234, %add3A_3235 : i32
      %get3A_3237 = arith.constant 112 : i32
      %get3A_3238 = arith.index_cast %get3A_3237 : i32 to index
      %get3A_3239 = arith.constant 0 : index
      %get3A_3240 = tpu.vector_load %arg9[%get3A_3238, %get3A_3239] {strides = array<i32>} : memref<128x128xf32, #tpu.memory_space<vmem>>, vector<1x16xf32>,
      %get3A_3241 = vector.shape_cast %get3A_3240 : vector<1x16xf32> to vector<16xf32>
      %get3A_3242 = arith.constant 112 : i32
      %get3A_3243 = arith.index_cast %get3A_3242 : i32 to index
      %get3A_3244 = arith.constant 16 : index
      %get3A_3245 = tpu.vector_load %arg9[%get3A_3243, %get3A_3244] {strides = array<i32>} : memref<128x128xf32, #tpu.memory_space<vmem>>, vector<1x16xf32>,
      %get3A_3246 = vector.shape_cast %get3A_3245 : vector<1x16xf32> to vector<16xf32>
      %get3A_3247 = arith.constant 112 : i32
      %get3A_3248 = arith.index_cast %get3A_3247 : i32 to index
      %get3A_3249 = arith.constant 32 : index
      %get3A_3250 = tpu.vector_load %arg9[%get3A_3248, %get3A_3249] {strides = array<i32>} : memref<128x128xf32, #tpu.memory_space<vmem>>, vector<1x16xf32>,
      %get3A_3251 = vector.shape_cast %get3A_3250 : vector<1x16xf32> to vector<16xf32>
      %get3A_3252 = arith.constant 112 : i32
      %get3A_3253 = arith.index_cast %get3A_3252 : i32 to index
      %get3A_3254 = arith.constant 48 : index
      %get3A_3255 = tpu.vector_load %arg9[%get3A_3253, %get3A_3254] {strides = array<i32>} : memref<128x128xf32, #tpu.memory_space<vmem>>, vector<1x16xf32>,
      %get3A_3256 = vector.shape_cast %get3A_3255 : vector<1x16xf32> to vector<16xf32>
      %get3A_3257 = arith.constant 112 : i32
      %get3A_3258 = arith.index_cast %get3A_3257 : i32 to index
      %get3A_3259 = arith.constant 64 : index
      %get3A_3260 = tpu.vector_load %arg9[%get3A_3258, %get3A_3259] {strides = array<i32>} : memref<128x128xf32, #tpu.memory_space<vmem>>, vector<1x16xf32>,
      %get3A_3261 = vector.shape_cast %get3A_3260 : vector<1x16xf32> to vector<16xf32>
      %get3A_3262 = arith.constant 112 : i32
      %get3A_3263 = arith.index_cast %get3A_3262 : i32 to index
      %get3A_3264 = arith.constant 80 : index
      %get3A_3265 = tpu.vector_load %arg9[%get3A_3263, %get3A_3264] {strides = array<i32>} : memref<128x128xf32, #tpu.memory_space<vmem>>, vector<1x16xf32>,
      %get3A_3266 = vector.shape_cast %get3A_3265 : vector<1x16xf32> to vector<16xf32>
      %scan3A_3267 = arith.constant 1 : i32
      %scan3A_3268 = arith.constant 15 : i32
      %scan3A_3269 = arith.addi %scan3A_3267, %scan3A_3268 : i32
      %scan3A_3270 = arith.constant 1 : i32
      %scan3A_3271:12 = scf.for %scan3A_3693 = %scan3A_3267 to %scan3A_3269 step %scan3A_3270 iter_args(%scan3A_3694 = %get3A_3241, %scan3A_3695 = %get3A_3246, %scan3A_3696 = %get3A_3251, %scan3A_3697 = %get3A_3256, %scan3A_3698 = %get3A_3261, %scan3A_3699 = %get3A_3266, %scan3A_3700 = %get3A_3241, %scan3A_3701 = %get3A_3246, %scan3A_3702 = %get3A_3251, %scan3A_3703 = %get3A_3256, %scan3A_3704 = %get3A_3261, %scan3A_3705 = %get3A_3266) -> (vector<16xf32>, vector<16xf32>, vector<16xf32>, vector<16xf32>, vector<16xf32>, vector<16xf32>, vector<16xf32>, vector<16xf32>, vector<16xf32>, vector<16xf32>, vector<16xf32>, vector<16xf32>)  : i32 {
        %add3A_3706 = arith.constant 112 : i32
        %add3A_3707 = arith.addi %add3A_3706, %scan3A_3693 : i32
        %get3A_3708 = arith.index_cast %add3A_3707 : i32 to index
        %get3A_3709 = arith.constant 0 : index
        %get3A_3710 = tpu.vector_load %arg9[%get3A_3708, %get3A_3709] {strides = array<i32>} : memref<128x128xf32, #tpu.memory_space<vmem>>, vector<1x16xf32>,
        %get3A_3711 = vector.shape_cast %get3A_3710 : vector<1x16xf32> to vector<16xf32>
        %add3A_3712 = arith.constant 112 : i32
        %add3A_3713 = arith.addi %add3A_3712, %scan3A_3693 : i32
        %get3A_3714 = arith.index_cast %add3A_3713 : i32 to index
        %get3A_3715 = arith.constant 16 : index
        %get3A_3716 = tpu.vector_load %arg9[%get3A_3714, %get3A_3715] {strides = array<i32>} : memref<128x128xf32, #tpu.memory_space<vmem>>, vector<1x16xf32>,
        %get3A_3717 = vector.shape_cast %get3A_3716 : vector<1x16xf32> to vector<16xf32>
        %add3A_3718 = arith.constant 112 : i32
        %add3A_3719 = arith.addi %add3A_3718, %scan3A_3693 : i32
        %get3A_3720 = arith.index_cast %add3A_3719 : i32 to index
        %get3A_3721 = arith.constant 32 : index
        %get3A_3722 = tpu.vector_load %arg9[%get3A_3720, %get3A_3721] {strides = array<i32>} : memref<128x128xf32, #tpu.memory_space<vmem>>, vector<1x16xf32>,
        %get3A_3723 = vector.shape_cast %get3A_3722 : vector<1x16xf32> to vector<16xf32>
        %add3A_3724 = arith.constant 112 : i32
        %add3A_3725 = arith.addi %add3A_3724, %scan3A_3693 : i32
        %get3A_3726 = arith.index_cast %add3A_3725 : i32 to index
        %get3A_3727 = arith.constant 48 : index
        %get3A_3728 = tpu.vector_load %arg9[%get3A_3726, %get3A_3727] {strides = array<i32>} : memref<128x128xf32, #tpu.memory_space<vmem>>, vector<1x16xf32>,
        %get3A_3729 = vector.shape_cast %get3A_3728 : vector<1x16xf32> to vector<16xf32>
        %add3A_3730 = arith.constant 112 : i32
        %add3A_3731 = arith.addi %add3A_3730, %scan3A_3693 : i32
        %get3A_3732 = arith.index_cast %add3A_3731 : i32 to index
        %get3A_3733 = arith.constant 64 : index
        %get3A_3734 = tpu.vector_load %arg9[%get3A_3732, %get3A_3733] {strides = array<i32>} : memref<128x128xf32, #tpu.memory_space<vmem>>, vector<1x16xf32>,
        %get3A_3735 = vector.shape_cast %get3A_3734 : vector<1x16xf32> to vector<16xf32>
        %add3A_3736 = arith.constant 112 : i32
        %add3A_3737 = arith.addi %add3A_3736, %scan3A_3693 : i32
        %get3A_3738 = arith.index_cast %add3A_3737 : i32 to index
        %get3A_3739 = arith.constant 80 : index
        %get3A_3740 = tpu.vector_load %arg9[%get3A_3738, %get3A_3739] {strides = array<i32>} : memref<128x128xf32, #tpu.memory_space<vmem>>, vector<1x16xf32>,
        %get3A_3741 = vector.shape_cast %get3A_3740 : vector<1x16xf32> to vector<16xf32>
        %min3A = arith.minimumf %scan3A_3694, %get3A_3711 : vector<16xf32>
        %min3A_3742 = arith.minimumf %scan3A_3695, %get3A_3717 : vector<16xf32>
        %min3A_3743 = arith.minimumf %scan3A_3696, %get3A_3723 : vector<16xf32>
        %min3A_3744 = arith.minimumf %scan3A_3697, %get3A_3729 : vector<16xf32>
        %min3A_3745 = arith.minimumf %scan3A_3698, %get3A_3735 : vector<16xf32>
        %min3A_3746 = arith.minimumf %scan3A_3699, %get3A_3741 : vector<16xf32>
        %max3A_3747 = arith.maximumf %scan3A_3700, %get3A_3711 : vector<16xf32>
        %max3A_3748 = arith.maximumf %scan3A_3701, %get3A_3717 : vector<16xf32>
        %max3A_3749 = arith.maximumf %scan3A_3702, %get3A_3723 : vector<16xf32>
        %max3A_3750 = arith.maximumf %scan3A_3703, %get3A_3729 : vector<16xf32>
        %max3A_3751 = arith.maximumf %scan3A_3704, %get3A_3735 : vector<16xf32>
        %max3A_3752 = arith.maximumf %scan3A_3705, %get3A_3741 : vector<16xf32>
        scf.yield %min3A, %min3A_3742, %min3A_3743, %min3A_3744, %min3A_3745, %min3A_3746, %max3A_3747, %max3A_3748, %max3A_3749, %max3A_3750, %max3A_3751, %max3A_3752 : vector<16xf32>, vector<16xf32>, vector<16xf32>, vector<16xf32>, vector<16xf32>, vector<16xf32>, vector<16xf32>, vector<16xf32>, vector<16xf32>, vector<16xf32>, vector<16xf32>, vector<16xf32>
      }
      %scan3A_3272 = arith.constant 15 : i32
      %get3A_3273 = arith.index_cast %add3A_3236 : i32 to index
      %get3A_3274 = arith.constant 0 : index
      %get3A_3275 = tpu.vector_load %arg7[%get3A_3273, %get3A_3274] {strides = array<i32>} : memref<392x96xf32, #tpu.memory_space<vmem>>, vector<1x16xf32>,
      %get3A_3276 = vector.shape_cast %get3A_3275 : vector<1x16xf32> to vector<16xf32>
      %add3A_3277 = arith.addf %get3A_3276, %scan3A_3271#0 : vector<16xf32>
      %mul3A_3278 = arith.mulf %add3A_3277, %add3A_3277 : vector<16xf32>
      %mul3A_3279 = arith.mulf %mul3A_3278, %add3A_3277 : vector<16xf32>
      %mul3A_3280 = arith.constant 4.471500e-02 : f32
      %mul3A_3281 = vector.broadcast %mul3A_3280 : f32 to vector<16xf32>
      %mul3A_3282 = arith.mulf %mul3A_3281, %mul3A_3279 : vector<16xf32>
      %add3A_3283 = arith.addf %add3A_3277, %mul3A_3282 : vector<16xf32>
      %mul3A_3284 = arith.constant 0.797884583 : f32
      %mul3A_3285 = vector.broadcast %mul3A_3284 : f32 to vector<16xf32>
      %mul3A_3286 = arith.mulf %mul3A_3285, %add3A_3283 : vector<16xf32>
      %mul3A_3287 = arith.constant -2.000000e+00 : f32
      %mul3A_3288 = vector.broadcast %mul3A_3287 : f32 to vector<16xf32>
      %mul3A_3289 = arith.mulf %mul3A_3288, %mul3A_3286 : vector<16xf32>
      %exp3A_3290 = math.exp %mul3A_3289 : vector<16xf32>
      %add3A_3291 = arith.constant 1.000000e+00 : f32
      %add3A_3292 = vector.broadcast %add3A_3291 : f32 to vector<16xf32>
      %add3A_3293 = arith.addf %add3A_3292, %exp3A_3290 : vector<16xf32>
      %div3A_3294 = arith.constant 2.000000e+00 : f32
      %div3A_3295 = vector.broadcast %div3A_3294 : f32 to vector<16xf32>
      %div3A_3296 = arith.divf %div3A_3295, %add3A_3293 : vector<16xf32>
      %sub3A_3297 = arith.constant 1.000000e+00 : f32
      %sub3A_3298 = vector.broadcast %sub3A_3297 : f32 to vector<16xf32>
      %sub3A_3299 = arith.subf %div3A_3296, %sub3A_3298 : vector<16xf32>
      %mul3A_3300 = arith.constant 5.000000e-01 : f32
      %mul3A_3301 = vector.broadcast %mul3A_3300 : f32 to vector<16xf32>
      %mul3A_3302 = arith.mulf %mul3A_3301, %add3A_3277 : vector<16xf32>
      %add3A_3303 = arith.constant 1.000000e+00 : f32
      %add3A_3304 = vector.broadcast %add3A_3303 : f32 to vector<16xf32>
      %add3A_3305 = arith.addf %add3A_3304, %sub3A_3299 : vector<16xf32>
      %mul3A_3306 = arith.mulf %mul3A_3302, %add3A_3305 : vector<16xf32>
      %add3A_3307 = arith.addf %get3A_3276, %scan3A_3271#6 : vector<16xf32>
      %mul3A_3308 = arith.mulf %add3A_3307, %add3A_3307 : vector<16xf32>
      %mul3A_3309 = arith.mulf %mul3A_3308, %add3A_3307 : vector<16xf32>
      %mul3A_3310 = arith.constant 4.471500e-02 : f32
      %mul3A_3311 = vector.broadcast %mul3A_3310 : f32 to vector<16xf32>
      %mul3A_3312 = arith.mulf %mul3A_3311, %mul3A_3309 : vector<16xf32>
      %add3A_3313 = arith.addf %add3A_3307, %mul3A_3312 : vector<16xf32>
      %mul3A_3314 = arith.constant 0.797884583 : f32
      %mul3A_3315 = vector.broadcast %mul3A_3314 : f32 to vector<16xf32>
      %mul3A_3316 = arith.mulf %mul3A_3315, %add3A_3313 : vector<16xf32>
      %mul3A_3317 = arith.constant -2.000000e+00 : f32
      %mul3A_3318 = vector.broadcast %mul3A_3317 : f32 to vector<16xf32>
      %mul3A_3319 = arith.mulf %mul3A_3318, %mul3A_3316 : vector<16xf32>
      %exp3A_3320 = math.exp %mul3A_3319 : vector<16xf32>
      %add3A_3321 = arith.constant 1.000000e+00 : f32
      %add3A_3322 = vector.broadcast %add3A_3321 : f32 to vector<16xf32>
      %add3A_3323 = arith.addf %add3A_3322, %exp3A_3320 : vector<16xf32>
      %div3A_3324 = arith.constant 2.000000e+00 : f32
      %div3A_3325 = vector.broadcast %div3A_3324 : f32 to vector<16xf32>
      %div3A_3326 = arith.divf %div3A_3325, %add3A_3323 : vector<16xf32>
      %sub3A_3327 = arith.constant 1.000000e+00 : f32
      %sub3A_3328 = vector.broadcast %sub3A_3327 : f32 to vector<16xf32>
      %sub3A_3329 = arith.subf %div3A_3326, %sub3A_3328 : vector<16xf32>
      %mul3A_3330 = arith.constant 5.000000e-01 : f32
      %mul3A_3331 = vector.broadcast %mul3A_3330 : f32 to vector<16xf32>
      %mul3A_3332 = arith.mulf %mul3A_3331, %add3A_3307 : vector<16xf32>
      %add3A_3333 = arith.constant 1.000000e+00 : f32
      %add3A_3334 = vector.broadcast %add3A_3333 : f32 to vector<16xf32>
      %add3A_3335 = arith.addf %add3A_3334, %sub3A_3329 : vector<16xf32>
      %mul3A_3336 = arith.mulf %mul3A_3332, %add3A_3335 : vector<16xf32>
      %max3A_3337 = arith.maximumf %mul3A_3306, %mul3A_3336 : vector<16xf32>
      %swap3A_3338 = arith.index_cast %add3A_3236 : i32 to index
      %swap3A_3339 = arith.constant 0 : index
      %swap3A_3340 = tpu.vector_load %arg8[%swap3A_3338, %swap3A_3339] {strides = array<i32>} : memref<392x96xf32, #tpu.memory_space<vmem>>, vector<1x16xf32>,
      %swap3A_3341 = vector.shape_cast %swap3A_3340 : vector<1x16xf32> to vector<16xf32>
      %swap3A_3342 = vector.shape_cast %max3A_3337 : vector<16xf32> to vector<1x16xf32>
      tpu.vector_store %arg8[%swap3A_3338, %swap3A_3339], %swap3A_3342 {strides = array<i32>} : memref<392x96xf32, #tpu.memory_space<vmem>>, vector<1x16xf32>,
      %get3A_3343 = arith.index_cast %add3A_3236 : i32 to index
      %get3A_3344 = arith.constant 16 : index
      %get3A_3345 = tpu.vector_load %arg7[%get3A_3343, %get3A_3344] {strides = array<i32>} : memref<392x96xf32, #tpu.memory_space<vmem>>, vector<1x16xf32>,
      %get3A_3346 = vector.shape_cast %get3A_3345 : vector<1x16xf32> to vector<16xf32>
      %add3A_3347 = arith.addf %get3A_3346, %scan3A_3271#1 : vector<16xf32>
      %mul3A_3348 = arith.mulf %add3A_3347, %add3A_3347 : vector<16xf32>
      %mul3A_3349 = arith.mulf %mul3A_3348, %add3A_3347 : vector<16xf32>
      %mul3A_3350 = arith.constant 4.471500e-02 : f32
      %mul3A_3351 = vector.broadcast %mul3A_3350 : f32 to vector<16xf32>
      %mul3A_3352 = arith.mulf %mul3A_3351, %mul3A_3349 : vector<16xf32>
      %add3A_3353 = arith.addf %add3A_3347, %mul3A_3352 : vector<16xf32>
      %mul3A_3354 = arith.constant 0.797884583 : f32
      %mul3A_3355 = vector.broadcast %mul3A_3354 : f32 to vector<16xf32>
      %mul3A_3356 = arith.mulf %mul3A_3355, %add3A_3353 : vector<16xf32>
      %mul3A_3357 = arith.constant -2.000000e+00 : f32
      %mul3A_3358 = vector.broadcast %mul3A_3357 : f32 to vector<16xf32>
      %mul3A_3359 = arith.mulf %mul3A_3358, %mul3A_3356 : vector<16xf32>
      %exp3A_3360 = math.exp %mul3A_3359 : vector<16xf32>
      %add3A_3361 = arith.constant 1.000000e+00 : f32
      %add3A_3362 = vector.broadcast %add3A_3361 : f32 to vector<16xf32>
      %add3A_3363 = arith.addf %add3A_3362, %exp3A_3360 : vector<16xf32>
      %div3A_3364 = arith.constant 2.000000e+00 : f32
      %div3A_3365 = vector.broadcast %div3A_3364 : f32 to vector<16xf32>
      %div3A_3366 = arith.divf %div3A_3365, %add3A_3363 : vector<16xf32>
      %sub3A_3367 = arith.constant 1.000000e+00 : f32
      %sub3A_3368 = vector.broadcast %sub3A_3367 : f32 to vector<16xf32>
      %sub3A_3369 = arith.subf %div3A_3366, %sub3A_3368 : vector<16xf32>
      %mul3A_3370 = arith.constant 5.000000e-01 : f32
      %mul3A_3371 = vector.broadcast %mul3A_3370 : f32 to vector<16xf32>
      %mul3A_3372 = arith.mulf %mul3A_3371, %add3A_3347 : vector<16xf32>
      %add3A_3373 = arith.constant 1.000000e+00 : f32
      %add3A_3374 = vector.broadcast %add3A_3373 : f32 to vector<16xf32>
      %add3A_3375 = arith.addf %add3A_3374, %sub3A_3369 : vector<16xf32>
      %mul3A_3376 = arith.mulf %mul3A_3372, %add3A_3375 : vector<16xf32>
      %add3A_3377 = arith.addf %get3A_3346, %scan3A_3271#7 : vector<16xf32>
      %mul3A_3378 = arith.mulf %add3A_3377, %add3A_3377 : vector<16xf32>
      %mul3A_3379 = arith.mulf %mul3A_3378, %add3A_3377 : vector<16xf32>
      %mul3A_3380 = arith.constant 4.471500e-02 : f32
      %mul3A_3381 = vector.broadcast %mul3A_3380 : f32 to vector<16xf32>
      %mul3A_3382 = arith.mulf %mul3A_3381, %mul3A_3379 : vector<16xf32>
      %add3A_3383 = arith.addf %add3A_3377, %mul3A_3382 : vector<16xf32>
      %mul3A_3384 = arith.constant 0.797884583 : f32
      %mul3A_3385 = vector.broadcast %mul3A_3384 : f32 to vector<16xf32>
      %mul3A_3386 = arith.mulf %mul3A_3385, %add3A_3383 : vector<16xf32>
      %mul3A_3387 = arith.constant -2.000000e+00 : f32
      %mul3A_3388 = vector.broadcast %mul3A_3387 : f32 to vector<16xf32>
      %mul3A_3389 = arith.mulf %mul3A_3388, %mul3A_3386 : vector<16xf32>
      %exp3A_3390 = math.exp %mul3A_3389 : vector<16xf32>
      %add3A_3391 = arith.constant 1.000000e+00 : f32
      %add3A_3392 = vector.broadcast %add3A_3391 : f32 to vector<16xf32>
      %add3A_3393 = arith.addf %add3A_3392, %exp3A_3390 : vector<16xf32>
      %div3A_3394 = arith.constant 2.000000e+00 : f32
      %div3A_3395 = vector.broadcast %div3A_3394 : f32 to vector<16xf32>
      %div3A_3396 = arith.divf %div3A_3395, %add3A_3393 : vector<16xf32>
      %sub3A_3397 = arith.constant 1.000000e+00 : f32
      %sub3A_3398 = vector.broadcast %sub3A_3397 : f32 to vector<16xf32>
      %sub3A_3399 = arith.subf %div3A_3396, %sub3A_3398 : vector<16xf32>
      %mul3A_3400 = arith.constant 5.000000e-01 : f32
      %mul3A_3401 = vector.broadcast %mul3A_3400 : f32 to vector<16xf32>
      %mul3A_3402 = arith.mulf %mul3A_3401, %add3A_3377 : vector<16xf32>
      %add3A_3403 = arith.constant 1.000000e+00 : f32
      %add3A_3404 = vector.broadcast %add3A_3403 : f32 to vector<16xf32>
      %add3A_3405 = arith.addf %add3A_3404, %sub3A_3399 : vector<16xf32>
      %mul3A_3406 = arith.mulf %mul3A_3402, %add3A_3405 : vector<16xf32>
      %max3A_3407 = arith.maximumf %mul3A_3376, %mul3A_3406 : vector<16xf32>
      %swap3A_3408 = arith.index_cast %add3A_3236 : i32 to index
      %swap3A_3409 = arith.constant 16 : index
      %swap3A_3410 = tpu.vector_load %arg8[%swap3A_3408, %swap3A_3409] {strides = array<i32>} : memref<392x96xf32, #tpu.memory_space<vmem>>, vector<1x16xf32>,
      %swap3A_3411 = vector.shape_cast %swap3A_3410 : vector<1x16xf32> to vector<16xf32>
      %swap3A_3412 = vector.shape_cast %max3A_3407 : vector<16xf32> to vector<1x16xf32>
      tpu.vector_store %arg8[%swap3A_3408, %swap3A_3409], %swap3A_3412 {strides = array<i32>} : memref<392x96xf32, #tpu.memory_space<vmem>>, vector<1x16xf32>,
      %get3A_3413 = arith.index_cast %add3A_3236 : i32 to index
      %get3A_3414 = arith.constant 32 : index
      %get3A_3415 = tpu.vector_load %arg7[%get3A_3413, %get3A_3414] {strides = array<i32>} : memref<392x96xf32, #tpu.memory_space<vmem>>, vector<1x16xf32>,
      %get3A_3416 = vector.shape_cast %get3A_3415 : vector<1x16xf32> to vector<16xf32>
      %add3A_3417 = arith.addf %get3A_3416, %scan3A_3271#2 : vector<16xf32>
      %mul3A_3418 = arith.mulf %add3A_3417, %add3A_3417 : vector<16xf32>
      %mul3A_3419 = arith.mulf %mul3A_3418, %add3A_3417 : vector<16xf32>
      %mul3A_3420 = arith.constant 4.471500e-02 : f32
      %mul3A_3421 = vector.broadcast %mul3A_3420 : f32 to vector<16xf32>
      %mul3A_3422 = arith.mulf %mul3A_3421, %mul3A_3419 : vector<16xf32>
      %add3A_3423 = arith.addf %add3A_3417, %mul3A_3422 : vector<16xf32>
      %mul3A_3424 = arith.constant 0.797884583 : f32
      %mul3A_3425 = vector.broadcast %mul3A_3424 : f32 to vector<16xf32>
      %mul3A_3426 = arith.mulf %mul3A_3425, %add3A_3423 : vector<16xf32>
      %mul3A_3427 = arith.constant -2.000000e+00 : f32
      %mul3A_3428 = vector.broadcast %mul3A_3427 : f32 to vector<16xf32>
      %mul3A_3429 = arith.mulf %mul3A_3428, %mul3A_3426 : vector<16xf32>
      %exp3A_3430 = math.exp %mul3A_3429 : vector<16xf32>
      %add3A_3431 = arith.constant 1.000000e+00 : f32
      %add3A_3432 = vector.broadcast %add3A_3431 : f32 to vector<16xf32>
      %add3A_3433 = arith.addf %add3A_3432, %exp3A_3430 : vector<16xf32>
      %div3A_3434 = arith.constant 2.000000e+00 : f32
      %div3A_3435 = vector.broadcast %div3A_3434 : f32 to vector<16xf32>
      %div3A_3436 = arith.divf %div3A_3435, %add3A_3433 : vector<16xf32>
      %sub3A_3437 = arith.constant 1.000000e+00 : f32
      %sub3A_3438 = vector.broadcast %sub3A_3437 : f32 to vector<16xf32>
      %sub3A_3439 = arith.subf %div3A_3436, %sub3A_3438 : vector<16xf32>
      %mul3A_3440 = arith.constant 5.000000e-01 : f32
      %mul3A_3441 = vector.broadcast %mul3A_3440 : f32 to vector<16xf32>
      %mul3A_3442 = arith.mulf %mul3A_3441, %add3A_3417 : vector<16xf32>
      %add3A_3443 = arith.constant 1.000000e+00 : f32
      %add3A_3444 = vector.broadcast %add3A_3443 : f32 to vector<16xf32>
      %add3A_3445 = arith.addf %add3A_3444, %sub3A_3439 : vector<16xf32>
      %mul3A_3446 = arith.mulf %mul3A_3442, %add3A_3445 : vector<16xf32>
      %add3A_3447 = arith.addf %get3A_3416, %scan3A_3271#8 : vector<16xf32>
      %mul3A_3448 = arith.mulf %add3A_3447, %add3A_3447 : vector<16xf32>
      %mul3A_3449 = arith.mulf %mul3A_3448, %add3A_3447 : vector<16xf32>
      %mul3A_3450 = arith.constant 4.471500e-02 : f32
      %mul3A_3451 = vector.broadcast %mul3A_3450 : f32 to vector<16xf32>
      %mul3A_3452 = arith.mulf %mul3A_3451, %mul3A_3449 : vector<16xf32>
      %add3A_3453 = arith.addf %add3A_3447, %mul3A_3452 : vector<16xf32>
      %mul3A_3454 = arith.constant 0.797884583 : f32
      %mul3A_3455 = vector.broadcast %mul3A_3454 : f32 to vector<16xf32>
      %mul3A_3456 = arith.mulf %mul3A_3455, %add3A_3453 : vector<16xf32>
      %mul3A_3457 = arith.constant -2.000000e+00 : f32
      %mul3A_3458 = vector.broadcast %mul3A_3457 : f32 to vector<16xf32>
      %mul3A_3459 = arith.mulf %mul3A_3458, %mul3A_3456 : vector<16xf32>
      %exp3A_3460 = math.exp %mul3A_3459 : vector<16xf32>
      %add3A_3461 = arith.constant 1.000000e+00 : f32
      %add3A_3462 = vector.broadcast %add3A_3461 : f32 to vector<16xf32>
      %add3A_3463 = arith.addf %add3A_3462, %exp3A_3460 : vector<16xf32>
      %div3A_3464 = arith.constant 2.000000e+00 : f32
      %div3A_3465 = vector.broadcast %div3A_3464 : f32 to vector<16xf32>
      %div3A_3466 = arith.divf %div3A_3465, %add3A_3463 : vector<16xf32>
      %sub3A_3467 = arith.constant 1.000000e+00 : f32
      %sub3A_3468 = vector.broadcast %sub3A_3467 : f32 to vector<16xf32>
      %sub3A_3469 = arith.subf %div3A_3466, %sub3A_3468 : vector<16xf32>
      %mul3A_3470 = arith.constant 5.000000e-01 : f32
      %mul3A_3471 = vector.broadcast %mul3A_3470 : f32 to vector<16xf32>
      %mul3A_3472 = arith.mulf %mul3A_3471, %add3A_3447 : vector<16xf32>
      %add3A_3473 = arith.constant 1.000000e+00 : f32
      %add3A_3474 = vector.broadcast %add3A_3473 : f32 to vector<16xf32>
      %add3A_3475 = arith.addf %add3A_3474, %sub3A_3469 : vector<16xf32>
      %mul3A_3476 = arith.mulf %mul3A_3472, %add3A_3475 : vector<16xf32>
      %max3A_3477 = arith.maximumf %mul3A_3446, %mul3A_3476 : vector<16xf32>
      %swap3A_3478 = arith.index_cast %add3A_3236 : i32 to index
      %swap3A_3479 = arith.constant 32 : index
      %swap3A_3480 = tpu.vector_load %arg8[%swap3A_3478, %swap3A_3479] {strides = array<i32>} : memref<392x96xf32, #tpu.memory_space<vmem>>, vector<1x16xf32>,
      %swap3A_3481 = vector.shape_cast %swap3A_3480 : vector<1x16xf32> to vector<16xf32>
      %swap3A_3482 = vector.shape_cast %max3A_3477 : vector<16xf32> to vector<1x16xf32>
      tpu.vector_store %arg8[%swap3A_3478, %swap3A_3479], %swap3A_3482 {strides = array<i32>} : memref<392x96xf32, #tpu.memory_space<vmem>>, vector<1x16xf32>,
      %get3A_3483 = arith.index_cast %add3A_3236 : i32 to index
      %get3A_3484 = arith.constant 48 : index
      %get3A_3485 = tpu.vector_load %arg7[%get3A_3483, %get3A_3484] {strides = array<i32>} : memref<392x96xf32, #tpu.memory_space<vmem>>, vector<1x16xf32>,
      %get3A_3486 = vector.shape_cast %get3A_3485 : vector<1x16xf32> to vector<16xf32>
      %add3A_3487 = arith.addf %get3A_3486, %scan3A_3271#3 : vector<16xf32>
      %mul3A_3488 = arith.mulf %add3A_3487, %add3A_3487 : vector<16xf32>
      %mul3A_3489 = arith.mulf %mul3A_3488, %add3A_3487 : vector<16xf32>
      %mul3A_3490 = arith.constant 4.471500e-02 : f32
      %mul3A_3491 = vector.broadcast %mul3A_3490 : f32 to vector<16xf32>
      %mul3A_3492 = arith.mulf %mul3A_3491, %mul3A_3489 : vector<16xf32>
      %add3A_3493 = arith.addf %add3A_3487, %mul3A_3492 : vector<16xf32>
      %mul3A_3494 = arith.constant 0.797884583 : f32
      %mul3A_3495 = vector.broadcast %mul3A_3494 : f32 to vector<16xf32>
      %mul3A_3496 = arith.mulf %mul3A_3495, %add3A_3493 : vector<16xf32>
      %mul3A_3497 = arith.constant -2.000000e+00 : f32
      %mul3A_3498 = vector.broadcast %mul3A_3497 : f32 to vector<16xf32>
      %mul3A_3499 = arith.mulf %mul3A_3498, %mul3A_3496 : vector<16xf32>
      %exp3A_3500 = math.exp %mul3A_3499 : vector<16xf32>
      %add3A_3501 = arith.constant 1.000000e+00 : f32
      %add3A_3502 = vector.broadcast %add3A_3501 : f32 to vector<16xf32>
      %add3A_3503 = arith.addf %add3A_3502, %exp3A_3500 : vector<16xf32>
      %div3A_3504 = arith.constant 2.000000e+00 : f32
      %div3A_3505 = vector.broadcast %div3A_3504 : f32 to vector<16xf32>
      %div3A_3506 = arith.divf %div3A_3505, %add3A_3503 : vector<16xf32>
      %sub3A_3507 = arith.constant 1.000000e+00 : f32
      %sub3A_3508 = vector.broadcast %sub3A_3507 : f32 to vector<16xf32>
      %sub3A_3509 = arith.subf %div3A_3506, %sub3A_3508 : vector<16xf32>
      %mul3A_3510 = arith.constant 5.000000e-01 : f32
      %mul3A_3511 = vector.broadcast %mul3A_3510 : f32 to vector<16xf32>
      %mul3A_3512 = arith.mulf %mul3A_3511, %add3A_3487 : vector<16xf32>
      %add3A_3513 = arith.constant 1.000000e+00 : f32
      %add3A_3514 = vector.broadcast %add3A_3513 : f32 to vector<16xf32>
      %add3A_3515 = arith.addf %add3A_3514, %sub3A_3509 : vector<16xf32>
      %mul3A_3516 = arith.mulf %mul3A_3512, %add3A_3515 : vector<16xf32>
      %add3A_3517 = arith.addf %get3A_3486, %scan3A_3271#9 : vector<16xf32>
      %mul3A_3518 = arith.mulf %add3A_3517, %add3A_3517 : vector<16xf32>
      %mul3A_3519 = arith.mulf %mul3A_3518, %add3A_3517 : vector<16xf32>
      %mul3A_3520 = arith.constant 4.471500e-02 : f32
      %mul3A_3521 = vector.broadcast %mul3A_3520 : f32 to vector<16xf32>
      %mul3A_3522 = arith.mulf %mul3A_3521, %mul3A_3519 : vector<16xf32>
      %add3A_3523 = arith.addf %add3A_3517, %mul3A_3522 : vector<16xf32>
      %mul3A_3524 = arith.constant 0.797884583 : f32
      %mul3A_3525 = vector.broadcast %mul3A_3524 : f32 to vector<16xf32>
      %mul3A_3526 = arith.mulf %mul3A_3525, %add3A_3523 : vector<16xf32>
      %mul3A_3527 = arith.constant -2.000000e+00 : f32
      %mul3A_3528 = vector.broadcast %mul3A_3527 : f32 to vector<16xf32>
      %mul3A_3529 = arith.mulf %mul3A_3528, %mul3A_3526 : vector<16xf32>
      %exp3A_3530 = math.exp %mul3A_3529 : vector<16xf32>
      %add3A_3531 = arith.constant 1.000000e+00 : f32
      %add3A_3532 = vector.broadcast %add3A_3531 : f32 to vector<16xf32>
      %add3A_3533 = arith.addf %add3A_3532, %exp3A_3530 : vector<16xf32>
      %div3A_3534 = arith.constant 2.000000e+00 : f32
      %div3A_3535 = vector.broadcast %div3A_3534 : f32 to vector<16xf32>
      %div3A_3536 = arith.divf %div3A_3535, %add3A_3533 : vector<16xf32>
      %sub3A_3537 = arith.constant 1.000000e+00 : f32
      %sub3A_3538 = vector.broadcast %sub3A_3537 : f32 to vector<16xf32>
      %sub3A_3539 = arith.subf %div3A_3536, %sub3A_3538 : vector<16xf32>
      %mul3A_3540 = arith.constant 5.000000e-01 : f32
      %mul3A_3541 = vector.broadcast %mul3A_3540 : f32 to vector<16xf32>
      %mul3A_3542 = arith.mulf %mul3A_3541, %add3A_3517 : vector<16xf32>
      %add3A_3543 = arith.constant 1.000000e+00 : f32
      %add3A_3544 = vector.broadcast %add3A_3543 : f32 to vector<16xf32>
      %add3A_3545 = arith.addf %add3A_3544, %sub3A_3539 : vector<16xf32>
      %mul3A_3546 = arith.mulf %mul3A_3542, %add3A_3545 : vector<16xf32>
      %max3A_3547 = arith.maximumf %mul3A_3516, %mul3A_3546 : vector<16xf32>
      %swap3A_3548 = arith.index_cast %add3A_3236 : i32 to index
      %swap3A_3549 = arith.constant 48 : index
      %swap3A_3550 = tpu.vector_load %arg8[%swap3A_3548, %swap3A_3549] {strides = array<i32>} : memref<392x96xf32, #tpu.memory_space<vmem>>, vector<1x16xf32>,
      %swap3A_3551 = vector.shape_cast %swap3A_3550 : vector<1x16xf32> to vector<16xf32>
      %swap3A_3552 = vector.shape_cast %max3A_3547 : vector<16xf32> to vector<1x16xf32>
      tpu.vector_store %arg8[%swap3A_3548, %swap3A_3549], %swap3A_3552 {strides = array<i32>} : memref<392x96xf32, #tpu.memory_space<vmem>>, vector<1x16xf32>,
      %get3A_3553 = arith.index_cast %add3A_3236 : i32 to index
      %get3A_3554 = arith.constant 64 : index
      %get3A_3555 = tpu.vector_load %arg7[%get3A_3553, %get3A_3554] {strides = array<i32>} : memref<392x96xf32, #tpu.memory_space<vmem>>, vector<1x16xf32>,
      %get3A_3556 = vector.shape_cast %get3A_3555 : vector<1x16xf32> to vector<16xf32>
      %add3A_3557 = arith.addf %get3A_3556, %scan3A_3271#4 : vector<16xf32>
      %mul3A_3558 = arith.mulf %add3A_3557, %add3A_3557 : vector<16xf32>
      %mul3A_3559 = arith.mulf %mul3A_3558, %add3A_3557 : vector<16xf32>
      %mul3A_3560 = arith.constant 4.471500e-02 : f32
      %mul3A_3561 = vector.broadcast %mul3A_3560 : f32 to vector<16xf32>
      %mul3A_3562 = arith.mulf %mul3A_3561, %mul3A_3559 : vector<16xf32>
      %add3A_3563 = arith.addf %add3A_3557, %mul3A_3562 : vector<16xf32>
      %mul3A_3564 = arith.constant 0.797884583 : f32
      %mul3A_3565 = vector.broadcast %mul3A_3564 : f32 to vector<16xf32>
      %mul3A_3566 = arith.mulf %mul3A_3565, %add3A_3563 : vector<16xf32>
      %mul3A_3567 = arith.constant -2.000000e+00 : f32
      %mul3A_3568 = vector.broadcast %mul3A_3567 : f32 to vector<16xf32>
      %mul3A_3569 = arith.mulf %mul3A_3568, %mul3A_3566 : vector<16xf32>
      %exp3A_3570 = math.exp %mul3A_3569 : vector<16xf32>
      %add3A_3571 = arith.constant 1.000000e+00 : f32
      %add3A_3572 = vector.broadcast %add3A_3571 : f32 to vector<16xf32>
      %add3A_3573 = arith.addf %add3A_3572, %exp3A_3570 : vector<16xf32>
      %div3A_3574 = arith.constant 2.000000e+00 : f32
      %div3A_3575 = vector.broadcast %div3A_3574 : f32 to vector<16xf32>
      %div3A_3576 = arith.divf %div3A_3575, %add3A_3573 : vector<16xf32>
      %sub3A_3577 = arith.constant 1.000000e+00 : f32
      %sub3A_3578 = vector.broadcast %sub3A_3577 : f32 to vector<16xf32>
      %sub3A_3579 = arith.subf %div3A_3576, %sub3A_3578 : vector<16xf32>
      %mul3A_3580 = arith.constant 5.000000e-01 : f32
      %mul3A_3581 = vector.broadcast %mul3A_3580 : f32 to vector<16xf32>
      %mul3A_3582 = arith.mulf %mul3A_3581, %add3A_3557 : vector<16xf32>
      %add3A_3583 = arith.constant 1.000000e+00 : f32
      %add3A_3584 = vector.broadcast %add3A_3583 : f32 to vector<16xf32>
      %add3A_3585 = arith.addf %add3A_3584, %sub3A_3579 : vector<16xf32>
      %mul3A_3586 = arith.mulf %mul3A_3582, %add3A_3585 : vector<16xf32>
      %add3A_3587 = arith.addf %get3A_3556, %scan3A_3271#10 : vector<16xf32>
      %mul3A_3588 = arith.mulf %add3A_3587, %add3A_3587 : vector<16xf32>
      %mul3A_3589 = arith.mulf %mul3A_3588, %add3A_3587 : vector<16xf32>
      %mul3A_3590 = arith.constant 4.471500e-02 : f32
      %mul3A_3591 = vector.broadcast %mul3A_3590 : f32 to vector<16xf32>
      %mul3A_3592 = arith.mulf %mul3A_3591, %mul3A_3589 : vector<16xf32>
      %add3A_3593 = arith.addf %add3A_3587, %mul3A_3592 : vector<16xf32>
      %mul3A_3594 = arith.constant 0.797884583 : f32
      %mul3A_3595 = vector.broadcast %mul3A_3594 : f32 to vector<16xf32>
      %mul3A_3596 = arith.mulf %mul3A_3595, %add3A_3593 : vector<16xf32>
      %mul3A_3597 = arith.constant -2.000000e+00 : f32
      %mul3A_3598 = vector.broadcast %mul3A_3597 : f32 to vector<16xf32>
      %mul3A_3599 = arith.mulf %mul3A_3598, %mul3A_3596 : vector<16xf32>
      %exp3A_3600 = math.exp %mul3A_3599 : vector<16xf32>
      %add3A_3601 = arith.constant 1.000000e+00 : f32
      %add3A_3602 = vector.broadcast %add3A_3601 : f32 to vector<16xf32>
      %add3A_3603 = arith.addf %add3A_3602, %exp3A_3600 : vector<16xf32>
      %div3A_3604 = arith.constant 2.000000e+00 : f32
      %div3A_3605 = vector.broadcast %div3A_3604 : f32 to vector<16xf32>
      %div3A_3606 = arith.divf %div3A_3605, %add3A_3603 : vector<16xf32>
      %sub3A_3607 = arith.constant 1.000000e+00 : f32
      %sub3A_3608 = vector.broadcast %sub3A_3607 : f32 to vector<16xf32>
      %sub3A_3609 = arith.subf %div3A_3606, %sub3A_3608 : vector<16xf32>
      %mul3A_3610 = arith.constant 5.000000e-01 : f32
      %mul3A_3611 = vector.broadcast %mul3A_3610 : f32 to vector<16xf32>
      %mul3A_3612 = arith.mulf %mul3A_3611, %add3A_3587 : vector<16xf32>
      %add3A_3613 = arith.constant 1.000000e+00 : f32
      %add3A_3614 = vector.broadcast %add3A_3613 : f32 to vector<16xf32>
      %add3A_3615 = arith.addf %add3A_3614, %sub3A_3609 : vector<16xf32>
      %mul3A_3616 = arith.mulf %mul3A_3612, %add3A_3615 : vector<16xf32>
      %max3A_3617 = arith.maximumf %mul3A_3586, %mul3A_3616 : vector<16xf32>
      %swap3A_3618 = arith.index_cast %add3A_3236 : i32 to index
      %swap3A_3619 = arith.constant 64 : index
      %swap3A_3620 = tpu.vector_load %arg8[%swap3A_3618, %swap3A_3619] {strides = array<i32>} : memref<392x96xf32, #tpu.memory_space<vmem>>, vector<1x16xf32>,
      %swap3A_3621 = vector.shape_cast %swap3A_3620 : vector<1x16xf32> to vector<16xf32>
      %swap3A_3622 = vector.shape_cast %max3A_3617 : vector<16xf32> to vector<1x16xf32>
      tpu.vector_store %arg8[%swap3A_3618, %swap3A_3619], %swap3A_3622 {strides = array<i32>} : memref<392x96xf32, #tpu.memory_space<vmem>>, vector<1x16xf32>,
      %get3A_3623 = arith.index_cast %add3A_3236 : i32 to index
      %get3A_3624 = arith.constant 80 : index
      %get3A_3625 = tpu.vector_load %arg7[%get3A_3623, %get3A_3624] {strides = array<i32>} : memref<392x96xf32, #tpu.memory_space<vmem>>, vector<1x16xf32>,
      %get3A_3626 = vector.shape_cast %get3A_3625 : vector<1x16xf32> to vector<16xf32>
      %add3A_3627 = arith.addf %get3A_3626, %scan3A_3271#5 : vector<16xf32>
      %mul3A_3628 = arith.mulf %add3A_3627, %add3A_3627 : vector<16xf32>
      %mul3A_3629 = arith.mulf %mul3A_3628, %add3A_3627 : vector<16xf32>
      %mul3A_3630 = arith.constant 4.471500e-02 : f32
      %mul3A_3631 = vector.broadcast %mul3A_3630 : f32 to vector<16xf32>
      %mul3A_3632 = arith.mulf %mul3A_3631, %mul3A_3629 : vector<16xf32>
      %add3A_3633 = arith.addf %add3A_3627, %mul3A_3632 : vector<16xf32>
      %mul3A_3634 = arith.constant 0.797884583 : f32
      %mul3A_3635 = vector.broadcast %mul3A_3634 : f32 to vector<16xf32>
      %mul3A_3636 = arith.mulf %mul3A_3635, %add3A_3633 : vector<16xf32>
      %mul3A_3637 = arith.constant -2.000000e+00 : f32
      %mul3A_3638 = vector.broadcast %mul3A_3637 : f32 to vector<16xf32>
      %mul3A_3639 = arith.mulf %mul3A_3638, %mul3A_3636 : vector<16xf32>
      %exp3A_3640 = math.exp %mul3A_3639 : vector<16xf32>
      %add3A_3641 = arith.constant 1.000000e+00 : f32
      %add3A_3642 = vector.broadcast %add3A_3641 : f32 to vector<16xf32>
      %add3A_3643 = arith.addf %add3A_3642, %exp3A_3640 : vector<16xf32>
      %div3A_3644 = arith.constant 2.000000e+00 : f32
      %div3A_3645 = vector.broadcast %div3A_3644 : f32 to vector<16xf32>
      %div3A_3646 = arith.divf %div3A_3645, %add3A_3643 : vector<16xf32>
      %sub3A_3647 = arith.constant 1.000000e+00 : f32
      %sub3A_3648 = vector.broadcast %sub3A_3647 : f32 to vector<16xf32>
      %sub3A_3649 = arith.subf %div3A_3646, %sub3A_3648 : vector<16xf32>
      %mul3A_3650 = arith.constant 5.000000e-01 : f32
      %mul3A_3651 = vector.broadcast %mul3A_3650 : f32 to vector<16xf32>
      %mul3A_3652 = arith.mulf %mul3A_3651, %add3A_3627 : vector<16xf32>
      %add3A_3653 = arith.constant 1.000000e+00 : f32
      %add3A_3654 = vector.broadcast %add3A_3653 : f32 to vector<16xf32>
      %add3A_3655 = arith.addf %add3A_3654, %sub3A_3649 : vector<16xf32>
      %mul3A_3656 = arith.mulf %mul3A_3652, %add3A_3655 : vector<16xf32>
      %add3A_3657 = arith.addf %get3A_3626, %scan3A_3271#11 : vector<16xf32>
      %mul3A_3658 = arith.mulf %add3A_3657, %add3A_3657 : vector<16xf32>
      %mul3A_3659 = arith.mulf %mul3A_3658, %add3A_3657 : vector<16xf32>
      %mul3A_3660 = arith.constant 4.471500e-02 : f32
      %mul3A_3661 = vector.broadcast %mul3A_3660 : f32 to vector<16xf32>
      %mul3A_3662 = arith.mulf %mul3A_3661, %mul3A_3659 : vector<16xf32>
      %add3A_3663 = arith.addf %add3A_3657, %mul3A_3662 : vector<16xf32>
      %mul3A_3664 = arith.constant 0.797884583 : f32
      %mul3A_3665 = vector.broadcast %mul3A_3664 : f32 to vector<16xf32>
      %mul3A_3666 = arith.mulf %mul3A_3665, %add3A_3663 : vector<16xf32>
      %mul3A_3667 = arith.constant -2.000000e+00 : f32
      %mul3A_3668 = vector.broadcast %mul3A_3667 : f32 to vector<16xf32>
      %mul3A_3669 = arith.mulf %mul3A_3668, %mul3A_3666 : vector<16xf32>
      %exp3A_3670 = math.exp %mul3A_3669 : vector<16xf32>
      %add3A_3671 = arith.constant 1.000000e+00 : f32
      %add3A_3672 = vector.broadcast %add3A_3671 : f32 to vector<16xf32>
      %add3A_3673 = arith.addf %add3A_3672, %exp3A_3670 : vector<16xf32>
      %div3A_3674 = arith.constant 2.000000e+00 : f32
      %div3A_3675 = vector.broadcast %div3A_3674 : f32 to vector<16xf32>
      %div3A_3676 = arith.divf %div3A_3675, %add3A_3673 : vector<16xf32>
      %sub3A_3677 = arith.constant 1.000000e+00 : f32
      %sub3A_3678 = vector.broadcast %sub3A_3677 : f32 to vector<16xf32>
      %sub3A_3679 = arith.subf %div3A_3676, %sub3A_3678 : vector<16xf32>
      %mul3A_3680 = arith.constant 5.000000e-01 : f32
      %mul3A_3681 = vector.broadcast %mul3A_3680 : f32 to vector<16xf32>
      %mul3A_3682 = arith.mulf %mul3A_3681, %add3A_3657 : vector<16xf32>
      %add3A_3683 = arith.constant 1.000000e+00 : f32
      %add3A_3684 = vector.broadcast %add3A_3683 : f32 to vector<16xf32>
      %add3A_3685 = arith.addf %add3A_3684, %sub3A_3679 : vector<16xf32>
      %mul3A_3686 = arith.mulf %mul3A_3682, %add3A_3685 : vector<16xf32>
      %max3A_3687 = arith.maximumf %mul3A_3656, %mul3A_3686 : vector<16xf32>
      %swap3A_3688 = arith.index_cast %add3A_3236 : i32 to index
      %swap3A_3689 = arith.constant 80 : index
      %swap3A_3690 = tpu.vector_load %arg8[%swap3A_3688, %swap3A_3689] {strides = array<i32>} : memref<392x96xf32, #tpu.memory_space<vmem>>, vector<1x16xf32>,
      %swap3A_3691 = vector.shape_cast %swap3A_3690 : vector<1x16xf32> to vector<16xf32>
      %swap3A_3692 = vector.shape_cast %max3A_3687 : vector<16xf32> to vector<1x16xf32>
      tpu.vector_store %arg8[%swap3A_3688, %swap3A_3689], %swap3A_3692 {strides = array<i32>} : memref<392x96xf32, #tpu.memory_space<vmem>>, vector<1x16xf32>,
    }
    %scan3A_7 = arith.constant 49 : i32
    "tpu.region"() ({
      %run_scoped3A = tpu.sem_alloc : memref<!tpu.dma_semaphore, #tpu.memory_space<semaphore_mem>>
      %dma_start3A = arith.constant 0 : i32
      %dma_start3A_8 = tpu.memref_slice %arg5[%mul3A_2, %dma_start3A] : memref<12544x96xf32, #tpu.memory_space<hbm>> -> memref<392x96xf32, #tpu.memory_space<hbm>>
      %dma_start3A_9 = arith.constant 0 : i32
      %dma_start3A_10 = tpu.memref_slice %arg5[%mul3A_2, %dma_start3A_9] : memref<12544x96xf32, #tpu.memory_space<hbm>> -> memref<392x96xf32, #tpu.memory_space<hbm>>
      tpu.enqueue_dma source(%arg8 : memref<392x96xf32, #tpu.memory_space<vmem>>) target(%dma_start3A_10 : memref<392x96xf32, #tpu.memory_space<hbm>>) target_semaphore(%run_scoped3A : memref<!tpu.dma_semaphore, #tpu.memory_space<semaphore_mem>>)
      %dma_wait3A = arith.constant 0 : i32
      %dma_wait3A_11 = tpu.memref_slice %arg5[%mul3A_2, %dma_wait3A] : memref<12544x96xf32, #tpu.memory_space<hbm>> -> memref<392x96xf32, #tpu.memory_space<hbm>>
      %dma_wait3A_12 = arith.constant 0 : i32
      %dma_wait3A_13 = tpu.memref_slice %arg5[%mul3A_2, %dma_wait3A_12] : memref<12544x96xf32, #tpu.memory_space<hbm>> -> memref<392x96xf32, #tpu.memory_space<hbm>>
      tpu.wait_dma2 semaphore(%run_scoped3A : memref<!tpu.dma_semaphore, #tpu.memory_space<semaphore_mem>>) src(%arg8 : memref<392x96xf32, #tpu.memory_space<vmem>>) dst(%dma_wait3A_13 : memref<392x96xf32, #tpu.memory_space<hbm>>)
      tpu.yield
    }) : () -> ()
    return
  }
}

module attributes {stable_mosaic.version = 14 : i64} {
  func.func @_topk_body(%arg0: i32, %arg1: i32, %arg2: memref<1x96x3200xf32, #tpu.memory_space<vmem>>, %arg3: memref<1x96x640xf32, #tpu.memory_space<vmem>>, %arg4: memref<1x16x640xi32, #tpu.memory_space<vmem>>, %arg5: memref<1x16x640xi32, #tpu.memory_space<vmem>>, %arg6: memref<3200x640xf32, #tpu.memory_space<vmem>>) attributes {dimension_semantics = [#tpu.dimension_semantics<arbitrary>, #tpu.dimension_semantics<arbitrary>], iteration_bounds = array<i64: 4, 5>, scalar_prefetch = 0 : i64, scratch_operands = 1 : i64, tpu.core_type = #tpu.core_type<tc>, window_params = [{transform_indices = @transform_0, window_bounds = array<i64: 1, 96, 3200>}, {transform_indices = @transform_1, window_bounds = array<i64: 1, 96, 640>}, {transform_indices = @transform_2, window_bounds = array<i64: 1, 16, 640>}, {transform_indices = @transform_3, window_bounds = array<i64: 1, 16, 640>}]} {
    %get3A = arith.constant 0 : index
    %get3A_0 = arith.constant 0 : index
    %get3A_1 = arith.constant 0 : index
    %get3A_2 = vector.load %arg2[%get3A, %get3A_0, %get3A_1] : memref<1x96x3200xf32, #tpu.memory_space<vmem>>, vector<1x96x3200xf32>
    %get3A_3 = vector.shape_cast %get3A_2 : vector<1x96x3200xf32> to vector<96x3200xf32>
    %get3A_4 = arith.constant 0 : index
    %get3A_5 = arith.constant 0 : index
    %get3A_6 = arith.constant 0 : index
    %get3A_7 = vector.load %arg3[%get3A_4, %get3A_5, %get3A_6] : memref<1x96x640xf32, #tpu.memory_space<vmem>>, vector<1x96x640xf32>
    %get3A_8 = vector.shape_cast %get3A_7 : vector<1x96x640xf32> to vector<96x640xf32>
    %convert_element_type3A = arith.truncf %get3A_3 : vector<96x3200xf32> to vector<96x3200xbf16>
    %convert_element_type3A_9 = arith.truncf %get3A_8 : vector<96x640xf32> to vector<96x640xbf16>
    %dot_general3A = arith.constant dense<0.000000e+00> : vector<3200x640xf32>
    %dot_general3A_10 = tpu.matmul %convert_element_type3A, %convert_element_type3A_9, %dot_general3A {dimension_numbers = #tpu.dot_dimension_numbers<[0], [0], [1], [1], [0, 1, 1, 1], [], []>, transpose_lhs_hint = false} : vector<96x3200xbf16>, vector<96x640xbf16>, vector<3200x640xf32> -> vector<3200x640xf32>
    %mul3A = arith.mulf %get3A_3, %get3A_3 : vector<96x3200xf32>
    %reduce_sum3A = arith.constant dense<0.000000e+00> : vector<3200xf32>
    %reduce_sum3A_11 = vector.multi_reduction <add>, %mul3A, %reduce_sum3A [0] : vector<96x3200xf32> to vector<3200xf32>
    %broadcast_in_dim3A = vector.shape_cast %reduce_sum3A_11 : vector<3200xf32> to vector<3200x1xf32>
    %mul3A_12 = arith.mulf %get3A_8, %get3A_8 : vector<96x640xf32>
    %reduce_sum3A_13 = arith.constant dense<0.000000e+00> : vector<640xf32>
    %reduce_sum3A_14 = vector.multi_reduction <add>, %mul3A_12, %reduce_sum3A_13 [0] : vector<96x640xf32> to vector<640xf32>
    %broadcast_in_dim3A_15 = vector.shape_cast %reduce_sum3A_14 : vector<640xf32> to vector<1x640xf32>
    %mul3A_16 = arith.constant -2.000000e+00 : f32
    %mul3A_17 = vector.broadcast %mul3A_16 : f32 to vector<3200x640xf32>
    %mul3A_18 = arith.mulf %mul3A_17, %dot_general3A_10 : vector<3200x640xf32>
    %add3A = vector.broadcast %broadcast_in_dim3A_15 : vector<1x640xf32> to vector<3200x640xf32>
    %add3A_19 = arith.addf %add3A, %mul3A_18 : vector<3200x640xf32>
    %add3A_20 = vector.broadcast %broadcast_in_dim3A : vector<3200x1xf32> to vector<3200x640xf32>
    %add3A_21 = arith.addf %add3A_19, %add3A_20 : vector<3200x640xf32>
    %iota3A = tpu.iota {dimensions = array<i32: 0>} : vector<3200x640xi32>
    %ge3A = arith.constant 3136 : i32
    %ge3A_22 = vector.broadcast %ge3A : i32 to vector<3200x640xi32>
    %ge3A_23 = arith.cmpi sge, %iota3A, %ge3A_22 : vector<3200x640xi32>
    %jit3A = arith.constant 0x7F800000 : f32
    %broadcast_in_dim3A_24 = vector.broadcast %jit3A : f32 to vector<3200x640xf32>
    %select_n3A = arith.select %ge3A_23, %broadcast_in_dim3A_24, %add3A_21 : vector<3200x640xi1>, vector<3200x640xf32>
    %swap3A = arith.constant 0 : index
    %swap3A_25 = arith.constant 0 : index
    %swap3A_26 = vector.load %arg6[%swap3A, %swap3A_25] : memref<3200x640xf32, #tpu.memory_space<vmem>>, vector<3200x640xf32>
    tpu.vector_store %arg6[%swap3A, %swap3A_25], %select_n3A {strides = array<i32>} : memref<3200x640xf32, #tpu.memory_space<vmem>>, vector<3200x640xf32>,
    %mul3A_27 = arith.constant 3136 : i32
    %mul3A_28 = arith.muli %arg0, %mul3A_27 : i32
    %scan3A = arith.constant 1073741824 : i32
    %scan3A_29 = arith.constant 0 : i32
    %scan3A_30 = arith.constant 16 : i32
    %scan3A_31 = arith.addi %scan3A_29, %scan3A_30 : i32
    %scan3A_32 = arith.constant 1 : i32
    scf.for %scan3A_34 = %scan3A_29 to %scan3A_31 step %scan3A_32  : i32 {
      %get3A_35 = arith.constant 0 : index
      %get3A_36 = arith.constant 0 : index
      %get3A_37 = vector.load %arg6[%get3A_35, %get3A_36] : memref<3200x640xf32, #tpu.memory_space<vmem>>, vector<3200x640xf32>
      %reduce_min3A = arith.constant dense<0x7F800000> : vector<640xf32>
      %reduce_min3A_38 = vector.multi_reduction <minimumf>, %get3A_37, %reduce_min3A [0] : vector<3200x640xf32> to vector<640xf32>
      %broadcast_in_dim3A_39 = vector.shape_cast %reduce_min3A_38 : vector<640xf32> to vector<1x640xf32>
      %eq3A = vector.broadcast %broadcast_in_dim3A_39 : vector<1x640xf32> to vector<3200x640xf32>
      %eq3A_40 = arith.cmpf oeq, %get3A_37, %eq3A : vector<3200x640xf32>
      %broadcast_in_dim3A_41 = vector.broadcast %scan3A : i32 to vector<3200x640xi32>
      %select_n3A_42 = arith.select %eq3A_40, %iota3A, %broadcast_in_dim3A_41 : vector<3200x640xi1>, vector<3200x640xi32>
      %reduce_min3A_43 = arith.constant dense<2147483647> : vector<640xi32>
      %reduce_min3A_44 = vector.multi_reduction <minsi>, %select_n3A_42, %reduce_min3A_43 [0] : vector<3200x640xi32> to vector<640xi32>
      %broadcast_in_dim3A_45 = vector.shape_cast %reduce_min3A_44 : vector<640xi32> to vector<1x640xi32>
      %swap3A_46 = arith.constant 0 : index
      %swap3A_47 = arith.index_cast %scan3A_34 : i32 to index
      %swap3A_48 = arith.constant 0 : index
      %swap3A_49 = vector.load %arg4[%swap3A_46, %swap3A_47, %swap3A_48] : memref<1x16x640xi32, #tpu.memory_space<vmem>>, vector<1x1x640xi32>
      %swap3A_50 = vector.shape_cast %swap3A_49 : vector<1x1x640xi32> to vector<1x640xi32>
      %swap3A_51 = vector.shape_cast %broadcast_in_dim3A_45 : vector<1x640xi32> to vector<1x1x640xi32>
      tpu.vector_store %arg4[%swap3A_46, %swap3A_47, %swap3A_48], %swap3A_51 {strides = array<i32>} : memref<1x16x640xi32, #tpu.memory_space<vmem>>, vector<1x1x640xi32>,
      %add3A_52 = vector.broadcast %mul3A_28 : i32 to vector<1x640xi32>
      %add3A_53 = arith.addi %broadcast_in_dim3A_45, %add3A_52 : vector<1x640xi32>
      %swap3A_54 = arith.constant 0 : index
      %swap3A_55 = arith.index_cast %scan3A_34 : i32 to index
      %swap3A_56 = arith.constant 0 : index
      %swap3A_57 = vector.load %arg5[%swap3A_54, %swap3A_55, %swap3A_56] : memref<1x16x640xi32, #tpu.memory_space<vmem>>, vector<1x1x640xi32>
      %swap3A_58 = vector.shape_cast %swap3A_57 : vector<1x1x640xi32> to vector<1x640xi32>
      %swap3A_59 = vector.shape_cast %add3A_53 : vector<1x640xi32> to vector<1x1x640xi32>
      tpu.vector_store %arg5[%swap3A_54, %swap3A_55, %swap3A_56], %swap3A_59 {strides = array<i32>} : memref<1x16x640xi32, #tpu.memory_space<vmem>>, vector<1x1x640xi32>,
      %eq3A_60 = vector.broadcast %broadcast_in_dim3A_45 : vector<1x640xi32> to vector<3200x640xi32>
      %eq3A_61 = arith.cmpi eq, %iota3A, %eq3A_60 : vector<3200x640xi32>
      %jit3A_62 = arith.constant 0x7F800000 : f32
      %broadcast_in_dim3A_63 = vector.broadcast %jit3A_62 : f32 to vector<3200x640xf32>
      %select_n3A_64 = arith.select %eq3A_61, %broadcast_in_dim3A_63, %get3A_37 : vector<3200x640xi1>, vector<3200x640xf32>
      %swap3A_65 = arith.constant 0 : index
      %swap3A_66 = arith.constant 0 : index
      %swap3A_67 = vector.load %arg6[%swap3A_65, %swap3A_66] : memref<3200x640xf32, #tpu.memory_space<vmem>>, vector<3200x640xf32>
      tpu.vector_store %arg6[%swap3A_65, %swap3A_66], %select_n3A_64 {strides = array<i32>} : memref<3200x640xf32, #tpu.memory_space<vmem>>, vector<3200x640xf32>,
    }
    %scan3A_33 = arith.constant 16 : i32
    return
  }
  func.func @transform_0(%arg0: i32, %arg1: i32) -> (i32, i32, i32) {
    %c0_i32 = arith.constant 0 : i32
    %c0_i32_0 = arith.constant 0 : i32
    %c0_i32_1 = arith.constant 0 : i32
    return %arg0, %c0_i32, %c0_i32_0 : i32, i32, i32
  }
  func.func @transform_1(%arg0: i32, %arg1: i32) -> (i32, i32, i32) {
    %c0_i32 = arith.constant 0 : i32
    %c0_i32_0 = arith.constant 0 : i32
    return %arg0, %c0_i32, %arg1 : i32, i32, i32
  }
  func.func @transform_2(%arg0: i32, %arg1: i32) -> (i32, i32, i32) {
    %c0_i32 = arith.constant 0 : i32
    %c0_i32_0 = arith.constant 0 : i32
    return %arg0, %c0_i32, %arg1 : i32, i32, i32
  }
  func.func @transform_3(%arg0: i32, %arg1: i32) -> (i32, i32, i32) {
    %c0_i32 = arith.constant 0 : i32
    %c0_i32_0 = arith.constant 0 : i32
    return %arg0, %c0_i32, %arg1 : i32, i32, i32
  }
}

module attributes {stable_mosaic.version = 14 : i64} {
  func.func @_prep_body(%arg0: i32, %arg1: memref<1x96x3136xf32, #tpu.memory_space<vmem>>, %arg2: memref<96x192xf32, #tpu.memory_space<vmem>>, %arg3: memref<1x96xf32, #tpu.memory_space<vmem>>, %arg4: memref<1x96x3200xf32, #tpu.memory_space<vmem>>, %arg5: memref<1x3136x96xf32, #tpu.memory_space<vmem>>, %arg6: memref<1x3136x128xf32, #tpu.memory_space<vmem>>) attributes {dimension_semantics = [#tpu.dimension_semantics<arbitrary>], iteration_bounds = array<i64: 4>, scalar_prefetch = 0 : i64, scratch_operands = 0 : i64, tpu.core_type = #tpu.core_type<tc>, window_params = [{transform_indices = @transform_0, window_bounds = array<i64: 1, 96, 3136>}, {pipeline_mode = #tpu.pipeline_mode<synchronous>, transform_indices = @transform_1, window_bounds = array<i64: 96, 192>}, {pipeline_mode = #tpu.pipeline_mode<synchronous>, transform_indices = @transform_2, window_bounds = array<i64: 1, 96>}, {transform_indices = @transform_3, window_bounds = array<i64: 1, 96, 3200>}, {transform_indices = @transform_4, window_bounds = array<i64: 1, 3136, 96>}, {transform_indices = @transform_5, window_bounds = array<i64: 1, 3136, 128>}]} {
    %get3A = arith.constant 0 : index
    %get3A_0 = arith.constant 0 : index
    %get3A_1 = arith.constant 0 : index
    %get3A_2 = vector.load %arg1[%get3A, %get3A_0, %get3A_1] : memref<1x96x3136xf32, #tpu.memory_space<vmem>>, vector<1x96x3136xf32>
    %get3A_3 = vector.shape_cast %get3A_2 : vector<1x96x3136xf32> to vector<96x3136xf32>
    %mul3A = arith.mulf %get3A_3, %get3A_3 : vector<96x3136xf32>
    %reduce_sum3A = arith.constant dense<0.000000e+00> : vector<3136xf32>
    %reduce_sum3A_4 = vector.multi_reduction <add>, %mul3A, %reduce_sum3A [0] : vector<96x3136xf32> to vector<3136xf32>
    %broadcast_in_dim3A = vector.shape_cast %reduce_sum3A_4 : vector<3136xf32> to vector<1x3136xf32>
    %sqrt3A = math.sqrt %broadcast_in_dim3A : vector<1x3136xf32>
    %max3A = arith.constant 9.99999996E-13 : f32
    %max3A_5 = vector.broadcast %max3A : f32 to vector<1x3136xf32>
    %max3A_6 = arith.maximumf %sqrt3A, %max3A_5 : vector<1x3136xf32>
    %div3A = vector.broadcast %max3A_6 : vector<1x3136xf32> to vector<96x3136xf32>
    %div3A_7 = arith.divf %get3A_3, %div3A : vector<96x3136xf32>
    %swap3A = arith.constant 0 : index
    %swap3A_8 = arith.constant 0 : index
    %swap3A_9 = arith.constant 0 : index
    %swap3A_10 = vector.load %arg4[%swap3A, %swap3A_8, %swap3A_9] : memref<1x96x3200xf32, #tpu.memory_space<vmem>>, vector<1x96x3136xf32>
    %swap3A_11 = vector.shape_cast %swap3A_10 : vector<1x96x3136xf32> to vector<96x3136xf32>
    %swap3A_12 = vector.shape_cast %div3A_7 : vector<96x3136xf32> to vector<1x96x3136xf32>
    tpu.vector_store %arg4[%swap3A, %swap3A_8, %swap3A_9], %swap3A_12 {strides = array<i32>} : memref<1x96x3200xf32, #tpu.memory_space<vmem>>, vector<1x96x3136xf32>,
    %broadcast_in_dim3A_13 = arith.constant 0.000000e+00 : f32
    %broadcast_in_dim3A_14 = vector.broadcast %broadcast_in_dim3A_13 : f32 to vector<96x64xf32>
    %swap3A_15 = arith.constant 0 : index
    %swap3A_16 = arith.constant 0 : index
    %swap3A_17 = arith.constant 3136 : index
    %swap3A_18 = vector.load %arg4[%swap3A_15, %swap3A_16, %swap3A_17] : memref<1x96x3200xf32, #tpu.memory_space<vmem>>, vector<1x96x64xf32>
    %swap3A_19 = vector.shape_cast %swap3A_18 : vector<1x96x64xf32> to vector<96x64xf32>
    %swap3A_20 = vector.shape_cast %broadcast_in_dim3A_14 : vector<96x64xf32> to vector<1x96x64xf32>
    tpu.vector_store %arg4[%swap3A_15, %swap3A_16, %swap3A_17], %swap3A_20 {strides = array<i32>} : memref<1x96x3200xf32, #tpu.memory_space<vmem>>, vector<1x96x64xf32>,
    %get3A_21 = arith.constant 0 : index
    %get3A_22 = arith.constant 0 : index
    %get3A_23 = vector.load %arg2[%get3A_21, %get3A_22] : memref<96x192xf32, #tpu.memory_space<vmem>>, vector<96x192xf32>
    %dot_general3A = arith.constant dense<0.000000e+00> : vector<3136x192xf32>
    %dot_general3A_24 = tpu.matmul %get3A_3, %get3A_23, %dot_general3A {dimension_numbers = #tpu.dot_dimension_numbers<[0], [0], [1], [1], [0, 1, 1, 1], [], []>, precision = #tpu.contract_precision<fp32>, transpose_lhs_hint = false} : vector<96x3136xf32>, vector<96x192xf32>, vector<3136x192xf32> -> vector<3136x192xf32>
    %slice3A = vector.extract_strided_slice %dot_general3A_24 {offsets = [0, 0], sizes = [3136, 96], strides = [1, 1]} : vector<3136x192xf32> to vector<3136x96xf32>
    %get3A_25 = arith.constant 0 : index
    %get3A_26 = arith.constant 0 : index
    %get3A_27 = vector.load %arg3[%get3A_25, %get3A_26] : memref<1x96xf32, #tpu.memory_space<vmem>>, vector<1x96xf32>
    %add3A = vector.broadcast %get3A_27 : vector<1x96xf32> to vector<3136x96xf32>
    %add3A_28 = arith.addf %slice3A, %add3A : vector<3136x96xf32>
    %swap3A_29 = arith.constant 0 : index
    %swap3A_30 = arith.constant 0 : index
    %swap3A_31 = arith.constant 0 : index
    %swap3A_32 = vector.load %arg5[%swap3A_29, %swap3A_30, %swap3A_31] : memref<1x3136x96xf32, #tpu.memory_space<vmem>>, vector<1x3136x96xf32>
    %swap3A_33 = vector.shape_cast %swap3A_32 : vector<1x3136x96xf32> to vector<3136x96xf32>
    %swap3A_34 = vector.shape_cast %add3A_28 : vector<3136x96xf32> to vector<1x3136x96xf32>
    tpu.vector_store %arg5[%swap3A_29, %swap3A_30, %swap3A_31], %swap3A_34 {strides = array<i32>} : memref<1x3136x96xf32, #tpu.memory_space<vmem>>, vector<1x3136x96xf32>,
    %slice3A_35 = vector.extract_strided_slice %dot_general3A_24 {offsets = [0, 96], sizes = [3136, 96], strides = [1, 1]} : vector<3136x192xf32> to vector<3136x96xf32>
    %swap3A_36 = arith.constant 0 : index
    %swap3A_37 = arith.constant 0 : index
    %swap3A_38 = arith.constant 0 : index
    %swap3A_39 = vector.load %arg6[%swap3A_36, %swap3A_37, %swap3A_38] : memref<1x3136x128xf32, #tpu.memory_space<vmem>>, vector<1x3136x96xf32>
    %swap3A_40 = vector.shape_cast %swap3A_39 : vector<1x3136x96xf32> to vector<3136x96xf32>
    %swap3A_41 = vector.shape_cast %slice3A_35 : vector<3136x96xf32> to vector<1x3136x96xf32>
    tpu.vector_store %arg6[%swap3A_36, %swap3A_37, %swap3A_38], %swap3A_41 {strides = array<i32>} : memref<1x3136x128xf32, #tpu.memory_space<vmem>>, vector<1x3136x96xf32>,
    %broadcast_in_dim3A_42 = arith.constant 0.000000e+00 : f32
    %broadcast_in_dim3A_43 = vector.broadcast %broadcast_in_dim3A_42 : f32 to vector<3136x32xf32>
    %swap3A_44 = arith.constant 0 : index
    %swap3A_45 = arith.constant 0 : index
    %swap3A_46 = arith.constant 96 : index
    %swap3A_47 = vector.load %arg6[%swap3A_44, %swap3A_45, %swap3A_46] : memref<1x3136x128xf32, #tpu.memory_space<vmem>>, vector<1x3136x32xf32>
    %swap3A_48 = vector.shape_cast %swap3A_47 : vector<1x3136x32xf32> to vector<3136x32xf32>
    %swap3A_49 = vector.shape_cast %broadcast_in_dim3A_43 : vector<3136x32xf32> to vector<1x3136x32xf32>
    tpu.vector_store %arg6[%swap3A_44, %swap3A_45, %swap3A_46], %swap3A_49 {strides = array<i32>} : memref<1x3136x128xf32, #tpu.memory_space<vmem>>, vector<1x3136x32xf32>,
    return
  }
  func.func @transform_0(%arg0: i32) -> (i32, i32, i32) {
    %c0_i32 = arith.constant 0 : i32
    %c0_i32_0 = arith.constant 0 : i32
    %c0_i32_1 = arith.constant 0 : i32
    return %arg0, %c0_i32, %c0_i32_0 : i32, i32, i32
  }
  func.func @transform_1(%arg0: i32) -> (i32, i32) {
    %c0_i32 = arith.constant 0 : i32
    %c0_i32_0 = arith.constant 0 : i32
    %c0_i32_1 = arith.constant 0 : i32
    return %c0_i32, %c0_i32_0 : i32, i32
  }
  func.func @transform_2(%arg0: i32) -> (i32, i32) {
    %c0_i32 = arith.constant 0 : i32
    %c0_i32_0 = arith.constant 0 : i32
    %c0_i32_1 = arith.constant 0 : i32
    return %c0_i32, %c0_i32_0 : i32, i32
  }
  func.func @transform_3(%arg0: i32) -> (i32, i32, i32) {
    %c0_i32 = arith.constant 0 : i32
    %c0_i32_0 = arith.constant 0 : i32
    %c0_i32_1 = arith.constant 0 : i32
    return %arg0, %c0_i32, %c0_i32_0 : i32, i32, i32
  }
  func.func @transform_4(%arg0: i32) -> (i32, i32, i32) {
    %c0_i32 = arith.constant 0 : i32
    %c0_i32_0 = arith.constant 0 : i32
    %c0_i32_1 = arith.constant 0 : i32
    return %arg0, %c0_i32, %c0_i32_0 : i32, i32, i32
  }
  func.func @transform_5(%arg0: i32) -> (i32, i32, i32) {
    %c0_i32 = arith.constant 0 : i32
    %c0_i32_0 = arith.constant 0 : i32
    %c0_i32_1 = arith.constant 0 : i32
    return %arg0, %c0_i32, %c0_i32_0 : i32, i32, i32
  }
}

</mosaic_0001>

<sc_bundles>
// kernel: kernel.5.cloned.1.call-start
scs
__scs_entry_jumppad:
0x0: {  	(pc) =	sbr.rel $0x88, $3  }
0x1: {  	(tag) =	ssettag $0x0;
	lr =	simm.s32 $0x1  }
0x2: {  	[smem:$0x3F9E] =	sst lr;
	_ =	strace $0xD0000000  }
0x3: {  	_ = 	snop  }
0x4: {  	_ = 	snop  }
0x5: {  	_ = 	snop  }
0x6: {  	_ = 	snop  }
0x7: {  	_ = 	snop  }
__scs_overlays_trampoline_lowered:
0x8: {  	[smem:$0x3FAD] =	sst s0  }
0x9: {  	[smem:$0x3FAE] =	sst s1  }
0xa: {  	[smem:$0x3FAF] =	sst s2  }
0xb: {  	[smem:$0x3FB0] =	sst s3  }
0xc: {  	[smem:$0x3FB1] =	sst s4  }
0xd: {  	[smem:$0x3FB2] =	sst s5  }
0xe: {  	[smem:$0x3FB3] =	sst s6  }
0xf: {  	[smem:$0x3FB4] =	sst s7  }
0x10: {  	[smem:$0x3FB5] =	sst s8  }
0x11: {  	[smem:$0x3FB6] =	sst s9;
	s0 =	simm.s32 @!p0 $0x0  }
0x12: {  	s1 =	sld [smem:$0x3F9C];
	s0 =	simm.s32 @p0 $0x1  }
0x13: {  	[smem:$0x3FB7] =	sst s0;
	s0 =	simm.s32 @!p1 $0x0  }
0x14: {  	s2 =	sld [smem:$0x3F9B];
	s0 =	simm.s32 @p1 $0x1  }
0x15: {  	[smem:$0x3FB8] =	sst s0;
	s0 =	simm.s32 @!p2 $0x0  }
0x16: {  	s3 =	sld [smem:$0x3FDB];
	s0 =	simm.s32 @p2 $0x1  }
0x17: {  	s4 =	simm.s32 $0x1BF5;
	[smem:$0x3FBA] =	sst s0  }
0x18: {  	s0 =	sld [smem:$0x3F9D];
	_ =	swait.ge [sflag:s4], $0x0  }
0x19: {  	s7 =	sld [smem:$0x3F9E]  }
0x1a: {  	s8 =	sadd.s32 $0xFFFFE003, lr  }
0x1b: {  	s9 =	sadd.s32 $0xFFFFFEF7, lr;
	s5 =	simm.s32 $0xFFFFFFFF;
	p2 =	slt.u32 s8, $0xFFFFF086  }
0x1c: {  	p1 =	slt.u32 s9, $0xF7A;
	s5 =	simm.s32 @!p2 $0x0  }
0x1d: {  	s5 =	simm.s32 @p1 $0x1;
	p0 =	seq.s32 s7, s2  }
0x1e: {  	s7 =	smul.u32 @!p0 $0xF7A, s2;
	p2 =	seq.s32 @!p0 s5, $0x0  }
0x1f: {  	s9 =	smul.u32 $0xF7A, s1;
	s8 =	simm.s32 @!p0 $0x1BF5;
	p2 =	por !p2, p0  }
0x20: {  	[sflag:s8] =	ssyncset.s32 @!p0 $0xFFFFF086;
	s6 =	sadd.s32 @!p0 s3, s7;
	s7 =	simm.s32 @!p0 $0x108  }
0x21: {  	s3 =	sadd.s32 s3, s9;
	s6 =	sadd.s32 @!p0 $0x88, s6;
	s7 =	simm.s32 @p2 $0x1082  }
0x22: {  	[simem:s7], [sflag:s8] =	dma.local @!p0 [hbm:s6], $0xF7A  }
0x23: {  	s9 =	sor.u32 $0xD0000000, s2;
	s6 =	simm.s32 $0x108;
	_ =	swait.ge @!p0 [sflag:s8], $0x0  }
0x24: {  	s3 =	sadd.s32 $0x88, s3;
	s6 =	simm.s32 @!p1 $0x1082;
	[sflag:s4] =	ssyncset.s32 $0xFFFFF086  }
0x25: {  	[simem:s6], [sflag:s4] =	dma.local [hbm:s3], $0xF7A  }
0x26: {  	[smem:$0x3F9E] =	sst s1;
	(tag) =	ssettag s2;
	_ =	strace s9  }
0x27: {  	s1 =	sld [smem:$0x3FAE]  }
0x28: {  	s2 =	sld [smem:$0x3FAF]  }
0x29: {  	s4 =	sld [smem:$0x3FB1]  }
0x2a: {  	p0 =	seq.s32 s5, $0x0;
	s5 =	sld [smem:$0x3FB2]  }
0x2b: {  	s6 =	sld [smem:$0x3FB3]  }
0x2c: {  	s7 =	sld [smem:$0x3FB4]  }
0x2d: {  	s3 =	simm.s32 $0x108;
	s8 =	sld [smem:$0x3FB5]  }
0x2e: {  	s3 =	simm.s32 @!p0 $0x1082;
	s9 =	sld [smem:$0x3FB6]  }
0x2f: {  	lr =	sadd.s32 s0, s3;
	s0 =	sld [smem:$0x3FAD]  }
0x30: {  	s3 =	sld [smem:$0x3FB0]  }
0x31: {  	[smem:$0x3FB9] =	sst s10  }
0x32: {  	s10 =	sld [smem:$0x3FB7];
	_ =	sdelay $0x3  }
0x33: {  	p0 =	seq.s32 s10, $0x1;
	s10 =	sld [smem:$0x3FB9];
	_ =	sdelay $0x3  }
0x34: {  	[smem:$0x3FB9] =	sst s10  }
0x35: {  	s10 =	sld [smem:$0x3FB8];
	_ =	sdelay $0x3  }
0x36: {  	p1 =	seq.s32 s10, $0x1;
	s10 =	sld [smem:$0x3FB9];
	_ =	sdelay $0x3  }
0x37: {  	[smem:$0x3FB9] =	sst s10  }
0x38: {  	s10 =	sld [smem:$0x3FBA]  }
0x39: {  	_ = 	snop;
	(pc) =	sbr.ind lr, $3  }
0x3a: {  	_ = 	snop  }
0x3b: {  	_ = 	snop  }
0x3c: {  	p2 =	seq.s32 s10, $0x1;
	s10 =	sld [smem:$0x3FB9]  }
0x3d: {  	_ =	shalt  }
0x3e: {  	_ =	shalt  }
0x3f: {  	_ =	shalt  }
0x40: {  	_ =	shalt  }
0x41: {  	_ =	shalt  }
0x42: {  	_ =	shalt  }
0x43: {  	_ =	shalt  }
0x44: {  	_ =	shalt  }
0x45: {  	_ =	shalt  }
0x46: {  	_ =	shalt  }
0x47: {  	_ =	shalt  }
0x48: {  	_ =	shalt  }
0x49: {  	_ =	shalt  }
0x4a: {  	_ =	shalt  }
0x4b: {  	_ =	shalt  }
0x4c: {  	_ =	shalt  }
0x4d: {  	_ =	shalt  }
0x4e: {  	_ =	shalt  }
0x4f: {  	_ =	shalt  }
0x50: {  	_ =	shalt  }
0x51: {  	_ =	shalt  }
0x52: {  	_ =	shalt  }
0x53: {  	_ =	shalt  }
0x54: {  	_ =	shalt  }
0x55: {  	_ =	shalt  }
0x56: {  	_ =	shalt  }
0x57: {  	_ =	shalt  }
0x58: {  	_ =	shalt  }
0x59: {  	_ =	shalt  }
0x5a: {  	_ =	shalt  }
0x5b: {  	_ =	shalt  }
0x5c: {  	_ =	shalt  }
0x5d: {  	_ =	shalt  }
0x5e: {  	_ =	shalt  }
0x5f: {  	_ =	shalt  }
0x60: {  	_ =	shalt  }
0x61: {  	_ =	shalt  }
0x62: {  	_ =	shalt  }
0x63: {  	_ =	shalt  }
0x64: {  	_ =	shalt  }
0x65: {  	_ =	shalt  }
0x66: {  	_ =	shalt  }
0x67: {  	_ =	shalt  }
0x68: {  	_ =	shalt  }
0x69: {  	_ =	shalt  }
0x6a: {  	_ =	shalt  }
0x6b: {  	_ =	shalt  }
0x6c: {  	_ =	shalt  }
0x6d: {  	_ =	shalt  }
0x6e: {  	_ =	shalt  }
0x6f: {  	_ =	shalt  }
0x70: {  	_ =	shalt  }
0x71: {  	_ =	shalt  }
0x72: {  	_ =	shalt  }
0x73: {  	_ =	shalt  }
0x74: {  	_ =	shalt  }
0x75: {  	_ =	shalt  }
0x76: {  	_ =	shalt  }
0x77: {  	_ =	shalt  }
0x78: {  	_ =	shalt  }
0x79: {  	_ =	shalt  }
0x7a: {  	_ =	shalt  }
0x7b: {  	_ =	shalt  }
0x7c: {  	_ =	shalt  }
0x7d: {  	_ =	shalt  }
0x7e: {  	_ =	shalt  }
0x7f: {  	_ =	shalt  }
0x80: {  	_ =	shalt  }
0x81: {  	_ =	shalt  }
0x82: {  	_ =	shalt  }
0x83: {  	_ =	shalt  }
0x84: {  	_ =	shalt  }
0x85: {  	_ =	shalt  }
0x86: {  	_ =	shalt  }
0x87: {  	_ =	shalt  }
.Lfunc_end0:
.L_simem_size_0:
called_computation_lowered:
.L_overlay_start_0:
0x88: {  	s2 =	sld [smem:$0x3FD9]  }
0x89: {  	s3 =	sld [smem:$0x3FFE];
	_ =	sdelay $0x1  }
0x8a: {  	s1 =	srdreg.scid  }
0x8b: {  	s0 =	sand.u32 $0x1, s1  }
0x8c: {  	s14 =	sshll.u32 s0, $0xA;
	s2 =	sadd.s32 s3, s2  }
0x8d: {  	s2 =	sadd.s32 s2, s14  }
0x8e: {  	[smem:$0x3FC5] =	sst s2  }
0x8f: {  	_ = 	snop  }
0x90: {  	s2 =	sld [smem:$0x3FD0];
	_ =	sdelay $0x2  }
0x91: {  	s15 =	simm.s32 $0xA;
	s4 =	simm.s32 $0x10  }
0x92: {  	[smem:s4], [sflag:s15] =	dma.local [hbm:s2], $0x1  }
0x93: {  	_ =	swait.eq [sflag:s15], $0x1  }
0x94: {  	[sflag:s15] =	ssyncset.done $0x0  }
0x95: {  	[sflag:s15] =	ssyncadd.s32 $0xFFFFFFFF  }
0x96: {  	s16 =	sld [smem:$0x10];
	(tm) =	ssettm $0x1  }
0x97: {  	s17 =	sld [smem:$0x3FFB];
	_ =	sdelay $0x3  }
0x98: {  	_ =	strace s17  }
0x99: {  	s3 =	sld [smem:$0x3FFC];
	_ =	sdelay $0x3  }
0x9a: {  	_ =	strace s3  }
0x9b: {  	s3 =	sld [smem:$0x3FFD];
	_ =	sdelay $0x3  }
0x9c: {  	_ =	strace s3  }
0x9d: {  	_ =	strace $0x8FFFFFFF  }
0x9e: {  	s18 =	sld [smem:$0x3FDB];
	_ =	sdelay $0x1  }
0x9f: {  	s19 =	simm.s32 $_scs_section_size  }
0xa0: {  	s5 =	simm.s32 $_size__tile_overlayer_lowered;
	s6 =	simm.s32 $_tile_overlayer_lowered  }
0xa1: {  	s22 =	simm.s32 $0x1BFF;
	s21 =	sshll.u32 s6, $0x1;
	s3 =	sadd.s32 s19, s18  }
0xa2: {  	s7 =	simm.s32 $0x0;
	s20 =	sshll.u32 s5, $0x1;
	s5 =	sadd.s32 s21, s3  }
0xa3: {  	[timem:s7], [sflag:s22] =	dma.local [hbm:s5], s20  }
0xa4: {  	_ =	swait.ge [sflag:s22], s20  }
0xa5: {  	s4 =	ssub.s32 $0x0, s20;
	[sflag:s22] =	ssyncset.done $0x0  }
0xa6: {  	[sflag:s22] =	ssyncadd.s32 s4;
	_ =	sdelay $0x1  }
0xa7: {  	s23 =	simm.s32 $0x1B8B  }
0xa8: {  	_ =	swait.ge [sflag:s23], $0x1  }
0xa9: {  	[sflag:s23] =	ssyncset.done $0x0  }
0xaa: {  	s25 =	simm.s32 $0x1B8E;
	s24 =	sld [smem:$0x3FFE];
	[sflag:s23] =	ssyncadd.s32 $0xFFFFFFFF  }
0xab: {  	s26 =	simm.s32 $execute0_lowered;
	[smem:$0x3FD2] =	sst s25  }
0xac: {  	s5 =	sshll.u32 s26, $0x1;
	_ =	strace $0x80000046;
	[dreg:$0x1] =	wrdreg $0xFFFFFFFF  }
0xad: {  	s28 =	simm.s32 $_size_execute0_lowered;
	s3 =	sadd.s32 s3, s5;
	[dreg:$0x0] =	wrdreg $0x0  }
0xae: {  	s5 =	sshll.u32 s28, $0x1;
	[dreg:$0x2] =	wrdreg s3  }
0xaf: {  	[dreg:$0x3] =	wrdreg s5  }
0xb0: {  	[dreg:$0x4] =	wrdreg $0xC0  }
0xb1: {  	_ =	task [dreg:s7], $0x5FFFF  }
0xb2: {  	[dreg:$0x1] =	wrdreg $0xFFFFFFFF  }
0xb3: {  	[dreg:$0x0] =	wrdreg $0x60  }
0xb4: {  	[dreg:$0x2] =	wrdreg s24  }
0xb5: {  	[dreg:$0x3] =	wrdreg s16  }
0xb6: {  	[dreg:$0x4] =	wrdreg $0x9  }
0xb7: {  	_ =	task.clear_ibuf [dreg:s7], $0x5FFFF;
	_ =	strace $0x90000046  }
0xb8: {  	s29 =	simm.s32 $0x9;
	_ =	strace $0x80000048  }
0xb9: {  	_ =	swait.ge [sflag:s29], $0x1  }
0xba: {  	[sflag:s29] =	ssyncadd.s32 $0xFFFFFFFF  }
0xbb: {  	_ =	strace $0x90000048  }
0xbc: {  	_ =	sfence  }
0xbd: {  	s30 =	sld [smem:$0x0];
	_ =	sdelay $0x2  }
0xbe: {  	s31 =	sshll.u32 s1, $0xD;
	s1 =	sshrl.u32 s1, $0x2  }
0xbf: {  	s3 =	sand.u32 $0x4000, s31;
	s1 =	sadd.s32 s1, s30  }
0xc0: {  	s0 =	sor.u32 s3, s0;
	s1 =	sshll.u32 s1, $0x11  }
0xc1: {  	s0 =	sor.u32 s1, s0  }
0xc2: {  	s0 =	sadd.s32 $0x8F2B, s0  }
0xc3: {  	[sflag:s0] =	ssyncadd.remote.s32 $0x1  }
0xc4: {  	_ =	sfence.sel $0xFFFF  }
0xc5: {  	[dreg:$0x0] =	wrdreg $0xFFFFFFFF;
	(pc) =	sbr.abs _section_cstart, $3  }
0xc6: {  	[dreg:$0x1] =	wrdreg $0xFFFFFFFF  }
0xc7: {  	_ =	task.clear_ibuf [dreg:s7], $0x2FFFF;
	_ =	strace $0x9FFFFFFF  }
0xc8: {  	(tm) =	ssettm $0x7FFFFFFF  }
0xc9: {  	_ =	shalt  }
tec
execute0_lowered:
.L_overlay_start_1:
0x0: {  	(tag) =	ssettag $0x1  }
0x1: {  	s1 =	srdreg.scid  }
0x2: {  	s0 =	stileid.u32;
	s4 =	rddreg [dreg:$0x0]  }
0x3: {  	s6 =	rddreg [dreg:$0x1];
	s2 =	simm.s32 $0x0;
	s10 =	simm.s32 $0x80  }
0x4: {  	s11 =	simm.s32 $0x1A400;
	s3 =	sand.u32 $0x1, s1;
	s30 =	sshll.u32 s0, $0x1  }
0x5: {  	s12 =	simm.s32 $0x1;
	s13 =	simm.s32 $0xE000;
	s5 =	sor.u32 s3, s30  }
0x6: {  	s14 =	simm.s32 $0x0;
	s1 =	rddreg [dreg:$0x2];
	s7 =	smul.u32 $0x1880, s5  }
0x7: {  	[smem:$0x7FF] =	sst s2;
	s9 =	ssub.s32 $0x2, s3;
	s5 =	smul.u32 $0x380, s5  }
0x8: {  	_ =	strace $0x80000047;
	s3 =	sadd.s32 $0x32000, s4;
	s31 =	sshrl.u32 s9, $0x1  }
0x9: {  	s9 =	ssub.s32 s9, s31;
	s8 =	sadd.s32 s7, s4;
	s4 =	sadd.s32 s5, s4  }
0xa: {  	s6 =	sadd.s32 s6, s7;
	s7 =	smax.u32 s9, $0x1;
	s9 =	simm.s32 $0x1C00  }
0xb: {  	s4 =	sadd.s32 $0x63000, s4;
	s5 =	sadd.s32 $0x1000, s8;
	s8 =	simm.s32 $0x2  }
.LBB2_1:
0xc: {  	[tilespmem:s2], [sflag:$0x2] =	stream.linear.gather [hbm4b:s4+s2], $0x1880, $0x38;
	[tilespmem:$0x1E400] =	vst v63  }
0xd: {  	_ =	swait.ge [sflag:s8], $0x1880  }
0xe: {  	[sflag:s8] =	ssyncset.done $0x0  }
0xf: {  	[sflag:s8] =	ssyncadd.s32 $0xFFFFE780  }
0x10: {  	[tilespmem:s9], [sflag:$0x2] =	stream.linear.gather [hbm4b:s5+s2], $0xC400, $0x38;
	[tilespmem:$0x1E400] =	vst v63  }
0x11: {  	_ =	swait.ge [sflag:s8], $0xC400  }
0x12: {  	[sflag:s8] =	ssyncset.done $0x0  }
0x13: {  	s15 =	simm.s32 $0x0;
	[sflag:s8] =	ssyncadd.s32 $0xFFFF3C00  }
.LBB2_2:
0x14: {  	s16 =	sshll.u32 s15, $0x7  }
0x15: {  	s16 =	sand.u32 $0x3FFFFF80, s16  }
0x16: {  	[tilespmem:s11], [sflag:$0x1] =	stream.indirect.gather [hbm4b:s3+s10], $0x80, s16, s10, $0xb8;
	[tilespmem:$0x1E400] =	vst v63  }
0x17: {  	_ =	swait.ge [sflag:s12], $0x4000  }
0x18: {  	[sflag:s12] =	ssyncset.done $0x0  }
0x19: {  	[sflag:s12] =	ssyncadd.s32 $0xFFFFC000  }
0x1a: {  	v3 =	vld [tilespmem:$0x1A400]  }
0x1b: {  	v5 =	vld [tilespmem:$0x1A410]  }
0x1c: {  	v9 =	vld [tilespmem:$0x1A420]  }
0x1d: {  	v12 =	vld [tilespmem:$0x1A430]  }
0x1e: {  	v2 =	vld [tilespmem:$0x1A450]  }
0x1f: {  	s17 =	simm.s32 $0x0;
	v7 =	vld [tilespmem:$0x1A440]  }
0x20: {  	v0 =	vld [tilespmem:s17+$0x1A4D0]  }
0x21: {  	v4 =	vld [tilespmem:s17+$0x1A480]  }
0x22: {  	v6 =	vld [tilespmem:s17+$0x1A490]  }
0x23: {  	v11 =	vld [tilespmem:s17+$0x1A4A0];
	v1 =	vmov v2  }
0x24: {  	s16 =	simm.s32 $0x200;
	v13 =	vld [tilespmem:s17+$0x1A4B0];
	v10 =	vmovc v3;
	v16 =	vmovc v5;
	v15 =	vmov v9;
	v14 =	vmov v12;
	v8 =	vmov v7  }
.LBB2_3:
0x25: {  	p0 =	sne.s32 s16, $0x1C00;
	v17 =	vld [tilespmem:s17+$0x1A4C0];
	s17 =	sshra.s32 s16, $0x2;
	s16 =	sadd.s32 $0x200, s16;
	v2 =	vmin.f32 v2, v0;
	v1 =	vmax.f32 v1, v0  }
.Ltmp0:
0x26: {  	v0 =	vld [tilespmem:s17+$0x1A4D0];
	v3 =	vmin.f32 v3, v4;
	v10 =	vmax.f32 v10, v4;
	(pc) =	sbr.rel @p0 .LBB2_3-.Ltmp0, $4  }
0x27: {  	v4 =	vld [tilespmem:s17+$0x1A480];
	v5 =	vmin.f32 v5, v6;
	v16 =	vmax.f32 v16, v6  }
0x28: {  	v6 =	vld [tilespmem:s17+$0x1A490];
	v9 =	vmin.f32 v9, v11;
	v15 =	vmax.f32 v15, v11  }
0x29: {  	v11 =	vld [tilespmem:s17+$0x1A4A0];
	v12 =	vmin.f32 v12, v13;
	v14 =	vmax.f32 v14, v13  }
0x2a: {  	v13 =	vld [tilespmem:s17+$0x1A4B0];
	v7 =	vmin.f32 v7, v17;
	v8 =	vmax.f32 v8, v17  }
0x2b: {  	s16 =	sshll.u32 s15, $0xA  }
0x2c: {  	v17 =	vld [tilespmem:s16+$0x1C00];
	_ =	sdelay $0x3  }
0x2d: {  	v3 =	vmin.f32 v3, v4  }
0x2e: {  	v3 =	vadd.f32 v17, v3;
	_ =	sdelay $0x1  }
0x2f: {  	v18 =	vmul.f32 v3, v3;
	_ =	sdelay $0x1  }
0x30: {  	v18 =	vmul.f32 v18, v3;
	_ =	sdelay $0x1  }
0x31: {  	v18 =	vmul.f32 $4.471499850e-02, v18;
	_ =	sdelay $0x1  }
0x32: {  	v18 =	vadd.f32 v18, v3;
	_ =	sdelay $0x1  }
0x33: {  	v18 =	vmul.f32 $7.978845830e-01, v18;
	_ =	sdelay $0x1  }
0x34: {  	v4 =	vmax.f32 v10, v4;
	v10 =	vmul.f32 $-2.000000000e+00, v18  }
0x35: {  	v4 =	vadd.f32 v17, v4  }
0x36: {  	v10 =	vmul.f32 $1.442695020e+00, v10  }
0x37: {  	v17 =	vmul.f32 v4, v4  }
0x38: {  	(erf) = vpow2.f32 v10  }
0x39: {  	v10 =	vmul.f32 v17, v4;
	_ =	sdelay $0x1  }
0x3a: {  	v10 =	vmul.f32 $4.471499850e-02, v10;
	_ =	sdelay $0x1  }
0x3b: {  	v17 =	vld [tilespmem:s16+$0x1C10];
	v10 =	vadd.f32 v10, v4;
	_ =	sdelay $0x1  }
0x3c: {  	v10 =	vmul.f32 $7.978845830e-01, v10;
	_ =	sdelay $0x1  }
0x3d: {  	v5 =	vmin.f32 v5, v6;
	v10 =	vmul.f32 $-2.000000000e+00, v10;
	v18 =	vpop (erf)  }
0x3e: {  	v5 =	vadd.f32 v17, v5;
	v18 =	vadd.f32 $1.000000000e+00, v18  }
0x3f: {  	v10 =	vmul.f32 $1.442695020e+00, v10  }
0x40: {  	(erf) = vrcp.f32 v18;
	v18 =	vmul.f32 v5, v5;
	_ =	sdelay $0x1  }
0x41: {  	(erf) = vpow2.f32 v10;
	v10 =	vmul.f32 v18, v5;
	_ =	sdelay $0x1  }
0x42: {  	v10 =	vmul.f32 $4.471499850e-02, v10;
	_ =	sdelay $0x1  }
0x43: {  	v10 =	vadd.f32 v10, v5;
	_ =	sdelay $0x2  }
0x44: {  	v18 =	vmul.f32 $7.978845830e-01, v10  }
0x45: {  	v10 =	vpop (erf)  }
0x46: {  	v6 =	vmax.f32 v16, v6;
	v18 =	vmul.f32 $-2.000000000e+00, v18;
	v16 =	vpop (erf)  }
0x47: {  	v6 =	vadd.f32 v17, v6;
	v16 =	vadd.f32 $1.000000000e+00, v16  }
0x48: {  	v17 =	vmul.f32 $1.442695020e+00, v18  }
0x49: {  	(erf) = vrcp.f32 v16;
	v16 =	vmul.f32 v6, v6  }
0x4a: {  	(erf) = vpow2.f32 v17  }
0x4b: {  	v16 =	vmul.f32 v16, v6;
	_ =	sdelay $0x1  }
0x4c: {  	v16 =	vmul.f32 $4.471499850e-02, v16;
	_ =	sdelay $0x1  }
0x4d: {  	v17 =	vld [tilespmem:s16+$0x1C20];
	v16 =	vadd.f32 v16, v6;
	_ =	sdelay $0x1  }
0x4e: {  	v16 =	vmul.f32 $7.978845830e-01, v16  }
0x4f: {  	v18 =	vpop (erf)  }
0x50: {  	v9 =	vmin.f32 v9, v11;
	v19 =	vpop (erf);
	v16 =	vmul.f32 $-2.000000000e+00, v16  }
0x51: {  	v9 =	vadd.f32 v17, v9;
	v19 =	vadd.f32 $1.000000000e+00, v19  }
0x52: {  	v16 =	vmul.f32 $1.442695020e+00, v16  }
0x53: {  	(erf) = vrcp.f32 v19;
	v19 =	vmul.f32 v9, v9  }
0x54: {  	(erf) = vpow2.f32 v16  }
0x55: {  	v16 =	vmul.f32 v19, v9;
	_ =	sdelay $0x1  }
0x56: {  	v16 =	vmul.f32 $4.471499850e-02, v16;
	_ =	sdelay $0x1  }
0x57: {  	v16 =	vadd.f32 v16, v9;
	_ =	sdelay $0x1  }
0x58: {  	v16 =	vmul.f32 $7.978845830e-01, v16  }
0x59: {  	v19 =	vpop (erf)  }
0x5a: {  	v11 =	vmax.f32 v15, v11;
	v15 =	vpop (erf);
	v16 =	vmul.f32 $-2.000000000e+00, v16  }
0x5b: {  	v11 =	vadd.f32 v17, v11;
	v15 =	vadd.f32 $1.000000000e+00, v15  }
0x5c: {  	v16 =	vmul.f32 $1.442695020e+00, v16  }
0x5d: {  	(erf) = vrcp.f32 v15;
	v15 =	vmul.f32 v11, v11  }
0x5e: {  	(erf) = vpow2.f32 v16  }
0x5f: {  	v15 =	vmul.f32 v15, v11;
	_ =	sdelay $0x1  }
0x60: {  	v15 =	vmul.f32 $4.471499850e-02, v15;
	_ =	sdelay $0x1  }
0x61: {  	v16 =	vld [tilespmem:s16+$0x1C30];
	v15 =	vadd.f32 v15, v11;
	_ =	sdelay $0x1  }
0x62: {  	v15 =	vmul.f32 $7.978845830e-01, v15  }
0x63: {  	v17 =	vpop (erf)  }
0x64: {  	v12 =	vmin.f32 v12, v13;
	v20 =	vpop (erf);
	v15 =	vmul.f32 $-2.000000000e+00, v15  }
0x65: {  	v12 =	vadd.f32 v16, v12;
	v20 =	vadd.f32 $1.000000000e+00, v20  }
0x66: {  	v15 =	vmul.f32 $1.442695020e+00, v15  }
0x67: {  	v58 =	vmul.f32 v12, v12;
	(erf) = vrcp.f32 v20  }
0x68: {  	(erf) = vpow2.f32 v15  }
0x69: {  	v15 =	vmul.f32 v58, v12;
	_ =	sdelay $0x1  }
0x6a: {  	v15 =	vmul.f32 $4.471499850e-02, v15;
	_ =	sdelay $0x1  }
0x6b: {  	v15 =	vadd.f32 v15, v12;
	_ =	sdelay $0x1  }
0x6c: {  	v15 =	vmul.f32 $7.978845830e-01, v15  }
0x6d: {  	v59 =	vpop (erf)  }
0x6e: {  	v13 =	vmax.f32 v14, v13;
	v15 =	vmul.f32 $-2.000000000e+00, v15;
	v14 =	vpop (erf)  }
0x6f: {  	v13 =	vadd.f32 v16, v13;
	v14 =	vadd.f32 $1.000000000e+00, v14  }
0x70: {  	v15 =	vmul.f32 $1.442695020e+00, v15  }
0x71: {  	(erf) = vrcp.f32 v14;
	v14 =	vmul.f32 v13, v13  }
0x72: {  	(erf) = vpow2.f32 v15  }
0x73: {  	v14 =	vmul.f32 v14, v13;
	_ =	sdelay $0x1  }
0x74: {  	v14 =	vmul.f32 $4.471499850e-02, v14  }
0x75: {  	v15 =	vld [tilespmem:s17+$0x1A4C0]  }
0x76: {  	v16 =	vld [tilespmem:s16+$0x1C40];
	v14 =	vadd.f32 v14, v13;
	_ =	sdelay $0x1  }
0x77: {  	v14 =	vmul.f32 $7.978845830e-01, v14  }
0x78: {  	v21 =	vpop (erf)  }
0x79: {  	v7 =	vmin.f32 v7, v15;
	v22 =	vpop (erf);
	v14 =	vmul.f32 $-2.000000000e+00, v14  }
0x7a: {  	v7 =	vadd.f32 v16, v7;
	v22 =	vadd.f32 $1.000000000e+00, v22  }
0x7b: {  	v14 =	vmul.f32 $1.442695020e+00, v14  }
0x7c: {  	v60 =	vmul.f32 v7, v7;
	(erf) = vrcp.f32 v22  }
0x7d: {  	(erf) = vpow2.f32 v14  }
0x7e: {  	v14 =	vmul.f32 v60, v7;
	_ =	sdelay $0x1  }
0x7f: {  	v14 =	vmul.f32 $4.471499850e-02, v14;
	_ =	sdelay $0x1  }
0x80: {  	v14 =	vadd.f32 v14, v7;
	_ =	sdelay $0x1  }
0x81: {  	v14 =	vmul.f32 $7.978845830e-01, v14  }
0x82: {  	v61 =	vpop (erf)  }
0x83: {  	v8 =	vmax.f32 v8, v15;
	v14 =	vmul.f32 $-2.000000000e+00, v14;
	v15 =	vpop (erf)  }
0x84: {  	v8 =	vadd.f32 v16, v8;
	v15 =	vadd.f32 $1.000000000e+00, v15  }
0x85: {  	v14 =	vmul.f32 $1.442695020e+00, v14  }
0x86: {  	(erf) = vrcp.f32 v15;
	v15 =	vmul.f32 v8, v8  }
0x87: {  	(erf) = vpow2.f32 v14  }
0x88: {  	v14 =	vmul.f32 v15, v8;
	_ =	sdelay $0x1  }
0x89: {  	v14 =	vmul.f32 $4.471499850e-02, v14;
	_ =	sdelay $0x1  }
0x8a: {  	v15 =	vld [tilespmem:s16+$0x1C50];
	v14 =	vadd.f32 v14, v8;
	_ =	sdelay $0x1  }
0x8b: {  	v14 =	vmul.f32 $7.978845830e-01, v14  }
0x8c: {  	v16 =	vpop (erf)  }
0x8d: {  	v2 =	vmin.f32 v2, v0;
	v23 =	vpop (erf);
	v14 =	vmul.f32 $-2.000000000e+00, v14  }
0x8e: {  	v2 =	vadd.f32 v15, v2;
	v23 =	vadd.f32 $1.000000000e+00, v23  }
0x8f: {  	v14 =	vmul.f32 $1.442695020e+00, v14  }
0x90: {  	v62 =	vmul.f32 v2, v2;
	(erf) = vrcp.f32 v23  }
0x91: {  	(erf) = vpow2.f32 v14  }
0x92: {  	v14 =	vmul.f32 v62, v2;
	_ =	sdelay $0x1  }
0x93: {  	v14 =	vmul.f32 $4.471499850e-02, v14;
	_ =	sdelay $0x1  }
0x94: {  	v14 =	vadd.f32 v14, v2;
	_ =	sdelay $0x1  }
0x95: {  	v14 =	vmul.f32 $7.978845830e-01, v14  }
0x96: {  	v63 =	vpop (erf)  }
0x97: {  	v0 =	vmax.f32 v1, v0;
	v14 =	vmul.f32 $-2.000000000e+00, v14;
	v1 =	vpop (erf)  }
0x98: {  	v0 =	vadd.f32 v15, v0;
	v1 =	vadd.f32 $1.000000000e+00, v1  }
0x99: {  	v14 =	vmul.f32 $1.442695020e+00, v14  }
0x9a: {  	(erf) = vrcp.f32 v1;
	v1 =	vmul.f32 v0, v0  }
0x9b: {  	(erf) = vpow2.f32 v14  }
0x9c: {  	v1 =	vmul.f32 v1, v0;
	_ =	sdelay $0x1  }
0x9d: {  	v1 =	vmul.f32 $4.471499850e-02, v1;
	_ =	sdelay $0x1  }
0x9e: {  	v1 =	vadd.f32 v1, v0;
	_ =	sdelay $0x1  }
0x9f: {  	v1 =	vmul.f32 $7.978845830e-01, v1  }
0xa0: {  	v14 =	vpop (erf)  }
0xa1: {  	v15 =	vpop (erf);
	v1 =	vmul.f32 $-2.000000000e+00, v1  }
0xa2: {  	v15 =	vadd.f32 $1.000000000e+00, v15  }
0xa3: {  	v1 =	vmul.f32 $1.442695020e+00, v1  }
0xa4: {  	(erf) = vrcp.f32 v15  }
0xa5: {  	(erf) = vpow2.f32 v1;
	_ =	sdelay $0x5  }
0xa6: {  	v1 =	vadd.f32 v10, v10  }
0xa7: {  	v3 =	vmul.f32 $5.000000000e-01, v3;
	v10 =	vadd.f32 v18, v18  }
0xa8: {  	v4 =	vmul.f32 $5.000000000e-01, v4;
	v17 =	vadd.f32 v17, v17;
	v1 =	vadd.f32 $-1.000000000e+00, v1;
	v15 =	vpop (erf)  }
0xa9: {  	v5 =	vmul.f32 $5.000000000e-01, v5;
	v18 =	vadd.f32 v19, v19;
	v10 =	vadd.f32 $-1.000000000e+00, v10;
	v19 =	vpop (erf)  }
0xaa: {  	v6 =	vmul.f32 $5.000000000e-01, v6;
	v1 =	vadd.f32 $1.000000000e+00, v1;
	v19 =	vadd.f32 $1.000000000e+00, v19  }
0xab: {  	v9 =	vmul.f32 $5.000000000e-01, v9;
	v17 =	vadd.f32 $-1.000000000e+00, v17;
	v10 =	vadd.f32 $1.000000000e+00, v10  }
0xac: {  	v1 =	vmul.f32 v1, v3;
	v3 =	vadd.f32 $-1.000000000e+00, v18;
	(erf) = vrcp.f32 v19  }
0xad: {  	v4 =	vmul.f32 v10, v4;
	v10 =	vadd.f32 $1.000000000e+00, v17;
	v18 =	vadd.f32 v21, v21  }
0xae: {  	v11 =	vmul.f32 $5.000000000e-01, v11;
	v17 =	vadd.f32 v59, v59;
	v3 =	vadd.f32 $1.000000000e+00, v3  }
0xaf: {  	v1 =	vmax.f32 v1, v4;
	v4 =	vmul.f32 v10, v6;
	v6 =	vadd.f32 $-1.000000000e+00, v18  }
0xb0: {  	v10 =	vadd.f32 v61, v61;
	v3 =	vmul.f32 v3, v5;
	v5 =	vadd.f32 $-1.000000000e+00, v17  }
0xb1: {  	v7 =	vmul.f32 $5.000000000e-01, v7;
	v16 =	vadd.f32 v16, v16;
	v6 =	vadd.f32 $1.000000000e+00, v6  }
0xb2: {  	v5 =	vadd.f32 $1.000000000e+00, v5;
	v3 =	vmax.f32 v3, v4;
	v4 =	vadd.f32 $-1.000000000e+00, v10  }
0xb3: {  	v10 =	vadd.f32 $-1.000000000e+00, v16;
	v6 =	vmul.f32 v6, v11;
	v11 =	vmul.f32 $5.000000000e-01, v12  }
0xb4: {  	v12 =	vmul.f32 $5.000000000e-01, v13;
	v13 =	vadd.f32 v14, v14;
	v4 =	vadd.f32 $1.000000000e+00, v4  }
0xb5: {  	v5 =	vmul.f32 v5, v9;
	v9 =	vadd.f32 v63, v63;
	v10 =	vadd.f32 $1.000000000e+00, v10;
	v14 =	vpop (erf)  }
0xb6: {  	v4 =	vmul.f32 v4, v11;
	v11 =	vadd.f32 v15, v15;
	v14 =	vadd.f32 v14, v14  }
0xb7: {  	v9 =	vadd.f32 $-1.000000000e+00, v9;
	v10 =	vmul.f32 v10, v12;
	v12 =	vadd.f32 $-1.000000000e+00, v13  }
0xb8: {  	v8 =	vmul.f32 $5.000000000e-01, v8;
	v11 =	vadd.f32 $-1.000000000e+00, v11;
	v13 =	vadd.f32 $-1.000000000e+00, v14  }
0xb9: {  	v2 =	vmul.f32 $5.000000000e-01, v2;
	v9 =	vadd.f32 $1.000000000e+00, v9;
	v12 =	vadd.f32 $1.000000000e+00, v12  }
0xba: {  	v0 =	vmul.f32 $5.000000000e-01, v0;
	[tilespmem:s16+$0xE000] =	vst v1;
	v1 =	vadd.f32 $1.000000000e+00, v11;
	v11 =	vadd.f32 $1.000000000e+00, v13  }
0xbb: {  	[tilespmem:s16+$0xE010] =	vst v3;
	v3 =	vmax.f32 v5, v6;
	v5 =	vmul.f32 v9, v7;
	v6 =	vmul.f32 v12, v8  }
0xbc: {  	[tilespmem:s16+$0xE020] =	vst v3;
	v3 =	vmax.f32 v4, v10;
	v1 =	vmul.f32 v1, v2;
	v0 =	vmul.f32 v11, v0  }
0xbd: {  	[tilespmem:s16+$0xE030] =	vst v3;
	v2 =	vmax.f32 v5, v6  }
0xbe: {  	[tilespmem:s16+$0xE040] =	vst v2;
	v0 =	vmax.f32 v1, v0  }
0xbf: {  	[tilespmem:s16+$0xE050] =	vst v0  }
0xc0: {  	v3 =	vld [tilespmem:$0x1AC00]  }
0xc1: {  	v5 =	vld [tilespmem:$0x1AC10]  }
0xc2: {  	v9 =	vld [tilespmem:$0x1AC20]  }
0xc3: {  	v12 =	vld [tilespmem:$0x1AC30]  }
0xc4: {  	v2 =	vld [tilespmem:$0x1AC50]  }
0xc5: {  	s17 =	simm.s32 $0x0;
	v7 =	vld [tilespmem:$0x1AC40]  }
0xc6: {  	v0 =	vld [tilespmem:s17+$0x1ACD0]  }
0xc7: {  	v4 =	vld [tilespmem:s17+$0x1AC80]  }
0xc8: {  	v6 =	vld [tilespmem:s17+$0x1AC90]  }
0xc9: {  	v11 =	vld [tilespmem:s17+$0x1ACA0];
	v1 =	vmov v2  }
0xca: {  	s18 =	simm.s32 $0x200;
	v13 =	vld [tilespmem:s17+$0x1ACB0];
	v10 =	vmovc v3;
	v16 =	vmovc v5;
	v15 =	vmov v9;
	v14 =	vmov v12;
	v8 =	vmov v7  }
.LBB2_5:
0xcb: {  	p0 =	sne.s32 s18, $0x1C00;
	v17 =	vld [tilespmem:s17+$0x1ACC0];
	s17 =	sshra.s32 s18, $0x2;
	s18 =	sadd.s32 $0x200, s18;
	v2 =	vmin.f32 v2, v0;
	v1 =	vmax.f32 v1, v0  }
.Ltmp1:
0xcc: {  	v0 =	vld [tilespmem:s17+$0x1ACD0];
	v3 =	vmin.f32 v3, v4;
	v10 =	vmax.f32 v10, v4;
	(pc) =	sbr.rel @p0 .LBB2_5-.Ltmp1, $4  }
0xcd: {  	v4 =	vld [tilespmem:s17+$0x1AC80];
	v5 =	vmin.f32 v5, v6;
	v16 =	vmax.f32 v16, v6  }
0xce: {  	v6 =	vld [tilespmem:s17+$0x1AC90];
	v9 =	vmin.f32 v9, v11;
	v15 =	vmax.f32 v15, v11  }
0xcf: {  	v11 =	vld [tilespmem:s17+$0x1ACA0];
	v12 =	vmin.f32 v12, v13;
	v14 =	vmax.f32 v14, v13  }
0xd0: {  	v13 =	vld [tilespmem:s17+$0x1ACB0];
	v7 =	vmin.f32 v7, v17;
	v8 =	vmax.f32 v8, v17  }
0xd1: {  	v17 =	vld [tilespmem:s16+$0x1C80];
	_ =	sdelay $0x3  }
0xd2: {  	v3 =	vmin.f32 v3, v4  }
0xd3: {  	v3 =	vadd.f32 v17, v3;
	_ =	sdelay $0x1  }
0xd4: {  	v18 =	vmul.f32 v3, v3;
	_ =	sdelay $0x1  }
0xd5: {  	v18 =	vmul.f32 v18, v3;
	_ =	sdelay $0x1  }
0xd6: {  	v18 =	vmul.f32 $4.471499850e-02, v18;
	_ =	sdelay $0x1  }
0xd7: {  	v18 =	vadd.f32 v18, v3;
	_ =	sdelay $0x1  }
0xd8: {  	v18 =	vmul.f32 $7.978845830e-01, v18;
	_ =	sdelay $0x1  }
0xd9: {  	v4 =	vmax.f32 v10, v4;
	v10 =	vmul.f32 $-2.000000000e+00, v18  }
0xda: {  	v4 =	vadd.f32 v17, v4  }
0xdb: {  	v10 =	vmul.f32 $1.442695020e+00, v10  }
0xdc: {  	v17 =	vmul.f32 v4, v4  }
0xdd: {  	(erf) = vpow2.f32 v10  }
0xde: {  	v10 =	vmul.f32 v17, v4;
	_ =	sdelay $0x1  }
0xdf: {  	v10 =	vmul.f32 $4.471499850e-02, v10;
	_ =	sdelay $0x1  }
0xe0: {  	v17 =	vld [tilespmem:s16+$0x1C90];
	v10 =	vadd.f32 v10, v4;
	_ =	sdelay $0x1  }
0xe1: {  	v10 =	vmul.f32 $7.978845830e-01, v10;
	_ =	sdelay $0x1  }
0xe2: {  	v5 =	vmin.f32 v5, v6;
	v10 =	vmul.f32 $-2.000000000e+00, v10;
	v18 =	vpop (erf)  }
0xe3: {  	v5 =	vadd.f32 v17, v5;
	v18 =	vadd.f32 $1.000000000e+00, v18  }
0xe4: {  	v10 =	vmul.f32 $1.442695020e+00, v10  }
0xe5: {  	(erf) = vrcp.f32 v18;
	v18 =	vmul.f32 v5, v5;
	_ =	sdelay $0x1  }
0xe6: {  	(erf) = vpow2.f32 v10;
	v10 =	vmul.f32 v18, v5;
	_ =	sdelay $0x1  }
0xe7: {  	v10 =	vmul.f32 $4.471499850e-02, v10;
	_ =	sdelay $0x1  }
0xe8: {  	v10 =	vadd.f32 v10, v5;
	_ =	sdelay $0x2  }
0xe9: {  	v18 =	vmul.f32 $7.978845830e-01, v10  }
0xea: {  	v10 =	vpop (erf)  }
0xeb: {  	v6 =	vmax.f32 v16, v6;
	v18 =	vmul.f32 $-2.000000000e+00, v18;
	v16 =	vpop (erf)  }
0xec: {  	v6 =	vadd.f32 v17, v6;
	v16 =	vadd.f32 $1.000000000e+00, v16  }
0xed: {  	v17 =	vmul.f32 $1.442695020e+00, v18  }
0xee: {  	(erf) = vrcp.f32 v16;
	v16 =	vmul.f32 v6, v6  }
0xef: {  	(erf) = vpow2.f32 v17  }
0xf0: {  	v16 =	vmul.f32 v16, v6;
	_ =	sdelay $0x1  }
0xf1: {  	v16 =	vmul.f32 $4.471499850e-02, v16;
	_ =	sdelay $0x1  }
0xf2: {  	v17 =	vld [tilespmem:s16+$0x1CA0];
	v16 =	vadd.f32 v16, v6;
	_ =	sdelay $0x1  }
0xf3: {  	v16 =	vmul.f32 $7.978845830e-01, v16  }
0xf4: {  	v18 =	vpop (erf)  }
0xf5: {  	v9 =	vmin.f32 v9, v11;
	v19 =	vpop (erf);
	v16 =	vmul.f32 $-2.000000000e+00, v16  }
0xf6: {  	v9 =	vadd.f32 v17, v9;
	v19 =	vadd.f32 $1.000000000e+00, v19  }
0xf7: {  	v16 =	vmul.f32 $1.442695020e+00, v16  }
0xf8: {  	(erf) = vrcp.f32 v19;
	v19 =	vmul.f32 v9, v9  }
0xf9: {  	(erf) = vpow2.f32 v16  }
0xfa: {  	v16 =	vmul.f32 v19, v9;
	_ =	sdelay $0x1  }
0xfb: {  	v16 =	vmul.f32 $4.471499850e-02, v16;
	_ =	sdelay $0x1  }
0xfc: {  	v16 =	vadd.f32 v16, v9;
	_ =	sdelay $0x1  }
0xfd: {  	v16 =	vmul.f32 $7.978845830e-01, v16  }
0xfe: {  	v19 =	vpop (erf)  }
0xff: {  	v11 =	vmax.f32 v15, v11;
	v15 =	vpop (erf);
	v16 =	vmul.f32 $-2.000000000e+00, v16  }
0x100: {  	v11 =	vadd.f32 v17, v11;
	v15 =	vadd.f32 $1.000000000e+00, v15  }
0x101: {  	v16 =	vmul.f32 $1.442695020e+00, v16  }
0x102: {  	(erf) = vrcp.f32 v15;
	v15 =	vmul.f32 v11, v11  }
0x103: {  	(erf) = vpow2.f32 v16  }
0x104: {  	v15 =	vmul.f32 v15, v11;
	_ =	sdelay $0x1  }
0x105: {  	v15 =	vmul.f32 $4.471499850e-02, v15;
	_ =	sdelay $0x1  }
0x106: {  	v16 =	vld [tilespmem:s16+$0x1CB0];
	v15 =	vadd.f32 v15, v11;
	_ =	sdelay $0x1  }
0x107: {  	v15 =	vmul.f32 $7.978845830e-01, v15  }
0x108: {  	v17 =	vpop (erf)  }
0x109: {  	v12 =	vmin.f32 v12, v13;
	v20 =	vpop (erf);
	v15 =	vmul.f32 $-2.000000000e+00, v15  }
0x10a: {  	v12 =	vadd.f32 v16, v12;
	v20 =	vadd.f32 $1.000000000e+00, v20  }
0x10b: {  	v15 =	vmul.f32 $1.442695020e+00, v15  }
0x10c: {  	v58 =	vmul.f32 v12, v12;
	(erf) = vrcp.f32 v20  }
0x10d: {  	(erf) = vpow2.f32 v15  }
0x10e: {  	v15 =	vmul.f32 v58, v12;
	_ =	sdelay $0x1  }
0x10f: {  	v15 =	vmul.f32 $4.471499850e-02, v15;
	_ =	sdelay $0x1  }
0x110: {  	v15 =	vadd.f32 v15, v12;
	_ =	sdelay $0x1  }
0x111: {  	v15 =	vmul.f32 $7.978845830e-01, v15  }
0x112: {  	v59 =	vpop (erf)  }
0x113: {  	v13 =	vmax.f32 v14, v13;
	v15 =	vmul.f32 $-2.000000000e+00, v15;
	v14 =	vpop (erf)  }
0x114: {  	v13 =	vadd.f32 v16, v13;
	v14 =	vadd.f32 $1.000000000e+00, v14  }
0x115: {  	v15 =	vmul.f32 $1.442695020e+00, v15  }
0x116: {  	(erf) = vrcp.f32 v14;
	v14 =	vmul.f32 v13, v13  }
0x117: {  	(erf) = vpow2.f32 v15  }
0x118: {  	v14 =	vmul.f32 v14, v13;
	_ =	sdelay $0x1  }
0x119: {  	v14 =	vmul.f32 $4.471499850e-02, v14  }
0x11a: {  	v15 =	vld [tilespmem:s17+$0x1ACC0]  }
0x11b: {  	v16 =	vld [tilespmem:s16+$0x1CC0];
	v14 =	vadd.f32 v14, v13;
	_ =	sdelay $0x1  }
0x11c: {  	v14 =	vmul.f32 $7.978845830e-01, v14  }
0x11d: {  	v21 =	vpop (erf)  }
0x11e: {  	v7 =	vmin.f32 v7, v15;
	v22 =	vpop (erf);
	v14 =	vmul.f32 $-2.000000000e+00, v14  }
0x11f: {  	v7 =	vadd.f32 v16, v7;
	v22 =	vadd.f32 $1.000000000e+00, v22  }
0x120: {  	v14 =	vmul.f32 $1.442695020e+00, v14  }
0x121: {  	v60 =	vmul.f32 v7, v7;
	(erf) = vrcp.f32 v22  }
0x122: {  	(erf) = vpow2.f32 v14  }
0x123: {  	v14 =	vmul.f32 v60, v7;
	_ =	sdelay $0x1  }
0x124: {  	v14 =	vmul.f32 $4.471499850e-02, v14;
	_ =	sdelay $0x1  }
0x125: {  	v14 =	vadd.f32 v14, v7;
	_ =	sdelay $0x1  }
0x126: {  	v14 =	vmul.f32 $7.978845830e-01, v14  }
0x127: {  	v61 =	vpop (erf)  }
0x128: {  	v8 =	vmax.f32 v8, v15;
	v14 =	vmul.f32 $-2.000000000e+00, v14;
	v15 =	vpop (erf)  }
0x129: {  	v8 =	vadd.f32 v16, v8;
	v15 =	vadd.f32 $1.000000000e+00, v15  }
0x12a: {  	v14 =	vmul.f32 $1.442695020e+00, v14  }
0x12b: {  	(erf) = vrcp.f32 v15;
	v15 =	vmul.f32 v8, v8  }
0x12c: {  	(erf) = vpow2.f32 v14  }
0x12d: {  	v14 =	vmul.f32 v15, v8;
	_ =	sdelay $0x1  }
0x12e: {  	v14 =	vmul.f32 $4.471499850e-02, v14;
	_ =	sdelay $0x1  }
0x12f: {  	v15 =	vld [tilespmem:s16+$0x1CD0];
	v14 =	vadd.f32 v14, v8;
	_ =	sdelay $0x1  }
0x130: {  	v14 =	vmul.f32 $7.978845830e-01, v14  }
0x131: {  	v16 =	vpop (erf)  }
0x132: {  	v2 =	vmin.f32 v2, v0;
	v23 =	vpop (erf);
	v14 =	vmul.f32 $-2.000000000e+00, v14  }
0x133: {  	v2 =	vadd.f32 v15, v2;
	v23 =	vadd.f32 $1.000000000e+00, v23  }
0x134: {  	v14 =	vmul.f32 $1.442695020e+00, v14  }
0x135: {  	v62 =	vmul.f32 v2, v2;
	(erf) = vrcp.f32 v23  }
0x136: {  	(erf) = vpow2.f32 v14  }
0x137: {  	v14 =	vmul.f32 v62, v2;
	_ =	sdelay $0x1  }
0x138: {  	v14 =	vmul.f32 $4.471499850e-02, v14;
	_ =	sdelay $0x1  }
0x139: {  	v14 =	vadd.f32 v14, v2;
	_ =	sdelay $0x1  }
0x13a: {  	v14 =	vmul.f32 $7.978845830e-01, v14  }
0x13b: {  	v63 =	vpop (erf)  }
0x13c: {  	v0 =	vmax.f32 v1, v0;
	v14 =	vmul.f32 $-2.000000000e+00, v14;
	v1 =	vpop (erf)  }
0x13d: {  	v0 =	vadd.f32 v15, v0;
	v1 =	vadd.f32 $1.000000000e+00, v1  }
0x13e: {  	v14 =	vmul.f32 $1.442695020e+00, v14  }
0x13f: {  	(erf) = vrcp.f32 v1;
	v1 =	vmul.f32 v0, v0  }
0x140: {  	(erf) = vpow2.f32 v14  }
0x141: {  	v1 =	vmul.f32 v1, v0;
	_ =	sdelay $0x1  }
0x142: {  	v1 =	vmul.f32 $4.471499850e-02, v1;
	_ =	sdelay $0x1  }
0x143: {  	v1 =	vadd.f32 v1, v0;
	_ =	sdelay $0x1  }
0x144: {  	v1 =	vmul.f32 $7.978845830e-01, v1  }
0x145: {  	v14 =	vpop (erf)  }
0x146: {  	v15 =	vpop (erf);
	v1 =	vmul.f32 $-2.000000000e+00, v1  }
0x147: {  	v15 =	vadd.f32 $1.000000000e+00, v15  }
0x148: {  	v1 =	vmul.f32 $1.442695020e+00, v1  }
0x149: {  	(erf) = vrcp.f32 v15  }
0x14a: {  	(erf) = vpow2.f32 v1;
	_ =	sdelay $0x5  }
0x14b: {  	v1 =	vadd.f32 v10, v10  }
0x14c: {  	v3 =	vmul.f32 $5.000000000e-01, v3;
	v10 =	vadd.f32 v18, v18  }
0x14d: {  	v4 =	vmul.f32 $5.000000000e-01, v4;
	v17 =	vadd.f32 v17, v17;
	v1 =	vadd.f32 $-1.000000000e+00, v1;
	v15 =	vpop (erf)  }
0x14e: {  	v5 =	vmul.f32 $5.000000000e-01, v5;
	v18 =	vadd.f32 v19, v19;
	v10 =	vadd.f32 $-1.000000000e+00, v10;
	v19 =	vpop (erf)  }
0x14f: {  	v6 =	vmul.f32 $5.000000000e-01, v6;
	v1 =	vadd.f32 $1.000000000e+00, v1;
	v19 =	vadd.f32 $1.000000000e+00, v19  }
0x150: {  	v9 =	vmul.f32 $5.000000000e-01, v9;
	v17 =	vadd.f32 $-1.000000000e+00, v17;
	v10 =	vadd.f32 $1.000000000e+00, v10  }
0x151: {  	v1 =	vmul.f32 v1, v3;
	v3 =	vadd.f32 $-1.000000000e+00, v18;
	(erf) = vrcp.f32 v19  }
0x152: {  	v4 =	vmul.f32 v10, v4;
	v10 =	vadd.f32 $1.000000000e+00, v17;
	v18 =	vadd.f32 v21, v21  }
0x153: {  	v11 =	vmul.f32 $5.000000000e-01, v11;
	v17 =	vadd.f32 v59, v59;
	v3 =	vadd.f32 $1.000000000e+00, v3  }
0x154: {  	v1 =	vmax.f32 v1, v4;
	v4 =	vmul.f32 v10, v6;
	v6 =	vadd.f32 $-1.000000000e+00, v18  }
0x155: {  	v10 =	vadd.f32 v61, v61;
	v3 =	vmul.f32 v3, v5;
	v5 =	vadd.f32 $-1.000000000e+00, v17  }
0x156: {  	v7 =	vmul.f32 $5.000000000e-01, v7;
	v16 =	vadd.f32 v16, v16;
	v6 =	vadd.f32 $1.000000000e+00, v6  }
0x157: {  	v5 =	vadd.f32 $1.000000000e+00, v5;
	v3 =	vmax.f32 v3, v4;
	v4 =	vadd.f32 $-1.000000000e+00, v10  }
0x158: {  	v10 =	vadd.f32 $-1.000000000e+00, v16;
	v6 =	vmul.f32 v6, v11;
	v11 =	vmul.f32 $5.000000000e-01, v12  }
0x159: {  	v12 =	vmul.f32 $5.000000000e-01, v13;
	v13 =	vadd.f32 v14, v14;
	v4 =	vadd.f32 $1.000000000e+00, v4  }
0x15a: {  	v5 =	vmul.f32 v5, v9;
	v9 =	vadd.f32 v63, v63;
	v10 =	vadd.f32 $1.000000000e+00, v10;
	v14 =	vpop (erf)  }
0x15b: {  	v4 =	vmul.f32 v4, v11;
	v11 =	vadd.f32 v15, v15;
	v14 =	vadd.f32 v14, v14  }
0x15c: {  	v9 =	vadd.f32 $-1.000000000e+00, v9;
	v10 =	vmul.f32 v10, v12;
	v12 =	vadd.f32 $-1.000000000e+00, v13  }
0x15d: {  	v8 =	vmul.f32 $5.000000000e-01, v8;
	v11 =	vadd.f32 $-1.000000000e+00, v11;
	v13 =	vadd.f32 $-1.000000000e+00, v14  }
0x15e: {  	v2 =	vmul.f32 $5.000000000e-01, v2;
	v9 =	vadd.f32 $1.000000000e+00, v9;
	v12 =	vadd.f32 $1.000000000e+00, v12  }
0x15f: {  	v0 =	vmul.f32 $5.000000000e-01, v0;
	[tilespmem:s16+$0xE080] =	vst v1;
	v1 =	vadd.f32 $1.000000000e+00, v11;
	v11 =	vadd.f32 $1.000000000e+00, v13  }
0x160: {  	[tilespmem:s16+$0xE090] =	vst v3;
	v3 =	vmax.f32 v5, v6;
	v5 =	vmul.f32 v9, v7;
	v6 =	vmul.f32 v12, v8  }
0x161: {  	[tilespmem:s16+$0xE0A0] =	vst v3;
	v3 =	vmax.f32 v4, v10;
	v1 =	vmul.f32 v1, v2;
	v0 =	vmul.f32 v11, v0  }
0x162: {  	[tilespmem:s16+$0xE0B0] =	vst v3;
	v2 =	vmax.f32 v5, v6  }
0x163: {  	[tilespmem:s16+$0xE0C0] =	vst v2;
	v0 =	vmax.f32 v1, v0  }
0x164: {  	[tilespmem:s16+$0xE0D0] =	vst v0  }
0x165: {  	v3 =	vld [tilespmem:$0x1B400]  }
0x166: {  	v5 =	vld [tilespmem:$0x1B410]  }
0x167: {  	v9 =	vld [tilespmem:$0x1B420]  }
0x168: {  	v12 =	vld [tilespmem:$0x1B430]  }
0x169: {  	v2 =	vld [tilespmem:$0x1B450]  }
0x16a: {  	s17 =	simm.s32 $0x0;
	v7 =	vld [tilespmem:$0x1B440]  }
0x16b: {  	v0 =	vld [tilespmem:s17+$0x1B4D0]  }
0x16c: {  	v4 =	vld [tilespmem:s17+$0x1B480]  }
0x16d: {  	v6 =	vld [tilespmem:s17+$0x1B490]  }
0x16e: {  	v11 =	vld [tilespmem:s17+$0x1B4A0];
	v1 =	vmov v2  }
0x16f: {  	s18 =	simm.s32 $0x200;
	v13 =	vld [tilespmem:s17+$0x1B4B0];
	v10 =	vmovc v3;
	v16 =	vmovc v5;
	v15 =	vmov v9;
	v14 =	vmov v12;
	v8 =	vmov v7  }
.LBB2_7:
0x170: {  	p0 =	sne.s32 s18, $0x1C00;
	v17 =	vld [tilespmem:s17+$0x1B4C0];
	s17 =	sshra.s32 s18, $0x2;
	s18 =	sadd.s32 $0x200, s18;
	v2 =	vmin.f32 v2, v0;
	v1 =	vmax.f32 v1, v0  }
.Ltmp2:
0x171: {  	v0 =	vld [tilespmem:s17+$0x1B4D0];
	v3 =	vmin.f32 v3, v4;
	v10 =	vmax.f32 v10, v4;
	(pc) =	sbr.rel @p0 .LBB2_7-.Ltmp2, $4  }
0x172: {  	v4 =	vld [tilespmem:s17+$0x1B480];
	v5 =	vmin.f32 v5, v6;
	v16 =	vmax.f32 v16, v6  }
0x173: {  	v6 =	vld [tilespmem:s17+$0x1B490];
	v9 =	vmin.f32 v9, v11;
	v15 =	vmax.f32 v15, v11  }
0x174: {  	v11 =	vld [tilespmem:s17+$0x1B4A0];
	v12 =	vmin.f32 v12, v13;
	v14 =	vmax.f32 v14, v13  }
0x175: {  	v13 =	vld [tilespmem:s17+$0x1B4B0];
	v7 =	vmin.f32 v7, v17;
	v8 =	vmax.f32 v8, v17  }
0x176: {  	v17 =	vld [tilespmem:s16+$0x1D00];
	_ =	sdelay $0x3  }
0x177: {  	v3 =	vmin.f32 v3, v4  }
0x178: {  	v3 =	vadd.f32 v17, v3;
	_ =	sdelay $0x1  }
0x179: {  	v18 =	vmul.f32 v3, v3;
	_ =	sdelay $0x1  }
0x17a: {  	v18 =	vmul.f32 v18, v3;
	_ =	sdelay $0x1  }
0x17b: {  	v18 =	vmul.f32 $4.471499850e-02, v18;
	_ =	sdelay $0x1  }
0x17c: {  	v18 =	vadd.f32 v18, v3;
	_ =	sdelay $0x1  }
0x17d: {  	v18 =	vmul.f32 $7.978845830e-01, v18;
	_ =	sdelay $0x1  }
0x17e: {  	v4 =	vmax.f32 v10, v4;
	v10 =	vmul.f32 $-2.000000000e+00, v18  }
0x17f: {  	v4 =	vadd.f32 v17, v4  }
0x180: {  	v10 =	vmul.f32 $1.442695020e+00, v10  }
0x181: {  	v17 =	vmul.f32 v4, v4  }
0x182: {  	(erf) = vpow2.f32 v10  }
0x183: {  	v10 =	vmul.f32 v17, v4;
	_ =	sdelay $0x1  }
0x184: {  	v10 =	vmul.f32 $4.471499850e-02, v10;
	_ =	sdelay $0x1  }
0x185: {  	v17 =	vld [tilespmem:s16+$0x1D10];
	v10 =	vadd.f32 v10, v4;
	_ =	sdelay $0x1  }
0x186: {  	v10 =	vmul.f32 $7.978845830e-01, v10;
	_ =	sdelay $0x1  }
0x187: {  	v5 =	vmin.f32 v5, v6;
	v10 =	vmul.f32 $-2.000000000e+00, v10;
	v18 =	vpop (erf)  }
0x188: {  	v5 =	vadd.f32 v17, v5;
	v18 =	vadd.f32 $1.000000000e+00, v18  }
0x189: {  	v10 =	vmul.f32 $1.442695020e+00, v10  }
0x18a: {  	(erf) = vrcp.f32 v18;
	v18 =	vmul.f32 v5, v5;
	_ =	sdelay $0x1  }
0x18b: {  	(erf) = vpow2.f32 v10;
	v10 =	vmul.f32 v18, v5;
	_ =	sdelay $0x1  }
0x18c: {  	v10 =	vmul.f32 $4.471499850e-02, v10;
	_ =	sdelay $0x1  }
0x18d: {  	v10 =	vadd.f32 v10, v5;
	_ =	sdelay $0x2  }
0x18e: {  	v18 =	vmul.f32 $7.978845830e-01, v10  }
0x18f: {  	v10 =	vpop (erf)  }
0x190: {  	v6 =	vmax.f32 v16, v6;
	v18 =	vmul.f32 $-2.000000000e+00, v18;
	v16 =	vpop (erf)  }
0x191: {  	v6 =	vadd.f32 v17, v6;
	v16 =	vadd.f32 $1.000000000e+00, v16  }
0x192: {  	v17 =	vmul.f32 $1.442695020e+00, v18  }
0x193: {  	(erf) = vrcp.f32 v16;
	v16 =	vmul.f32 v6, v6  }
0x194: {  	(erf) = vpow2.f32 v17  }
0x195: {  	v16 =	vmul.f32 v16, v6;
	_ =	sdelay $0x1  }
0x196: {  	v16 =	vmul.f32 $4.471499850e-02, v16;
	_ =	sdelay $0x1  }
0x197: {  	v17 =	vld [tilespmem:s16+$0x1D20];
	v16 =	vadd.f32 v16, v6;
	_ =	sdelay $0x1  }
0x198: {  	v16 =	vmul.f32 $7.978845830e-01, v16  }
0x199: {  	v18 =	vpop (erf)  }
0x19a: {  	v9 =	vmin.f32 v9, v11;
	v19 =	vpop (erf);
	v16 =	vmul.f32 $-2.000000000e+00, v16  }
0x19b: {  	v9 =	vadd.f32 v17, v9;
	v19 =	vadd.f32 $1.000000000e+00, v19  }
0x19c: {  	v16 =	vmul.f32 $1.442695020e+00, v16  }
0x19d: {  	(erf) = vrcp.f32 v19;
	v19 =	vmul.f32 v9, v9  }
0x19e: {  	(erf) = vpow2.f32 v16  }
0x19f: {  	v16 =	vmul.f32 v19, v9;
	_ =	sdelay $0x1  }
0x1a0: {  	v16 =	vmul.f32 $4.471499850e-02, v16;
	_ =	sdelay $0x1  }
0x1a1: {  	v16 =	vadd.f32 v16, v9;
	_ =	sdelay $0x1  }
0x1a2: {  	v16 =	vmul.f32 $7.978845830e-01, v16  }
0x1a3: {  	v19 =	vpop (erf)  }
0x1a4: {  	v11 =	vmax.f32 v15, v11;
	v15 =	vpop (erf);
	v16 =	vmul.f32 $-2.000000000e+00, v16  }
0x1a5: {  	v11 =	vadd.f32 v17, v11;
	v15 =	vadd.f32 $1.000000000e+00, v15  }
0x1a6: {  	v16 =	vmul.f32 $1.442695020e+00, v16  }
0x1a7: {  	(erf) = vrcp.f32 v15;
	v15 =	vmul.f32 v11, v11  }
0x1a8: {  	(erf) = vpow2.f32 v16  }
0x1a9: {  	v15 =	vmul.f32 v15, v11;
	_ =	sdelay $0x1  }
0x1aa: {  	v15 =	vmul.f32 $4.471499850e-02, v15;
	_ =	sdelay $0x1  }
0x1ab: {  	v16 =	vld [tilespmem:s16+$0x1D30];
	v15 =	vadd.f32 v15, v11;
	_ =	sdelay $0x1  }
0x1ac: {  	v15 =	vmul.f32 $7.978845830e-01, v15  }
0x1ad: {  	v17 =	vpop (erf)  }
0x1ae: {  	v12 =	vmin.f32 v12, v13;
	v20 =	vpop (erf);
	v15 =	vmul.f32 $-2.000000000e+00, v15  }
0x1af: {  	v12 =	vadd.f32 v16, v12;
	v20 =	vadd.f32 $1.000000000e+00, v20  }
0x1b0: {  	v15 =	vmul.f32 $1.442695020e+00, v15  }
0x1b1: {  	v58 =	vmul.f32 v12, v12;
	(erf) = vrcp.f32 v20  }
0x1b2: {  	(erf) = vpow2.f32 v15  }
0x1b3: {  	v15 =	vmul.f32 v58, v12;
	_ =	sdelay $0x1  }
0x1b4: {  	v15 =	vmul.f32 $4.471499850e-02, v15;
	_ =	sdelay $0x1  }
0x1b5: {  	v15 =	vadd.f32 v15, v12;
	_ =	sdelay $0x1  }
0x1b6: {  	v15 =	vmul.f32 $7.978845830e-01, v15  }
0x1b7: {  	v59 =	vpop (erf)  }
0x1b8: {  	v13 =	vmax.f32 v14, v13;
	v15 =	vmul.f32 $-2.000000000e+00, v15;
	v14 =	vpop (erf)  }
0x1b9: {  	v13 =	vadd.f32 v16, v13;
	v14 =	vadd.f32 $1.000000000e+00, v14  }
0x1ba: {  	v15 =	vmul.f32 $1.442695020e+00, v15  }
0x1bb: {  	(erf) = vrcp.f32 v14;
	v14 =	vmul.f32 v13, v13  }
0x1bc: {  	(erf) = vpow2.f32 v15  }
0x1bd: {  	v14 =	vmul.f32 v14, v13;
	_ =	sdelay $0x1  }
0x1be: {  	v14 =	vmul.f32 $4.471499850e-02, v14  }
0x1bf: {  	v15 =	vld [tilespmem:s17+$0x1B4C0]  }
0x1c0: {  	v16 =	vld [tilespmem:s16+$0x1D40];
	v14 =	vadd.f32 v14, v13;
	_ =	sdelay $0x1  }
0x1c1: {  	v14 =	vmul.f32 $7.978845830e-01, v14  }
0x1c2: {  	v21 =	vpop (erf)  }
0x1c3: {  	v7 =	vmin.f32 v7, v15;
	v22 =	vpop (erf);
	v14 =	vmul.f32 $-2.000000000e+00, v14  }
0x1c4: {  	v7 =	vadd.f32 v16, v7;
	v22 =	vadd.f32 $1.000000000e+00, v22  }
0x1c5: {  	v14 =	vmul.f32 $1.442695020e+00, v14  }
0x1c6: {  	v60 =	vmul.f32 v7, v7;
	(erf) = vrcp.f32 v22  }
0x1c7: {  	(erf) = vpow2.f32 v14  }
0x1c8: {  	v14 =	vmul.f32 v60, v7;
	_ =	sdelay $0x1  }
0x1c9: {  	v14 =	vmul.f32 $4.471499850e-02, v14;
	_ =	sdelay $0x1  }
0x1ca: {  	v14 =	vadd.f32 v14, v7;
	_ =	sdelay $0x1  }
0x1cb: {  	v14 =	vmul.f32 $7.978845830e-01, v14  }
0x1cc: {  	v61 =	vpop (erf)  }
0x1cd: {  	v8 =	vmax.f32 v8, v15;
	v14 =	vmul.f32 $-2.000000000e+00, v14;
	v15 =	vpop (erf)  }
0x1ce: {  	v8 =	vadd.f32 v16, v8;
	v15 =	vadd.f32 $1.000000000e+00, v15  }
0x1cf: {  	v14 =	vmul.f32 $1.442695020e+00, v14  }
0x1d0: {  	(erf) = vrcp.f32 v15;
	v15 =	vmul.f32 v8, v8  }
0x1d1: {  	(erf) = vpow2.f32 v14  }
0x1d2: {  	v14 =	vmul.f32 v15, v8;
	_ =	sdelay $0x1  }
0x1d3: {  	v14 =	vmul.f32 $4.471499850e-02, v14;
	_ =	sdelay $0x1  }
0x1d4: {  	v15 =	vld [tilespmem:s16+$0x1D50];
	v14 =	vadd.f32 v14, v8;
	_ =	sdelay $0x1  }
0x1d5: {  	v14 =	vmul.f32 $7.978845830e-01, v14  }
0x1d6: {  	v16 =	vpop (erf)  }
0x1d7: {  	v2 =	vmin.f32 v2, v0;
	v23 =	vpop (erf);
	v14 =	vmul.f32 $-2.000000000e+00, v14  }
0x1d8: {  	v2 =	vadd.f32 v15, v2;
	v23 =	vadd.f32 $1.000000000e+00, v23  }
0x1d9: {  	v14 =	vmul.f32 $1.442695020e+00, v14  }
0x1da: {  	v62 =	vmul.f32 v2, v2;
	(erf) = vrcp.f32 v23  }
0x1db: {  	(erf) = vpow2.f32 v14  }
0x1dc: {  	v14 =	vmul.f32 v62, v2;
	_ =	sdelay $0x1  }
0x1dd: {  	v14 =	vmul.f32 $4.471499850e-02, v14;
	_ =	sdelay $0x1  }
0x1de: {  	v14 =	vadd.f32 v14, v2;
	_ =	sdelay $0x1  }
0x1df: {  	v14 =	vmul.f32 $7.978845830e-01, v14  }
0x1e0: {  	v63 =	vpop (erf)  }
0x1e1: {  	v0 =	vmax.f32 v1, v0;
	v14 =	vmul.f32 $-2.000000000e+00, v14;
	v1 =	vpop (erf)  }
0x1e2: {  	v0 =	vadd.f32 v15, v0;
	v1 =	vadd.f32 $1.000000000e+00, v1  }
0x1e3: {  	v14 =	vmul.f32 $1.442695020e+00, v14  }
0x1e4: {  	(erf) = vrcp.f32 v1;
	v1 =	vmul.f32 v0, v0  }
0x1e5: {  	(erf) = vpow2.f32 v14  }
0x1e6: {  	v1 =	vmul.f32 v1, v0;
	_ =	sdelay $0x1  }
0x1e7: {  	v1 =	vmul.f32 $4.471499850e-02, v1;
	_ =	sdelay $0x1  }
0x1e8: {  	v1 =	vadd.f32 v1, v0;
	_ =	sdelay $0x1  }
0x1e9: {  	v1 =	vmul.f32 $7.978845830e-01, v1  }
0x1ea: {  	v14 =	vpop (erf)  }
0x1eb: {  	v15 =	vpop (erf);
	v1 =	vmul.f32 $-2.000000000e+00, v1  }
0x1ec: {  	v15 =	vadd.f32 $1.000000000e+00, v15  }
0x1ed: {  	v1 =	vmul.f32 $1.442695020e+00, v1  }
0x1ee: {  	(erf) = vrcp.f32 v15  }
0x1ef: {  	(erf) = vpow2.f32 v1;
	_ =	sdelay $0x5  }
0x1f0: {  	v1 =	vadd.f32 v10, v10  }
0x1f1: {  	v3 =	vmul.f32 $5.000000000e-01, v3;
	v10 =	vadd.f32 v18, v18  }
0x1f2: {  	v4 =	vmul.f32 $5.000000000e-01, v4;
	v17 =	vadd.f32 v17, v17;
	v1 =	vadd.f32 $-1.000000000e+00, v1;
	v15 =	vpop (erf)  }
0x1f3: {  	v5 =	vmul.f32 $5.000000000e-01, v5;
	v18 =	vadd.f32 v19, v19;
	v10 =	vadd.f32 $-1.000000000e+00, v10;
	v19 =	vpop (erf)  }
0x1f4: {  	v6 =	vmul.f32 $5.000000000e-01, v6;
	v1 =	vadd.f32 $1.000000000e+00, v1;
	v19 =	vadd.f32 $1.000000000e+00, v19  }
0x1f5: {  	v9 =	vmul.f32 $5.000000000e-01, v9;
	v17 =	vadd.f32 $-1.000000000e+00, v17;
	v10 =	vadd.f32 $1.000000000e+00, v10  }
0x1f6: {  	v1 =	vmul.f32 v1, v3;
	v3 =	vadd.f32 $-1.000000000e+00, v18;
	(erf) = vrcp.f32 v19  }
0x1f7: {  	v4 =	vmul.f32 v10, v4;
	v10 =	vadd.f32 $1.000000000e+00, v17;
	v18 =	vadd.f32 v21, v21  }
0x1f8: {  	v11 =	vmul.f32 $5.000000000e-01, v11;
	v17 =	vadd.f32 v59, v59;
	v3 =	vadd.f32 $1.000000000e+00, v3  }
0x1f9: {  	v1 =	vmax.f32 v1, v4;
	v4 =	vmul.f32 v10, v6;
	v6 =	vadd.f32 $-1.000000000e+00, v18  }
0x1fa: {  	v10 =	vadd.f32 v61, v61;
	v3 =	vmul.f32 v3, v5;
	v5 =	vadd.f32 $-1.000000000e+00, v17  }
0x1fb: {  	v7 =	vmul.f32 $5.000000000e-01, v7;
	v16 =	vadd.f32 v16, v16;
	v6 =	vadd.f32 $1.000000000e+00, v6  }
0x1fc: {  	v5 =	vadd.f32 $1.000000000e+00, v5;
	v3 =	vmax.f32 v3, v4;
	v4 =	vadd.f32 $-1.000000000e+00, v10  }
0x1fd: {  	v10 =	vadd.f32 $-1.000000000e+00, v16;
	v6 =	vmul.f32 v6, v11;
	v11 =	vmul.f32 $5.000000000e-01, v12  }
0x1fe: {  	v12 =	vmul.f32 $5.000000000e-01, v13;
	v13 =	vadd.f32 v14, v14;
	v4 =	vadd.f32 $1.000000000e+00, v4  }
0x1ff: {  	v5 =	vmul.f32 v5, v9;
	v9 =	vadd.f32 v63, v63;
	v10 =	vadd.f32 $1.000000000e+00, v10;
	v14 =	vpop (erf)  }
0x200: {  	v4 =	vmul.f32 v4, v11;
	v11 =	vadd.f32 v15, v15;
	v14 =	vadd.f32 v14, v14  }
0x201: {  	v9 =	vadd.f32 $-1.000000000e+00, v9;
	v10 =	vmul.f32 v10, v12;
	v12 =	vadd.f32 $-1.000000000e+00, v13  }
0x202: {  	v8 =	vmul.f32 $5.000000000e-01, v8;
	v11 =	vadd.f32 $-1.000000000e+00, v11;
	v13 =	vadd.f32 $-1.000000000e+00, v14  }
0x203: {  	v2 =	vmul.f32 $5.000000000e-01, v2;
	v9 =	vadd.f32 $1.000000000e+00, v9;
	v12 =	vadd.f32 $1.000000000e+00, v12  }
0x204: {  	v0 =	vmul.f32 $5.000000000e-01, v0;
	[tilespmem:s16+$0xE100] =	vst v1;
	v1 =	vadd.f32 $1.000000000e+00, v11;
	v11 =	vadd.f32 $1.000000000e+00, v13  }
0x205: {  	[tilespmem:s16+$0xE110] =	vst v3;
	v3 =	vmax.f32 v5, v6;
	v5 =	vmul.f32 v9, v7;
	v6 =	vmul.f32 v12, v8  }
0x206: {  	[tilespmem:s16+$0xE120] =	vst v3;
	v3 =	vmax.f32 v4, v10;
	v1 =	vmul.f32 v1, v2;
	v0 =	vmul.f32 v11, v0  }
0x207: {  	[tilespmem:s16+$0xE130] =	vst v3;
	v2 =	vmax.f32 v5, v6  }
0x208: {  	[tilespmem:s16+$0xE140] =	vst v2;
	v0 =	vmax.f32 v1, v0  }
0x209: {  	[tilespmem:s16+$0xE150] =	vst v0  }
0x20a: {  	v3 =	vld [tilespmem:$0x1BC00]  }
0x20b: {  	v5 =	vld [tilespmem:$0x1BC10]  }
0x20c: {  	v9 =	vld [tilespmem:$0x1BC20]  }
0x20d: {  	v12 =	vld [tilespmem:$0x1BC30]  }
0x20e: {  	v2 =	vld [tilespmem:$0x1BC50]  }
0x20f: {  	s17 =	simm.s32 $0x0;
	v7 =	vld [tilespmem:$0x1BC40]  }
0x210: {  	v0 =	vld [tilespmem:s17+$0x1BCD0]  }
0x211: {  	v4 =	vld [tilespmem:s17+$0x1BC80]  }
0x212: {  	v6 =	vld [tilespmem:s17+$0x1BC90]  }
0x213: {  	v11 =	vld [tilespmem:s17+$0x1BCA0];
	v1 =	vmov v2  }
0x214: {  	s18 =	simm.s32 $0x200;
	v13 =	vld [tilespmem:s17+$0x1BCB0];
	v10 =	vmovc v3;
	v16 =	vmovc v5;
	v15 =	vmov v9;
	v14 =	vmov v12;
	v8 =	vmov v7  }
.LBB2_9:
0x215: {  	p0 =	sne.s32 s18, $0x1C00;
	v17 =	vld [tilespmem:s17+$0x1BCC0];
	s17 =	sshra.s32 s18, $0x2;
	s18 =	sadd.s32 $0x200, s18;
	v2 =	vmin.f32 v2, v0;
	v1 =	vmax.f32 v1, v0  }
.Ltmp3:
0x216: {  	v0 =	vld [tilespmem:s17+$0x1BCD0];
	v3 =	vmin.f32 v3, v4;
	v10 =	vmax.f32 v10, v4;
	(pc) =	sbr.rel @p0 .LBB2_9-.Ltmp3, $4  }
0x217: {  	v4 =	vld [tilespmem:s17+$0x1BC80];
	v5 =	vmin.f32 v5, v6;
	v16 =	vmax.f32 v16, v6  }
0x218: {  	v6 =	vld [tilespmem:s17+$0x1BC90];
	v9 =	vmin.f32 v9, v11;
	v15 =	vmax.f32 v15, v11  }
0x219: {  	v11 =	vld [tilespmem:s17+$0x1BCA0];
	v12 =	vmin.f32 v12, v13;
	v14 =	vmax.f32 v14, v13  }
0x21a: {  	v13 =	vld [tilespmem:s17+$0x1BCB0];
	v7 =	vmin.f32 v7, v17;
	v8 =	vmax.f32 v8, v17  }
0x21b: {  	v17 =	vld [tilespmem:s16+$0x1D80];
	_ =	sdelay $0x3  }
0x21c: {  	v3 =	vmin.f32 v3, v4  }
0x21d: {  	v3 =	vadd.f32 v17, v3;
	_ =	sdelay $0x1  }
0x21e: {  	v18 =	vmul.f32 v3, v3;
	_ =	sdelay $0x1  }
0x21f: {  	v18 =	vmul.f32 v18, v3;
	_ =	sdelay $0x1  }
0x220: {  	v18 =	vmul.f32 $4.471499850e-02, v18;
	_ =	sdelay $0x1  }
0x221: {  	v18 =	vadd.f32 v18, v3;
	_ =	sdelay $0x1  }
0x222: {  	v18 =	vmul.f32 $7.978845830e-01, v18;
	_ =	sdelay $0x1  }
0x223: {  	v4 =	vmax.f32 v10, v4;
	v10 =	vmul.f32 $-2.000000000e+00, v18  }
0x224: {  	v4 =	vadd.f32 v17, v4  }
0x225: {  	v10 =	vmul.f32 $1.442695020e+00, v10  }
0x226: {  	v17 =	vmul.f32 v4, v4  }
0x227: {  	(erf) = vpow2.f32 v10  }
0x228: {  	v10 =	vmul.f32 v17, v4;
	_ =	sdelay $0x1  }
0x229: {  	v10 =	vmul.f32 $4.471499850e-02, v10;
	_ =	sdelay $0x1  }
0x22a: {  	v17 =	vld [tilespmem:s16+$0x1D90];
	v10 =	vadd.f32 v10, v4;
	_ =	sdelay $0x1  }
0x22b: {  	v10 =	vmul.f32 $7.978845830e-01, v10;
	_ =	sdelay $0x1  }
0x22c: {  	v5 =	vmin.f32 v5, v6;
	v10 =	vmul.f32 $-2.000000000e+00, v10;
	v18 =	vpop (erf)  }
0x22d: {  	v5 =	vadd.f32 v17, v5;
	v18 =	vadd.f32 $1.000000000e+00, v18  }
0x22e: {  	v10 =	vmul.f32 $1.442695020e+00, v10  }
0x22f: {  	(erf) = vrcp.f32 v18;
	v18 =	vmul.f32 v5, v5;
	_ =	sdelay $0x1  }
0x230: {  	(erf) = vpow2.f32 v10;
	v10 =	vmul.f32 v18, v5;
	_ =	sdelay $0x1  }
0x231: {  	v10 =	vmul.f32 $4.471499850e-02, v10;
	_ =	sdelay $0x1  }
0x232: {  	v10 =	vadd.f32 v10, v5;
	_ =	sdelay $0x2  }
0x233: {  	v18 =	vmul.f32 $7.978845830e-01, v10  }
0x234: {  	v10 =	vpop (erf)  }
0x235: {  	v6 =	vmax.f32 v16, v6;
	v18 =	vmul.f32 $-2.000000000e+00, v18;
	v16 =	vpop (erf)  }
0x236: {  	v6 =	vadd.f32 v17, v6;
	v16 =	vadd.f32 $1.000000000e+00, v16  }
0x237: {  	v17 =	vmul.f32 $1.442695020e+00, v18  }
0x238: {  	(erf) = vrcp.f32 v16;
	v16 =	vmul.f32 v6, v6  }
0x239: {  	(erf) = vpow2.f32 v17  }
0x23a: {  	v16 =	vmul.f32 v16, v6;
	_ =	sdelay $0x1  }
0x23b: {  	v16 =	vmul.f32 $4.471499850e-02, v16;
	_ =	sdelay $0x1  }
0x23c: {  	v17 =	vld [tilespmem:s16+$0x1DA0];
	v16 =	vadd.f32 v16, v6;
	_ =	sdelay $0x1  }
0x23d: {  	v16 =	vmul.f32 $7.978845830e-01, v16  }
0x23e: {  	v18 =	vpop (erf)  }
0x23f: {  	v9 =	vmin.f32 v9, v11;
	v19 =	vpop (erf);
	v16 =	vmul.f32 $-2.000000000e+00, v16  }
0x240: {  	v9 =	vadd.f32 v17, v9;
	v19 =	vadd.f32 $1.000000000e+00, v19  }
0x241: {  	v16 =	vmul.f32 $1.442695020e+00, v16  }
0x242: {  	(erf) = vrcp.f32 v19;
	v19 =	vmul.f32 v9, v9  }
0x243: {  	(erf) = vpow2.f32 v16  }
0x244: {  	v16 =	vmul.f32 v19, v9;
	_ =	sdelay $0x1  }
0x245: {  	v16 =	vmul.f32 $4.471499850e-02, v16;
	_ =	sdelay $0x1  }
0x246: {  	v16 =	vadd.f32 v16, v9;
	_ =	sdelay $0x1  }
0x247: {  	v16 =	vmul.f32 $7.978845830e-01, v16  }
0x248: {  	v19 =	vpop (erf)  }
0x249: {  	v11 =	vmax.f32 v15, v11;
	v15 =	vpop (erf);
	v16 =	vmul.f32 $-2.000000000e+00, v16  }
0x24a: {  	v11 =	vadd.f32 v17, v11;
	v15 =	vadd.f32 $1.000000000e+00, v15  }
0x24b: {  	v16 =	vmul.f32 $1.442695020e+00, v16  }
0x24c: {  	(erf) = vrcp.f32 v15;
	v15 =	vmul.f32 v11, v11  }
0x24d: {  	(erf) = vpow2.f32 v16  }
0x24e: {  	v15 =	vmul.f32 v15, v11;
	_ =	sdelay $0x1  }
0x24f: {  	v15 =	vmul.f32 $4.471499850e-02, v15;
	_ =	sdelay $0x1  }
0x250: {  	v16 =	vld [tilespmem:s16+$0x1DB0];
	v15 =	vadd.f32 v15, v11;
	_ =	sdelay $0x1  }
0x251: {  	v15 =	vmul.f32 $7.978845830e-01, v15  }
0x252: {  	v17 =	vpop (erf)  }
0x253: {  	v12 =	vmin.f32 v12, v13;
	v20 =	vpop (erf);
	v15 =	vmul.f32 $-2.000000000e+00, v15  }
0x254: {  	v12 =	vadd.f32 v16, v12;
	v20 =	vadd.f32 $1.000000000e+00, v20  }
0x255: {  	v15 =	vmul.f32 $1.442695020e+00, v15  }
0x256: {  	v58 =	vmul.f32 v12, v12;
	(erf) = vrcp.f32 v20  }
0x257: {  	(erf) = vpow2.f32 v15  }
0x258: {  	v15 =	vmul.f32 v58, v12;
	_ =	sdelay $0x1  }
0x259: {  	v15 =	vmul.f32 $4.471499850e-02, v15;
	_ =	sdelay $0x1  }
0x25a: {  	v15 =	vadd.f32 v15, v12;
	_ =	sdelay $0x1  }
0x25b: {  	v15 =	vmul.f32 $7.978845830e-01, v15  }
0x25c: {  	v59 =	vpop (erf)  }
0x25d: {  	v13 =	vmax.f32 v14, v13;
	v15 =	vmul.f32 $-2.000000000e+00, v15;
	v14 =	vpop (erf)  }
0x25e: {  	v13 =	vadd.f32 v16, v13;
	v14 =	vadd.f32 $1.000000000e+00, v14  }
0x25f: {  	v15 =	vmul.f32 $1.442695020e+00, v15  }
0x260: {  	(erf) = vrcp.f32 v14;
	v14 =	vmul.f32 v13, v13  }
0x261: {  	(erf) = vpow2.f32 v15  }
0x262: {  	v14 =	vmul.f32 v14, v13;
	_ =	sdelay $0x1  }
0x263: {  	v14 =	vmul.f32 $4.471499850e-02, v14  }
0x264: {  	v15 =	vld [tilespmem:s17+$0x1BCC0]  }
0x265: {  	v16 =	vld [tilespmem:s16+$0x1DC0];
	v14 =	vadd.f32 v14, v13;
	_ =	sdelay $0x1  }
0x266: {  	v14 =	vmul.f32 $7.978845830e-01, v14  }
0x267: {  	v21 =	vpop (erf)  }
0x268: {  	v7 =	vmin.f32 v7, v15;
	v22 =	vpop (erf);
	v14 =	vmul.f32 $-2.000000000e+00, v14  }
0x269: {  	v7 =	vadd.f32 v16, v7;
	v22 =	vadd.f32 $1.000000000e+00, v22  }
0x26a: {  	v14 =	vmul.f32 $1.442695020e+00, v14  }
0x26b: {  	v60 =	vmul.f32 v7, v7;
	(erf) = vrcp.f32 v22  }
0x26c: {  	(erf) = vpow2.f32 v14  }
0x26d: {  	v14 =	vmul.f32 v60, v7;
	_ =	sdelay $0x1  }
0x26e: {  	v14 =	vmul.f32 $4.471499850e-02, v14;
	_ =	sdelay $0x1  }
0x26f: {  	v14 =	vadd.f32 v14, v7;
	_ =	sdelay $0x1  }
0x270: {  	v14 =	vmul.f32 $7.978845830e-01, v14  }
0x271: {  	v61 =	vpop (erf)  }
0x272: {  	v8 =	vmax.f32 v8, v15;
	v14 =	vmul.f32 $-2.000000000e+00, v14;
	v15 =	vpop (erf)  }
0x273: {  	v8 =	vadd.f32 v16, v8;
	v15 =	vadd.f32 $1.000000000e+00, v15  }
0x274: {  	v14 =	vmul.f32 $1.442695020e+00, v14  }
0x275: {  	(erf) = vrcp.f32 v15;
	v15 =	vmul.f32 v8, v8  }
0x276: {  	(erf) = vpow2.f32 v14  }
0x277: {  	v14 =	vmul.f32 v15, v8;
	_ =	sdelay $0x1  }
0x278: {  	v14 =	vmul.f32 $4.471499850e-02, v14;
	_ =	sdelay $0x1  }
0x279: {  	v15 =	vld [tilespmem:s16+$0x1DD0];
	v14 =	vadd.f32 v14, v8;
	_ =	sdelay $0x1  }
0x27a: {  	v14 =	vmul.f32 $7.978845830e-01, v14  }
0x27b: {  	v16 =	vpop (erf)  }
0x27c: {  	v2 =	vmin.f32 v2, v0;
	v23 =	vpop (erf);
	v14 =	vmul.f32 $-2.000000000e+00, v14  }
0x27d: {  	v2 =	vadd.f32 v15, v2;
	v23 =	vadd.f32 $1.000000000e+00, v23  }
0x27e: {  	v14 =	vmul.f32 $1.442695020e+00, v14  }
0x27f: {  	v62 =	vmul.f32 v2, v2;
	(erf) = vrcp.f32 v23  }
0x280: {  	(erf) = vpow2.f32 v14  }
0x281: {  	v14 =	vmul.f32 v62, v2;
	_ =	sdelay $0x1  }
0x282: {  	v14 =	vmul.f32 $4.471499850e-02, v14;
	_ =	sdelay $0x1  }
0x283: {  	v14 =	vadd.f32 v14, v2;
	_ =	sdelay $0x1  }
0x284: {  	v14 =	vmul.f32 $7.978845830e-01, v14  }
0x285: {  	v63 =	vpop (erf)  }
0x286: {  	v0 =	vmax.f32 v1, v0;
	v14 =	vmul.f32 $-2.000000000e+00, v14;
	v1 =	vpop (erf)  }
0x287: {  	v0 =	vadd.f32 v15, v0;
	v1 =	vadd.f32 $1.000000000e+00, v1  }
0x288: {  	v14 =	vmul.f32 $1.442695020e+00, v14  }
0x289: {  	(erf) = vrcp.f32 v1;
	v1 =	vmul.f32 v0, v0  }
0x28a: {  	(erf) = vpow2.f32 v14  }
0x28b: {  	v1 =	vmul.f32 v1, v0;
	_ =	sdelay $0x1  }
0x28c: {  	v1 =	vmul.f32 $4.471499850e-02, v1;
	_ =	sdelay $0x1  }
0x28d: {  	v1 =	vadd.f32 v1, v0;
	_ =	sdelay $0x1  }
0x28e: {  	v1 =	vmul.f32 $7.978845830e-01, v1  }
0x28f: {  	v14 =	vpop (erf)  }
0x290: {  	v15 =	vpop (erf);
	v1 =	vmul.f32 $-2.000000000e+00, v1  }
0x291: {  	v15 =	vadd.f32 $1.000000000e+00, v15  }
0x292: {  	v1 =	vmul.f32 $1.442695020e+00, v1  }
0x293: {  	(erf) = vrcp.f32 v15  }
0x294: {  	(erf) = vpow2.f32 v1;
	_ =	sdelay $0x5  }
0x295: {  	v1 =	vadd.f32 v10, v10  }
0x296: {  	v3 =	vmul.f32 $5.000000000e-01, v3;
	v10 =	vadd.f32 v18, v18  }
0x297: {  	v4 =	vmul.f32 $5.000000000e-01, v4;
	v17 =	vadd.f32 v17, v17;
	v1 =	vadd.f32 $-1.000000000e+00, v1;
	v15 =	vpop (erf)  }
0x298: {  	v5 =	vmul.f32 $5.000000000e-01, v5;
	v18 =	vadd.f32 v19, v19;
	v10 =	vadd.f32 $-1.000000000e+00, v10;
	v19 =	vpop (erf)  }
0x299: {  	v6 =	vmul.f32 $5.000000000e-01, v6;
	v1 =	vadd.f32 $1.000000000e+00, v1;
	v19 =	vadd.f32 $1.000000000e+00, v19  }
0x29a: {  	v9 =	vmul.f32 $5.000000000e-01, v9;
	v17 =	vadd.f32 $-1.000000000e+00, v17;
	v10 =	vadd.f32 $1.000000000e+00, v10  }
0x29b: {  	v1 =	vmul.f32 v1, v3;
	v3 =	vadd.f32 $-1.000000000e+00, v18;
	(erf) = vrcp.f32 v19  }
0x29c: {  	v4 =	vmul.f32 v10, v4;
	v10 =	vadd.f32 $1.000000000e+00, v17;
	v18 =	vadd.f32 v21, v21  }
0x29d: {  	v11 =	vmul.f32 $5.000000000e-01, v11;
	v17 =	vadd.f32 v59, v59;
	v3 =	vadd.f32 $1.000000000e+00, v3  }
0x29e: {  	v1 =	vmax.f32 v1, v4;
	v4 =	vmul.f32 v10, v6;
	v6 =	vadd.f32 $-1.000000000e+00, v18  }
0x29f: {  	v10 =	vadd.f32 v61, v61;
	v3 =	vmul.f32 v3, v5;
	v5 =	vadd.f32 $-1.000000000e+00, v17  }
0x2a0: {  	v7 =	vmul.f32 $5.000000000e-01, v7;
	v16 =	vadd.f32 v16, v16;
	v6 =	vadd.f32 $1.000000000e+00, v6  }
0x2a1: {  	v5 =	vadd.f32 $1.000000000e+00, v5;
	v3 =	vmax.f32 v3, v4;
	v4 =	vadd.f32 $-1.000000000e+00, v10  }
0x2a2: {  	v10 =	vadd.f32 $-1.000000000e+00, v16;
	v6 =	vmul.f32 v6, v11;
	v11 =	vmul.f32 $5.000000000e-01, v12  }
0x2a3: {  	v12 =	vmul.f32 $5.000000000e-01, v13;
	v13 =	vadd.f32 v14, v14;
	v4 =	vadd.f32 $1.000000000e+00, v4  }
0x2a4: {  	v5 =	vmul.f32 v5, v9;
	v9 =	vadd.f32 v63, v63;
	v10 =	vadd.f32 $1.000000000e+00, v10;
	v14 =	vpop (erf)  }
0x2a5: {  	v4 =	vmul.f32 v4, v11;
	v11 =	vadd.f32 v15, v15;
	v14 =	vadd.f32 v14, v14  }
0x2a6: {  	v9 =	vadd.f32 $-1.000000000e+00, v9;
	v10 =	vmul.f32 v10, v12;
	v12 =	vadd.f32 $-1.000000000e+00, v13  }
0x2a7: {  	v8 =	vmul.f32 $5.000000000e-01, v8;
	v11 =	vadd.f32 $-1.000000000e+00, v11;
	v13 =	vadd.f32 $-1.000000000e+00, v14  }
0x2a8: {  	v2 =	vmul.f32 $5.000000000e-01, v2;
	v9 =	vadd.f32 $1.000000000e+00, v9;
	v12 =	vadd.f32 $1.000000000e+00, v12  }
0x2a9: {  	v0 =	vmul.f32 $5.000000000e-01, v0;
	[tilespmem:s16+$0xE180] =	vst v1;
	v1 =	vadd.f32 $1.000000000e+00, v11;
	v11 =	vadd.f32 $1.000000000e+00, v13  }
0x2aa: {  	[tilespmem:s16+$0xE190] =	vst v3;
	v3 =	vmax.f32 v5, v6;
	v5 =	vmul.f32 v9, v7;
	v6 =	vmul.f32 v12, v8  }
0x2ab: {  	[tilespmem:s16+$0xE1A0] =	vst v3;
	v3 =	vmax.f32 v4, v10;
	v1 =	vmul.f32 v1, v2;
	v0 =	vmul.f32 v11, v0  }
0x2ac: {  	[tilespmem:s16+$0xE1B0] =	vst v3;
	v2 =	vmax.f32 v5, v6  }
0x2ad: {  	[tilespmem:s16+$0xE1C0] =	vst v2;
	v0 =	vmax.f32 v1, v0  }
0x2ae: {  	[tilespmem:s16+$0xE1D0] =	vst v0  }
0x2af: {  	v3 =	vld [tilespmem:$0x1C400]  }
0x2b0: {  	v5 =	vld [tilespmem:$0x1C410]  }
0x2b1: {  	v9 =	vld [tilespmem:$0x1C420]  }
0x2b2: {  	v12 =	vld [tilespmem:$0x1C430]  }
0x2b3: {  	v2 =	vld [tilespmem:$0x1C450]  }
0x2b4: {  	s17 =	simm.s32 $0x0;
	v7 =	vld [tilespmem:$0x1C440]  }
0x2b5: {  	v0 =	vld [tilespmem:s17+$0x1C4D0]  }
0x2b6: {  	v4 =	vld [tilespmem:s17+$0x1C480]  }
0x2b7: {  	v6 =	vld [tilespmem:s17+$0x1C490]  }
0x2b8: {  	v11 =	vld [tilespmem:s17+$0x1C4A0];
	v1 =	vmov v2  }
0x2b9: {  	s18 =	simm.s32 $0x200;
	v13 =	vld [tilespmem:s17+$0x1C4B0];
	v10 =	vmovc v3;
	v16 =	vmovc v5;
	v15 =	vmov v9;
	v14 =	vmov v12;
	v8 =	vmov v7  }
.LBB2_11:
0x2ba: {  	p0 =	sne.s32 s18, $0x1C00;
	v17 =	vld [tilespmem:s17+$0x1C4C0];
	s17 =	sshra.s32 s18, $0x2;
	s18 =	sadd.s32 $0x200, s18;
	v2 =	vmin.f32 v2, v0;
	v1 =	vmax.f32 v1, v0  }
.Ltmp4:
0x2bb: {  	v0 =	vld [tilespmem:s17+$0x1C4D0];
	v3 =	vmin.f32 v3, v4;
	v10 =	vmax.f32 v10, v4;
	(pc) =	sbr.rel @p0 .LBB2_11-.Ltmp4, $4  }
0x2bc: {  	v4 =	vld [tilespmem:s17+$0x1C480];
	v5 =	vmin.f32 v5, v6;
	v16 =	vmax.f32 v16, v6  }
0x2bd: {  	v6 =	vld [tilespmem:s17+$0x1C490];
	v9 =	vmin.f32 v9, v11;
	v15 =	vmax.f32 v15, v11  }
0x2be: {  	v11 =	vld [tilespmem:s17+$0x1C4A0];
	v12 =	vmin.f32 v12, v13;
	v14 =	vmax.f32 v14, v13  }
0x2bf: {  	v13 =	vld [tilespmem:s17+$0x1C4B0];
	v7 =	vmin.f32 v7, v17;
	v8 =	vmax.f32 v8, v17  }
0x2c0: {  	v17 =	vld [tilespmem:s16+$0x1E00];
	_ =	sdelay $0x3  }
0x2c1: {  	v3 =	vmin.f32 v3, v4  }
0x2c2: {  	v3 =	vadd.f32 v17, v3;
	_ =	sdelay $0x1  }
0x2c3: {  	v18 =	vmul.f32 v3, v3;
	_ =	sdelay $0x1  }
0x2c4: {  	v18 =	vmul.f32 v18, v3;
	_ =	sdelay $0x1  }
0x2c5: {  	v18 =	vmul.f32 $4.471499850e-02, v18;
	_ =	sdelay $0x1  }
0x2c6: {  	v18 =	vadd.f32 v18, v3;
	_ =	sdelay $0x1  }
0x2c7: {  	v18 =	vmul.f32 $7.978845830e-01, v18;
	_ =	sdelay $0x1  }
0x2c8: {  	v4 =	vmax.f32 v10, v4;
	v10 =	vmul.f32 $-2.000000000e+00, v18  }
0x2c9: {  	v4 =	vadd.f32 v17, v4  }
0x2ca: {  	v10 =	vmul.f32 $1.442695020e+00, v10  }
0x2cb: {  	v17 =	vmul.f32 v4, v4  }
0x2cc: {  	(erf) = vpow2.f32 v10  }
0x2cd: {  	v10 =	vmul.f32 v17, v4;
	_ =	sdelay $0x1  }
0x2ce: {  	v10 =	vmul.f32 $4.471499850e-02, v10;
	_ =	sdelay $0x1  }
0x2cf: {  	v17 =	vld [tilespmem:s16+$0x1E10];
	v10 =	vadd.f32 v10, v4;
	_ =	sdelay $0x1  }
0x2d0: {  	v10 =	vmul.f32 $7.978845830e-01, v10;
	_ =	sdelay $0x1  }
0x2d1: {  	v5 =	vmin.f32 v5, v6;
	v10 =	vmul.f32 $-2.000000000e+00, v10;
	v18 =	vpop (erf)  }
0x2d2: {  	v5 =	vadd.f32 v17, v5;
	v18 =	vadd.f32 $1.000000000e+00, v18  }
0x2d3: {  	v10 =	vmul.f32 $1.442695020e+00, v10  }
0x2d4: {  	(erf) = vrcp.f32 v18;
	v18 =	vmul.f32 v5, v5;
	_ =	sdelay $0x1  }
0x2d5: {  	(erf) = vpow2.f32 v10;
	v10 =	vmul.f32 v18, v5;
	_ =	sdelay $0x1  }
0x2d6: {  	v10 =	vmul.f32 $4.471499850e-02, v10;
	_ =	sdelay $0x1  }
0x2d7: {  	v10 =	vadd.f32 v10, v5;
	_ =	sdelay $0x2  }
0x2d8: {  	v18 =	vmul.f32 $7.978845830e-01, v10  }
0x2d9: {  	v10 =	vpop (erf)  }
0x2da: {  	v6 =	vmax.f32 v16, v6;
	v18 =	vmul.f32 $-2.000000000e+00, v18;
	v16 =	vpop (erf)  }
0x2db: {  	v6 =	vadd.f32 v17, v6;
	v16 =	vadd.f32 $1.000000000e+00, v16  }
0x2dc: {  	v17 =	vmul.f32 $1.442695020e+00, v18  }
0x2dd: {  	(erf) = vrcp.f32 v16;
	v16 =	vmul.f32 v6, v6  }
0x2de: {  	(erf) = vpow2.f32 v17  }
0x2df: {  	v16 =	vmul.f32 v16, v6;
	_ =	sdelay $0x1  }
0x2e0: {  	v16 =	vmul.f32 $4.471499850e-02, v16;
	_ =	sdelay $0x1  }
0x2e1: {  	v17 =	vld [tilespmem:s16+$0x1E20];
	v16 =	vadd.f32 v16, v6;
	_ =	sdelay $0x1  }
0x2e2: {  	v16 =	vmul.f32 $7.978845830e-01, v16  }
0x2e3: {  	v18 =	vpop (erf)  }
0x2e4: {  	v9 =	vmin.f32 v9, v11;
	v19 =	vpop (erf);
	v16 =	vmul.f32 $-2.000000000e+00, v16  }
0x2e5: {  	v9 =	vadd.f32 v17, v9;
	v19 =	vadd.f32 $1.000000000e+00, v19  }
0x2e6: {  	v16 =	vmul.f32 $1.442695020e+00, v16  }
0x2e7: {  	(erf) = vrcp.f32 v19;
	v19 =	vmul.f32 v9, v9  }
0x2e8: {  	(erf) = vpow2.f32 v16  }
0x2e9: {  	v16 =	vmul.f32 v19, v9;
	_ =	sdelay $0x1  }
0x2ea: {  	v16 =	vmul.f32 $4.471499850e-02, v16;
	_ =	sdelay $0x1  }
0x2eb: {  	v16 =	vadd.f32 v16, v9;
	_ =	sdelay $0x1  }
0x2ec: {  	v16 =	vmul.f32 $7.978845830e-01, v16  }
0x2ed: {  	v19 =	vpop (erf)  }
0x2ee: {  	v11 =	vmax.f32 v15, v11;
	v15 =	vpop (erf);
	v16 =	vmul.f32 $-2.000000000e+00, v16  }
0x2ef: {  	v11 =	vadd.f32 v17, v11;
	v15 =	vadd.f32 $1.000000000e+00, v15  }
0x2f0: {  	v16 =	vmul.f32 $1.442695020e+00, v16  }
0x2f1: {  	(erf) = vrcp.f32 v15;
	v15 =	vmul.f32 v11, v11  }
0x2f2: {  	(erf) = vpow2.f32 v16  }
0x2f3: {  	v15 =	vmul.f32 v15, v11;
	_ =	sdelay $0x1  }
0x2f4: {  	v15 =	vmul.f32 $4.471499850e-02, v15;
	_ =	sdelay $0x1  }
0x2f5: {  	v16 =	vld [tilespmem:s16+$0x1E30];
	v15 =	vadd.f32 v15, v11;
	_ =	sdelay $0x1  }
0x2f6: {  	v15 =	vmul.f32 $7.978845830e-01, v15  }
0x2f7: {  	v17 =	vpop (erf)  }
0x2f8: {  	v12 =	vmin.f32 v12, v13;
	v20 =	vpop (erf);
	v15 =	vmul.f32 $-2.000000000e+00, v15  }
0x2f9: {  	v12 =	vadd.f32 v16, v12;
	v20 =	vadd.f32 $1.000000000e+00, v20  }
0x2fa: {  	v15 =	vmul.f32 $1.442695020e+00, v15  }
0x2fb: {  	v58 =	vmul.f32 v12, v12;
	(erf) = vrcp.f32 v20  }
0x2fc: {  	(erf) = vpow2.f32 v15  }
0x2fd: {  	v15 =	vmul.f32 v58, v12;
	_ =	sdelay $0x1  }
0x2fe: {  	v15 =	vmul.f32 $4.471499850e-02, v15;
	_ =	sdelay $0x1  }
0x2ff: {  	v15 =	vadd.f32 v15, v12;
	_ =	sdelay $0x1  }
0x300: {  	v15 =	vmul.f32 $7.978845830e-01, v15  }
0x301: {  	v59 =	vpop (erf)  }
0x302: {  	v13 =	vmax.f32 v14, v13;
	v15 =	vmul.f32 $-2.000000000e+00, v15;
	v14 =	vpop (erf)  }
0x303: {  	v13 =	vadd.f32 v16, v13;
	v14 =	vadd.f32 $1.000000000e+00, v14  }
0x304: {  	v15 =	vmul.f32 $1.442695020e+00, v15  }
0x305: {  	(erf) = vrcp.f32 v14;
	v14 =	vmul.f32 v13, v13  }
0x306: {  	(erf) = vpow2.f32 v15  }
0x307: {  	v14 =	vmul.f32 v14, v13;
	_ =	sdelay $0x1  }
0x308: {  	v14 =	vmul.f32 $4.471499850e-02, v14  }
0x309: {  	v15 =	vld [tilespmem:s17+$0x1C4C0]  }
0x30a: {  	v16 =	vld [tilespmem:s16+$0x1E40];
	v14 =	vadd.f32 v14, v13;
	_ =	sdelay $0x1  }
0x30b: {  	v14 =	vmul.f32 $7.978845830e-01, v14  }
0x30c: {  	v21 =	vpop (erf)  }
0x30d: {  	v7 =	vmin.f32 v7, v15;
	v22 =	vpop (erf);
	v14 =	vmul.f32 $-2.000000000e+00, v14  }
0x30e: {  	v7 =	vadd.f32 v16, v7;
	v22 =	vadd.f32 $1.000000000e+00, v22  }
0x30f: {  	v14 =	vmul.f32 $1.442695020e+00, v14  }
0x310: {  	v60 =	vmul.f32 v7, v7;
	(erf) = vrcp.f32 v22  }
0x311: {  	(erf) = vpow2.f32 v14  }
0x312: {  	v14 =	vmul.f32 v60, v7;
	_ =	sdelay $0x1  }
0x313: {  	v14 =	vmul.f32 $4.471499850e-02, v14;
	_ =	sdelay $0x1  }
0x314: {  	v14 =	vadd.f32 v14, v7;
	_ =	sdelay $0x1  }
0x315: {  	v14 =	vmul.f32 $7.978845830e-01, v14  }
0x316: {  	v61 =	vpop (erf)  }
0x317: {  	v8 =	vmax.f32 v8, v15;
	v14 =	vmul.f32 $-2.000000000e+00, v14;
	v15 =	vpop (erf)  }
0x318: {  	v8 =	vadd.f32 v16, v8;
	v15 =	vadd.f32 $1.000000000e+00, v15  }
0x319: {  	v14 =	vmul.f32 $1.442695020e+00, v14  }
0x31a: {  	(erf) = vrcp.f32 v15;
	v15 =	vmul.f32 v8, v8  }
0x31b: {  	(erf) = vpow2.f32 v14  }
0x31c: {  	v14 =	vmul.f32 v15, v8;
	_ =	sdelay $0x1  }
0x31d: {  	v14 =	vmul.f32 $4.471499850e-02, v14;
	_ =	sdelay $0x1  }
0x31e: {  	v15 =	vld [tilespmem:s16+$0x1E50];
	v14 =	vadd.f32 v14, v8;
	_ =	sdelay $0x1  }
0x31f: {  	v14 =	vmul.f32 $7.978845830e-01, v14  }
0x320: {  	v16 =	vpop (erf)  }
0x321: {  	v2 =	vmin.f32 v2, v0;
	v23 =	vpop (erf);
	v14 =	vmul.f32 $-2.000000000e+00, v14  }
0x322: {  	v2 =	vadd.f32 v15, v2;
	v23 =	vadd.f32 $1.000000000e+00, v23  }
0x323: {  	v14 =	vmul.f32 $1.442695020e+00, v14  }
0x324: {  	v62 =	vmul.f32 v2, v2;
	(erf) = vrcp.f32 v23  }
0x325: {  	(erf) = vpow2.f32 v14  }
0x326: {  	v14 =	vmul.f32 v62, v2;
	_ =	sdelay $0x1  }
0x327: {  	v14 =	vmul.f32 $4.471499850e-02, v14;
	_ =	sdelay $0x1  }
0x328: {  	v14 =	vadd.f32 v14, v2;
	_ =	sdelay $0x1  }
0x329: {  	v14 =	vmul.f32 $7.978845830e-01, v14  }
0x32a: {  	v63 =	vpop (erf)  }
0x32b: {  	v0 =	vmax.f32 v1, v0;
	v14 =	vmul.f32 $-2.000000000e+00, v14;
	v1 =	vpop (erf)  }
0x32c: {  	v0 =	vadd.f32 v15, v0;
	v1 =	vadd.f32 $1.000000000e+00, v1  }
0x32d: {  	v14 =	vmul.f32 $1.442695020e+00, v14  }
0x32e: {  	(erf) = vrcp.f32 v1;
	v1 =	vmul.f32 v0, v0  }
0x32f: {  	(erf) = vpow2.f32 v14  }
0x330: {  	v1 =	vmul.f32 v1, v0;
	_ =	sdelay $0x1  }
0x331: {  	v1 =	vmul.f32 $4.471499850e-02, v1;
	_ =	sdelay $0x1  }
0x332: {  	v1 =	vadd.f32 v1, v0;
	_ =	sdelay $0x1  }
0x333: {  	v1 =	vmul.f32 $7.978845830e-01, v1  }
0x334: {  	v14 =	vpop (erf)  }
0x335: {  	v15 =	vpop (erf);
	v1 =	vmul.f32 $-2.000000000e+00, v1  }
0x336: {  	v15 =	vadd.f32 $1.000000000e+00, v15  }
0x337: {  	v1 =	vmul.f32 $1.442695020e+00, v1  }
0x338: {  	(erf) = vrcp.f32 v15  }
0x339: {  	(erf) = vpow2.f32 v1;
	_ =	sdelay $0x5  }
0x33a: {  	v1 =	vadd.f32 v10, v10  }
0x33b: {  	v3 =	vmul.f32 $5.000000000e-01, v3;
	v10 =	vadd.f32 v18, v18  }
0x33c: {  	v4 =	vmul.f32 $5.000000000e-01, v4;
	v17 =	vadd.f32 v17, v17;
	v1 =	vadd.f32 $-1.000000000e+00, v1;
	v15 =	vpop (erf)  }
0x33d: {  	v5 =	vmul.f32 $5.000000000e-01, v5;
	v18 =	vadd.f32 v19, v19;
	v10 =	vadd.f32 $-1.000000000e+00, v10;
	v19 =	vpop (erf)  }
0x33e: {  	v6 =	vmul.f32 $5.000000000e-01, v6;
	v1 =	vadd.f32 $1.000000000e+00, v1;
	v19 =	vadd.f32 $1.000000000e+00, v19  }
0x33f: {  	v9 =	vmul.f32 $5.000000000e-01, v9;
	v17 =	vadd.f32 $-1.000000000e+00, v17;
	v10 =	vadd.f32 $1.000000000e+00, v10  }
0x340: {  	v1 =	vmul.f32 v1, v3;
	v3 =	vadd.f32 $-1.000000000e+00, v18;
	(erf) = vrcp.f32 v19  }
0x341: {  	v4 =	vmul.f32 v10, v4;
	v10 =	vadd.f32 $1.000000000e+00, v17;
	v18 =	vadd.f32 v21, v21  }
0x342: {  	v11 =	vmul.f32 $5.000000000e-01, v11;
	v17 =	vadd.f32 v59, v59;
	v3 =	vadd.f32 $1.000000000e+00, v3  }
0x343: {  	v1 =	vmax.f32 v1, v4;
	v4 =	vmul.f32 v10, v6;
	v6 =	vadd.f32 $-1.000000000e+00, v18  }
0x344: {  	v10 =	vadd.f32 v61, v61;
	v3 =	vmul.f32 v3, v5;
	v5 =	vadd.f32 $-1.000000000e+00, v17  }
0x345: {  	v7 =	vmul.f32 $5.000000000e-01, v7;
	v16 =	vadd.f32 v16, v16;
	v6 =	vadd.f32 $1.000000000e+00, v6  }
0x346: {  	v5 =	vadd.f32 $1.000000000e+00, v5;
	v3 =	vmax.f32 v3, v4;
	v4 =	vadd.f32 $-1.000000000e+00, v10  }
0x347: {  	v10 =	vadd.f32 $-1.000000000e+00, v16;
	v6 =	vmul.f32 v6, v11;
	v11 =	vmul.f32 $5.000000000e-01, v12  }
0x348: {  	v12 =	vmul.f32 $5.000000000e-01, v13;
	v13 =	vadd.f32 v14, v14;
	v4 =	vadd.f32 $1.000000000e+00, v4  }
0x349: {  	v5 =	vmul.f32 v5, v9;
	v9 =	vadd.f32 v63, v63;
	v10 =	vadd.f32 $1.000000000e+00, v10;
	v14 =	vpop (erf)  }
0x34a: {  	v4 =	vmul.f32 v4, v11;
	v11 =	vadd.f32 v15, v15;
	v14 =	vadd.f32 v14, v14  }
0x34b: {  	v9 =	vadd.f32 $-1.000000000e+00, v9;
	v10 =	vmul.f32 v10, v12;
	v12 =	vadd.f32 $-1.000000000e+00, v13  }
0x34c: {  	v8 =	vmul.f32 $5.000000000e-01, v8;
	v11 =	vadd.f32 $-1.000000000e+00, v11;
	v13 =	vadd.f32 $-1.000000000e+00, v14  }
0x34d: {  	v2 =	vmul.f32 $5.000000000e-01, v2;
	v9 =	vadd.f32 $1.000000000e+00, v9;
	v12 =	vadd.f32 $1.000000000e+00, v12  }
0x34e: {  	v0 =	vmul.f32 $5.000000000e-01, v0;
	[tilespmem:s16+$0xE200] =	vst v1;
	v1 =	vadd.f32 $1.000000000e+00, v11;
	v11 =	vadd.f32 $1.000000000e+00, v13  }
0x34f: {  	[tilespmem:s16+$0xE210] =	vst v3;
	v3 =	vmax.f32 v5, v6;
	v5 =	vmul.f32 v9, v7;
	v6 =	vmul.f32 v12, v8  }
0x350: {  	[tilespmem:s16+$0xE220] =	vst v3;
	v3 =	vmax.f32 v4, v10;
	v1 =	vmul.f32 v1, v2;
	v0 =	vmul.f32 v11, v0  }
0x351: {  	[tilespmem:s16+$0xE230] =	vst v3;
	v2 =	vmax.f32 v5, v6  }
0x352: {  	[tilespmem:s16+$0xE240] =	vst v2;
	v0 =	vmax.f32 v1, v0  }
0x353: {  	[tilespmem:s16+$0xE250] =	vst v0  }
0x354: {  	v3 =	vld [tilespmem:$0x1CC00]  }
0x355: {  	v5 =	vld [tilespmem:$0x1CC10]  }
0x356: {  	v9 =	vld [tilespmem:$0x1CC20]  }
0x357: {  	v12 =	vld [tilespmem:$0x1CC30]  }
0x358: {  	v2 =	vld [tilespmem:$0x1CC50]  }
0x359: {  	s17 =	simm.s32 $0x0;
	v7 =	vld [tilespmem:$0x1CC40]  }
0x35a: {  	v0 =	vld [tilespmem:s17+$0x1CCD0]  }
0x35b: {  	v4 =	vld [tilespmem:s17+$0x1CC80]  }
0x35c: {  	v6 =	vld [tilespmem:s17+$0x1CC90]  }
0x35d: {  	v11 =	vld [tilespmem:s17+$0x1CCA0];
	v1 =	vmov v2  }
0x35e: {  	s18 =	simm.s32 $0x200;
	v13 =	vld [tilespmem:s17+$0x1CCB0];
	v10 =	vmovc v3;
	v16 =	vmovc v5;
	v15 =	vmov v9;
	v14 =	vmov v12;
	v8 =	vmov v7  }
.LBB2_13:
0x35f: {  	p0 =	sne.s32 s18, $0x1C00;
	v17 =	vld [tilespmem:s17+$0x1CCC0];
	s17 =	sshra.s32 s18, $0x2;
	s18 =	sadd.s32 $0x200, s18;
	v2 =	vmin.f32 v2, v0;
	v1 =	vmax.f32 v1, v0  }
.Ltmp5:
0x360: {  	v0 =	vld [tilespmem:s17+$0x1CCD0];
	v3 =	vmin.f32 v3, v4;
	v10 =	vmax.f32 v10, v4;
	(pc) =	sbr.rel @p0 .LBB2_13-.Ltmp5, $4  }
0x361: {  	v4 =	vld [tilespmem:s17+$0x1CC80];
	v5 =	vmin.f32 v5, v6;
	v16 =	vmax.f32 v16, v6  }
0x362: {  	v6 =	vld [tilespmem:s17+$0x1CC90];
	v9 =	vmin.f32 v9, v11;
	v15 =	vmax.f32 v15, v11  }
0x363: {  	v11 =	vld [tilespmem:s17+$0x1CCA0];
	v12 =	vmin.f32 v12, v13;
	v14 =	vmax.f32 v14, v13  }
0x364: {  	v13 =	vld [tilespmem:s17+$0x1CCB0];
	v7 =	vmin.f32 v7, v17;
	v8 =	vmax.f32 v8, v17  }
0x365: {  	v17 =	vld [tilespmem:s16+$0x1E80];
	_ =	sdelay $0x3  }
0x366: {  	v3 =	vmin.f32 v3, v4  }
0x367: {  	v3 =	vadd.f32 v17, v3;
	_ =	sdelay $0x1  }
0x368: {  	v18 =	vmul.f32 v3, v3;
	_ =	sdelay $0x1  }
0x369: {  	v18 =	vmul.f32 v18, v3;
	_ =	sdelay $0x1  }
0x36a: {  	v18 =	vmul.f32 $4.471499850e-02, v18;
	_ =	sdelay $0x1  }
0x36b: {  	v18 =	vadd.f32 v18, v3;
	_ =	sdelay $0x1  }
0x36c: {  	v18 =	vmul.f32 $7.978845830e-01, v18;
	_ =	sdelay $0x1  }
0x36d: {  	v4 =	vmax.f32 v10, v4;
	v10 =	vmul.f32 $-2.000000000e+00, v18  }
0x36e: {  	v4 =	vadd.f32 v17, v4  }
0x36f: {  	v10 =	vmul.f32 $1.442695020e+00, v10  }
0x370: {  	v17 =	vmul.f32 v4, v4  }
0x371: {  	(erf) = vpow2.f32 v10  }
0x372: {  	v10 =	vmul.f32 v17, v4;
	_ =	sdelay $0x1  }
0x373: {  	v10 =	vmul.f32 $4.471499850e-02, v10;
	_ =	sdelay $0x1  }
0x374: {  	v17 =	vld [tilespmem:s16+$0x1E90];
	v10 =	vadd.f32 v10, v4;
	_ =	sdelay $0x1  }
0x375: {  	v10 =	vmul.f32 $7.978845830e-01, v10;
	_ =	sdelay $0x1  }
0x376: {  	v5 =	vmin.f32 v5, v6;
	v10 =	vmul.f32 $-2.000000000e+00, v10;
	v18 =	vpop (erf)  }
0x377: {  	v5 =	vadd.f32 v17, v5;
	v18 =	vadd.f32 $1.000000000e+00, v18  }
0x378: {  	v10 =	vmul.f32 $1.442695020e+00, v10  }
0x379: {  	(erf) = vrcp.f32 v18;
	v18 =	vmul.f32 v5, v5;
	_ =	sdelay $0x1  }
0x37a: {  	(erf) = vpow2.f32 v10;
	v10 =	vmul.f32 v18, v5;
	_ =	sdelay $0x1  }
0x37b: {  	v10 =	vmul.f32 $4.471499850e-02, v10;
	_ =	sdelay $0x1  }
0x37c: {  	v10 =	vadd.f32 v10, v5;
	_ =	sdelay $0x2  }
0x37d: {  	v18 =	vmul.f32 $7.978845830e-01, v10  }
0x37e: {  	v10 =	vpop (erf)  }
0x37f: {  	v6 =	vmax.f32 v16, v6;
	v18 =	vmul.f32 $-2.000000000e+00, v18;
	v16 =	vpop (erf)  }
0x380: {  	v6 =	vadd.f32 v17, v6;
	v16 =	vadd.f32 $1.000000000e+00, v16  }
0x381: {  	v17 =	vmul.f32 $1.442695020e+00, v18  }
0x382: {  	(erf) = vrcp.f32 v16;
	v16 =	vmul.f32 v6, v6  }
0x383: {  	(erf) = vpow2.f32 v17  }
0x384: {  	v16 =	vmul.f32 v16, v6;
	_ =	sdelay $0x1  }
0x385: {  	v16 =	vmul.f32 $4.471499850e-02, v16;
	_ =	sdelay $0x1  }
0x386: {  	v17 =	vld [tilespmem:s16+$0x1EA0];
	v16 =	vadd.f32 v16, v6;
	_ =	sdelay $0x1  }
0x387: {  	v16 =	vmul.f32 $7.978845830e-01, v16  }
0x388: {  	v18 =	vpop (erf)  }
0x389: {  	v9 =	vmin.f32 v9, v11;
	v19 =	vpop (erf);
	v16 =	vmul.f32 $-2.000000000e+00, v16  }
0x38a: {  	v9 =	vadd.f32 v17, v9;
	v19 =	vadd.f32 $1.000000000e+00, v19  }
0x38b: {  	v16 =	vmul.f32 $1.442695020e+00, v16  }
0x38c: {  	(erf) = vrcp.f32 v19;
	v19 =	vmul.f32 v9, v9  }
0x38d: {  	(erf) = vpow2.f32 v16  }
0x38e: {  	v16 =	vmul.f32 v19, v9;
	_ =	sdelay $0x1  }
0x38f: {  	v16 =	vmul.f32 $4.471499850e-02, v16;
	_ =	sdelay $0x1  }
0x390: {  	v16 =	vadd.f32 v16, v9;
	_ =	sdelay $0x1  }
0x391: {  	v16 =	vmul.f32 $7.978845830e-01, v16  }
0x392: {  	v19 =	vpop (erf)  }
0x393: {  	v11 =	vmax.f32 v15, v11;
	v15 =	vpop (erf);
	v16 =	vmul.f32 $-2.000000000e+00, v16  }
0x394: {  	v11 =	vadd.f32 v17, v11;
	v15 =	vadd.f32 $1.000000000e+00, v15  }
0x395: {  	v16 =	vmul.f32 $1.442695020e+00, v16  }
0x396: {  	(erf) = vrcp.f32 v15;
	v15 =	vmul.f32 v11, v11  }
0x397: {  	(erf) = vpow2.f32 v16  }
0x398: {  	v15 =	vmul.f32 v15, v11;
	_ =	sdelay $0x1  }
0x399: {  	v15 =	vmul.f32 $4.471499850e-02, v15;
	_ =	sdelay $0x1  }
0x39a: {  	v16 =	vld [tilespmem:s16+$0x1EB0];
	v15 =	vadd.f32 v15, v11;
	_ =	sdelay $0x1  }
0x39b: {  	v15 =	vmul.f32 $7.978845830e-01, v15  }
0x39c: {  	v17 =	vpop (erf)  }
0x39d: {  	v12 =	vmin.f32 v12, v13;
	v20 =	vpop (erf);
	v15 =	vmul.f32 $-2.000000000e+00, v15  }
0x39e: {  	v12 =	vadd.f32 v16, v12;
	v20 =	vadd.f32 $1.000000000e+00, v20  }
0x39f: {  	v15 =	vmul.f32 $1.442695020e+00, v15  }
0x3a0: {  	v58 =	vmul.f32 v12, v12;
	(erf) = vrcp.f32 v20  }
0x3a1: {  	(erf) = vpow2.f32 v15  }
0x3a2: {  	v15 =	vmul.f32 v58, v12;
	_ =	sdelay $0x1  }
0x3a3: {  	v15 =	vmul.f32 $4.471499850e-02, v15;
	_ =	sdelay $0x1  }
0x3a4: {  	v15 =	vadd.f32 v15, v12;
	_ =	sdelay $0x1  }
0x3a5: {  	v15 =	vmul.f32 $7.978845830e-01, v15  }
0x3a6: {  	v59 =	vpop (erf)  }
0x3a7: {  	v13 =	vmax.f32 v14, v13;
	v15 =	vmul.f32 $-2.000000000e+00, v15;
	v14 =	vpop (erf)  }
0x3a8: {  	v13 =	vadd.f32 v16, v13;
	v14 =	vadd.f32 $1.000000000e+00, v14  }
0x3a9: {  	v15 =	vmul.f32 $1.442695020e+00, v15  }
0x3aa: {  	(erf) = vrcp.f32 v14;
	v14 =	vmul.f32 v13, v13  }
0x3ab: {  	(erf) = vpow2.f32 v15  }
0x3ac: {  	v14 =	vmul.f32 v14, v13;
	_ =	sdelay $0x1  }
0x3ad: {  	v14 =	vmul.f32 $4.471499850e-02, v14  }
0x3ae: {  	v15 =	vld [tilespmem:s17+$0x1CCC0]  }
0x3af: {  	v16 =	vld [tilespmem:s16+$0x1EC0];
	v14 =	vadd.f32 v14, v13;
	_ =	sdelay $0x1  }
0x3b0: {  	v14 =	vmul.f32 $7.978845830e-01, v14  }
0x3b1: {  	v21 =	vpop (erf)  }
0x3b2: {  	v7 =	vmin.f32 v7, v15;
	v22 =	vpop (erf);
	v14 =	vmul.f32 $-2.000000000e+00, v14  }
0x3b3: {  	v7 =	vadd.f32 v16, v7;
	v22 =	vadd.f32 $1.000000000e+00, v22  }
0x3b4: {  	v14 =	vmul.f32 $1.442695020e+00, v14  }
0x3b5: {  	v60 =	vmul.f32 v7, v7;
	(erf) = vrcp.f32 v22  }
0x3b6: {  	(erf) = vpow2.f32 v14  }
0x3b7: {  	v14 =	vmul.f32 v60, v7;
	_ =	sdelay $0x1  }
0x3b8: {  	v14 =	vmul.f32 $4.471499850e-02, v14;
	_ =	sdelay $0x1  }
0x3b9: {  	v14 =	vadd.f32 v14, v7;
	_ =	sdelay $0x1  }
0x3ba: {  	v14 =	vmul.f32 $7.978845830e-01, v14  }
0x3bb: {  	v61 =	vpop (erf)  }
0x3bc: {  	v8 =	vmax.f32 v8, v15;
	v14 =	vmul.f32 $-2.000000000e+00, v14;
	v15 =	vpop (erf)  }
0x3bd: {  	v8 =	vadd.f32 v16, v8;
	v15 =	vadd.f32 $1.000000000e+00, v15  }
0x3be: {  	v14 =	vmul.f32 $1.442695020e+00, v14  }
0x3bf: {  	(erf) = vrcp.f32 v15;
	v15 =	vmul.f32 v8, v8  }
0x3c0: {  	(erf) = vpow2.f32 v14  }
0x3c1: {  	v14 =	vmul.f32 v15, v8;
	_ =	sdelay $0x1  }
0x3c2: {  	v14 =	vmul.f32 $4.471499850e-02, v14;
	_ =	sdelay $0x1  }
0x3c3: {  	v15 =	vld [tilespmem:s16+$0x1ED0];
	v14 =	vadd.f32 v14, v8;
	_ =	sdelay $0x1  }
0x3c4: {  	v14 =	vmul.f32 $7.978845830e-01, v14  }
0x3c5: {  	v16 =	vpop (erf)  }
0x3c6: {  	v2 =	vmin.f32 v2, v0;
	v23 =	vpop (erf);
	v14 =	vmul.f32 $-2.000000000e+00, v14  }
0x3c7: {  	v2 =	vadd.f32 v15, v2;
	v23 =	vadd.f32 $1.000000000e+00, v23  }
0x3c8: {  	v14 =	vmul.f32 $1.442695020e+00, v14  }
0x3c9: {  	v62 =	vmul.f32 v2, v2;
	(erf) = vrcp.f32 v23  }
0x3ca: {  	(erf) = vpow2.f32 v14  }
0x3cb: {  	v14 =	vmul.f32 v62, v2;
	_ =	sdelay $0x1  }
0x3cc: {  	v14 =	vmul.f32 $4.471499850e-02, v14;
	_ =	sdelay $0x1  }
0x3cd: {  	v14 =	vadd.f32 v14, v2;
	_ =	sdelay $0x1  }
0x3ce: {  	v14 =	vmul.f32 $7.978845830e-01, v14  }
0x3cf: {  	v63 =	vpop (erf)  }
0x3d0: {  	v0 =	vmax.f32 v1, v0;
	v14 =	vmul.f32 $-2.000000000e+00, v14;
	v1 =	vpop (erf)  }
0x3d1: {  	v0 =	vadd.f32 v15, v0;
	v1 =	vadd.f32 $1.000000000e+00, v1  }
0x3d2: {  	v14 =	vmul.f32 $1.442695020e+00, v14  }
0x3d3: {  	(erf) = vrcp.f32 v1;
	v1 =	vmul.f32 v0, v0  }
0x3d4: {  	(erf) = vpow2.f32 v14  }
0x3d5: {  	v1 =	vmul.f32 v1, v0;
	_ =	sdelay $0x1  }
0x3d6: {  	v1 =	vmul.f32 $4.471499850e-02, v1;
	_ =	sdelay $0x1  }
0x3d7: {  	v1 =	vadd.f32 v1, v0;
	_ =	sdelay $0x1  }
0x3d8: {  	v1 =	vmul.f32 $7.978845830e-01, v1  }
0x3d9: {  	v14 =	vpop (erf)  }
0x3da: {  	v15 =	vpop (erf);
	v1 =	vmul.f32 $-2.000000000e+00, v1  }
0x3db: {  	v15 =	vadd.f32 $1.000000000e+00, v15  }
0x3dc: {  	v1 =	vmul.f32 $1.442695020e+00, v1  }
0x3dd: {  	(erf) = vrcp.f32 v15  }
0x3de: {  	(erf) = vpow2.f32 v1;
	_ =	sdelay $0x5  }
0x3df: {  	v1 =	vadd.f32 v10, v10  }
0x3e0: {  	v3 =	vmul.f32 $5.000000000e-01, v3;
	v10 =	vadd.f32 v18, v18  }
0x3e1: {  	v4 =	vmul.f32 $5.000000000e-01, v4;
	v17 =	vadd.f32 v17, v17;
	v1 =	vadd.f32 $-1.000000000e+00, v1;
	v15 =	vpop (erf)  }
0x3e2: {  	v5 =	vmul.f32 $5.000000000e-01, v5;
	v18 =	vadd.f32 v19, v19;
	v10 =	vadd.f32 $-1.000000000e+00, v10;
	v19 =	vpop (erf)  }
0x3e3: {  	v6 =	vmul.f32 $5.000000000e-01, v6;
	v1 =	vadd.f32 $1.000000000e+00, v1;
	v19 =	vadd.f32 $1.000000000e+00, v19  }
0x3e4: {  	v9 =	vmul.f32 $5.000000000e-01, v9;
	v17 =	vadd.f32 $-1.000000000e+00, v17;
	v10 =	vadd.f32 $1.000000000e+00, v10  }
0x3e5: {  	v1 =	vmul.f32 v1, v3;
	v3 =	vadd.f32 $-1.000000000e+00, v18;
	(erf) = vrcp.f32 v19  }
0x3e6: {  	v4 =	vmul.f32 v10, v4;
	v10 =	vadd.f32 $1.000000000e+00, v17;
	v18 =	vadd.f32 v21, v21  }
0x3e7: {  	v11 =	vmul.f32 $5.000000000e-01, v11;
	v17 =	vadd.f32 v59, v59;
	v3 =	vadd.f32 $1.000000000e+00, v3  }
0x3e8: {  	v1 =	vmax.f32 v1, v4;
	v4 =	vmul.f32 v10, v6;
	v6 =	vadd.f32 $-1.000000000e+00, v18  }
0x3e9: {  	v10 =	vadd.f32 v61, v61;
	v3 =	vmul.f32 v3, v5;
	v5 =	vadd.f32 $-1.000000000e+00, v17  }
0x3ea: {  	v7 =	vmul.f32 $5.000000000e-01, v7;
	v16 =	vadd.f32 v16, v16;
	v6 =	vadd.f32 $1.000000000e+00, v6  }
0x3eb: {  	v5 =	vadd.f32 $1.000000000e+00, v5;
	v3 =	vmax.f32 v3, v4;
	v4 =	vadd.f32 $-1.000000000e+00, v10  }
0x3ec: {  	v10 =	vadd.f32 $-1.000000000e+00, v16;
	v6 =	vmul.f32 v6, v11;
	v11 =	vmul.f32 $5.000000000e-01, v12  }
0x3ed: {  	v12 =	vmul.f32 $5.000000000e-01, v13;
	v13 =	vadd.f32 v14, v14;
	v4 =	vadd.f32 $1.000000000e+00, v4  }
0x3ee: {  	v5 =	vmul.f32 v5, v9;
	v9 =	vadd.f32 v63, v63;
	v10 =	vadd.f32 $1.000000000e+00, v10;
	v14 =	vpop (erf)  }
0x3ef: {  	v4 =	vmul.f32 v4, v11;
	v11 =	vadd.f32 v15, v15;
	v14 =	vadd.f32 v14, v14  }
0x3f0: {  	v9 =	vadd.f32 $-1.000000000e+00, v9;
	v10 =	vmul.f32 v10, v12;
	v12 =	vadd.f32 $-1.000000000e+00, v13  }
0x3f1: {  	v8 =	vmul.f32 $5.000000000e-01, v8;
	v11 =	vadd.f32 $-1.000000000e+00, v11;
	v13 =	vadd.f32 $-1.000000000e+00, v14  }
0x3f2: {  	v2 =	vmul.f32 $5.000000000e-01, v2;
	v9 =	vadd.f32 $1.000000000e+00, v9;
	v12 =	vadd.f32 $1.000000000e+00, v12  }
0x3f3: {  	v0 =	vmul.f32 $5.000000000e-01, v0;
	[tilespmem:s16+$0xE280] =	vst v1;
	v1 =	vadd.f32 $1.000000000e+00, v11;
	v11 =	vadd.f32 $1.000000000e+00, v13  }
0x3f4: {  	[tilespmem:s16+$0xE290] =	vst v3;
	v3 =	vmax.f32 v5, v6;
	v5 =	vmul.f32 v9, v7;
	v6 =	vmul.f32 v12, v8  }
0x3f5: {  	[tilespmem:s16+$0xE2A0] =	vst v3;
	v3 =	vmax.f32 v4, v10;
	v1 =	vmul.f32 v1, v2;
	v0 =	vmul.f32 v11, v0  }
0x3f6: {  	[tilespmem:s16+$0xE2B0] =	vst v3;
	v2 =	vmax.f32 v5, v6  }
0x3f7: {  	[tilespmem:s16+$0xE2C0] =	vst v2;
	v0 =	vmax.f32 v1, v0  }
0x3f8: {  	[tilespmem:s16+$0xE2D0] =	vst v0  }
0x3f9: {  	v3 =	vld [tilespmem:$0x1D400]  }
0x3fa: {  	v5 =	vld [tilespmem:$0x1D410]  }
0x3fb: {  	v9 =	vld [tilespmem:$0x1D420]  }
0x3fc: {  	v12 =	vld [tilespmem:$0x1D430]  }
0x3fd: {  	v2 =	vld [tilespmem:$0x1D450]  }
0x3fe: {  	s17 =	simm.s32 $0x0;
	v7 =	vld [tilespmem:$0x1D440]  }
0x3ff: {  	v0 =	vld [tilespmem:s17+$0x1D4D0]  }
0x400: {  	v4 =	vld [tilespmem:s17+$0x1D480]  }
0x401: {  	v6 =	vld [tilespmem:s17+$0x1D490]  }
0x402: {  	v11 =	vld [tilespmem:s17+$0x1D4A0];
	v1 =	vmov v2  }
0x403: {  	s18 =	simm.s32 $0x200;
	v13 =	vld [tilespmem:s17+$0x1D4B0];
	v10 =	vmovc v3;
	v16 =	vmovc v5;
	v15 =	vmov v9;
	v14 =	vmov v12;
	v8 =	vmov v7  }
.LBB2_15:
0x404: {  	p0 =	sne.s32 s18, $0x1C00;
	v17 =	vld [tilespmem:s17+$0x1D4C0];
	s17 =	sshra.s32 s18, $0x2;
	s18 =	sadd.s32 $0x200, s18;
	v2 =	vmin.f32 v2, v0;
	v1 =	vmax.f32 v1, v0  }
.Ltmp6:
0x405: {  	v0 =	vld [tilespmem:s17+$0x1D4D0];
	v3 =	vmin.f32 v3, v4;
	v10 =	vmax.f32 v10, v4;
	(pc) =	sbr.rel @p0 .LBB2_15-.Ltmp6, $4  }
0x406: {  	v4 =	vld [tilespmem:s17+$0x1D480];
	v5 =	vmin.f32 v5, v6;
	v16 =	vmax.f32 v16, v6  }
0x407: {  	v6 =	vld [tilespmem:s17+$0x1D490];
	v9 =	vmin.f32 v9, v11;
	v15 =	vmax.f32 v15, v11  }
0x408: {  	v11 =	vld [tilespmem:s17+$0x1D4A0];
	v12 =	vmin.f32 v12, v13;
	v14 =	vmax.f32 v14, v13  }
0x409: {  	v13 =	vld [tilespmem:s17+$0x1D4B0];
	v7 =	vmin.f32 v7, v17;
	v8 =	vmax.f32 v8, v17  }
0x40a: {  	v17 =	vld [tilespmem:s16+$0x1F00];
	_ =	sdelay $0x3  }
0x40b: {  	v3 =	vmin.f32 v3, v4  }
0x40c: {  	v3 =	vadd.f32 v17, v3;
	_ =	sdelay $0x1  }
0x40d: {  	v18 =	vmul.f32 v3, v3;
	_ =	sdelay $0x1  }
0x40e: {  	v18 =	vmul.f32 v18, v3;
	_ =	sdelay $0x1  }
0x40f: {  	v18 =	vmul.f32 $4.471499850e-02, v18;
	_ =	sdelay $0x1  }
0x410: {  	v18 =	vadd.f32 v18, v3;
	_ =	sdelay $0x1  }
0x411: {  	v18 =	vmul.f32 $7.978845830e-01, v18;
	_ =	sdelay $0x1  }
0x412: {  	v4 =	vmax.f32 v10, v4;
	v10 =	vmul.f32 $-2.000000000e+00, v18  }
0x413: {  	v4 =	vadd.f32 v17, v4  }
0x414: {  	v10 =	vmul.f32 $1.442695020e+00, v10  }
0x415: {  	v17 =	vmul.f32 v4, v4  }
0x416: {  	(erf) = vpow2.f32 v10  }
0x417: {  	v10 =	vmul.f32 v17, v4;
	_ =	sdelay $0x1  }
0x418: {  	v10 =	vmul.f32 $4.471499850e-02, v10;
	_ =	sdelay $0x1  }
0x419: {  	v17 =	vld [tilespmem:s16+$0x1F10];
	v10 =	vadd.f32 v10, v4;
	_ =	sdelay $0x1  }
0x41a: {  	v10 =	vmul.f32 $7.978845830e-01, v10;
	_ =	sdelay $0x1  }
0x41b: {  	v5 =	vmin.f32 v5, v6;
	v10 =	vmul.f32 $-2.000000000e+00, v10;
	v18 =	vpop (erf)  }
0x41c: {  	v5 =	vadd.f32 v17, v5;
	v18 =	vadd.f32 $1.000000000e+00, v18  }
0x41d: {  	v10 =	vmul.f32 $1.442695020e+00, v10  }
0x41e: {  	(erf) = vrcp.f32 v18;
	v18 =	vmul.f32 v5, v5;
	_ =	sdelay $0x1  }
0x41f: {  	(erf) = vpow2.f32 v10;
	v10 =	vmul.f32 v18, v5;
	_ =	sdelay $0x1  }
0x420: {  	v10 =	vmul.f32 $4.471499850e-02, v10;
	_ =	sdelay $0x1  }
0x421: {  	v10 =	vadd.f32 v10, v5;
	_ =	sdelay $0x2  }
0x422: {  	v18 =	vmul.f32 $7.978845830e-01, v10  }
0x423: {  	v10 =	vpop (erf)  }
0x424: {  	v6 =	vmax.f32 v16, v6;
	v18 =	vmul.f32 $-2.000000000e+00, v18;
	v16 =	vpop (erf)  }
0x425: {  	v6 =	vadd.f32 v17, v6;
	v16 =	vadd.f32 $1.000000000e+00, v16  }
0x426: {  	v17 =	vmul.f32 $1.442695020e+00, v18  }
0x427: {  	(erf) = vrcp.f32 v16;
	v16 =	vmul.f32 v6, v6  }
0x428: {  	(erf) = vpow2.f32 v17  }
0x429: {  	v16 =	vmul.f32 v16, v6;
	_ =	sdelay $0x1  }
0x42a: {  	v16 =	vmul.f32 $4.471499850e-02, v16;
	_ =	sdelay $0x1  }
0x42b: {  	v17 =	vld [tilespmem:s16+$0x1F20];
	v16 =	vadd.f32 v16, v6;
	_ =	sdelay $0x1  }
0x42c: {  	v16 =	vmul.f32 $7.978845830e-01, v16  }
0x42d: {  	v18 =	vpop (erf)  }
0x42e: {  	v9 =	vmin.f32 v9, v11;
	v19 =	vpop (erf);
	v16 =	vmul.f32 $-2.000000000e+00, v16  }
0x42f: {  	v9 =	vadd.f32 v17, v9;
	v19 =	vadd.f32 $1.000000000e+00, v19  }
0x430: {  	v16 =	vmul.f32 $1.442695020e+00, v16  }
0x431: {  	(erf) = vrcp.f32 v19;
	v19 =	vmul.f32 v9, v9  }
0x432: {  	(erf) = vpow2.f32 v16  }
0x433: {  	v16 =	vmul.f32 v19, v9;
	_ =	sdelay $0x1  }
0x434: {  	v16 =	vmul.f32 $4.471499850e-02, v16;
	_ =	sdelay $0x1  }
0x435: {  	v16 =	vadd.f32 v16, v9;
	_ =	sdelay $0x1  }
0x436: {  	v16 =	vmul.f32 $7.978845830e-01, v16  }
0x437: {  	v19 =	vpop (erf)  }
0x438: {  	v11 =	vmax.f32 v15, v11;
	v15 =	vpop (erf);
	v16 =	vmul.f32 $-2.000000000e+00, v16  }
0x439: {  	v11 =	vadd.f32 v17, v11;
	v15 =	vadd.f32 $1.000000000e+00, v15  }
0x43a: {  	v16 =	vmul.f32 $1.442695020e+00, v16  }
0x43b: {  	(erf) = vrcp.f32 v15;
	v15 =	vmul.f32 v11, v11  }
0x43c: {  	(erf) = vpow2.f32 v16  }
0x43d: {  	v15 =	vmul.f32 v15, v11;
	_ =	sdelay $0x1  }
0x43e: {  	v15 =	vmul.f32 $4.471499850e-02, v15;
	_ =	sdelay $0x1  }
0x43f: {  	v16 =	vld [tilespmem:s16+$0x1F30];
	v15 =	vadd.f32 v15, v11;
	_ =	sdelay $0x1  }
0x440: {  	v15 =	vmul.f32 $7.978845830e-01, v15  }
0x441: {  	v17 =	vpop (erf)  }
0x442: {  	v12 =	vmin.f32 v12, v13;
	v20 =	vpop (erf);
	v15 =	vmul.f32 $-2.000000000e+00, v15  }
0x443: {  	v12 =	vadd.f32 v16, v12;
	v20 =	vadd.f32 $1.000000000e+00, v20  }
0x444: {  	v15 =	vmul.f32 $1.442695020e+00, v15  }
0x445: {  	v58 =	vmul.f32 v12, v12;
	(erf) = vrcp.f32 v20  }
0x446: {  	(erf) = vpow2.f32 v15  }
0x447: {  	v15 =	vmul.f32 v58, v12;
	_ =	sdelay $0x1  }
0x448: {  	v15 =	vmul.f32 $4.471499850e-02, v15;
	_ =	sdelay $0x1  }
0x449: {  	v15 =	vadd.f32 v15, v12;
	_ =	sdelay $0x1  }
0x44a: {  	v15 =	vmul.f32 $7.978845830e-01, v15  }
0x44b: {  	v59 =	vpop (erf)  }
0x44c: {  	v13 =	vmax.f32 v14, v13;
	v15 =	vmul.f32 $-2.000000000e+00, v15;
	v14 =	vpop (erf)  }
0x44d: {  	v13 =	vadd.f32 v16, v13;
	v14 =	vadd.f32 $1.000000000e+00, v14  }
0x44e: {  	v15 =	vmul.f32 $1.442695020e+00, v15  }
0x44f: {  	(erf) = vrcp.f32 v14;
	v14 =	vmul.f32 v13, v13  }
0x450: {  	(erf) = vpow2.f32 v15  }
0x451: {  	v14 =	vmul.f32 v14, v13;
	_ =	sdelay $0x1  }
0x452: {  	v14 =	vmul.f32 $4.471499850e-02, v14  }
0x453: {  	v15 =	vld [tilespmem:s17+$0x1D4C0]  }
0x454: {  	v16 =	vld [tilespmem:s16+$0x1F40];
	v14 =	vadd.f32 v14, v13;
	_ =	sdelay $0x1  }
0x455: {  	v14 =	vmul.f32 $7.978845830e-01, v14  }
0x456: {  	v21 =	vpop (erf)  }
0x457: {  	v7 =	vmin.f32 v7, v15;
	v22 =	vpop (erf);
	v14 =	vmul.f32 $-2.000000000e+00, v14  }
0x458: {  	v7 =	vadd.f32 v16, v7;
	v22 =	vadd.f32 $1.000000000e+00, v22  }
0x459: {  	v14 =	vmul.f32 $1.442695020e+00, v14  }
0x45a: {  	v60 =	vmul.f32 v7, v7;
	(erf) = vrcp.f32 v22  }
0x45b: {  	(erf) = vpow2.f32 v14  }
0x45c: {  	v14 =	vmul.f32 v60, v7;
	_ =	sdelay $0x1  }
0x45d: {  	v14 =	vmul.f32 $4.471499850e-02, v14;
	_ =	sdelay $0x1  }
0x45e: {  	v14 =	vadd.f32 v14, v7;
	_ =	sdelay $0x1  }
0x45f: {  	v14 =	vmul.f32 $7.978845830e-01, v14  }
0x460: {  	v61 =	vpop (erf)  }
0x461: {  	v8 =	vmax.f32 v8, v15;
	v14 =	vmul.f32 $-2.000000000e+00, v14;
	v15 =	vpop (erf)  }
0x462: {  	v8 =	vadd.f32 v16, v8;
	v15 =	vadd.f32 $1.000000000e+00, v15  }
0x463: {  	v14 =	vmul.f32 $1.442695020e+00, v14  }
0x464: {  	(erf) = vrcp.f32 v15;
	v15 =	vmul.f32 v8, v8  }
0x465: {  	(erf) = vpow2.f32 v14  }
0x466: {  	v14 =	vmul.f32 v15, v8;
	_ =	sdelay $0x1  }
0x467: {  	v14 =	vmul.f32 $4.471499850e-02, v14;
	_ =	sdelay $0x1  }
0x468: {  	v15 =	vld [tilespmem:s16+$0x1F50];
	v14 =	vadd.f32 v14, v8;
	_ =	sdelay $0x1  }
0x469: {  	v14 =	vmul.f32 $7.978845830e-01, v14  }
0x46a: {  	v16 =	vpop (erf)  }
0x46b: {  	v2 =	vmin.f32 v2, v0;
	v23 =	vpop (erf);
	v14 =	vmul.f32 $-2.000000000e+00, v14  }
0x46c: {  	v2 =	vadd.f32 v15, v2;
	v23 =	vadd.f32 $1.000000000e+00, v23  }
0x46d: {  	v14 =	vmul.f32 $1.442695020e+00, v14  }
0x46e: {  	v62 =	vmul.f32 v2, v2;
	(erf) = vrcp.f32 v23  }
0x46f: {  	(erf) = vpow2.f32 v14  }
0x470: {  	v14 =	vmul.f32 v62, v2;
	_ =	sdelay $0x1  }
0x471: {  	v14 =	vmul.f32 $4.471499850e-02, v14;
	_ =	sdelay $0x1  }
0x472: {  	v14 =	vadd.f32 v14, v2;
	_ =	sdelay $0x1  }
0x473: {  	v14 =	vmul.f32 $7.978845830e-01, v14  }
0x474: {  	v63 =	vpop (erf)  }
0x475: {  	v0 =	vmax.f32 v1, v0;
	v14 =	vmul.f32 $-2.000000000e+00, v14;
	v1 =	vpop (erf)  }
0x476: {  	v0 =	vadd.f32 v15, v0;
	v1 =	vadd.f32 $1.000000000e+00, v1  }
0x477: {  	v14 =	vmul.f32 $1.442695020e+00, v14  }
0x478: {  	(erf) = vrcp.f32 v1;
	v1 =	vmul.f32 v0, v0  }
0x479: {  	(erf) = vpow2.f32 v14  }
0x47a: {  	v1 =	vmul.f32 v1, v0;
	_ =	sdelay $0x1  }
0x47b: {  	v1 =	vmul.f32 $4.471499850e-02, v1;
	_ =	sdelay $0x1  }
0x47c: {  	v1 =	vadd.f32 v1, v0;
	_ =	sdelay $0x1  }
0x47d: {  	v1 =	vmul.f32 $7.978845830e-01, v1  }
0x47e: {  	v14 =	vpop (erf)  }
0x47f: {  	v15 =	vpop (erf);
	v1 =	vmul.f32 $-2.000000000e+00, v1  }
0x480: {  	v15 =	vadd.f32 $1.000000000e+00, v15  }
0x481: {  	v1 =	vmul.f32 $1.442695020e+00, v1  }
0x482: {  	(erf) = vrcp.f32 v15  }
0x483: {  	(erf) = vpow2.f32 v1;
	_ =	sdelay $0x5  }
0x484: {  	v1 =	vadd.f32 v10, v10  }
0x485: {  	v3 =	vmul.f32 $5.000000000e-01, v3;
	v10 =	vadd.f32 v18, v18  }
0x486: {  	v4 =	vmul.f32 $5.000000000e-01, v4;
	v17 =	vadd.f32 v17, v17;
	v1 =	vadd.f32 $-1.000000000e+00, v1;
	v15 =	vpop (erf)  }
0x487: {  	v5 =	vmul.f32 $5.000000000e-01, v5;
	v18 =	vadd.f32 v19, v19;
	v10 =	vadd.f32 $-1.000000000e+00, v10;
	v19 =	vpop (erf)  }
0x488: {  	v6 =	vmul.f32 $5.000000000e-01, v6;
	v1 =	vadd.f32 $1.000000000e+00, v1;
	v19 =	vadd.f32 $1.000000000e+00, v19  }
0x489: {  	v9 =	vmul.f32 $5.000000000e-01, v9;
	v17 =	vadd.f32 $-1.000000000e+00, v17;
	v10 =	vadd.f32 $1.000000000e+00, v10  }
0x48a: {  	v1 =	vmul.f32 v1, v3;
	v3 =	vadd.f32 $-1.000000000e+00, v18;
	(erf) = vrcp.f32 v19  }
0x48b: {  	v4 =	vmul.f32 v10, v4;
	v10 =	vadd.f32 $1.000000000e+00, v17;
	v18 =	vadd.f32 v21, v21  }
0x48c: {  	v11 =	vmul.f32 $5.000000000e-01, v11;
	v17 =	vadd.f32 v59, v59;
	v3 =	vadd.f32 $1.000000000e+00, v3  }
0x48d: {  	v1 =	vmax.f32 v1, v4;
	v4 =	vmul.f32 v10, v6;
	v6 =	vadd.f32 $-1.000000000e+00, v18  }
0x48e: {  	v10 =	vadd.f32 v61, v61;
	v3 =	vmul.f32 v3, v5;
	v5 =	vadd.f32 $-1.000000000e+00, v17  }
0x48f: {  	v7 =	vmul.f32 $5.000000000e-01, v7;
	v16 =	vadd.f32 v16, v16;
	v6 =	vadd.f32 $1.000000000e+00, v6  }
0x490: {  	v5 =	vadd.f32 $1.000000000e+00, v5;
	v3 =	vmax.f32 v3, v4;
	v4 =	vadd.f32 $-1.000000000e+00, v10  }
0x491: {  	v10 =	vadd.f32 $-1.000000000e+00, v16;
	v6 =	vmul.f32 v6, v11;
	v11 =	vmul.f32 $5.000000000e-01, v12  }
0x492: {  	v12 =	vmul.f32 $5.000000000e-01, v13;
	v13 =	vadd.f32 v14, v14;
	v4 =	vadd.f32 $1.000000000e+00, v4  }
0x493: {  	v5 =	vmul.f32 v5, v9;
	v9 =	vadd.f32 v63, v63;
	v10 =	vadd.f32 $1.000000000e+00, v10;
	v14 =	vpop (erf)  }
0x494: {  	v4 =	vmul.f32 v4, v11;
	v11 =	vadd.f32 v15, v15;
	v14 =	vadd.f32 v14, v14  }
0x495: {  	v9 =	vadd.f32 $-1.000000000e+00, v9;
	v10 =	vmul.f32 v10, v12;
	v12 =	vadd.f32 $-1.000000000e+00, v13  }
0x496: {  	v8 =	vmul.f32 $5.000000000e-01, v8;
	v11 =	vadd.f32 $-1.000000000e+00, v11;
	v13 =	vadd.f32 $-1.000000000e+00, v14  }
0x497: {  	v2 =	vmul.f32 $5.000000000e-01, v2;
	v9 =	vadd.f32 $1.000000000e+00, v9;
	v12 =	vadd.f32 $1.000000000e+00, v12  }
0x498: {  	v0 =	vmul.f32 $5.000000000e-01, v0;
	[tilespmem:s16+$0xE300] =	vst v1;
	v1 =	vadd.f32 $1.000000000e+00, v11;
	v11 =	vadd.f32 $1.000000000e+00, v13  }
0x499: {  	[tilespmem:s16+$0xE310] =	vst v3;
	v3 =	vmax.f32 v5, v6;
	v5 =	vmul.f32 v9, v7;
	v6 =	vmul.f32 v12, v8  }
0x49a: {  	[tilespmem:s16+$0xE320] =	vst v3;
	v3 =	vmax.f32 v4, v10;
	v1 =	vmul.f32 v1, v2;
	v0 =	vmul.f32 v11, v0  }
0x49b: {  	[tilespmem:s16+$0xE330] =	vst v3;
	v2 =	vmax.f32 v5, v6  }
0x49c: {  	[tilespmem:s16+$0xE340] =	vst v2;
	v0 =	vmax.f32 v1, v0  }
0x49d: {  	[tilespmem:s16+$0xE350] =	vst v0  }
0x49e: {  	v3 =	vld [tilespmem:$0x1DC00]  }
0x49f: {  	v5 =	vld [tilespmem:$0x1DC10]  }
0x4a0: {  	v9 =	vld [tilespmem:$0x1DC20]  }
0x4a1: {  	v12 =	vld [tilespmem:$0x1DC30]  }
0x4a2: {  	v2 =	vld [tilespmem:$0x1DC50]  }
0x4a3: {  	s17 =	simm.s32 $0x0;
	v7 =	vld [tilespmem:$0x1DC40]  }
0x4a4: {  	v0 =	vld [tilespmem:s17+$0x1DCD0]  }
0x4a5: {  	v4 =	vld [tilespmem:s17+$0x1DC80]  }
0x4a6: {  	v6 =	vld [tilespmem:s17+$0x1DC90]  }
0x4a7: {  	v11 =	vld [tilespmem:s17+$0x1DCA0];
	v1 =	vmov v2  }
0x4a8: {  	s18 =	simm.s32 $0x200;
	v13 =	vld [tilespmem:s17+$0x1DCB0];
	v10 =	vmovc v3;
	v16 =	vmovc v5;
	v15 =	vmov v9;
	v14 =	vmov v12;
	v8 =	vmov v7  }
.LBB2_17:
0x4a9: {  	p0 =	sne.s32 s18, $0x1C00;
	v17 =	vld [tilespmem:s17+$0x1DCC0];
	s17 =	sshra.s32 s18, $0x2;
	s18 =	sadd.s32 $0x200, s18;
	v2 =	vmin.f32 v2, v0;
	v1 =	vmax.f32 v1, v0  }
.Ltmp7:
0x4aa: {  	v0 =	vld [tilespmem:s17+$0x1DCD0];
	v3 =	vmin.f32 v3, v4;
	v10 =	vmax.f32 v10, v4;
	(pc) =	sbr.rel @p0 .LBB2_17-.Ltmp7, $4  }
0x4ab: {  	v4 =	vld [tilespmem:s17+$0x1DC80];
	v5 =	vmin.f32 v5, v6;
	v16 =	vmax.f32 v16, v6  }
0x4ac: {  	v6 =	vld [tilespmem:s17+$0x1DC90];
	v9 =	vmin.f32 v9, v11;
	v15 =	vmax.f32 v15, v11  }
0x4ad: {  	v11 =	vld [tilespmem:s17+$0x1DCA0];
	v12 =	vmin.f32 v12, v13;
	v14 =	vmax.f32 v14, v13  }
0x4ae: {  	v13 =	vld [tilespmem:s17+$0x1DCB0];
	v7 =	vmin.f32 v7, v17;
	v8 =	vmax.f32 v8, v17  }
0x4af: {  	v17 =	vld [tilespmem:s16+$0x1F80];
	_ =	sdelay $0x3  }
0x4b0: {  	v3 =	vmin.f32 v3, v4  }
0x4b1: {  	v3 =	vadd.f32 v17, v3;
	_ =	sdelay $0x1  }
0x4b2: {  	v18 =	vmul.f32 v3, v3;
	_ =	sdelay $0x1  }
0x4b3: {  	v18 =	vmul.f32 v18, v3;
	_ =	sdelay $0x1  }
0x4b4: {  	v18 =	vmul.f32 $4.471499850e-02, v18;
	_ =	sdelay $0x1  }
0x4b5: {  	v18 =	vadd.f32 v18, v3;
	_ =	sdelay $0x1  }
0x4b6: {  	v18 =	vmul.f32 $7.978845830e-01, v18;
	_ =	sdelay $0x1  }
0x4b7: {  	v29 =	vmax.f32 v10, v4;
	v30 =	vmul.f32 $-2.000000000e+00, v18  }
0x4b8: {  	v4 =	vadd.f32 v17, v29  }
0x4b9: {  	v10 =	vmul.f32 $1.442695020e+00, v30  }
0x4ba: {  	v17 =	vmul.f32 v4, v4  }
0x4bb: {  	(erf) = vpow2.f32 v10  }
0x4bc: {  	v31 =	vmul.f32 v17, v4;
	_ =	sdelay $0x1  }
0x4bd: {  	v10 =	vmul.f32 $4.471499850e-02, v31;
	_ =	sdelay $0x1  }
0x4be: {  	v32 =	vld [tilespmem:s16+$0x1F90];
	v10 =	vadd.f32 v10, v4;
	_ =	sdelay $0x1  }
0x4bf: {  	v10 =	vmul.f32 $7.978845830e-01, v10;
	_ =	sdelay $0x1  }
0x4c0: {  	v5 =	vmin.f32 v5, v6;
	v10 =	vmul.f32 $-2.000000000e+00, v10;
	v33 =	vpop (erf)  }
0x4c1: {  	v5 =	vadd.f32 v32, v5;
	v18 =	vadd.f32 $1.000000000e+00, v33  }
0x4c2: {  	v10 =	vmul.f32 $1.442695020e+00, v10  }
0x4c3: {  	v34 =	vmul.f32 v5, v5;
	(erf) = vrcp.f32 v18  }
0x4c4: {  	(erf) = vpow2.f32 v10  }
0x4c5: {  	v35 =	vmul.f32 v34, v5;
	_ =	sdelay $0x1  }
0x4c6: {  	v10 =	vmul.f32 $4.471499850e-02, v35;
	_ =	sdelay $0x1  }
0x4c7: {  	v10 =	vadd.f32 v10, v5;
	_ =	sdelay $0x1  }
0x4c8: {  	v36 =	vmul.f32 $7.978845830e-01, v10  }
0x4c9: {  	v37 =	vpop (erf)  }
0x4ca: {  	v38 =	vmax.f32 v16, v6;
	v18 =	vmul.f32 $-2.000000000e+00, v36;
	v39 =	vpop (erf)  }
0x4cb: {  	v6 =	vadd.f32 v32, v38;
	v16 =	vadd.f32 $1.000000000e+00, v39  }
0x4cc: {  	v40 =	vmul.f32 $1.442695020e+00, v18  }
0x4cd: {  	v41 =	vmul.f32 v6, v6;
	(erf) = vrcp.f32 v16  }
0x4ce: {  	(erf) = vpow2.f32 v40  }
0x4cf: {  	v16 =	vmul.f32 v41, v6;
	_ =	sdelay $0x1  }
0x4d0: {  	v16 =	vmul.f32 $4.471499850e-02, v16;
	_ =	sdelay $0x1  }
0x4d1: {  	v42 =	vld [tilespmem:s16+$0x1FA0];
	v16 =	vadd.f32 v16, v6;
	_ =	sdelay $0x1  }
0x4d2: {  	v16 =	vmul.f32 $7.978845830e-01, v16  }
0x4d3: {  	v43 =	vpop (erf)  }
0x4d4: {  	v9 =	vmin.f32 v9, v11;
	v16 =	vmul.f32 $-2.000000000e+00, v16;
	v19 =	vpop (erf)  }
0x4d5: {  	v9 =	vadd.f32 v42, v9;
	v19 =	vadd.f32 $1.000000000e+00, v19  }
0x4d6: {  	v16 =	vmul.f32 $1.442695020e+00, v16  }
0x4d7: {  	v44 =	vmul.f32 v9, v9;
	(erf) = vrcp.f32 v19  }
0x4d8: {  	(erf) = vpow2.f32 v16  }
0x4d9: {  	v45 =	vmul.f32 v44, v9;
	_ =	sdelay $0x1  }
0x4da: {  	v16 =	vmul.f32 $4.471499850e-02, v45;
	_ =	sdelay $0x1  }
0x4db: {  	v16 =	vadd.f32 v16, v9;
	_ =	sdelay $0x1  }
0x4dc: {  	v16 =	vmul.f32 $7.978845830e-01, v16  }
0x4dd: {  	v46 =	vpop (erf)  }
0x4de: {  	v47 =	vmax.f32 v15, v11;
	v16 =	vmul.f32 $-2.000000000e+00, v16;
	v48 =	vpop (erf)  }
0x4df: {  	v11 =	vadd.f32 v42, v47;
	v15 =	vadd.f32 $1.000000000e+00, v48  }
0x4e0: {  	v16 =	vmul.f32 $1.442695020e+00, v16  }
0x4e1: {  	v49 =	vmul.f32 v11, v11;
	(erf) = vrcp.f32 v15  }
0x4e2: {  	(erf) = vpow2.f32 v16  }
0x4e3: {  	v15 =	vmul.f32 v49, v11;
	_ =	sdelay $0x1  }
0x4e4: {  	v15 =	vmul.f32 $4.471499850e-02, v15;
	_ =	sdelay $0x1  }
0x4e5: {  	v50 =	vld [tilespmem:s16+$0x1FB0];
	v15 =	vadd.f32 v15, v11;
	_ =	sdelay $0x1  }
0x4e6: {  	v15 =	vmul.f32 $7.978845830e-01, v15  }
0x4e7: {  	v51 =	vpop (erf)  }
0x4e8: {  	v12 =	vmin.f32 v12, v13;
	v15 =	vmul.f32 $-2.000000000e+00, v15;
	v20 =	vpop (erf)  }
0x4e9: {  	v12 =	vadd.f32 v50, v12;
	v20 =	vadd.f32 $1.000000000e+00, v20  }
0x4ea: {  	v15 =	vmul.f32 $1.442695020e+00, v15  }
0x4eb: {  	v52 =	vmul.f32 v12, v12;
	(erf) = vrcp.f32 v20  }
0x4ec: {  	(erf) = vpow2.f32 v15  }
0x4ed: {  	v53 =	vmul.f32 v52, v12;
	_ =	sdelay $0x1  }
0x4ee: {  	v15 =	vmul.f32 $4.471499850e-02, v53;
	_ =	sdelay $0x1  }
0x4ef: {  	v15 =	vadd.f32 v15, v12;
	_ =	sdelay $0x1  }
0x4f0: {  	v15 =	vmul.f32 $7.978845830e-01, v15  }
0x4f1: {  	v54 =	vpop (erf)  }
0x4f2: {  	v55 =	vmax.f32 v14, v13;
	v15 =	vmul.f32 $-2.000000000e+00, v15;
	v56 =	vpop (erf)  }
0x4f3: {  	v13 =	vadd.f32 v50, v55;
	v14 =	vadd.f32 $1.000000000e+00, v56  }
0x4f4: {  	v15 =	vmul.f32 $1.442695020e+00, v15  }
0x4f5: {  	v57 =	vmul.f32 v13, v13;
	(erf) = vrcp.f32 v14  }
0x4f6: {  	(erf) = vpow2.f32 v15  }
0x4f7: {  	v14 =	vmul.f32 v57, v13;
	_ =	sdelay $0x1  }
0x4f8: {  	v14 =	vmul.f32 $4.471499850e-02, v14  }
0x4f9: {  	v58 =	vld [tilespmem:s17+$0x1DCC0]  }
0x4fa: {  	v59 =	vld [tilespmem:s16+$0x1FC0];
	v14 =	vadd.f32 v14, v13;
	_ =	sdelay $0x1  }
0x4fb: {  	v14 =	vmul.f32 $7.978845830e-01, v14  }
0x4fc: {  	v21 =	vpop (erf)  }
0x4fd: {  	v7 =	vmin.f32 v7, v58;
	v14 =	vmul.f32 $-2.000000000e+00, v14;
	v22 =	vpop (erf)  }
0x4fe: {  	v7 =	vadd.f32 v59, v7;
	v22 =	vadd.f32 $1.000000000e+00, v22  }
0x4ff: {  	v14 =	vmul.f32 $1.442695020e+00, v14  }
0x500: {  	v60 =	vmul.f32 v7, v7;
	(erf) = vrcp.f32 v22  }
0x501: {  	(erf) = vpow2.f32 v14  }
0x502: {  	v61 =	vmul.f32 v60, v7;
	_ =	sdelay $0x1  }
0x503: {  	v14 =	vmul.f32 $4.471499850e-02, v61;
	_ =	sdelay $0x1  }
0x504: {  	v14 =	vadd.f32 v14, v7;
	_ =	sdelay $0x1  }
0x505: {  	v14 =	vmul.f32 $7.978845830e-01, v14  }
0x506: {  	v62 =	vpop (erf)  }
0x507: {  	v8 =	vmax.f32 v8, v58;
	v14 =	vmul.f32 $-2.000000000e+00, v14;
	v63 =	vpop (erf)  }
0x508: {  	v8 =	vadd.f32 v59, v8;
	v15 =	vadd.f32 $1.000000000e+00, v63  }
0x509: {  	v14 =	vmul.f32 $1.442695020e+00, v14  }
0x50a: {  	v23 =	vmul.f32 v8, v8;
	(erf) = vrcp.f32 v15  }
0x50b: {  	(erf) = vpow2.f32 v14  }
0x50c: {  	v24 =	vmul.f32 v23, v8;
	_ =	sdelay $0x1  }
0x50d: {  	v14 =	vmul.f32 $4.471499850e-02, v24;
	_ =	sdelay $0x1  }
0x50e: {  	v25 =	vld [tilespmem:s16+$0x1FD0];
	v14 =	vadd.f32 v14, v8;
	_ =	sdelay $0x1  }
0x50f: {  	v14 =	vmul.f32 $7.978845830e-01, v14  }
0x510: {  	v26 =	vpop (erf)  }
0x511: {  	v2 =	vmin.f32 v2, v0;
	v14 =	vmul.f32 $-2.000000000e+00, v14;
	v23 =	vpop (erf)  }
0x512: {  	v2 =	vadd.f32 v25, v2;
	v23 =	vadd.f32 $1.000000000e+00, v23  }
0x513: {  	v14 =	vmul.f32 $1.442695020e+00, v14  }
0x514: {  	v27 =	vmul.f32 v2, v2;
	(erf) = vrcp.f32 v23  }
0x515: {  	(erf) = vpow2.f32 v14  }
0x516: {  	v28 =	vmul.f32 v27, v2;
	_ =	sdelay $0x1  }
0x517: {  	v14 =	vmul.f32 $4.471499850e-02, v28;
	_ =	sdelay $0x1  }
0x518: {  	v14 =	vadd.f32 v14, v2;
	_ =	sdelay $0x1  }
0x519: {  	v14 =	vmul.f32 $7.978845830e-01, v14  }
0x51a: {  	v29 =	vpop (erf)  }
0x51b: {  	v30 =	vmax.f32 v1, v0;
	v14 =	vmul.f32 $-2.000000000e+00, v14;
	v31 =	vpop (erf)  }
0x51c: {  	v0 =	vadd.f32 v25, v30;
	v1 =	vadd.f32 $1.000000000e+00, v31  }
0x51d: {  	v14 =	vmul.f32 $1.442695020e+00, v14  }
0x51e: {  	v32 =	vmul.f32 v0, v0;
	(erf) = vrcp.f32 v1  }
0x51f: {  	(erf) = vpow2.f32 v14  }
0x520: {  	v1 =	vmul.f32 v32, v0;
	_ =	sdelay $0x1  }
0x521: {  	v1 =	vmul.f32 $4.471499850e-02, v1;
	_ =	sdelay $0x1  }
0x522: {  	v1 =	vadd.f32 v1, v0;
	_ =	sdelay $0x1  }
0x523: {  	v1 =	vmul.f32 $7.978845830e-01, v1  }
0x524: {  	v33 =	vpop (erf)  }
0x525: {  	v1 =	vmul.f32 $-2.000000000e+00, v1;
	v34 =	vpop (erf)  }
0x526: {  	v15 =	vadd.f32 $1.000000000e+00, v34  }
0x527: {  	v1 =	vmul.f32 $1.442695020e+00, v1  }
0x528: {  	(erf) = vrcp.f32 v15  }
0x529: {  	(erf) = vpow2.f32 v1;
	_ =	sdelay $0x4  }
0x52a: {  	v36 =	vadd.f32 v43, v43;
	_ =	sdelay $0x1  }
0x52b: {  	v50 =	vmul.f32 $5.000000000e-01, v12;
	v10 =	vadd.f32 $-1.000000000e+00, v36  }
0x52c: {  	v3 =	vmul.f32 $5.000000000e-01, v3;
	v4 =	vmul.f32 $5.000000000e-01, v4;
	v35 =	vadd.f32 v37, v37;
	v15 =	vpop (erf)  }
0x52d: {  	v5 =	vmul.f32 $5.000000000e-01, v5;
	v10 =	vadd.f32 $1.000000000e+00, v10;
	v17 =	vadd.f32 v51, v51;
	v38 =	vpop (erf)  }
0x52e: {  	v6 =	vmul.f32 $5.000000000e-01, v6;
	v37 =	vadd.f32 v46, v46;
	v19 =	vadd.f32 $1.000000000e+00, v38  }
0x52f: {  	v4 =	vmul.f32 v10, v4;
	v17 =	vadd.f32 $-1.000000000e+00, v17;
	v42 =	vadd.f32 v21, v21  }
0x530: {  	v39 =	vadd.f32 $-1.000000000e+00, v37;
	v41 =	vadd.f32 v54, v54;
	(erf) = vrcp.f32 v19  }
0x531: {  	v9 =	vmul.f32 $5.000000000e-01, v9;
	v40 =	vadd.f32 $1.000000000e+00, v17;
	v45 =	vadd.f32 $-1.000000000e+00, v42  }
0x532: {  	v11 =	vmul.f32 $5.000000000e-01, v11;
	v44 =	vadd.f32 $-1.000000000e+00, v41;
	v16 =	vadd.f32 v26, v26  }
0x533: {  	v43 =	vmul.f32 v40, v6;
	v6 =	vadd.f32 $1.000000000e+00, v45;
	v1 =	vadd.f32 $-1.000000000e+00, v35  }
0x534: {  	v51 =	vmul.f32 $5.000000000e-01, v13;
	v46 =	vadd.f32 v62, v62;
	v48 =	vadd.f32 $-1.000000000e+00, v16  }
0x535: {  	v6 =	vmul.f32 v6, v11;
	v7 =	vmul.f32 $5.000000000e-01, v7;
	v1 =	vadd.f32 $1.000000000e+00, v1  }
0x536: {  	v47 =	vadd.f32 $-1.000000000e+00, v46;
	v8 =	vmul.f32 $5.000000000e-01, v8;
	v10 =	vadd.f32 $1.000000000e+00, v48  }
0x537: {  	v52 =	vadd.f32 v33, v33;
	v1 =	vmul.f32 v1, v3;
	v3 =	vadd.f32 $1.000000000e+00, v39  }
0x538: {  	v10 =	vmul.f32 v10, v51;
	v2 =	vmul.f32 $5.000000000e-01, v2;
	v49 =	vadd.f32 v29, v29  }
0x539: {  	v55 =	vadd.f32 $-1.000000000e+00, v52;
	v3 =	vmul.f32 v3, v5;
	v5 =	vadd.f32 $1.000000000e+00, v44;
	v53 =	vpop (erf)  }
0x53a: {  	v1 =	vmax.f32 v1, v4;
	v54 =	vadd.f32 v15, v15;
	v14 =	vadd.f32 v53, v53  }
0x53b: {  	v4 =	vadd.f32 $1.000000000e+00, v47;
	v5 =	vmul.f32 v5, v9;
	v9 =	vadd.f32 $-1.000000000e+00, v49  }
0x53c: {  	v0 =	vmul.f32 $5.000000000e-01, v0;
	v11 =	vadd.f32 $-1.000000000e+00, v54;
	v56 =	vadd.f32 $-1.000000000e+00, v14  }
0x53d: {  	s15 =	sadd.s32 $0x1, s15;
	v12 =	vadd.f32 $1.000000000e+00, v55;
	v3 =	vmax.f32 v3, v43;
	v9 =	vadd.f32 $1.000000000e+00, v9  }
0x53e: {  	p0 =	sne.s32 s15, $0x31;
	[tilespmem:s16+$0xE380] =	vst v1;
	v4 =	vmul.f32 v4, v50;
	v57 =	vadd.f32 $1.000000000e+00, v11;
	v58 =	vadd.f32 $1.000000000e+00, v56  }
.Ltmp8:
0x53f: {  	v61 =	vmul.f32 v12, v8;
	[tilespmem:s16+$0xE390] =	vst v3;
	v59 =	vmax.f32 v5, v6;
	v60 =	vmul.f32 v9, v7;
	(pc) =	sbr.rel @p0 .LBB2_2-.Ltmp8, $4  }
0x540: {  	v62 =	vmax.f32 v4, v10;
	[tilespmem:s16+$0xE3A0] =	vst v59;
	v1 =	vmul.f32 v57, v2;
	v0 =	vmul.f32 v58, v0  }
0x541: {  	[tilespmem:s16+$0xE3B0] =	vst v62;
	v63 =	vmax.f32 v60, v61  }
0x542: {  	[tilespmem:s16+$0xE3C0] =	vst v63;
	v0 =	vmax.f32 v1, v0  }
0x543: {  	[tilespmem:s16+$0xE3D0] =	vst v0  }
0x544: {  	s14 =	sadd.s32 $0x1, s14  }
0x545: {  	p0 =	sne.s32 s14, s7  }
.Ltmp9:
0x546: {  	_ = 	snop;
	(pc) =	sbr.rel @p0 .LBB2_1-.Ltmp9, $4  }
0x547: {  	[hbm4b:s6+s2] =	stream.linear.scatter [tilespmem:s13], [sflag:$0x2], $0xC400, $0x38;
	[tilespmem:$0x1E400] =	vst v63  }
0x548: {  	_ =	swait.ge [sflag:s8], $0xC400  }
0x549: {  	[sflag:s8] =	ssyncset.done $0x0  }
0x54a: {  	[sflag:s8] =	ssyncadd.s32 $0xFFFF3C00  }
0x54b: {  	_ =	sfence.sel $0x180000  }
0x54c: {  	[bflag:$0x0] =	sbarrier.arrive $0xFFFF  }
0x54d: {  	p0 =	sne.s32 s0, $0x0;
	_ =	strace $0x90000047  }
0x54e: {  	s0 =	sadd.s32 @!p0 $0x100000, s1;
	[bflag:$0x2] =	sbarrier.arrive $0xFFFF  }
0x54f: {  	[sflag:s0] =	ssyncadd.tile.s32 @!p0 $0x1;
	_ =	shalt  }
.Lfunc_end2:
_tile_overlayer_lowered:
.L_overlay_start_2:
0x550: {  	(tag) =	ssettag $0x2  }
0x551: {  	s0 =	rddreg [dreg:$0x0];
	s2 =	stileid.u32  }
0x552: {  	s1 =	rddreg [dreg:$0x1];
	p0 =	sne.s32 s2, $0x0  }
0x553: {  	s3 =	rddreg [dreg:$0x2];
	[bflag:$0x3] =	sbarrier.arrive $0xFFFF;
	s2 =	simm.s32 @!p0 $0x1C02  }
0x554: {  	[timem:s3], [sflag:s2] =	dma.local @!p0 [hbm:s0], s1  }
0x555: {  	s0 =	simm.s32 @!p0 $0x2  }
0x556: {  	_ =	swait.ge @!p0 [sflag:s0], s1  }
0x557: {  	s1 =	ssub.s32 @!p0 $0x0, s1;
	[sflag:s0] =	ssyncset.done @!p0 $0x0  }
0x558: {  	[sflag:s0] =	ssyncadd.s32 @!p0 s1  }
0x559: {  	[bflag:$0x3] =	sbarrier.arrive $0xFFFF  }
0x55a: {  	_ =	shalt  }

</sc_bundles>
